<compile_context>
chip_gen: v7x
topology: tpu7x:2x2x1
jax: 0.10.2.dev20260603
libtpu: 0.0.44.dev20260713+nightly
codegen_flags: <defaults>
</compile_context>

<pallas_src>
import functools

import jax
import jax.numpy as jnp
from jax import lax
from jax.experimental import pallas as pl
from jax.experimental.pallas import tpu as pltpu
from jax.experimental.pallas import tpu_sc as plsc

_CH = 128


@functools.lru_cache(maxsize=None)
def _make_sc_kernel(B, NS, VS):
    info = plsc.get_sparse_core_info()
    NC, NSUB, L = info.num_cores, info.num_subcores, info.num_lanes
    NW = NC * NSUB
    bpw = B // NW
    NCH = bpw // _CH
    NSL = bpw // L
    assert B % NW == 0 and bpw % _CH == 0 and bpw % L == 0

    mesh = plsc.VectorSubcoreMesh(core_axis_name="c", subcore_axis_name="s")

    @functools.partial(
        pl.kernel,
        mesh=mesh,
        compiler_params=pltpu.CompilerParams(use_tc_tiling_on_sc=False),
        out_type=jax.ShapeDtypeStruct((B,), jnp.float32),
        scratch_types=[
            pltpu.VMEM((bpw,), jnp.float32),
            pltpu.VMEM((bpw,), jnp.int32),
            pltpu.VMEM((bpw,), jnp.int32),
            pltpu.VMEM((bpw,), jnp.float32),
            pltpu.VMEM((bpw,), jnp.float32),
            pltpu.SemaphoreType.DMA,
            pltpu.SemaphoreType.DMA,
        ],
    )
    def k(idx_hbm, proj_hbm, dvec_hbm, out_hbm,
          acc_v, idx0, idx1, g0, g1, sem0, sem1):
        wid = lax.axis_index("s") * NC + lax.axis_index("c")
        base = wid * bpw

        idxs = (idx0, idx1)
        gs = (g0, g1)
        sems = (sem0, sem1)

        pltpu.sync_copy(dvec_hbm.at[pl.ds(base, bpw)], acc_v)

        def prep_and_fire(f):
            par = f % 2
            ib, gb, sm = idxs[par], gs[par], sems[par]
            pltpu.sync_copy(idx_hbm.at[f, pl.ds(base, bpw)], ib)
            off = jnp.int32(f * VS)

            def add_off(i, carry):
                sl = pl.ds(i * L, L)
                ib[sl] = ib[sl] + off
                return carry

            lax.fori_loop(0, NSL, add_off, 0)
            return [
                pltpu.async_copy(proj_hbm.at[ib.at[pl.ds(j * _CH, _CH)]],
                                 gb.at[pl.ds(j * _CH, _CH)], sm)
                for j in range(NCH)
            ]

        def accum(f):
            gb = gs[f % 2]

            def body(i, carry):
                sl = pl.ds(i * L, L)
                acc_v[sl] = acc_v[sl] + gb[sl]
                return carry

            lax.fori_loop(0, NSL, body, 0)

        handles = prep_and_fire(0)
        for f in range(NS):
            nxt = prep_and_fire(f + 1) if f + 1 < NS else None
            for h in handles:
                h.wait()
            accum(f)
            handles = nxt

        pltpu.sync_copy(acc_v, out_hbm.at[pl.ds(base, bpw)])

    return k


def _proj_tc(NS, V, E, VS):
    def body(t_ref, w_ref, o_ref):
        w = w_ref[pl.program_id(0), :]
        vals = jnp.sum(t_ref[0] * w[:, None], axis=0)
        vals = jnp.concatenate(
            [vals, jnp.zeros((VS - V,), jnp.float32)])
        o_ref[...] = vals.reshape(1, VS // 128, 128)

    return pl.pallas_call(
        body,
        grid=(NS,),
        in_specs=[
            pl.BlockSpec((1, E, V), lambda f: (f, 0, 0)),
            pl.BlockSpec((NS, E), lambda f: (0, 0)),
        ],
        out_specs=pl.BlockSpec((1, VS // 128, 128), lambda f: (f, 0, 0)),
        out_shape=jax.ShapeDtypeStruct((NS, VS // 128, 128), jnp.float32),
    )


def _dense_tc(B, ND, blk):
    def body(d_ref, wd_ref, bd_ref, bs_ref, o_ref):
        acc = jnp.full((blk,), bd_ref[0, 0] + bs_ref[0, 0], jnp.float32)
        for d in range(ND):
            acc = acc + d_ref[d, :] * wd_ref[d, 0]
        o_ref[...] = acc

    return pl.pallas_call(
        body,
        grid=(B // blk,),
        in_specs=[
            pl.BlockSpec((ND, blk), lambda i: (0, i)),
            pl.BlockSpec((ND, 1), lambda i: (0, 0)),
            pl.BlockSpec((1, 1), lambda i: (0, 0)),
            pl.BlockSpec((1, 1), lambda i: (0, 0)),
        ],
        out_specs=pl.BlockSpec((blk,), lambda i: (i,)),
        out_shape=jax.ShapeDtypeStruct((B,), jnp.float32),
    )


def kernel(dense_features, sparse_features, tables, W_dense, b_dense,
           W_sparse, b_sparse):
    B, ND = dense_features.shape
    NS, V, E = tables.shape

    VS = -(-V // 1024) * 1024

    tables_r = jnp.transpose(tables, (0, 2, 1))
    w2 = W_sparse.reshape(NS, E)
    proj = _proj_tc(NS, V, E, VS)(tables_r, w2)

    dense_t = dense_features.T
    dvec = _dense_tc(B, ND, 2048)(dense_t, W_dense, b_dense.reshape(1, 1),
                                  b_sparse.reshape(1, 1))

    idx_t = sparse_features.T.astype(jnp.int32)
    out = _make_sc_kernel(B, NS, VS)(idx_t, proj.reshape(NS * VS), dvec)
    return out

# --- scband reference (transcript-rebuilt; emitter-appended) ---
"""Pipeline reference for scband-logistic-regression-5746666242052 (READ-ONLY COPY).

The authoritative reference and input builder live on the scoring server;
editing this copy changes nothing except your own understanding.
"""

import jax, jax.numpy as jnp
import numpy as np

B = 16384
NUM_DENSE = 13
NUM_SPARSE = 26
VOCAB = 100000
EMB = 16

def setup_inputs(seed: int = 0) -> dict:
    key = jax.random.key(seed)
    ks = jax.random.split(key, 7)
    dense_features = jax.random.normal(ks[0], (B, NUM_DENSE), dtype=jnp.float32)
    sparse_features = jax.random.randint(ks[1], (B, NUM_SPARSE), 0, VOCAB, dtype=jnp.int64)
    # Stacked per-field embedding tables [num_sparse, vocab, emb] (xavier-ish scale)
    tables = jax.random.normal(ks[2], (NUM_SPARSE, VOCAB, EMB), dtype=jnp.float32) * 0.01
    W_dense = jax.random.normal(ks[3], (NUM_DENSE, 1), dtype=jnp.float32) * (np.sqrt(6.0 / (NUM_DENSE + 1)))
    b_dense = jnp.zeros((1,), dtype=jnp.float32)
    W_sparse = jax.random.normal(ks[4], (NUM_SPARSE * EMB, 1), dtype=jnp.float32) * (np.sqrt(6.0 / (NUM_SPARSE * EMB + 1)))
    b_sparse = jnp.zeros((1,), dtype=jnp.float32)
    return {"dense_features": dense_features, "sparse_features": sparse_features,
            "tables": tables, "W_dense": W_dense, "b_dense": b_dense,
            "W_sparse": W_sparse, "b_sparse": b_sparse}

def reference(dense_features, sparse_features, tables, W_dense, b_dense, W_sparse, b_sparse):
    # dense linear
    linear_out = (dense_features @ W_dense + b_dense)[:, 0]
    # per-field embedding lookups: tables[f, sparse[:, f]] -> (B, NUM_SPARSE, EMB)
    field_ids = jnp.arange(NUM_SPARSE)[None, :]  # (1, NUM_SPARSE) broadcasts with (B, NUM_SPARSE)
    sparse_embeds = tables[field_ids, sparse_features]  # (B, NUM_SPARSE, EMB)
    flat = sparse_embeds.reshape(sparse_embeds.shape[0], NUM_SPARSE * EMB)
    sparse_out = (flat @ W_sparse + b_sparse)[:, 0]
    return linear_out + sparse_out

if __name__ == "__main__":
    import jax
    _d = setup_inputs()
    print(jax.jit(kernel)(*tuple(_d.values())))

</pallas_src>

<mosaic_0001>
#map = affine_map<(d0, d1) -> (0, 0)>
#map1 = affine_map<(d0, d1) -> (0)>
module attributes {stable_mosaic.version = 14 : i64} {
  func.func @k(%arg0: i32, %arg1: i32, %arg2: memref<26x16384xi32, #tpu.memory_space<hbm>>, %arg3: memref<2609152xf32, #tpu.memory_space<hbm>>, %arg4: memref<16384xf32, #tpu.memory_space<hbm>>, %arg5: memref<16384xf32, #tpu.memory_space<hbm>>, %arg6: memref<512xf32, #tpu.memory_space<vmem>>, %arg7: memref<512xi32, #tpu.memory_space<vmem>>, %arg8: memref<512xi32, #tpu.memory_space<vmem>>, %arg9: memref<512xf32, #tpu.memory_space<vmem>>, %arg10: memref<512xf32, #tpu.memory_space<vmem>>, %arg11: memref<!tpu.dma_semaphore, #tpu.memory_space<semaphore_mem>>, %arg12: memref<!tpu.dma_semaphore, #tpu.memory_space<semaphore_mem>>) attributes {dimension_semantics = [#tpu.dimension_semantics<core_parallel>, #tpu.dimension_semantics<subcore_parallel>], iteration_bounds = array<i64: 2, 16>, scalar_prefetch = 0 : i64, scratch_operands = 7 : i64, tpu.core_type = #tpu.core_type<sc_vector_subcore>, window_params = [{transform_indices = #map}, {transform_indices = #map1}, {transform_indices = #map1}, {transform_indices = #map1}]} {
    %mul3A = arith.constant 2 : i32
    %mul3A_0 = arith.muli %arg1, %mul3A : i32
    %add3A = arith.addi %mul3A_0, %arg0 : i32
    %mul3A_1 = arith.constant 512 : i32
    %mul3A_2 = arith.muli %add3A, %mul3A_1 : i32
    "tpu.region"() ({
      %run_scoped3A_1611 = tpu.sem_alloc : memref<!tpu.dma_semaphore, #tpu.memory_space<semaphore_mem>>
      %dma_start3A_1612 = tpu.memref_slice %arg4[%mul3A_2] : memref<16384xf32, #tpu.memory_space<hbm>> -> memref<512xf32, #tpu.memory_space<hbm>>
      %dma_start3A_1613 = tpu.memref_slice %arg4[%mul3A_2] : memref<16384xf32, #tpu.memory_space<hbm>> -> memref<512xf32, #tpu.memory_space<hbm>>
      tpu.enqueue_dma source(%dma_start3A_1613 : memref<512xf32, #tpu.memory_space<hbm>>) target(%arg6 : memref<512xf32, #tpu.memory_space<vmem>>) target_semaphore(%run_scoped3A_1611 : memref<!tpu.dma_semaphore, #tpu.memory_space<semaphore_mem>>)
      %dma_wait3A_1614 = tpu.memref_slice %arg4[%mul3A_2] : memref<16384xf32, #tpu.memory_space<hbm>> -> memref<512xf32, #tpu.memory_space<hbm>>
      %dma_wait3A_1615 = tpu.memref_slice %arg4[%mul3A_2] : memref<16384xf32, #tpu.memory_space<hbm>> -> memref<512xf32, #tpu.memory_space<hbm>>
      tpu.wait_dma2 semaphore(%run_scoped3A_1611 : memref<!tpu.dma_semaphore, #tpu.memory_space<semaphore_mem>>) src(%dma_wait3A_1615 : memref<512xf32, #tpu.memory_space<hbm>>) dst(%arg6 : memref<512xf32, #tpu.memory_space<vmem>>)
      tpu.yield
    }) : () -> ()
    %run_scoped3A = arith.constant 0 : i32
    "tpu.region"() ({
      %run_scoped3A_1611 = tpu.sem_alloc : memref<!tpu.dma_semaphore, #tpu.memory_space<semaphore_mem>>
      %dma_start3A_1612 = tpu.memref_slice %arg2[%run_scoped3A, %mul3A_2] : memref<26x16384xi32, #tpu.memory_space<hbm>> -> memref<1x512xi32, #tpu.memory_space<hbm>>
      %dma_start3A_1613 = tpu.memref_squeeze %dma_start3A_1612 : memref<1x512xi32, #tpu.memory_space<hbm>> -> memref<512xi32, #tpu.memory_space<hbm>>
      %dma_start3A_1614 = tpu.memref_slice %arg2[%run_scoped3A, %mul3A_2] : memref<26x16384xi32, #tpu.memory_space<hbm>> -> memref<1x512xi32, #tpu.memory_space<hbm>>
      %dma_start3A_1615 = tpu.memref_squeeze %dma_start3A_1614 : memref<1x512xi32, #tpu.memory_space<hbm>> -> memref<512xi32, #tpu.memory_space<hbm>>
      tpu.enqueue_dma source(%dma_start3A_1615 : memref<512xi32, #tpu.memory_space<hbm>>) target(%arg7 : memref<512xi32, #tpu.memory_space<vmem>>) target_semaphore(%run_scoped3A_1611 : memref<!tpu.dma_semaphore, #tpu.memory_space<semaphore_mem>>)
      %dma_wait3A_1616 = tpu.memref_slice %arg2[%run_scoped3A, %mul3A_2] : memref<26x16384xi32, #tpu.memory_space<hbm>> -> memref<1x512xi32, #tpu.memory_space<hbm>>
      %dma_wait3A_1617 = tpu.memref_squeeze %dma_wait3A_1616 : memref<1x512xi32, #tpu.memory_space<hbm>> -> memref<512xi32, #tpu.memory_space<hbm>>
      %dma_wait3A_1618 = tpu.memref_slice %arg2[%run_scoped3A, %mul3A_2] : memref<26x16384xi32, #tpu.memory_space<hbm>> -> memref<1x512xi32, #tpu.memory_space<hbm>>
      %dma_wait3A_1619 = tpu.memref_squeeze %dma_wait3A_1618 : memref<1x512xi32, #tpu.memory_space<hbm>> -> memref<512xi32, #tpu.memory_space<hbm>>
      tpu.wait_dma2 semaphore(%run_scoped3A_1611 : memref<!tpu.dma_semaphore, #tpu.memory_space<semaphore_mem>>) src(%dma_wait3A_1619 : memref<512xi32, #tpu.memory_space<hbm>>) dst(%arg7 : memref<512xi32, #tpu.memory_space<vmem>>)
      tpu.yield
    }) : () -> ()
    %scan3A = arith.constant 0 : i32
    %scan3A_3 = arith.constant 0 : i32
    %scan3A_4 = arith.constant 0 : i32
    %scan3A_5 = arith.constant 32 : i32
    %scan3A_6 = arith.addi %scan3A_4, %scan3A_5 : i32
    %scan3A_7 = arith.constant 1 : i32
    scf.for %scan3A_1611 = %scan3A_4 to %scan3A_6 step %scan3A_7  : i32 {
      %mul3A_1612 = arith.constant 16 : i32
      %mul3A_1613 = arith.muli %scan3A_1611, %mul3A_1612 : i32
      %get3A = arith.index_cast %mul3A_1613 : i32 to index
      %get3A_1614 = tpu.vector_load %arg7[%get3A] {strides = array<i32>} : memref<512xi32, #tpu.memory_space<vmem>>, vector<16xi32>,
      %get3A_1615 = vector.shape_cast %get3A_1614 : vector<16xi32> to vector<16xi32>
      %add3A_1616 = vector.broadcast %scan3A_3 : i32 to vector<16xi32>
      %add3A_1617 = arith.addi %get3A_1615, %add3A_1616 : vector<16xi32>
      %swap3A = arith.index_cast %mul3A_1613 : i32 to index
      %swap3A_1618 = tpu.vector_load %arg7[%swap3A] {strides = array<i32>} : memref<512xi32, #tpu.memory_space<vmem>>, vector<16xi32>,
      %swap3A_1619 = vector.shape_cast %swap3A_1618 : vector<16xi32> to vector<16xi32>
      %swap3A_1620 = vector.shape_cast %add3A_1617 : vector<16xi32> to vector<16xi32>
      tpu.vector_store %arg7[%swap3A], %swap3A_1620 {strides = array<i32>} : memref<512xi32, #tpu.memory_space<vmem>>, vector<16xi32>,
    }
    %scan3A_8 = arith.constant 32 : i32
    %dma_start3A = arith.constant 0 : i32
    %dma_start3A_9 = tpu.memref_slice %arg9[%dma_start3A] : memref<512xf32, #tpu.memory_space<vmem>> -> memref<128xf32, #tpu.memory_space<vmem>>
    %dma_start3A_10 = arith.constant 0 : i32
    %dma_start3A_11 = tpu.memref_slice %arg7[%dma_start3A_10] : memref<512xi32, #tpu.memory_space<vmem>> -> memref<128xi32, #tpu.memory_space<vmem>>
    %dma_start3A_12 = arith.constant 0 : i32
    %dma_start3A_13 = tpu.memref_slice %arg3[%dma_start3A_12] : memref<2609152xf32, #tpu.memory_space<hbm>> -> memref<2609152xf32, #tpu.memory_space<hbm>>
    tpu.enqueue_indirect_dma source(%dma_start3A_13 : memref<2609152xf32, #tpu.memory_space<hbm>>) target(%dma_start3A_9 : memref<128xf32, #tpu.memory_space<vmem>>) offsets(%dma_start3A_11 : memref<128xi32, #tpu.memory_space<vmem>>) semaphore(%arg11 : memref<!tpu.dma_semaphore, #tpu.memory_space<semaphore_mem>>)
    %dma_start3A_14 = arith.constant 128 : i32
    %dma_start3A_15 = tpu.memref_slice %arg9[%dma_start3A_14] : memref<512xf32, #tpu.memory_space<vmem>> -> memref<128xf32, #tpu.memory_space<vmem>>
    %dma_start3A_16 = arith.constant 128 : i32
    %dma_start3A_17 = tpu.memref_slice %arg7[%dma_start3A_16] : memref<512xi32, #tpu.memory_space<vmem>> -> memref<128xi32, #tpu.memory_space<vmem>>
    %dma_start3A_18 = arith.constant 0 : i32
    %dma_start3A_19 = tpu.memref_slice %arg3[%dma_start3A_18] : memref<2609152xf32, #tpu.memory_space<hbm>> -> memref<2609152xf32, #tpu.memory_space<hbm>>
    tpu.enqueue_indirect_dma source(%dma_start3A_19 : memref<2609152xf32, #tpu.memory_space<hbm>>) target(%dma_start3A_15 : memref<128xf32, #tpu.memory_space<vmem>>) offsets(%dma_start3A_17 : memref<128xi32, #tpu.memory_space<vmem>>) semaphore(%arg11 : memref<!tpu.dma_semaphore, #tpu.memory_space<semaphore_mem>>)
    %dma_start3A_20 = arith.constant 256 : i32
    %dma_start3A_21 = tpu.memref_slice %arg9[%dma_start3A_20] : memref<512xf32, #tpu.memory_space<vmem>> -> memref<128xf32, #tpu.memory_space<vmem>>
    %dma_start3A_22 = arith.constant 256 : i32
    %dma_start3A_23 = tpu.memref_slice %arg7[%dma_start3A_22] : memref<512xi32, #tpu.memory_space<vmem>> -> memref<128xi32, #tpu.memory_space<vmem>>
    %dma_start3A_24 = arith.constant 0 : i32
    %dma_start3A_25 = tpu.memref_slice %arg3[%dma_start3A_24] : memref<2609152xf32, #tpu.memory_space<hbm>> -> memref<2609152xf32, #tpu.memory_space<hbm>>
    tpu.enqueue_indirect_dma source(%dma_start3A_25 : memref<2609152xf32, #tpu.memory_space<hbm>>) target(%dma_start3A_21 : memref<128xf32, #tpu.memory_space<vmem>>) offsets(%dma_start3A_23 : memref<128xi32, #tpu.memory_space<vmem>>) semaphore(%arg11 : memref<!tpu.dma_semaphore, #tpu.memory_space<semaphore_mem>>)
    %dma_start3A_26 = arith.constant 384 : i32
    %dma_start3A_27 = tpu.memref_slice %arg9[%dma_start3A_26] : memref<512xf32, #tpu.memory_space<vmem>> -> memref<128xf32, #tpu.memory_space<vmem>>
    %dma_start3A_28 = arith.constant 384 : i32
    %dma_start3A_29 = tpu.memref_slice %arg7[%dma_start3A_28] : memref<512xi32, #tpu.memory_space<vmem>> -> memref<128xi32, #tpu.memory_space<vmem>>
    %dma_start3A_30 = arith.constant 0 : i32
    %dma_start3A_31 = tpu.memref_slice %arg3[%dma_start3A_30] : memref<2609152xf32, #tpu.memory_space<hbm>> -> memref<2609152xf32, #tpu.memory_space<hbm>>
    tpu.enqueue_indirect_dma source(%dma_start3A_31 : memref<2609152xf32, #tpu.memory_space<hbm>>) target(%dma_start3A_27 : memref<128xf32, #tpu.memory_space<vmem>>) offsets(%dma_start3A_29 : memref<128xi32, #tpu.memory_space<vmem>>) semaphore(%arg11 : memref<!tpu.dma_semaphore, #tpu.memory_space<semaphore_mem>>)
    %run_scoped3A_32 = arith.constant 1 : i32
    "tpu.region"() ({
      %run_scoped3A_1611 = tpu.sem_alloc : memref<!tpu.dma_semaphore, #tpu.memory_space<semaphore_mem>>
      %dma_start3A_1612 = tpu.memref_slice %arg2[%run_scoped3A_32, %mul3A_2] : memref<26x16384xi32, #tpu.memory_space<hbm>> -> memref<1x512xi32, #tpu.memory_space<hbm>>
      %dma_start3A_1613 = tpu.memref_squeeze %dma_start3A_1612 : memref<1x512xi32, #tpu.memory_space<hbm>> -> memref<512xi32, #tpu.memory_space<hbm>>
      %dma_start3A_1614 = tpu.memref_slice %arg2[%run_scoped3A_32, %mul3A_2] : memref<26x16384xi32, #tpu.memory_space<hbm>> -> memref<1x512xi32, #tpu.memory_space<hbm>>
      %dma_start3A_1615 = tpu.memref_squeeze %dma_start3A_1614 : memref<1x512xi32, #tpu.memory_space<hbm>> -> memref<512xi32, #tpu.memory_space<hbm>>
      tpu.enqueue_dma source(%dma_start3A_1615 : memref<512xi32, #tpu.memory_space<hbm>>) target(%arg8 : memref<512xi32, #tpu.memory_space<vmem>>) target_semaphore(%run_scoped3A_1611 : memref<!tpu.dma_semaphore, #tpu.memory_space<semaphore_mem>>)
      %dma_wait3A_1616 = tpu.memref_slice %arg2[%run_scoped3A_32, %mul3A_2] : memref<26x16384xi32, #tpu.memory_space<hbm>> -> memref<1x512xi32, #tpu.memory_space<hbm>>
      %dma_wait3A_1617 = tpu.memref_squeeze %dma_wait3A_1616 : memref<1x512xi32, #tpu.memory_space<hbm>> -> memref<512xi32, #tpu.memory_space<hbm>>
      %dma_wait3A_1618 = tpu.memref_slice %arg2[%run_scoped3A_32, %mul3A_2] : memref<26x16384xi32, #tpu.memory_space<hbm>> -> memref<1x512xi32, #tpu.memory_space<hbm>>
      %dma_wait3A_1619 = tpu.memref_squeeze %dma_wait3A_1618 : memref<1x512xi32, #tpu.memory_space<hbm>> -> memref<512xi32, #tpu.memory_space<hbm>>
      tpu.wait_dma2 semaphore(%run_scoped3A_1611 : memref<!tpu.dma_semaphore, #tpu.memory_space<semaphore_mem>>) src(%dma_wait3A_1619 : memref<512xi32, #tpu.memory_space<hbm>>) dst(%arg8 : memref<512xi32, #tpu.memory_space<vmem>>)
      tpu.yield
    }) : () -> ()
    %scan3A_33 = arith.constant 0 : i32
    %scan3A_34 = arith.constant 100352 : i32
    %scan3A_35 = arith.constant 0 : i32
    %scan3A_36 = arith.constant 32 : i32
    %scan3A_37 = arith.addi %scan3A_35, %scan3A_36 : i32
    %scan3A_38 = arith.constant 1 : i32
    scf.for %scan3A_1611 = %scan3A_35 to %scan3A_37 step %scan3A_38  : i32 {
      %mul3A_1612 = arith.constant 16 : i32
      %mul3A_1613 = arith.muli %scan3A_1611, %mul3A_1612 : i32
      %get3A = arith.index_cast %mul3A_1613 : i32 to index
      %get3A_1614 = tpu.vector_load %arg8[%get3A] {strides = array<i32>} : memref<512xi32, #tpu.memory_space<vmem>>, vector<16xi32>,
      %get3A_1615 = vector.shape_cast %get3A_1614 : vector<16xi32> to vector<16xi32>
      %add3A_1616 = vector.broadcast %scan3A_34 : i32 to vector<16xi32>
      %add3A_1617 = arith.addi %get3A_1615, %add3A_1616 : vector<16xi32>
      %swap3A = arith.index_cast %mul3A_1613 : i32 to index
      %swap3A_1618 = tpu.vector_load %arg8[%swap3A] {strides = array<i32>} : memref<512xi32, #tpu.memory_space<vmem>>, vector<16xi32>,
      %swap3A_1619 = vector.shape_cast %swap3A_1618 : vector<16xi32> to vector<16xi32>
      %swap3A_1620 = vector.shape_cast %add3A_1617 : vector<16xi32> to vector<16xi32>
      tpu.vector_store %arg8[%swap3A], %swap3A_1620 {strides = array<i32>} : memref<512xi32, #tpu.memory_space<vmem>>, vector<16xi32>,
    }
    %scan3A_39 = arith.constant 32 : i32
    %dma_start3A_40 = arith.constant 0 : i32
    %dma_start3A_41 = tpu.memref_slice %arg10[%dma_start3A_40] : memref<512xf32, #tpu.memory_space<vmem>> -> memref<128xf32, #tpu.memory_space<vmem>>
    %dma_start3A_42 = arith.constant 0 : i32
    %dma_start3A_43 = tpu.memref_slice %arg8[%dma_start3A_42] : memref<512xi32, #tpu.memory_space<vmem>> -> memref<128xi32, #tpu.memory_space<vmem>>
    %dma_start3A_44 = arith.constant 0 : i32
    %dma_start3A_45 = tpu.memref_slice %arg3[%dma_start3A_44] : memref<2609152xf32, #tpu.memory_space<hbm>> -> memref<2609152xf32, #tpu.memory_space<hbm>>
    tpu.enqueue_indirect_dma source(%dma_start3A_45 : memref<2609152xf32, #tpu.memory_space<hbm>>) target(%dma_start3A_41 : memref<128xf32, #tpu.memory_space<vmem>>) offsets(%dma_start3A_43 : memref<128xi32, #tpu.memory_space<vmem>>) semaphore(%arg12 : memref<!tpu.dma_semaphore, #tpu.memory_space<semaphore_mem>>)
    %dma_start3A_46 = arith.constant 128 : i32
    %dma_start3A_47 = tpu.memref_slice %arg10[%dma_start3A_46] : memref<512xf32, #tpu.memory_space<vmem>> -> memref<128xf32, #tpu.memory_space<vmem>>
    %dma_start3A_48 = arith.constant 128 : i32
    %dma_start3A_49 = tpu.memref_slice %arg8[%dma_start3A_48] : memref<512xi32, #tpu.memory_space<vmem>> -> memref<128xi32, #tpu.memory_space<vmem>>
    %dma_start3A_50 = arith.constant 0 : i32
    %dma_start3A_51 = tpu.memref_slice %arg3[%dma_start3A_50] : memref<2609152xf32, #tpu.memory_space<hbm>> -> memref<2609152xf32, #tpu.memory_space<hbm>>
    tpu.enqueue_indirect_dma source(%dma_start3A_51 : memref<2609152xf32, #tpu.memory_space<hbm>>) target(%dma_start3A_47 : memref<128xf32, #tpu.memory_space<vmem>>) offsets(%dma_start3A_49 : memref<128xi32, #tpu.memory_space<vmem>>) semaphore(%arg12 : memref<!tpu.dma_semaphore, #tpu.memory_space<semaphore_mem>>)
    %dma_start3A_52 = arith.constant 256 : i32
    %dma_start3A_53 = tpu.memref_slice %arg10[%dma_start3A_52] : memref<512xf32, #tpu.memory_space<vmem>> -> memref<128xf32, #tpu.memory_space<vmem>>
    %dma_start3A_54 = arith.constant 256 : i32
    %dma_start3A_55 = tpu.memref_slice %arg8[%dma_start3A_54] : memref<512xi32, #tpu.memory_space<vmem>> -> memref<128xi32, #tpu.memory_space<vmem>>
    %dma_start3A_56 = arith.constant 0 : i32
    %dma_start3A_57 = tpu.memref_slice %arg3[%dma_start3A_56] : memref<2609152xf32, #tpu.memory_space<hbm>> -> memref<2609152xf32, #tpu.memory_space<hbm>>
    tpu.enqueue_indirect_dma source(%dma_start3A_57 : memref<2609152xf32, #tpu.memory_space<hbm>>) target(%dma_start3A_53 : memref<128xf32, #tpu.memory_space<vmem>>) offsets(%dma_start3A_55 : memref<128xi32, #tpu.memory_space<vmem>>) semaphore(%arg12 : memref<!tpu.dma_semaphore, #tpu.memory_space<semaphore_mem>>)
    %dma_start3A_58 = arith.constant 384 : i32
    %dma_start3A_59 = tpu.memref_slice %arg10[%dma_start3A_58] : memref<512xf32, #tpu.memory_space<vmem>> -> memref<128xf32, #tpu.memory_space<vmem>>
    %dma_start3A_60 = arith.constant 384 : i32
    %dma_start3A_61 = tpu.memref_slice %arg8[%dma_start3A_60] : memref<512xi32, #tpu.memory_space<vmem>> -> memref<128xi32, #tpu.memory_space<vmem>>
    %dma_start3A_62 = arith.constant 0 : i32
    %dma_start3A_63 = tpu.memref_slice %arg3[%dma_start3A_62] : memref<2609152xf32, #tpu.memory_space<hbm>> -> memref<2609152xf32, #tpu.memory_space<hbm>>
    tpu.enqueue_indirect_dma source(%dma_start3A_63 : memref<2609152xf32, #tpu.memory_space<hbm>>) target(%dma_start3A_59 : memref<128xf32, #tpu.memory_space<vmem>>) offsets(%dma_start3A_61 : memref<128xi32, #tpu.memory_space<vmem>>) semaphore(%arg12 : memref<!tpu.dma_semaphore, #tpu.memory_space<semaphore_mem>>)
    %dma_wait3A = arith.constant 0 : i32
    %dma_wait3A_64 = tpu.memref_slice %arg9[%dma_wait3A] : memref<512xf32, #tpu.memory_space<vmem>> -> memref<128xf32, #tpu.memory_space<vmem>>
    %dma_wait3A_65 = arith.constant 0 : i32
    %dma_wait3A_66 = tpu.memref_slice %arg7[%dma_wait3A_65] : memref<512xi32, #tpu.memory_space<vmem>> -> memref<128xi32, #tpu.memory_space<vmem>>
    %dma_wait3A_67 = arith.constant 0 : i32
    %dma_wait3A_68 = tpu.memref_slice %arg3[%dma_wait3A_67] : memref<2609152xf32, #tpu.memory_space<hbm>> -> memref<2609152xf32, #tpu.memory_space<hbm>>
    tpu.wait_indirect_dma semaphore(%arg11 : memref<!tpu.dma_semaphore, #tpu.memory_space<semaphore_mem>>) src(%dma_wait3A_68 : memref<2609152xf32, #tpu.memory_space<hbm>>) dst(%dma_wait3A_64 : memref<128xf32, #tpu.memory_space<vmem>>)
    %dma_wait3A_69 = arith.constant 128 : i32
    %dma_wait3A_70 = tpu.memref_slice %arg9[%dma_wait3A_69] : memref<512xf32, #tpu.memory_space<vmem>> -> memref<128xf32, #tpu.memory_space<vmem>>
    %dma_wait3A_71 = arith.constant 128 : i32
    %dma_wait3A_72 = tpu.memref_slice %arg7[%dma_wait3A_71] : memref<512xi32, #tpu.memory_space<vmem>> -> memref<128xi32, #tpu.memory_space<vmem>>
    %dma_wait3A_73 = arith.constant 0 : i32
    %dma_wait3A_74 = tpu.memref_slice %arg3[%dma_wait3A_73] : memref<2609152xf32, #tpu.memory_space<hbm>> -> memref<2609152xf32, #tpu.memory_space<hbm>>
    tpu.wait_indirect_dma semaphore(%arg11 : memref<!tpu.dma_semaphore, #tpu.memory_space<semaphore_mem>>) src(%dma_wait3A_74 : memref<2609152xf32, #tpu.memory_space<hbm>>) dst(%dma_wait3A_70 : memref<128xf32, #tpu.memory_space<vmem>>)
    %dma_wait3A_75 = arith.constant 256 : i32
    %dma_wait3A_76 = tpu.memref_slice %arg9[%dma_wait3A_75] : memref<512xf32, #tpu.memory_space<vmem>> -> memref<128xf32, #tpu.memory_space<vmem>>
    %dma_wait3A_77 = arith.constant 256 : i32
    %dma_wait3A_78 = tpu.memref_slice %arg7[%dma_wait3A_77] : memref<512xi32, #tpu.memory_space<vmem>> -> memref<128xi32, #tpu.memory_space<vmem>>
    %dma_wait3A_79 = arith.constant 0 : i32
    %dma_wait3A_80 = tpu.memref_slice %arg3[%dma_wait3A_79] : memref<2609152xf32, #tpu.memory_space<hbm>> -> memref<2609152xf32, #tpu.memory_space<hbm>>
    tpu.wait_indirect_dma semaphore(%arg11 : memref<!tpu.dma_semaphore, #tpu.memory_space<semaphore_mem>>) src(%dma_wait3A_80 : memref<2609152xf32, #tpu.memory_space<hbm>>) dst(%dma_wait3A_76 : memref<128xf32, #tpu.memory_space<vmem>>)
    %dma_wait3A_81 = arith.constant 384 : i32
    %dma_wait3A_82 = tpu.memref_slice %arg9[%dma_wait3A_81] : memref<512xf32, #tpu.memory_space<vmem>> -> memref<128xf32, #tpu.memory_space<vmem>>
    %dma_wait3A_83 = arith.constant 384 : i32
    %dma_wait3A_84 = tpu.memref_slice %arg7[%dma_wait3A_83] : memref<512xi32, #tpu.memory_space<vmem>> -> memref<128xi32, #tpu.memory_space<vmem>>
    %dma_wait3A_85 = arith.constant 0 : i32
    %dma_wait3A_86 = tpu.memref_slice %arg3[%dma_wait3A_85] : memref<2609152xf32, #tpu.memory_space<hbm>> -> memref<2609152xf32, #tpu.memory_space<hbm>>
    tpu.wait_indirect_dma semaphore(%arg11 : memref<!tpu.dma_semaphore, #tpu.memory_space<semaphore_mem>>) src(%dma_wait3A_86 : memref<2609152xf32, #tpu.memory_space<hbm>>) dst(%dma_wait3A_82 : memref<128xf32, #tpu.memory_space<vmem>>)
    %scan3A_87 = arith.constant 0 : i32
    %scan3A_88 = arith.constant 0 : i32
    %scan3A_89 = arith.constant 32 : i32
    %scan3A_90 = arith.addi %scan3A_88, %scan3A_89 : i32
    %scan3A_91 = arith.constant 1 : i32
    scf.for %scan3A_1611 = %scan3A_88 to %scan3A_90 step %scan3A_91  : i32 {
      %mul3A_1612 = arith.constant 16 : i32
      %mul3A_1613 = arith.muli %scan3A_1611, %mul3A_1612 : i32
      %get3A = arith.index_cast %mul3A_1613 : i32 to index
      %get3A_1614 = tpu.vector_load %arg6[%get3A] {strides = array<i32>} : memref<512xf32, #tpu.memory_space<vmem>>, vector<16xf32>,
      %get3A_1615 = vector.shape_cast %get3A_1614 : vector<16xf32> to vector<16xf32>
      %get3A_1616 = arith.index_cast %mul3A_1613 : i32 to index
      %get3A_1617 = tpu.vector_load %arg9[%get3A_1616] {strides = array<i32>} : memref<512xf32, #tpu.memory_space<vmem>>, vector<16xf32>,
      %get3A_1618 = vector.shape_cast %get3A_1617 : vector<16xf32> to vector<16xf32>
      %add3A_1619 = arith.addf %get3A_1615, %get3A_1618 : vector<16xf32>
      %swap3A = arith.index_cast %mul3A_1613 : i32 to index
      %swap3A_1620 = tpu.vector_load %arg6[%swap3A] {strides = array<i32>} : memref<512xf32, #tpu.memory_space<vmem>>, vector<16xf32>,
      %swap3A_1621 = vector.shape_cast %swap3A_1620 : vector<16xf32> to vector<16xf32>
      %swap3A_1622 = vector.shape_cast %add3A_1619 : vector<16xf32> to vector<16xf32>
      tpu.vector_store %arg6[%swap3A], %swap3A_1622 {strides = array<i32>} : memref<512xf32, #tpu.memory_space<vmem>>, vector<16xf32>,
    }
    %scan3A_92 = arith.constant 32 : i32
    %run_scoped3A_93 = arith.constant 2 : i32
    "tpu.region"() ({
      %run_scoped3A_1611 = tpu.sem_alloc : memref<!tpu.dma_semaphore, #tpu.memory_space<semaphore_mem>>
      %dma_start3A_1612 = tpu.memref_slice %arg2[%run_scoped3A_93, %mul3A_2] : memref<26x16384xi32, #tpu.memory_space<hbm>> -> memref<1x512xi32, #tpu.memory_space<hbm>>
      %dma_start3A_1613 = tpu.memref_squeeze %dma_start3A_1612 : memref<1x512xi32, #tpu.memory_space<hbm>> -> memref<512xi32, #tpu.memory_space<hbm>>
      %dma_start3A_1614 = tpu.memref_slice %arg2[%run_scoped3A_93, %mul3A_2] : memref<26x16384xi32, #tpu.memory_space<hbm>> -> memref<1x512xi32, #tpu.memory_space<hbm>>
      %dma_start3A_1615 = tpu.memref_squeeze %dma_start3A_1614 : memref<1x512xi32, #tpu.memory_space<hbm>> -> memref<512xi32, #tpu.memory_space<hbm>>
      tpu.enqueue_dma source(%dma_start3A_1615 : memref<512xi32, #tpu.memory_space<hbm>>) target(%arg7 : memref<512xi32, #tpu.memory_space<vmem>>) target_semaphore(%run_scoped3A_1611 : memref<!tpu.dma_semaphore, #tpu.memory_space<semaphore_mem>>)
      %dma_wait3A_1616 = tpu.memref_slice %arg2[%run_scoped3A_93, %mul3A_2] : memref<26x16384xi32, #tpu.memory_space<hbm>> -> memref<1x512xi32, #tpu.memory_space<hbm>>
      %dma_wait3A_1617 = tpu.memref_squeeze %dma_wait3A_1616 : memref<1x512xi32, #tpu.memory_space<hbm>> -> memref<512xi32, #tpu.memory_space<hbm>>
      %dma_wait3A_1618 = tpu.memref_slice %arg2[%run_scoped3A_93, %mul3A_2] : memref<26x16384xi32, #tpu.memory_space<hbm>> -> memref<1x512xi32, #tpu.memory_space<hbm>>
      %dma_wait3A_1619 = tpu.memref_squeeze %dma_wait3A_1618 : memref<1x512xi32, #tpu.memory_space<hbm>> -> memref<512xi32, #tpu.memory_space<hbm>>
      tpu.wait_dma2 semaphore(%run_scoped3A_1611 : memref<!tpu.dma_semaphore, #tpu.memory_space<semaphore_mem>>) src(%dma_wait3A_1619 : memref<512xi32, #tpu.memory_space<hbm>>) dst(%arg7 : memref<512xi32, #tpu.memory_space<vmem>>)
      tpu.yield
    }) : () -> ()
    %scan3A_94 = arith.constant 0 : i32
    %scan3A_95 = arith.constant 200704 : i32
    %scan3A_96 = arith.constant 0 : i32
    %scan3A_97 = arith.constant 32 : i32
    %scan3A_98 = arith.addi %scan3A_96, %scan3A_97 : i32
    %scan3A_99 = arith.constant 1 : i32
    scf.for %scan3A_1611 = %scan3A_96 to %scan3A_98 step %scan3A_99  : i32 {
      %mul3A_1612 = arith.constant 16 : i32
      %mul3A_1613 = arith.muli %scan3A_1611, %mul3A_1612 : i32
      %get3A = arith.index_cast %mul3A_1613 : i32 to index
      %get3A_1614 = tpu.vector_load %arg7[%get3A] {strides = array<i32>} : memref<512xi32, #tpu.memory_space<vmem>>, vector<16xi32>,
      %get3A_1615 = vector.shape_cast %get3A_1614 : vector<16xi32> to vector<16xi32>
      %add3A_1616 = vector.broadcast %scan3A_95 : i32 to vector<16xi32>
      %add3A_1617 = arith.addi %get3A_1615, %add3A_1616 : vector<16xi32>
      %swap3A = arith.index_cast %mul3A_1613 : i32 to index
      %swap3A_1618 = tpu.vector_load %arg7[%swap3A] {strides = array<i32>} : memref<512xi32, #tpu.memory_space<vmem>>, vector<16xi32>,
      %swap3A_1619 = vector.shape_cast %swap3A_1618 : vector<16xi32> to vector<16xi32>
      %swap3A_1620 = vector.shape_cast %add3A_1617 : vector<16xi32> to vector<16xi32>
      tpu.vector_store %arg7[%swap3A], %swap3A_1620 {strides = array<i32>} : memref<512xi32, #tpu.memory_space<vmem>>, vector<16xi32>,
    }
    %scan3A_100 = arith.constant 32 : i32
    %dma_start3A_101 = arith.constant 0 : i32
    %dma_start3A_102 = tpu.memref_slice %arg9[%dma_start3A_101] : memref<512xf32, #tpu.memory_space<vmem>> -> memref<128xf32, #tpu.memory_space<vmem>>
    %dma_start3A_103 = arith.constant 0 : i32
    %dma_start3A_104 = tpu.memref_slice %arg7[%dma_start3A_103] : memref<512xi32, #tpu.memory_space<vmem>> -> memref<128xi32, #tpu.memory_space<vmem>>
    %dma_start3A_105 = arith.constant 0 : i32
    %dma_start3A_106 = tpu.memref_slice %arg3[%dma_start3A_105] : memref<2609152xf32, #tpu.memory_space<hbm>> -> memref<2609152xf32, #tpu.memory_space<hbm>>
    tpu.enqueue_indirect_dma source(%dma_start3A_106 : memref<2609152xf32, #tpu.memory_space<hbm>>) target(%dma_start3A_102 : memref<128xf32, #tpu.memory_space<vmem>>) offsets(%dma_start3A_104 : memref<128xi32, #tpu.memory_space<vmem>>) semaphore(%arg11 : memref<!tpu.dma_semaphore, #tpu.memory_space<semaphore_mem>>)
    %dma_start3A_107 = arith.constant 128 : i32
    %dma_start3A_108 = tpu.memref_slice %arg9[%dma_start3A_107] : memref<512xf32, #tpu.memory_space<vmem>> -> memref<128xf32, #tpu.memory_space<vmem>>
    %dma_start3A_109 = arith.constant 128 : i32
    %dma_start3A_110 = tpu.memref_slice %arg7[%dma_start3A_109] : memref<512xi32, #tpu.memory_space<vmem>> -> memref<128xi32, #tpu.memory_space<vmem>>
    %dma_start3A_111 = arith.constant 0 : i32
    %dma_start3A_112 = tpu.memref_slice %arg3[%dma_start3A_111] : memref<2609152xf32, #tpu.memory_space<hbm>> -> memref<2609152xf32, #tpu.memory_space<hbm>>
    tpu.enqueue_indirect_dma source(%dma_start3A_112 : memref<2609152xf32, #tpu.memory_space<hbm>>) target(%dma_start3A_108 : memref<128xf32, #tpu.memory_space<vmem>>) offsets(%dma_start3A_110 : memref<128xi32, #tpu.memory_space<vmem>>) semaphore(%arg11 : memref<!tpu.dma_semaphore, #tpu.memory_space<semaphore_mem>>)
    %dma_start3A_113 = arith.constant 256 : i32
    %dma_start3A_114 = tpu.memref_slice %arg9[%dma_start3A_113] : memref<512xf32, #tpu.memory_space<vmem>> -> memref<128xf32, #tpu.memory_space<vmem>>
    %dma_start3A_115 = arith.constant 256 : i32
    %dma_start3A_116 = tpu.memref_slice %arg7[%dma_start3A_115] : memref<512xi32, #tpu.memory_space<vmem>> -> memref<128xi32, #tpu.memory_space<vmem>>
    %dma_start3A_117 = arith.constant 0 : i32
    %dma_start3A_118 = tpu.memref_slice %arg3[%dma_start3A_117] : memref<2609152xf32, #tpu.memory_space<hbm>> -> memref<2609152xf32, #tpu.memory_space<hbm>>
    tpu.enqueue_indirect_dma source(%dma_start3A_118 : memref<2609152xf32, #tpu.memory_space<hbm>>) target(%dma_start3A_114 : memref<128xf32, #tpu.memory_space<vmem>>) offsets(%dma_start3A_116 : memref<128xi32, #tpu.memory_space<vmem>>) semaphore(%arg11 : memref<!tpu.dma_semaphore, #tpu.memory_space<semaphore_mem>>)
    %dma_start3A_119 = arith.constant 384 : i32
    %dma_start3A_120 = tpu.memref_slice %arg9[%dma_start3A_119] : memref<512xf32, #tpu.memory_space<vmem>> -> memref<128xf32, #tpu.memory_space<vmem>>
    %dma_start3A_121 = arith.constant 384 : i32
    %dma_start3A_122 = tpu.memref_slice %arg7[%dma_start3A_121] : memref<512xi32, #tpu.memory_space<vmem>> -> memref<128xi32, #tpu.memory_space<vmem>>
    %dma_start3A_123 = arith.constant 0 : i32
    %dma_start3A_124 = tpu.memref_slice %arg3[%dma_start3A_123] : memref<2609152xf32, #tpu.memory_space<hbm>> -> memref<2609152xf32, #tpu.memory_space<hbm>>
    tpu.enqueue_indirect_dma source(%dma_start3A_124 : memref<2609152xf32, #tpu.memory_space<hbm>>) target(%dma_start3A_120 : memref<128xf32, #tpu.memory_space<vmem>>) offsets(%dma_start3A_122 : memref<128xi32, #tpu.memory_space<vmem>>) semaphore(%arg11 : memref<!tpu.dma_semaphore, #tpu.memory_space<semaphore_mem>>)
    %dma_wait3A_125 = arith.constant 0 : i32
    %dma_wait3A_126 = tpu.memref_slice %arg10[%dma_wait3A_125] : memref<512xf32, #tpu.memory_space<vmem>> -> memref<128xf32, #tpu.memory_space<vmem>>
    %dma_wait3A_127 = arith.constant 0 : i32
    %dma_wait3A_128 = tpu.memref_slice %arg8[%dma_wait3A_127] : memref<512xi32, #tpu.memory_space<vmem>> -> memref<128xi32, #tpu.memory_space<vmem>>
    %dma_wait3A_129 = arith.constant 0 : i32
    %dma_wait3A_130 = tpu.memref_slice %arg3[%dma_wait3A_129] : memref<2609152xf32, #tpu.memory_space<hbm>> -> memref<2609152xf32, #tpu.memory_space<hbm>>
    tpu.wait_indirect_dma semaphore(%arg12 : memref<!tpu.dma_semaphore, #tpu.memory_space<semaphore_mem>>) src(%dma_wait3A_130 : memref<2609152xf32, #tpu.memory_space<hbm>>) dst(%dma_wait3A_126 : memref<128xf32, #tpu.memory_space<vmem>>)
    %dma_wait3A_131 = arith.constant 128 : i32
    %dma_wait3A_132 = tpu.memref_slice %arg10[%dma_wait3A_131] : memref<512xf32, #tpu.memory_space<vmem>> -> memref<128xf32, #tpu.memory_space<vmem>>
    %dma_wait3A_133 = arith.constant 128 : i32
    %dma_wait3A_134 = tpu.memref_slice %arg8[%dma_wait3A_133] : memref<512xi32, #tpu.memory_space<vmem>> -> memref<128xi32, #tpu.memory_space<vmem>>
    %dma_wait3A_135 = arith.constant 0 : i32
    %dma_wait3A_136 = tpu.memref_slice %arg3[%dma_wait3A_135] : memref<2609152xf32, #tpu.memory_space<hbm>> -> memref<2609152xf32, #tpu.memory_space<hbm>>
    tpu.wait_indirect_dma semaphore(%arg12 : memref<!tpu.dma_semaphore, #tpu.memory_space<semaphore_mem>>) src(%dma_wait3A_136 : memref<2609152xf32, #tpu.memory_space<hbm>>) dst(%dma_wait3A_132 : memref<128xf32, #tpu.memory_space<vmem>>)
    %dma_wait3A_137 = arith.constant 256 : i32
    %dma_wait3A_138 = tpu.memref_slice %arg10[%dma_wait3A_137] : memref<512xf32, #tpu.memory_space<vmem>> -> memref<128xf32, #tpu.memory_space<vmem>>
    %dma_wait3A_139 = arith.constant 256 : i32
    %dma_wait3A_140 = tpu.memref_slice %arg8[%dma_wait3A_139] : memref<512xi32, #tpu.memory_space<vmem>> -> memref<128xi32, #tpu.memory_space<vmem>>
    %dma_wait3A_141 = arith.constant 0 : i32
    %dma_wait3A_142 = tpu.memref_slice %arg3[%dma_wait3A_141] : memref<2609152xf32, #tpu.memory_space<hbm>> -> memref<2609152xf32, #tpu.memory_space<hbm>>
    tpu.wait_indirect_dma semaphore(%arg12 : memref<!tpu.dma_semaphore, #tpu.memory_space<semaphore_mem>>) src(%dma_wait3A_142 : memref<2609152xf32, #tpu.memory_space<hbm>>) dst(%dma_wait3A_138 : memref<128xf32, #tpu.memory_space<vmem>>)
    %dma_wait3A_143 = arith.constant 384 : i32
    %dma_wait3A_144 = tpu.memref_slice %arg10[%dma_wait3A_143] : memref<512xf32, #tpu.memory_space<vmem>> -> memref<128xf32, #tpu.memory_space<vmem>>
    %dma_wait3A_145 = arith.constant 384 : i32
    %dma_wait3A_146 = tpu.memref_slice %arg8[%dma_wait3A_145] : memref<512xi32, #tpu.memory_space<vmem>> -> memref<128xi32, #tpu.memory_space<vmem>>
    %dma_wait3A_147 = arith.constant 0 : i32
    %dma_wait3A_148 = tpu.memref_slice %arg3[%dma_wait3A_147] : memref<2609152xf32, #tpu.memory_space<hbm>> -> memref<2609152xf32, #tpu.memory_space<hbm>>
    tpu.wait_indirect_dma semaphore(%arg12 : memref<!tpu.dma_semaphore, #tpu.memory_space<semaphore_mem>>) src(%dma_wait3A_148 : memref<2609152xf32, #tpu.memory_space<hbm>>) dst(%dma_wait3A_144 : memref<128xf32, #tpu.memory_space<vmem>>)
    %scan3A_149 = arith.constant 0 : i32
    %scan3A_150 = arith.constant 0 : i32
    %scan3A_151 = arith.constant 32 : i32
    %scan3A_152 = arith.addi %scan3A_150, %scan3A_151 : i32
    %scan3A_153 = arith.constant 1 : i32
    scf.for %scan3A_1611 = %scan3A_150 to %scan3A_152 step %scan3A_153  : i32 {
      %mul3A_1612 = arith.constant 16 : i32
      %mul3A_1613 = arith.muli %scan3A_1611, %mul3A_1612 : i32
      %get3A = arith.index_cast %mul3A_1613 : i32 to index
      %get3A_1614 = tpu.vector_load %arg6[%get3A] {strides = array<i32>} : memref<512xf32, #tpu.memory_space<vmem>>, vector<16xf32>,
      %get3A_1615 = vector.shape_cast %get3A_1614 : vector<16xf32> to vector<16xf32>
      %get3A_1616 = arith.index_cast %mul3A_1613 : i32 to index
      %get3A_1617 = tpu.vector_load %arg10[%get3A_1616] {strides = array<i32>} : memref<512xf32, #tpu.memory_space<vmem>>, vector<16xf32>,
      %get3A_1618 = vector.shape_cast %get3A_1617 : vector<16xf32> to vector<16xf32>
      %add3A_1619 = arith.addf %get3A_1615, %get3A_1618 : vector<16xf32>
      %swap3A = arith.index_cast %mul3A_1613 : i32 to index
      %swap3A_1620 = tpu.vector_load %arg6[%swap3A] {strides = array<i32>} : memref<512xf32, #tpu.memory_space<vmem>>, vector<16xf32>,
      %swap3A_1621 = vector.shape_cast %swap3A_1620 : vector<16xf32> to vector<16xf32>
      %swap3A_1622 = vector.shape_cast %add3A_1619 : vector<16xf32> to vector<16xf32>
      tpu.vector_store %arg6[%swap3A], %swap3A_1622 {strides = array<i32>} : memref<512xf32, #tpu.memory_space<vmem>>, vector<16xf32>,
    }
    %scan3A_154 = arith.constant 32 : i32
    %run_scoped3A_155 = arith.constant 3 : i32
    "tpu.region"() ({
      %run_scoped3A_1611 = tpu.sem_alloc : memref<!tpu.dma_semaphore, #tpu.memory_space<semaphore_mem>>
      %dma_start3A_1612 = tpu.memref_slice %arg2[%run_scoped3A_155, %mul3A_2] : memref<26x16384xi32, #tpu.memory_space<hbm>> -> memref<1x512xi32, #tpu.memory_space<hbm>>
      %dma_start3A_1613 = tpu.memref_squeeze %dma_start3A_1612 : memref<1x512xi32, #tpu.memory_space<hbm>> -> memref<512xi32, #tpu.memory_space<hbm>>
      %dma_start3A_1614 = tpu.memref_slice %arg2[%run_scoped3A_155, %mul3A_2] : memref<26x16384xi32, #tpu.memory_space<hbm>> -> memref<1x512xi32, #tpu.memory_space<hbm>>
      %dma_start3A_1615 = tpu.memref_squeeze %dma_start3A_1614 : memref<1x512xi32, #tpu.memory_space<hbm>> -> memref<512xi32, #tpu.memory_space<hbm>>
      tpu.enqueue_dma source(%dma_start3A_1615 : memref<512xi32, #tpu.memory_space<hbm>>) target(%arg8 : memref<512xi32, #tpu.memory_space<vmem>>) target_semaphore(%run_scoped3A_1611 : memref<!tpu.dma_semaphore, #tpu.memory_space<semaphore_mem>>)
      %dma_wait3A_1616 = tpu.memref_slice %arg2[%run_scoped3A_155, %mul3A_2] : memref<26x16384xi32, #tpu.memory_space<hbm>> -> memref<1x512xi32, #tpu.memory_space<hbm>>
      %dma_wait3A_1617 = tpu.memref_squeeze %dma_wait3A_1616 : memref<1x512xi32, #tpu.memory_space<hbm>> -> memref<512xi32, #tpu.memory_space<hbm>>
      %dma_wait3A_1618 = tpu.memref_slice %arg2[%run_scoped3A_155, %mul3A_2] : memref<26x16384xi32, #tpu.memory_space<hbm>> -> memref<1x512xi32, #tpu.memory_space<hbm>>
      %dma_wait3A_1619 = tpu.memref_squeeze %dma_wait3A_1618 : memref<1x512xi32, #tpu.memory_space<hbm>> -> memref<512xi32, #tpu.memory_space<hbm>>
      tpu.wait_dma2 semaphore(%run_scoped3A_1611 : memref<!tpu.dma_semaphore, #tpu.memory_space<semaphore_mem>>) src(%dma_wait3A_1619 : memref<512xi32, #tpu.memory_space<hbm>>) dst(%arg8 : memref<512xi32, #tpu.memory_space<vmem>>)
      tpu.yield
    }) : () -> ()
    %scan3A_156 = arith.constant 0 : i32
    %scan3A_157 = arith.constant 301056 : i32
    %scan3A_158 = arith.constant 0 : i32
    %scan3A_159 = arith.constant 32 : i32
    %scan3A_160 = arith.addi %scan3A_158, %scan3A_159 : i32
    %scan3A_161 = arith.constant 1 : i32
    scf.for %scan3A_1611 = %scan3A_158 to %scan3A_160 step %scan3A_161  : i32 {
      %mul3A_1612 = arith.constant 16 : i32
      %mul3A_1613 = arith.muli %scan3A_1611, %mul3A_1612 : i32
      %get3A = arith.index_cast %mul3A_1613 : i32 to index
      %get3A_1614 = tpu.vector_load %arg8[%get3A] {strides = array<i32>} : memref<512xi32, #tpu.memory_space<vmem>>, vector<16xi32>,
      %get3A_1615 = vector.shape_cast %get3A_1614 : vector<16xi32> to vector<16xi32>
      %add3A_1616 = vector.broadcast %scan3A_157 : i32 to vector<16xi32>
      %add3A_1617 = arith.addi %get3A_1615, %add3A_1616 : vector<16xi32>
      %swap3A = arith.index_cast %mul3A_1613 : i32 to index
      %swap3A_1618 = tpu.vector_load %arg8[%swap3A] {strides = array<i32>} : memref<512xi32, #tpu.memory_space<vmem>>, vector<16xi32>,
      %swap3A_1619 = vector.shape_cast %swap3A_1618 : vector<16xi32> to vector<16xi32>
      %swap3A_1620 = vector.shape_cast %add3A_1617 : vector<16xi32> to vector<16xi32>
      tpu.vector_store %arg8[%swap3A], %swap3A_1620 {strides = array<i32>} : memref<512xi32, #tpu.memory_space<vmem>>, vector<16xi32>,
    }
    %scan3A_162 = arith.constant 32 : i32
    %dma_start3A_163 = arith.constant 0 : i32
    %dma_start3A_164 = tpu.memref_slice %arg10[%dma_start3A_163] : memref<512xf32, #tpu.memory_space<vmem>> -> memref<128xf32, #tpu.memory_space<vmem>>
    %dma_start3A_165 = arith.constant 0 : i32
    %dma_start3A_166 = tpu.memref_slice %arg8[%dma_start3A_165] : memref<512xi32, #tpu.memory_space<vmem>> -> memref<128xi32, #tpu.memory_space<vmem>>
    %dma_start3A_167 = arith.constant 0 : i32
    %dma_start3A_168 = tpu.memref_slice %arg3[%dma_start3A_167] : memref<2609152xf32, #tpu.memory_space<hbm>> -> memref<2609152xf32, #tpu.memory_space<hbm>>
    tpu.enqueue_indirect_dma source(%dma_start3A_168 : memref<2609152xf32, #tpu.memory_space<hbm>>) target(%dma_start3A_164 : memref<128xf32, #tpu.memory_space<vmem>>) offsets(%dma_start3A_166 : memref<128xi32, #tpu.memory_space<vmem>>) semaphore(%arg12 : memref<!tpu.dma_semaphore, #tpu.memory_space<semaphore_mem>>)
    %dma_start3A_169 = arith.constant 128 : i32
    %dma_start3A_170 = tpu.memref_slice %arg10[%dma_start3A_169] : memref<512xf32, #tpu.memory_space<vmem>> -> memref<128xf32, #tpu.memory_space<vmem>>
    %dma_start3A_171 = arith.constant 128 : i32
    %dma_start3A_172 = tpu.memref_slice %arg8[%dma_start3A_171] : memref<512xi32, #tpu.memory_space<vmem>> -> memref<128xi32, #tpu.memory_space<vmem>>
    %dma_start3A_173 = arith.constant 0 : i32
    %dma_start3A_174 = tpu.memref_slice %arg3[%dma_start3A_173] : memref<2609152xf32, #tpu.memory_space<hbm>> -> memref<2609152xf32, #tpu.memory_space<hbm>>
    tpu.enqueue_indirect_dma source(%dma_start3A_174 : memref<2609152xf32, #tpu.memory_space<hbm>>) target(%dma_start3A_170 : memref<128xf32, #tpu.memory_space<vmem>>) offsets(%dma_start3A_172 : memref<128xi32, #tpu.memory_space<vmem>>) semaphore(%arg12 : memref<!tpu.dma_semaphore, #tpu.memory_space<semaphore_mem>>)
    %dma_start3A_175 = arith.constant 256 : i32
    %dma_start3A_176 = tpu.memref_slice %arg10[%dma_start3A_175] : memref<512xf32, #tpu.memory_space<vmem>> -> memref<128xf32, #tpu.memory_space<vmem>>
    %dma_start3A_177 = arith.constant 256 : i32
    %dma_start3A_178 = tpu.memref_slice %arg8[%dma_start3A_177] : memref<512xi32, #tpu.memory_space<vmem>> -> memref<128xi32, #tpu.memory_space<vmem>>
    %dma_start3A_179 = arith.constant 0 : i32
    %dma_start3A_180 = tpu.memref_slice %arg3[%dma_start3A_179] : memref<2609152xf32, #tpu.memory_space<hbm>> -> memref<2609152xf32, #tpu.memory_space<hbm>>
    tpu.enqueue_indirect_dma source(%dma_start3A_180 : memref<2609152xf32, #tpu.memory_space<hbm>>) target(%dma_start3A_176 : memref<128xf32, #tpu.memory_space<vmem>>) offsets(%dma_start3A_178 : memref<128xi32, #tpu.memory_space<vmem>>) semaphore(%arg12 : memref<!tpu.dma_semaphore, #tpu.memory_space<semaphore_mem>>)
    %dma_start3A_181 = arith.constant 384 : i32
    %dma_start3A_182 = tpu.memref_slice %arg10[%dma_start3A_181] : memref<512xf32, #tpu.memory_space<vmem>> -> memref<128xf32, #tpu.memory_space<vmem>>
    %dma_start3A_183 = arith.constant 384 : i32
    %dma_start3A_184 = tpu.memref_slice %arg8[%dma_start3A_183] : memref<512xi32, #tpu.memory_space<vmem>> -> memref<128xi32, #tpu.memory_space<vmem>>
    %dma_start3A_185 = arith.constant 0 : i32
    %dma_start3A_186 = tpu.memref_slice %arg3[%dma_start3A_185] : memref<2609152xf32, #tpu.memory_space<hbm>> -> memref<2609152xf32, #tpu.memory_space<hbm>>
    tpu.enqueue_indirect_dma source(%dma_start3A_186 : memref<2609152xf32, #tpu.memory_space<hbm>>) target(%dma_start3A_182 : memref<128xf32, #tpu.memory_space<vmem>>) offsets(%dma_start3A_184 : memref<128xi32, #tpu.memory_space<vmem>>) semaphore(%arg12 : memref<!tpu.dma_semaphore, #tpu.memory_space<semaphore_mem>>)
    %dma_wait3A_187 = arith.constant 0 : i32
    %dma_wait3A_188 = tpu.memref_slice %arg9[%dma_wait3A_187] : memref<512xf32, #tpu.memory_space<vmem>> -> memref<128xf32, #tpu.memory_space<vmem>>
    %dma_wait3A_189 = arith.constant 0 : i32
    %dma_wait3A_190 = tpu.memref_slice %arg7[%dma_wait3A_189] : memref<512xi32, #tpu.memory_space<vmem>> -> memref<128xi32, #tpu.memory_space<vmem>>
    %dma_wait3A_191 = arith.constant 0 : i32
    %dma_wait3A_192 = tpu.memref_slice %arg3[%dma_wait3A_191] : memref<2609152xf32, #tpu.memory_space<hbm>> -> memref<2609152xf32, #tpu.memory_space<hbm>>
    tpu.wait_indirect_dma semaphore(%arg11 : memref<!tpu.dma_semaphore, #tpu.memory_space<semaphore_mem>>) src(%dma_wait3A_192 : memref<2609152xf32, #tpu.memory_space<hbm>>) dst(%dma_wait3A_188 : memref<128xf32, #tpu.memory_space<vmem>>)
    %dma_wait3A_193 = arith.constant 128 : i32
    %dma_wait3A_194 = tpu.memref_slice %arg9[%dma_wait3A_193] : memref<512xf32, #tpu.memory_space<vmem>> -> memref<128xf32, #tpu.memory_space<vmem>>
    %dma_wait3A_195 = arith.constant 128 : i32
    %dma_wait3A_196 = tpu.memref_slice %arg7[%dma_wait3A_195] : memref<512xi32, #tpu.memory_space<vmem>> -> memref<128xi32, #tpu.memory_space<vmem>>
    %dma_wait3A_197 = arith.constant 0 : i32
    %dma_wait3A_198 = tpu.memref_slice %arg3[%dma_wait3A_197] : memref<2609152xf32, #tpu.memory_space<hbm>> -> memref<2609152xf32, #tpu.memory_space<hbm>>
    tpu.wait_indirect_dma semaphore(%arg11 : memref<!tpu.dma_semaphore, #tpu.memory_space<semaphore_mem>>) src(%dma_wait3A_198 : memref<2609152xf32, #tpu.memory_space<hbm>>) dst(%dma_wait3A_194 : memref<128xf32, #tpu.memory_space<vmem>>)
    %dma_wait3A_199 = arith.constant 256 : i32
    %dma_wait3A_200 = tpu.memref_slice %arg9[%dma_wait3A_199] : memref<512xf32, #tpu.memory_space<vmem>> -> memref<128xf32, #tpu.memory_space<vmem>>
    %dma_wait3A_201 = arith.constant 256 : i32
    %dma_wait3A_202 = tpu.memref_slice %arg7[%dma_wait3A_201] : memref<512xi32, #tpu.memory_space<vmem>> -> memref<128xi32, #tpu.memory_space<vmem>>
    %dma_wait3A_203 = arith.constant 0 : i32
    %dma_wait3A_204 = tpu.memref_slice %arg3[%dma_wait3A_203] : memref<2609152xf32, #tpu.memory_space<hbm>> -> memref<2609152xf32, #tpu.memory_space<hbm>>
    tpu.wait_indirect_dma semaphore(%arg11 : memref<!tpu.dma_semaphore, #tpu.memory_space<semaphore_mem>>) src(%dma_wait3A_204 : memref<2609152xf32, #tpu.memory_space<hbm>>) dst(%dma_wait3A_200 : memref<128xf32, #tpu.memory_space<vmem>>)
    %dma_wait3A_205 = arith.constant 384 : i32
    %dma_wait3A_206 = tpu.memref_slice %arg9[%dma_wait3A_205] : memref<512xf32, #tpu.memory_space<vmem>> -> memref<128xf32, #tpu.memory_space<vmem>>
    %dma_wait3A_207 = arith.constant 384 : i32
    %dma_wait3A_208 = tpu.memref_slice %arg7[%dma_wait3A_207] : memref<512xi32, #tpu.memory_space<vmem>> -> memref<128xi32, #tpu.memory_space<vmem>>
    %dma_wait3A_209 = arith.constant 0 : i32
    %dma_wait3A_210 = tpu.memref_slice %arg3[%dma_wait3A_209] : memref<2609152xf32, #tpu.memory_space<hbm>> -> memref<2609152xf32, #tpu.memory_space<hbm>>
    tpu.wait_indirect_dma semaphore(%arg11 : memref<!tpu.dma_semaphore, #tpu.memory_space<semaphore_mem>>) src(%dma_wait3A_210 : memref<2609152xf32, #tpu.memory_space<hbm>>) dst(%dma_wait3A_206 : memref<128xf32, #tpu.memory_space<vmem>>)
    %scan3A_211 = arith.constant 0 : i32
    %scan3A_212 = arith.constant 0 : i32
    %scan3A_213 = arith.constant 32 : i32
    %scan3A_214 = arith.addi %scan3A_212, %scan3A_213 : i32
    %scan3A_215 = arith.constant 1 : i32
    scf.for %scan3A_1611 = %scan3A_212 to %scan3A_214 step %scan3A_215  : i32 {
      %mul3A_1612 = arith.constant 16 : i32
      %mul3A_1613 = arith.muli %scan3A_1611, %mul3A_1612 : i32
      %get3A = arith.index_cast %mul3A_1613 : i32 to index
      %get3A_1614 = tpu.vector_load %arg6[%get3A] {strides = array<i32>} : memref<512xf32, #tpu.memory_space<vmem>>, vector<16xf32>,
      %get3A_1615 = vector.shape_cast %get3A_1614 : vector<16xf32> to vector<16xf32>
      %get3A_1616 = arith.index_cast %mul3A_1613 : i32 to index
      %get3A_1617 = tpu.vector_load %arg9[%get3A_1616] {strides = array<i32>} : memref<512xf32, #tpu.memory_space<vmem>>, vector<16xf32>,
      %get3A_1618 = vector.shape_cast %get3A_1617 : vector<16xf32> to vector<16xf32>
      %add3A_1619 = arith.addf %get3A_1615, %get3A_1618 : vector<16xf32>
      %swap3A = arith.index_cast %mul3A_1613 : i32 to index
      %swap3A_1620 = tpu.vector_load %arg6[%swap3A] {strides = array<i32>} : memref<512xf32, #tpu.memory_space<vmem>>, vector<16xf32>,
      %swap3A_1621 = vector.shape_cast %swap3A_1620 : vector<16xf32> to vector<16xf32>
      %swap3A_1622 = vector.shape_cast %add3A_1619 : vector<16xf32> to vector<16xf32>
      tpu.vector_store %arg6[%swap3A], %swap3A_1622 {strides = array<i32>} : memref<512xf32, #tpu.memory_space<vmem>>, vector<16xf32>,
    }
    %scan3A_216 = arith.constant 32 : i32
    %run_scoped3A_217 = arith.constant 4 : i32
    "tpu.region"() ({
      %run_scoped3A_1611 = tpu.sem_alloc : memref<!tpu.dma_semaphore, #tpu.memory_space<semaphore_mem>>
      %dma_start3A_1612 = tpu.memref_slice %arg2[%run_scoped3A_217, %mul3A_2] : memref<26x16384xi32, #tpu.memory_space<hbm>> -> memref<1x512xi32, #tpu.memory_space<hbm>>
      %dma_start3A_1613 = tpu.memref_squeeze %dma_start3A_1612 : memref<1x512xi32, #tpu.memory_space<hbm>> -> memref<512xi32, #tpu.memory_space<hbm>>
      %dma_start3A_1614 = tpu.memref_slice %arg2[%run_scoped3A_217, %mul3A_2] : memref<26x16384xi32, #tpu.memory_space<hbm>> -> memref<1x512xi32, #tpu.memory_space<hbm>>
      %dma_start3A_1615 = tpu.memref_squeeze %dma_start3A_1614 : memref<1x512xi32, #tpu.memory_space<hbm>> -> memref<512xi32, #tpu.memory_space<hbm>>
      tpu.enqueue_dma source(%dma_start3A_1615 : memref<512xi32, #tpu.memory_space<hbm>>) target(%arg7 : memref<512xi32, #tpu.memory_space<vmem>>) target_semaphore(%run_scoped3A_1611 : memref<!tpu.dma_semaphore, #tpu.memory_space<semaphore_mem>>)
      %dma_wait3A_1616 = tpu.memref_slice %arg2[%run_scoped3A_217, %mul3A_2] : memref<26x16384xi32, #tpu.memory_space<hbm>> -> memref<1x512xi32, #tpu.memory_space<hbm>>
      %dma_wait3A_1617 = tpu.memref_squeeze %dma_wait3A_1616 : memref<1x512xi32, #tpu.memory_space<hbm>> -> memref<512xi32, #tpu.memory_space<hbm>>
      %dma_wait3A_1618 = tpu.memref_slice %arg2[%run_scoped3A_217, %mul3A_2] : memref<26x16384xi32, #tpu.memory_space<hbm>> -> memref<1x512xi32, #tpu.memory_space<hbm>>
      %dma_wait3A_1619 = tpu.memref_squeeze %dma_wait3A_1618 : memref<1x512xi32, #tpu.memory_space<hbm>> -> memref<512xi32, #tpu.memory_space<hbm>>
      tpu.wait_dma2 semaphore(%run_scoped3A_1611 : memref<!tpu.dma_semaphore, #tpu.memory_space<semaphore_mem>>) src(%dma_wait3A_1619 : memref<512xi32, #tpu.memory_space<hbm>>) dst(%arg7 : memref<512xi32, #tpu.memory_space<vmem>>)
      tpu.yield
    }) : () -> ()
    %scan3A_218 = arith.constant 0 : i32
    %scan3A_219 = arith.constant 401408 : i32
    %scan3A_220 = arith.constant 0 : i32
    %scan3A_221 = arith.constant 32 : i32
    %scan3A_222 = arith.addi %scan3A_220, %scan3A_221 : i32
    %scan3A_223 = arith.constant 1 : i32
    scf.for %scan3A_1611 = %scan3A_220 to %scan3A_222 step %scan3A_223  : i32 {
      %mul3A_1612 = arith.constant 16 : i32
      %mul3A_1613 = arith.muli %scan3A_1611, %mul3A_1612 : i32
      %get3A = arith.index_cast %mul3A_1613 : i32 to index
      %get3A_1614 = tpu.vector_load %arg7[%get3A] {strides = array<i32>} : memref<512xi32, #tpu.memory_space<vmem>>, vector<16xi32>,
      %get3A_1615 = vector.shape_cast %get3A_1614 : vector<16xi32> to vector<16xi32>
      %add3A_1616 = vector.broadcast %scan3A_219 : i32 to vector<16xi32>
      %add3A_1617 = arith.addi %get3A_1615, %add3A_1616 : vector<16xi32>
      %swap3A = arith.index_cast %mul3A_1613 : i32 to index
      %swap3A_1618 = tpu.vector_load %arg7[%swap3A] {strides = array<i32>} : memref<512xi32, #tpu.memory_space<vmem>>, vector<16xi32>,
      %swap3A_1619 = vector.shape_cast %swap3A_1618 : vector<16xi32> to vector<16xi32>
      %swap3A_1620 = vector.shape_cast %add3A_1617 : vector<16xi32> to vector<16xi32>
      tpu.vector_store %arg7[%swap3A], %swap3A_1620 {strides = array<i32>} : memref<512xi32, #tpu.memory_space<vmem>>, vector<16xi32>,
    }
    %scan3A_224 = arith.constant 32 : i32
    %dma_start3A_225 = arith.constant 0 : i32
    %dma_start3A_226 = tpu.memref_slice %arg9[%dma_start3A_225] : memref<512xf32, #tpu.memory_space<vmem>> -> memref<128xf32, #tpu.memory_space<vmem>>
    %dma_start3A_227 = arith.constant 0 : i32
    %dma_start3A_228 = tpu.memref_slice %arg7[%dma_start3A_227] : memref<512xi32, #tpu.memory_space<vmem>> -> memref<128xi32, #tpu.memory_space<vmem>>
    %dma_start3A_229 = arith.constant 0 : i32
    %dma_start3A_230 = tpu.memref_slice %arg3[%dma_start3A_229] : memref<2609152xf32, #tpu.memory_space<hbm>> -> memref<2609152xf32, #tpu.memory_space<hbm>>
    tpu.enqueue_indirect_dma source(%dma_start3A_230 : memref<2609152xf32, #tpu.memory_space<hbm>>) target(%dma_start3A_226 : memref<128xf32, #tpu.memory_space<vmem>>) offsets(%dma_start3A_228 : memref<128xi32, #tpu.memory_space<vmem>>) semaphore(%arg11 : memref<!tpu.dma_semaphore, #tpu.memory_space<semaphore_mem>>)
    %dma_start3A_231 = arith.constant 128 : i32
    %dma_start3A_232 = tpu.memref_slice %arg9[%dma_start3A_231] : memref<512xf32, #tpu.memory_space<vmem>> -> memref<128xf32, #tpu.memory_space<vmem>>
    %dma_start3A_233 = arith.constant 128 : i32
    %dma_start3A_234 = tpu.memref_slice %arg7[%dma_start3A_233] : memref<512xi32, #tpu.memory_space<vmem>> -> memref<128xi32, #tpu.memory_space<vmem>>
    %dma_start3A_235 = arith.constant 0 : i32
    %dma_start3A_236 = tpu.memref_slice %arg3[%dma_start3A_235] : memref<2609152xf32, #tpu.memory_space<hbm>> -> memref<2609152xf32, #tpu.memory_space<hbm>>
    tpu.enqueue_indirect_dma source(%dma_start3A_236 : memref<2609152xf32, #tpu.memory_space<hbm>>) target(%dma_start3A_232 : memref<128xf32, #tpu.memory_space<vmem>>) offsets(%dma_start3A_234 : memref<128xi32, #tpu.memory_space<vmem>>) semaphore(%arg11 : memref<!tpu.dma_semaphore, #tpu.memory_space<semaphore_mem>>)
    %dma_start3A_237 = arith.constant 256 : i32
    %dma_start3A_238 = tpu.memref_slice %arg9[%dma_start3A_237] : memref<512xf32, #tpu.memory_space<vmem>> -> memref<128xf32, #tpu.memory_space<vmem>>
    %dma_start3A_239 = arith.constant 256 : i32
    %dma_start3A_240 = tpu.memref_slice %arg7[%dma_start3A_239] : memref<512xi32, #tpu.memory_space<vmem>> -> memref<128xi32, #tpu.memory_space<vmem>>
    %dma_start3A_241 = arith.constant 0 : i32
    %dma_start3A_242 = tpu.memref_slice %arg3[%dma_start3A_241] : memref<2609152xf32, #tpu.memory_space<hbm>> -> memref<2609152xf32, #tpu.memory_space<hbm>>
    tpu.enqueue_indirect_dma source(%dma_start3A_242 : memref<2609152xf32, #tpu.memory_space<hbm>>) target(%dma_start3A_238 : memref<128xf32, #tpu.memory_space<vmem>>) offsets(%dma_start3A_240 : memref<128xi32, #tpu.memory_space<vmem>>) semaphore(%arg11 : memref<!tpu.dma_semaphore, #tpu.memory_space<semaphore_mem>>)
    %dma_start3A_243 = arith.constant 384 : i32
    %dma_start3A_244 = tpu.memref_slice %arg9[%dma_start3A_243] : memref<512xf32, #tpu.memory_space<vmem>> -> memref<128xf32, #tpu.memory_space<vmem>>
    %dma_start3A_245 = arith.constant 384 : i32
    %dma_start3A_246 = tpu.memref_slice %arg7[%dma_start3A_245] : memref<512xi32, #tpu.memory_space<vmem>> -> memref<128xi32, #tpu.memory_space<vmem>>
    %dma_start3A_247 = arith.constant 0 : i32
    %dma_start3A_248 = tpu.memref_slice %arg3[%dma_start3A_247] : memref<2609152xf32, #tpu.memory_space<hbm>> -> memref<2609152xf32, #tpu.memory_space<hbm>>
    tpu.enqueue_indirect_dma source(%dma_start3A_248 : memref<2609152xf32, #tpu.memory_space<hbm>>) target(%dma_start3A_244 : memref<128xf32, #tpu.memory_space<vmem>>) offsets(%dma_start3A_246 : memref<128xi32, #tpu.memory_space<vmem>>) semaphore(%arg11 : memref<!tpu.dma_semaphore, #tpu.memory_space<semaphore_mem>>)
    %dma_wait3A_249 = arith.constant 0 : i32
    %dma_wait3A_250 = tpu.memref_slice %arg10[%dma_wait3A_249] : memref<512xf32, #tpu.memory_space<vmem>> -> memref<128xf32, #tpu.memory_space<vmem>>
    %dma_wait3A_251 = arith.constant 0 : i32
    %dma_wait3A_252 = tpu.memref_slice %arg8[%dma_wait3A_251] : memref<512xi32, #tpu.memory_space<vmem>> -> memref<128xi32, #tpu.memory_space<vmem>>
    %dma_wait3A_253 = arith.constant 0 : i32
    %dma_wait3A_254 = tpu.memref_slice %arg3[%dma_wait3A_253] : memref<2609152xf32, #tpu.memory_space<hbm>> -> memref<2609152xf32, #tpu.memory_space<hbm>>
    tpu.wait_indirect_dma semaphore(%arg12 : memref<!tpu.dma_semaphore, #tpu.memory_space<semaphore_mem>>) src(%dma_wait3A_254 : memref<2609152xf32, #tpu.memory_space<hbm>>) dst(%dma_wait3A_250 : memref<128xf32, #tpu.memory_space<vmem>>)
    %dma_wait3A_255 = arith.constant 128 : i32
    %dma_wait3A_256 = tpu.memref_slice %arg10[%dma_wait3A_255] : memref<512xf32, #tpu.memory_space<vmem>> -> memref<128xf32, #tpu.memory_space<vmem>>
    %dma_wait3A_257 = arith.constant 128 : i32
    %dma_wait3A_258 = tpu.memref_slice %arg8[%dma_wait3A_257] : memref<512xi32, #tpu.memory_space<vmem>> -> memref<128xi32, #tpu.memory_space<vmem>>
    %dma_wait3A_259 = arith.constant 0 : i32
    %dma_wait3A_260 = tpu.memref_slice %arg3[%dma_wait3A_259] : memref<2609152xf32, #tpu.memory_space<hbm>> -> memref<2609152xf32, #tpu.memory_space<hbm>>
    tpu.wait_indirect_dma semaphore(%arg12 : memref<!tpu.dma_semaphore, #tpu.memory_space<semaphore_mem>>) src(%dma_wait3A_260 : memref<2609152xf32, #tpu.memory_space<hbm>>) dst(%dma_wait3A_256 : memref<128xf32, #tpu.memory_space<vmem>>)
    %dma_wait3A_261 = arith.constant 256 : i32
    %dma_wait3A_262 = tpu.memref_slice %arg10[%dma_wait3A_261] : memref<512xf32, #tpu.memory_space<vmem>> -> memref<128xf32, #tpu.memory_space<vmem>>
    %dma_wait3A_263 = arith.constant 256 : i32
    %dma_wait3A_264 = tpu.memref_slice %arg8[%dma_wait3A_263] : memref<512xi32, #tpu.memory_space<vmem>> -> memref<128xi32, #tpu.memory_space<vmem>>
    %dma_wait3A_265 = arith.constant 0 : i32
    %dma_wait3A_266 = tpu.memref_slice %arg3[%dma_wait3A_265] : memref<2609152xf32, #tpu.memory_space<hbm>> -> memref<2609152xf32, #tpu.memory_space<hbm>>
    tpu.wait_indirect_dma semaphore(%arg12 : memref<!tpu.dma_semaphore, #tpu.memory_space<semaphore_mem>>) src(%dma_wait3A_266 : memref<2609152xf32, #tpu.memory_space<hbm>>) dst(%dma_wait3A_262 : memref<128xf32, #tpu.memory_space<vmem>>)
    %dma_wait3A_267 = arith.constant 384 : i32
    %dma_wait3A_268 = tpu.memref_slice %arg10[%dma_wait3A_267] : memref<512xf32, #tpu.memory_space<vmem>> -> memref<128xf32, #tpu.memory_space<vmem>>
    %dma_wait3A_269 = arith.constant 384 : i32
    %dma_wait3A_270 = tpu.memref_slice %arg8[%dma_wait3A_269] : memref<512xi32, #tpu.memory_space<vmem>> -> memref<128xi32, #tpu.memory_space<vmem>>
    %dma_wait3A_271 = arith.constant 0 : i32
    %dma_wait3A_272 = tpu.memref_slice %arg3[%dma_wait3A_271] : memref<2609152xf32, #tpu.memory_space<hbm>> -> memref<2609152xf32, #tpu.memory_space<hbm>>
    tpu.wait_indirect_dma semaphore(%arg12 : memref<!tpu.dma_semaphore, #tpu.memory_space<semaphore_mem>>) src(%dma_wait3A_272 : memref<2609152xf32, #tpu.memory_space<hbm>>) dst(%dma_wait3A_268 : memref<128xf32, #tpu.memory_space<vmem>>)
    %scan3A_273 = arith.constant 0 : i32
    %scan3A_274 = arith.constant 0 : i32
    %scan3A_275 = arith.constant 32 : i32
    %scan3A_276 = arith.addi %scan3A_274, %scan3A_275 : i32
    %scan3A_277 = arith.constant 1 : i32
    scf.for %scan3A_1611 = %scan3A_274 to %scan3A_276 step %scan3A_277  : i32 {
      %mul3A_1612 = arith.constant 16 : i32
      %mul3A_1613 = arith.muli %scan3A_1611, %mul3A_1612 : i32
      %get3A = arith.index_cast %mul3A_1613 : i32 to index
      %get3A_1614 = tpu.vector_load %arg6[%get3A] {strides = array<i32>} : memref<512xf32, #tpu.memory_space<vmem>>, vector<16xf32>,
      %get3A_1615 = vector.shape_cast %get3A_1614 : vector<16xf32> to vector<16xf32>
      %get3A_1616 = arith.index_cast %mul3A_1613 : i32 to index
      %get3A_1617 = tpu.vector_load %arg10[%get3A_1616] {strides = array<i32>} : memref<512xf32, #tpu.memory_space<vmem>>, vector<16xf32>,
      %get3A_1618 = vector.shape_cast %get3A_1617 : vector<16xf32> to vector<16xf32>
      %add3A_1619 = arith.addf %get3A_1615, %get3A_1618 : vector<16xf32>
      %swap3A = arith.index_cast %mul3A_1613 : i32 to index
      %swap3A_1620 = tpu.vector_load %arg6[%swap3A] {strides = array<i32>} : memref<512xf32, #tpu.memory_space<vmem>>, vector<16xf32>,
      %swap3A_1621 = vector.shape_cast %swap3A_1620 : vector<16xf32> to vector<16xf32>
      %swap3A_1622 = vector.shape_cast %add3A_1619 : vector<16xf32> to vector<16xf32>
      tpu.vector_store %arg6[%swap3A], %swap3A_1622 {strides = array<i32>} : memref<512xf32, #tpu.memory_space<vmem>>, vector<16xf32>,
    }
    %scan3A_278 = arith.constant 32 : i32
    %run_scoped3A_279 = arith.constant 5 : i32
    "tpu.region"() ({
      %run_scoped3A_1611 = tpu.sem_alloc : memref<!tpu.dma_semaphore, #tpu.memory_space<semaphore_mem>>
      %dma_start3A_1612 = tpu.memref_slice %arg2[%run_scoped3A_279, %mul3A_2] : memref<26x16384xi32, #tpu.memory_space<hbm>> -> memref<1x512xi32, #tpu.memory_space<hbm>>
      %dma_start3A_1613 = tpu.memref_squeeze %dma_start3A_1612 : memref<1x512xi32, #tpu.memory_space<hbm>> -> memref<512xi32, #tpu.memory_space<hbm>>
      %dma_start3A_1614 = tpu.memref_slice %arg2[%run_scoped3A_279, %mul3A_2] : memref<26x16384xi32, #tpu.memory_space<hbm>> -> memref<1x512xi32, #tpu.memory_space<hbm>>
      %dma_start3A_1615 = tpu.memref_squeeze %dma_start3A_1614 : memref<1x512xi32, #tpu.memory_space<hbm>> -> memref<512xi32, #tpu.memory_space<hbm>>
      tpu.enqueue_dma source(%dma_start3A_1615 : memref<512xi32, #tpu.memory_space<hbm>>) target(%arg8 : memref<512xi32, #tpu.memory_space<vmem>>) target_semaphore(%run_scoped3A_1611 : memref<!tpu.dma_semaphore, #tpu.memory_space<semaphore_mem>>)
      %dma_wait3A_1616 = tpu.memref_slice %arg2[%run_scoped3A_279, %mul3A_2] : memref<26x16384xi32, #tpu.memory_space<hbm>> -> memref<1x512xi32, #tpu.memory_space<hbm>>
      %dma_wait3A_1617 = tpu.memref_squeeze %dma_wait3A_1616 : memref<1x512xi32, #tpu.memory_space<hbm>> -> memref<512xi32, #tpu.memory_space<hbm>>
      %dma_wait3A_1618 = tpu.memref_slice %arg2[%run_scoped3A_279, %mul3A_2] : memref<26x16384xi32, #tpu.memory_space<hbm>> -> memref<1x512xi32, #tpu.memory_space<hbm>>
      %dma_wait3A_1619 = tpu.memref_squeeze %dma_wait3A_1618 : memref<1x512xi32, #tpu.memory_space<hbm>> -> memref<512xi32, #tpu.memory_space<hbm>>
      tpu.wait_dma2 semaphore(%run_scoped3A_1611 : memref<!tpu.dma_semaphore, #tpu.memory_space<semaphore_mem>>) src(%dma_wait3A_1619 : memref<512xi32, #tpu.memory_space<hbm>>) dst(%arg8 : memref<512xi32, #tpu.memory_space<vmem>>)
      tpu.yield
    }) : () -> ()
    %scan3A_280 = arith.constant 0 : i32
    %scan3A_281 = arith.constant 501760 : i32
    %scan3A_282 = arith.constant 0 : i32
    %scan3A_283 = arith.constant 32 : i32
    %scan3A_284 = arith.addi %scan3A_282, %scan3A_283 : i32
    %scan3A_285 = arith.constant 1 : i32
    scf.for %scan3A_1611 = %scan3A_282 to %scan3A_284 step %scan3A_285  : i32 {
      %mul3A_1612 = arith.constant 16 : i32
      %mul3A_1613 = arith.muli %scan3A_1611, %mul3A_1612 : i32
      %get3A = arith.index_cast %mul3A_1613 : i32 to index
      %get3A_1614 = tpu.vector_load %arg8[%get3A] {strides = array<i32>} : memref<512xi32, #tpu.memory_space<vmem>>, vector<16xi32>,
      %get3A_1615 = vector.shape_cast %get3A_1614 : vector<16xi32> to vector<16xi32>
      %add3A_1616 = vector.broadcast %scan3A_281 : i32 to vector<16xi32>
      %add3A_1617 = arith.addi %get3A_1615, %add3A_1616 : vector<16xi32>
      %swap3A = arith.index_cast %mul3A_1613 : i32 to index
      %swap3A_1618 = tpu.vector_load %arg8[%swap3A] {strides = array<i32>} : memref<512xi32, #tpu.memory_space<vmem>>, vector<16xi32>,
      %swap3A_1619 = vector.shape_cast %swap3A_1618 : vector<16xi32> to vector<16xi32>
      %swap3A_1620 = vector.shape_cast %add3A_1617 : vector<16xi32> to vector<16xi32>
      tpu.vector_store %arg8[%swap3A], %swap3A_1620 {strides = array<i32>} : memref<512xi32, #tpu.memory_space<vmem>>, vector<16xi32>,
    }
    %scan3A_286 = arith.constant 32 : i32
    %dma_start3A_287 = arith.constant 0 : i32
    %dma_start3A_288 = tpu.memref_slice %arg10[%dma_start3A_287] : memref<512xf32, #tpu.memory_space<vmem>> -> memref<128xf32, #tpu.memory_space<vmem>>
    %dma_start3A_289 = arith.constant 0 : i32
    %dma_start3A_290 = tpu.memref_slice %arg8[%dma_start3A_289] : memref<512xi32, #tpu.memory_space<vmem>> -> memref<128xi32, #tpu.memory_space<vmem>>
    %dma_start3A_291 = arith.constant 0 : i32
    %dma_start3A_292 = tpu.memref_slice %arg3[%dma_start3A_291] : memref<2609152xf32, #tpu.memory_space<hbm>> -> memref<2609152xf32, #tpu.memory_space<hbm>>
    tpu.enqueue_indirect_dma source(%dma_start3A_292 : memref<2609152xf32, #tpu.memory_space<hbm>>) target(%dma_start3A_288 : memref<128xf32, #tpu.memory_space<vmem>>) offsets(%dma_start3A_290 : memref<128xi32, #tpu.memory_space<vmem>>) semaphore(%arg12 : memref<!tpu.dma_semaphore, #tpu.memory_space<semaphore_mem>>)
    %dma_start3A_293 = arith.constant 128 : i32
    %dma_start3A_294 = tpu.memref_slice %arg10[%dma_start3A_293] : memref<512xf32, #tpu.memory_space<vmem>> -> memref<128xf32, #tpu.memory_space<vmem>>
    %dma_start3A_295 = arith.constant 128 : i32
    %dma_start3A_296 = tpu.memref_slice %arg8[%dma_start3A_295] : memref<512xi32, #tpu.memory_space<vmem>> -> memref<128xi32, #tpu.memory_space<vmem>>
    %dma_start3A_297 = arith.constant 0 : i32
    %dma_start3A_298 = tpu.memref_slice %arg3[%dma_start3A_297] : memref<2609152xf32, #tpu.memory_space<hbm>> -> memref<2609152xf32, #tpu.memory_space<hbm>>
    tpu.enqueue_indirect_dma source(%dma_start3A_298 : memref<2609152xf32, #tpu.memory_space<hbm>>) target(%dma_start3A_294 : memref<128xf32, #tpu.memory_space<vmem>>) offsets(%dma_start3A_296 : memref<128xi32, #tpu.memory_space<vmem>>) semaphore(%arg12 : memref<!tpu.dma_semaphore, #tpu.memory_space<semaphore_mem>>)
    %dma_start3A_299 = arith.constant 256 : i32
    %dma_start3A_300 = tpu.memref_slice %arg10[%dma_start3A_299] : memref<512xf32, #tpu.memory_space<vmem>> -> memref<128xf32, #tpu.memory_space<vmem>>
    %dma_start3A_301 = arith.constant 256 : i32
    %dma_start3A_302 = tpu.memref_slice %arg8[%dma_start3A_301] : memref<512xi32, #tpu.memory_space<vmem>> -> memref<128xi32, #tpu.memory_space<vmem>>
    %dma_start3A_303 = arith.constant 0 : i32
    %dma_start3A_304 = tpu.memref_slice %arg3[%dma_start3A_303] : memref<2609152xf32, #tpu.memory_space<hbm>> -> memref<2609152xf32, #tpu.memory_space<hbm>>
    tpu.enqueue_indirect_dma source(%dma_start3A_304 : memref<2609152xf32, #tpu.memory_space<hbm>>) target(%dma_start3A_300 : memref<128xf32, #tpu.memory_space<vmem>>) offsets(%dma_start3A_302 : memref<128xi32, #tpu.memory_space<vmem>>) semaphore(%arg12 : memref<!tpu.dma_semaphore, #tpu.memory_space<semaphore_mem>>)
    %dma_start3A_305 = arith.constant 384 : i32
    %dma_start3A_306 = tpu.memref_slice %arg10[%dma_start3A_305] : memref<512xf32, #tpu.memory_space<vmem>> -> memref<128xf32, #tpu.memory_space<vmem>>
    %dma_start3A_307 = arith.constant 384 : i32
    %dma_start3A_308 = tpu.memref_slice %arg8[%dma_start3A_307] : memref<512xi32, #tpu.memory_space<vmem>> -> memref<128xi32, #tpu.memory_space<vmem>>
    %dma_start3A_309 = arith.constant 0 : i32
    %dma_start3A_310 = tpu.memref_slice %arg3[%dma_start3A_309] : memref<2609152xf32, #tpu.memory_space<hbm>> -> memref<2609152xf32, #tpu.memory_space<hbm>>
    tpu.enqueue_indirect_dma source(%dma_start3A_310 : memref<2609152xf32, #tpu.memory_space<hbm>>) target(%dma_start3A_306 : memref<128xf32, #tpu.memory_space<vmem>>) offsets(%dma_start3A_308 : memref<128xi32, #tpu.memory_space<vmem>>) semaphore(%arg12 : memref<!tpu.dma_semaphore, #tpu.memory_space<semaphore_mem>>)
    %dma_wait3A_311 = arith.constant 0 : i32
    %dma_wait3A_312 = tpu.memref_slice %arg9[%dma_wait3A_311] : memref<512xf32, #tpu.memory_space<vmem>> -> memref<128xf32, #tpu.memory_space<vmem>>
    %dma_wait3A_313 = arith.constant 0 : i32
    %dma_wait3A_314 = tpu.memref_slice %arg7[%dma_wait3A_313] : memref<512xi32, #tpu.memory_space<vmem>> -> memref<128xi32, #tpu.memory_space<vmem>>
    %dma_wait3A_315 = arith.constant 0 : i32
    %dma_wait3A_316 = tpu.memref_slice %arg3[%dma_wait3A_315] : memref<2609152xf32, #tpu.memory_space<hbm>> -> memref<2609152xf32, #tpu.memory_space<hbm>>
    tpu.wait_indirect_dma semaphore(%arg11 : memref<!tpu.dma_semaphore, #tpu.memory_space<semaphore_mem>>) src(%dma_wait3A_316 : memref<2609152xf32, #tpu.memory_space<hbm>>) dst(%dma_wait3A_312 : memref<128xf32, #tpu.memory_space<vmem>>)
    %dma_wait3A_317 = arith.constant 128 : i32
    %dma_wait3A_318 = tpu.memref_slice %arg9[%dma_wait3A_317] : memref<512xf32, #tpu.memory_space<vmem>> -> memref<128xf32, #tpu.memory_space<vmem>>
    %dma_wait3A_319 = arith.constant 128 : i32
    %dma_wait3A_320 = tpu.memref_slice %arg7[%dma_wait3A_319] : memref<512xi32, #tpu.memory_space<vmem>> -> memref<128xi32, #tpu.memory_space<vmem>>
    %dma_wait3A_321 = arith.constant 0 : i32
    %dma_wait3A_322 = tpu.memref_slice %arg3[%dma_wait3A_321] : memref<2609152xf32, #tpu.memory_space<hbm>> -> memref<2609152xf32, #tpu.memory_space<hbm>>
    tpu.wait_indirect_dma semaphore(%arg11 : memref<!tpu.dma_semaphore, #tpu.memory_space<semaphore_mem>>) src(%dma_wait3A_322 : memref<2609152xf32, #tpu.memory_space<hbm>>) dst(%dma_wait3A_318 : memref<128xf32, #tpu.memory_space<vmem>>)
    %dma_wait3A_323 = arith.constant 256 : i32
    %dma_wait3A_324 = tpu.memref_slice %arg9[%dma_wait3A_323] : memref<512xf32, #tpu.memory_space<vmem>> -> memref<128xf32, #tpu.memory_space<vmem>>
    %dma_wait3A_325 = arith.constant 256 : i32
    %dma_wait3A_326 = tpu.memref_slice %arg7[%dma_wait3A_325] : memref<512xi32, #tpu.memory_space<vmem>> -> memref<128xi32, #tpu.memory_space<vmem>>
    %dma_wait3A_327 = arith.constant 0 : i32
    %dma_wait3A_328 = tpu.memref_slice %arg3[%dma_wait3A_327] : memref<2609152xf32, #tpu.memory_space<hbm>> -> memref<2609152xf32, #tpu.memory_space<hbm>>
    tpu.wait_indirect_dma semaphore(%arg11 : memref<!tpu.dma_semaphore, #tpu.memory_space<semaphore_mem>>) src(%dma_wait3A_328 : memref<2609152xf32, #tpu.memory_space<hbm>>) dst(%dma_wait3A_324 : memref<128xf32, #tpu.memory_space<vmem>>)
    %dma_wait3A_329 = arith.constant 384 : i32
    %dma_wait3A_330 = tpu.memref_slice %arg9[%dma_wait3A_329] : memref<512xf32, #tpu.memory_space<vmem>> -> memref<128xf32, #tpu.memory_space<vmem>>
    %dma_wait3A_331 = arith.constant 384 : i32
    %dma_wait3A_332 = tpu.memref_slice %arg7[%dma_wait3A_331] : memref<512xi32, #tpu.memory_space<vmem>> -> memref<128xi32, #tpu.memory_space<vmem>>
    %dma_wait3A_333 = arith.constant 0 : i32
    %dma_wait3A_334 = tpu.memref_slice %arg3[%dma_wait3A_333] : memref<2609152xf32, #tpu.memory_space<hbm>> -> memref<2609152xf32, #tpu.memory_space<hbm>>
    tpu.wait_indirect_dma semaphore(%arg11 : memref<!tpu.dma_semaphore, #tpu.memory_space<semaphore_mem>>) src(%dma_wait3A_334 : memref<2609152xf32, #tpu.memory_space<hbm>>) dst(%dma_wait3A_330 : memref<128xf32, #tpu.memory_space<vmem>>)
    %scan3A_335 = arith.constant 0 : i32
    %scan3A_336 = arith.constant 0 : i32
    %scan3A_337 = arith.constant 32 : i32
    %scan3A_338 = arith.addi %scan3A_336, %scan3A_337 : i32
    %scan3A_339 = arith.constant 1 : i32
    scf.for %scan3A_1611 = %scan3A_336 to %scan3A_338 step %scan3A_339  : i32 {
      %mul3A_1612 = arith.constant 16 : i32
      %mul3A_1613 = arith.muli %scan3A_1611, %mul3A_1612 : i32
      %get3A = arith.index_cast %mul3A_1613 : i32 to index
      %get3A_1614 = tpu.vector_load %arg6[%get3A] {strides = array<i32>} : memref<512xf32, #tpu.memory_space<vmem>>, vector<16xf32>,
      %get3A_1615 = vector.shape_cast %get3A_1614 : vector<16xf32> to vector<16xf32>
      %get3A_1616 = arith.index_cast %mul3A_1613 : i32 to index
      %get3A_1617 = tpu.vector_load %arg9[%get3A_1616] {strides = array<i32>} : memref<512xf32, #tpu.memory_space<vmem>>, vector<16xf32>,
      %get3A_1618 = vector.shape_cast %get3A_1617 : vector<16xf32> to vector<16xf32>
      %add3A_1619 = arith.addf %get3A_1615, %get3A_1618 : vector<16xf32>
      %swap3A = arith.index_cast %mul3A_1613 : i32 to index
      %swap3A_1620 = tpu.vector_load %arg6[%swap3A] {strides = array<i32>} : memref<512xf32, #tpu.memory_space<vmem>>, vector<16xf32>,
      %swap3A_1621 = vector.shape_cast %swap3A_1620 : vector<16xf32> to vector<16xf32>
      %swap3A_1622 = vector.shape_cast %add3A_1619 : vector<16xf32> to vector<16xf32>
      tpu.vector_store %arg6[%swap3A], %swap3A_1622 {strides = array<i32>} : memref<512xf32, #tpu.memory_space<vmem>>, vector<16xf32>,
    }
    %scan3A_340 = arith.constant 32 : i32
    %run_scoped3A_341 = arith.constant 6 : i32
    "tpu.region"() ({
      %run_scoped3A_1611 = tpu.sem_alloc : memref<!tpu.dma_semaphore, #tpu.memory_space<semaphore_mem>>
      %dma_start3A_1612 = tpu.memref_slice %arg2[%run_scoped3A_341, %mul3A_2] : memref<26x16384xi32, #tpu.memory_space<hbm>> -> memref<1x512xi32, #tpu.memory_space<hbm>>
      %dma_start3A_1613 = tpu.memref_squeeze %dma_start3A_1612 : memref<1x512xi32, #tpu.memory_space<hbm>> -> memref<512xi32, #tpu.memory_space<hbm>>
      %dma_start3A_1614 = tpu.memref_slice %arg2[%run_scoped3A_341, %mul3A_2] : memref<26x16384xi32, #tpu.memory_space<hbm>> -> memref<1x512xi32, #tpu.memory_space<hbm>>
      %dma_start3A_1615 = tpu.memref_squeeze %dma_start3A_1614 : memref<1x512xi32, #tpu.memory_space<hbm>> -> memref<512xi32, #tpu.memory_space<hbm>>
      tpu.enqueue_dma source(%dma_start3A_1615 : memref<512xi32, #tpu.memory_space<hbm>>) target(%arg7 : memref<512xi32, #tpu.memory_space<vmem>>) target_semaphore(%run_scoped3A_1611 : memref<!tpu.dma_semaphore, #tpu.memory_space<semaphore_mem>>)
      %dma_wait3A_1616 = tpu.memref_slice %arg2[%run_scoped3A_341, %mul3A_2] : memref<26x16384xi32, #tpu.memory_space<hbm>> -> memref<1x512xi32, #tpu.memory_space<hbm>>
      %dma_wait3A_1617 = tpu.memref_squeeze %dma_wait3A_1616 : memref<1x512xi32, #tpu.memory_space<hbm>> -> memref<512xi32, #tpu.memory_space<hbm>>
      %dma_wait3A_1618 = tpu.memref_slice %arg2[%run_scoped3A_341, %mul3A_2] : memref<26x16384xi32, #tpu.memory_space<hbm>> -> memref<1x512xi32, #tpu.memory_space<hbm>>
      %dma_wait3A_1619 = tpu.memref_squeeze %dma_wait3A_1618 : memref<1x512xi32, #tpu.memory_space<hbm>> -> memref<512xi32, #tpu.memory_space<hbm>>
      tpu.wait_dma2 semaphore(%run_scoped3A_1611 : memref<!tpu.dma_semaphore, #tpu.memory_space<semaphore_mem>>) src(%dma_wait3A_1619 : memref<512xi32, #tpu.memory_space<hbm>>) dst(%arg7 : memref<512xi32, #tpu.memory_space<vmem>>)
      tpu.yield
    }) : () -> ()
    %scan3A_342 = arith.constant 0 : i32
    %scan3A_343 = arith.constant 602112 : i32
    %scan3A_344 = arith.constant 0 : i32
    %scan3A_345 = arith.constant 32 : i32
    %scan3A_346 = arith.addi %scan3A_344, %scan3A_345 : i32
    %scan3A_347 = arith.constant 1 : i32
    scf.for %scan3A_1611 = %scan3A_344 to %scan3A_346 step %scan3A_347  : i32 {
      %mul3A_1612 = arith.constant 16 : i32
      %mul3A_1613 = arith.muli %scan3A_1611, %mul3A_1612 : i32
      %get3A = arith.index_cast %mul3A_1613 : i32 to index
      %get3A_1614 = tpu.vector_load %arg7[%get3A] {strides = array<i32>} : memref<512xi32, #tpu.memory_space<vmem>>, vector<16xi32>,
      %get3A_1615 = vector.shape_cast %get3A_1614 : vector<16xi32> to vector<16xi32>
      %add3A_1616 = vector.broadcast %scan3A_343 : i32 to vector<16xi32>
      %add3A_1617 = arith.addi %get3A_1615, %add3A_1616 : vector<16xi32>
      %swap3A = arith.index_cast %mul3A_1613 : i32 to index
      %swap3A_1618 = tpu.vector_load %arg7[%swap3A] {strides = array<i32>} : memref<512xi32, #tpu.memory_space<vmem>>, vector<16xi32>,
      %swap3A_1619 = vector.shape_cast %swap3A_1618 : vector<16xi32> to vector<16xi32>
      %swap3A_1620 = vector.shape_cast %add3A_1617 : vector<16xi32> to vector<16xi32>
      tpu.vector_store %arg7[%swap3A], %swap3A_1620 {strides = array<i32>} : memref<512xi32, #tpu.memory_space<vmem>>, vector<16xi32>,
    }
    %scan3A_348 = arith.constant 32 : i32
    %dma_start3A_349 = arith.constant 0 : i32
    %dma_start3A_350 = tpu.memref_slice %arg9[%dma_start3A_349] : memref<512xf32, #tpu.memory_space<vmem>> -> memref<128xf32, #tpu.memory_space<vmem>>
    %dma_start3A_351 = arith.constant 0 : i32
    %dma_start3A_352 = tpu.memref_slice %arg7[%dma_start3A_351] : memref<512xi32, #tpu.memory_space<vmem>> -> memref<128xi32, #tpu.memory_space<vmem>>
    %dma_start3A_353 = arith.constant 0 : i32
    %dma_start3A_354 = tpu.memref_slice %arg3[%dma_start3A_353] : memref<2609152xf32, #tpu.memory_space<hbm>> -> memref<2609152xf32, #tpu.memory_space<hbm>>
    tpu.enqueue_indirect_dma source(%dma_start3A_354 : memref<2609152xf32, #tpu.memory_space<hbm>>) target(%dma_start3A_350 : memref<128xf32, #tpu.memory_space<vmem>>) offsets(%dma_start3A_352 : memref<128xi32, #tpu.memory_space<vmem>>) semaphore(%arg11 : memref<!tpu.dma_semaphore, #tpu.memory_space<semaphore_mem>>)
    %dma_start3A_355 = arith.constant 128 : i32
    %dma_start3A_356 = tpu.memref_slice %arg9[%dma_start3A_355] : memref<512xf32, #tpu.memory_space<vmem>> -> memref<128xf32, #tpu.memory_space<vmem>>
    %dma_start3A_357 = arith.constant 128 : i32
    %dma_start3A_358 = tpu.memref_slice %arg7[%dma_start3A_357] : memref<512xi32, #tpu.memory_space<vmem>> -> memref<128xi32, #tpu.memory_space<vmem>>
    %dma_start3A_359 = arith.constant 0 : i32
    %dma_start3A_360 = tpu.memref_slice %arg3[%dma_start3A_359] : memref<2609152xf32, #tpu.memory_space<hbm>> -> memref<2609152xf32, #tpu.memory_space<hbm>>
    tpu.enqueue_indirect_dma source(%dma_start3A_360 : memref<2609152xf32, #tpu.memory_space<hbm>>) target(%dma_start3A_356 : memref<128xf32, #tpu.memory_space<vmem>>) offsets(%dma_start3A_358 : memref<128xi32, #tpu.memory_space<vmem>>) semaphore(%arg11 : memref<!tpu.dma_semaphore, #tpu.memory_space<semaphore_mem>>)
    %dma_start3A_361 = arith.constant 256 : i32
    %dma_start3A_362 = tpu.memref_slice %arg9[%dma_start3A_361] : memref<512xf32, #tpu.memory_space<vmem>> -> memref<128xf32, #tpu.memory_space<vmem>>
    %dma_start3A_363 = arith.constant 256 : i32
    %dma_start3A_364 = tpu.memref_slice %arg7[%dma_start3A_363] : memref<512xi32, #tpu.memory_space<vmem>> -> memref<128xi32, #tpu.memory_space<vmem>>
    %dma_start3A_365 = arith.constant 0 : i32
    %dma_start3A_366 = tpu.memref_slice %arg3[%dma_start3A_365] : memref<2609152xf32, #tpu.memory_space<hbm>> -> memref<2609152xf32, #tpu.memory_space<hbm>>
    tpu.enqueue_indirect_dma source(%dma_start3A_366 : memref<2609152xf32, #tpu.memory_space<hbm>>) target(%dma_start3A_362 : memref<128xf32, #tpu.memory_space<vmem>>) offsets(%dma_start3A_364 : memref<128xi32, #tpu.memory_space<vmem>>) semaphore(%arg11 : memref<!tpu.dma_semaphore, #tpu.memory_space<semaphore_mem>>)
    %dma_start3A_367 = arith.constant 384 : i32
    %dma_start3A_368 = tpu.memref_slice %arg9[%dma_start3A_367] : memref<512xf32, #tpu.memory_space<vmem>> -> memref<128xf32, #tpu.memory_space<vmem>>
    %dma_start3A_369 = arith.constant 384 : i32
    %dma_start3A_370 = tpu.memref_slice %arg7[%dma_start3A_369] : memref<512xi32, #tpu.memory_space<vmem>> -> memref<128xi32, #tpu.memory_space<vmem>>
    %dma_start3A_371 = arith.constant 0 : i32
    %dma_start3A_372 = tpu.memref_slice %arg3[%dma_start3A_371] : memref<2609152xf32, #tpu.memory_space<hbm>> -> memref<2609152xf32, #tpu.memory_space<hbm>>
    tpu.enqueue_indirect_dma source(%dma_start3A_372 : memref<2609152xf32, #tpu.memory_space<hbm>>) target(%dma_start3A_368 : memref<128xf32, #tpu.memory_space<vmem>>) offsets(%dma_start3A_370 : memref<128xi32, #tpu.memory_space<vmem>>) semaphore(%arg11 : memref<!tpu.dma_semaphore, #tpu.memory_space<semaphore_mem>>)
    %dma_wait3A_373 = arith.constant 0 : i32
    %dma_wait3A_374 = tpu.memref_slice %arg10[%dma_wait3A_373] : memref<512xf32, #tpu.memory_space<vmem>> -> memref<128xf32, #tpu.memory_space<vmem>>
    %dma_wait3A_375 = arith.constant 0 : i32
    %dma_wait3A_376 = tpu.memref_slice %arg8[%dma_wait3A_375] : memref<512xi32, #tpu.memory_space<vmem>> -> memref<128xi32, #tpu.memory_space<vmem>>
    %dma_wait3A_377 = arith.constant 0 : i32
    %dma_wait3A_378 = tpu.memref_slice %arg3[%dma_wait3A_377] : memref<2609152xf32, #tpu.memory_space<hbm>> -> memref<2609152xf32, #tpu.memory_space<hbm>>
    tpu.wait_indirect_dma semaphore(%arg12 : memref<!tpu.dma_semaphore, #tpu.memory_space<semaphore_mem>>) src(%dma_wait3A_378 : memref<2609152xf32, #tpu.memory_space<hbm>>) dst(%dma_wait3A_374 : memref<128xf32, #tpu.memory_space<vmem>>)
    %dma_wait3A_379 = arith.constant 128 : i32
    %dma_wait3A_380 = tpu.memref_slice %arg10[%dma_wait3A_379] : memref<512xf32, #tpu.memory_space<vmem>> -> memref<128xf32, #tpu.memory_space<vmem>>
    %dma_wait3A_381 = arith.constant 128 : i32
    %dma_wait3A_382 = tpu.memref_slice %arg8[%dma_wait3A_381] : memref<512xi32, #tpu.memory_space<vmem>> -> memref<128xi32, #tpu.memory_space<vmem>>
    %dma_wait3A_383 = arith.constant 0 : i32
    %dma_wait3A_384 = tpu.memref_slice %arg3[%dma_wait3A_383] : memref<2609152xf32, #tpu.memory_space<hbm>> -> memref<2609152xf32, #tpu.memory_space<hbm>>
    tpu.wait_indirect_dma semaphore(%arg12 : memref<!tpu.dma_semaphore, #tpu.memory_space<semaphore_mem>>) src(%dma_wait3A_384 : memref<2609152xf32, #tpu.memory_space<hbm>>) dst(%dma_wait3A_380 : memref<128xf32, #tpu.memory_space<vmem>>)
    %dma_wait3A_385 = arith.constant 256 : i32
    %dma_wait3A_386 = tpu.memref_slice %arg10[%dma_wait3A_385] : memref<512xf32, #tpu.memory_space<vmem>> -> memref<128xf32, #tpu.memory_space<vmem>>
    %dma_wait3A_387 = arith.constant 256 : i32
    %dma_wait3A_388 = tpu.memref_slice %arg8[%dma_wait3A_387] : memref<512xi32, #tpu.memory_space<vmem>> -> memref<128xi32, #tpu.memory_space<vmem>>
    %dma_wait3A_389 = arith.constant 0 : i32
    %dma_wait3A_390 = tpu.memref_slice %arg3[%dma_wait3A_389] : memref<2609152xf32, #tpu.memory_space<hbm>> -> memref<2609152xf32, #tpu.memory_space<hbm>>
    tpu.wait_indirect_dma semaphore(%arg12 : memref<!tpu.dma_semaphore, #tpu.memory_space<semaphore_mem>>) src(%dma_wait3A_390 : memref<2609152xf32, #tpu.memory_space<hbm>>) dst(%dma_wait3A_386 : memref<128xf32, #tpu.memory_space<vmem>>)
    %dma_wait3A_391 = arith.constant 384 : i32
    %dma_wait3A_392 = tpu.memref_slice %arg10[%dma_wait3A_391] : memref<512xf32, #tpu.memory_space<vmem>> -> memref<128xf32, #tpu.memory_space<vmem>>
    %dma_wait3A_393 = arith.constant 384 : i32
    %dma_wait3A_394 = tpu.memref_slice %arg8[%dma_wait3A_393] : memref<512xi32, #tpu.memory_space<vmem>> -> memref<128xi32, #tpu.memory_space<vmem>>
    %dma_wait3A_395 = arith.constant 0 : i32
    %dma_wait3A_396 = tpu.memref_slice %arg3[%dma_wait3A_395] : memref<2609152xf32, #tpu.memory_space<hbm>> -> memref<2609152xf32, #tpu.memory_space<hbm>>
    tpu.wait_indirect_dma semaphore(%arg12 : memref<!tpu.dma_semaphore, #tpu.memory_space<semaphore_mem>>) src(%dma_wait3A_396 : memref<2609152xf32, #tpu.memory_space<hbm>>) dst(%dma_wait3A_392 : memref<128xf32, #tpu.memory_space<vmem>>)
    %scan3A_397 = arith.constant 0 : i32
    %scan3A_398 = arith.constant 0 : i32
    %scan3A_399 = arith.constant 32 : i32
    %scan3A_400 = arith.addi %scan3A_398, %scan3A_399 : i32
    %scan3A_401 = arith.constant 1 : i32
    scf.for %scan3A_1611 = %scan3A_398 to %scan3A_400 step %scan3A_401  : i32 {
      %mul3A_1612 = arith.constant 16 : i32
      %mul3A_1613 = arith.muli %scan3A_1611, %mul3A_1612 : i32
      %get3A = arith.index_cast %mul3A_1613 : i32 to index
      %get3A_1614 = tpu.vector_load %arg6[%get3A] {strides = array<i32>} : memref<512xf32, #tpu.memory_space<vmem>>, vector<16xf32>,
      %get3A_1615 = vector.shape_cast %get3A_1614 : vector<16xf32> to vector<16xf32>
      %get3A_1616 = arith.index_cast %mul3A_1613 : i32 to index
      %get3A_1617 = tpu.vector_load %arg10[%get3A_1616] {strides = array<i32>} : memref<512xf32, #tpu.memory_space<vmem>>, vector<16xf32>,
      %get3A_1618 = vector.shape_cast %get3A_1617 : vector<16xf32> to vector<16xf32>
      %add3A_1619 = arith.addf %get3A_1615, %get3A_1618 : vector<16xf32>
      %swap3A = arith.index_cast %mul3A_1613 : i32 to index
      %swap3A_1620 = tpu.vector_load %arg6[%swap3A] {strides = array<i32>} : memref<512xf32, #tpu.memory_space<vmem>>, vector<16xf32>,
      %swap3A_1621 = vector.shape_cast %swap3A_1620 : vector<16xf32> to vector<16xf32>
      %swap3A_1622 = vector.shape_cast %add3A_1619 : vector<16xf32> to vector<16xf32>
      tpu.vector_store %arg6[%swap3A], %swap3A_1622 {strides = array<i32>} : memref<512xf32, #tpu.memory_space<vmem>>, vector<16xf32>,
    }
    %scan3A_402 = arith.constant 32 : i32
    %run_scoped3A_403 = arith.constant 7 : i32
    "tpu.region"() ({
      %run_scoped3A_1611 = tpu.sem_alloc : memref<!tpu.dma_semaphore, #tpu.memory_space<semaphore_mem>>
      %dma_start3A_1612 = tpu.memref_slice %arg2[%run_scoped3A_403, %mul3A_2] : memref<26x16384xi32, #tpu.memory_space<hbm>> -> memref<1x512xi32, #tpu.memory_space<hbm>>
      %dma_start3A_1613 = tpu.memref_squeeze %dma_start3A_1612 : memref<1x512xi32, #tpu.memory_space<hbm>> -> memref<512xi32, #tpu.memory_space<hbm>>
      %dma_start3A_1614 = tpu.memref_slice %arg2[%run_scoped3A_403, %mul3A_2] : memref<26x16384xi32, #tpu.memory_space<hbm>> -> memref<1x512xi32, #tpu.memory_space<hbm>>
      %dma_start3A_1615 = tpu.memref_squeeze %dma_start3A_1614 : memref<1x512xi32, #tpu.memory_space<hbm>> -> memref<512xi32, #tpu.memory_space<hbm>>
      tpu.enqueue_dma source(%dma_start3A_1615 : memref<512xi32, #tpu.memory_space<hbm>>) target(%arg8 : memref<512xi32, #tpu.memory_space<vmem>>) target_semaphore(%run_scoped3A_1611 : memref<!tpu.dma_semaphore, #tpu.memory_space<semaphore_mem>>)
      %dma_wait3A_1616 = tpu.memref_slice %arg2[%run_scoped3A_403, %mul3A_2] : memref<26x16384xi32, #tpu.memory_space<hbm>> -> memref<1x512xi32, #tpu.memory_space<hbm>>
      %dma_wait3A_1617 = tpu.memref_squeeze %dma_wait3A_1616 : memref<1x512xi32, #tpu.memory_space<hbm>> -> memref<512xi32, #tpu.memory_space<hbm>>
      %dma_wait3A_1618 = tpu.memref_slice %arg2[%run_scoped3A_403, %mul3A_2] : memref<26x16384xi32, #tpu.memory_space<hbm>> -> memref<1x512xi32, #tpu.memory_space<hbm>>
      %dma_wait3A_1619 = tpu.memref_squeeze %dma_wait3A_1618 : memref<1x512xi32, #tpu.memory_space<hbm>> -> memref<512xi32, #tpu.memory_space<hbm>>
      tpu.wait_dma2 semaphore(%run_scoped3A_1611 : memref<!tpu.dma_semaphore, #tpu.memory_space<semaphore_mem>>) src(%dma_wait3A_1619 : memref<512xi32, #tpu.memory_space<hbm>>) dst(%arg8 : memref<512xi32, #tpu.memory_space<vmem>>)
      tpu.yield
    }) : () -> ()
    %scan3A_404 = arith.constant 0 : i32
    %scan3A_405 = arith.constant 702464 : i32
    %scan3A_406 = arith.constant 0 : i32
    %scan3A_407 = arith.constant 32 : i32
    %scan3A_408 = arith.addi %scan3A_406, %scan3A_407 : i32
    %scan3A_409 = arith.constant 1 : i32
    scf.for %scan3A_1611 = %scan3A_406 to %scan3A_408 step %scan3A_409  : i32 {
      %mul3A_1612 = arith.constant 16 : i32
      %mul3A_1613 = arith.muli %scan3A_1611, %mul3A_1612 : i32
      %get3A = arith.index_cast %mul3A_1613 : i32 to index
      %get3A_1614 = tpu.vector_load %arg8[%get3A] {strides = array<i32>} : memref<512xi32, #tpu.memory_space<vmem>>, vector<16xi32>,
      %get3A_1615 = vector.shape_cast %get3A_1614 : vector<16xi32> to vector<16xi32>
      %add3A_1616 = vector.broadcast %scan3A_405 : i32 to vector<16xi32>
      %add3A_1617 = arith.addi %get3A_1615, %add3A_1616 : vector<16xi32>
      %swap3A = arith.index_cast %mul3A_1613 : i32 to index
      %swap3A_1618 = tpu.vector_load %arg8[%swap3A] {strides = array<i32>} : memref<512xi32, #tpu.memory_space<vmem>>, vector<16xi32>,
      %swap3A_1619 = vector.shape_cast %swap3A_1618 : vector<16xi32> to vector<16xi32>
      %swap3A_1620 = vector.shape_cast %add3A_1617 : vector<16xi32> to vector<16xi32>
      tpu.vector_store %arg8[%swap3A], %swap3A_1620 {strides = array<i32>} : memref<512xi32, #tpu.memory_space<vmem>>, vector<16xi32>,
    }
    %scan3A_410 = arith.constant 32 : i32
    %dma_start3A_411 = arith.constant 0 : i32
    %dma_start3A_412 = tpu.memref_slice %arg10[%dma_start3A_411] : memref<512xf32, #tpu.memory_space<vmem>> -> memref<128xf32, #tpu.memory_space<vmem>>
    %dma_start3A_413 = arith.constant 0 : i32
    %dma_start3A_414 = tpu.memref_slice %arg8[%dma_start3A_413] : memref<512xi32, #tpu.memory_space<vmem>> -> memref<128xi32, #tpu.memory_space<vmem>>
    %dma_start3A_415 = arith.constant 0 : i32
    %dma_start3A_416 = tpu.memref_slice %arg3[%dma_start3A_415] : memref<2609152xf32, #tpu.memory_space<hbm>> -> memref<2609152xf32, #tpu.memory_space<hbm>>
    tpu.enqueue_indirect_dma source(%dma_start3A_416 : memref<2609152xf32, #tpu.memory_space<hbm>>) target(%dma_start3A_412 : memref<128xf32, #tpu.memory_space<vmem>>) offsets(%dma_start3A_414 : memref<128xi32, #tpu.memory_space<vmem>>) semaphore(%arg12 : memref<!tpu.dma_semaphore, #tpu.memory_space<semaphore_mem>>)
    %dma_start3A_417 = arith.constant 128 : i32
    %dma_start3A_418 = tpu.memref_slice %arg10[%dma_start3A_417] : memref<512xf32, #tpu.memory_space<vmem>> -> memref<128xf32, #tpu.memory_space<vmem>>
    %dma_start3A_419 = arith.constant 128 : i32
    %dma_start3A_420 = tpu.memref_slice %arg8[%dma_start3A_419] : memref<512xi32, #tpu.memory_space<vmem>> -> memref<128xi32, #tpu.memory_space<vmem>>
    %dma_start3A_421 = arith.constant 0 : i32
    %dma_start3A_422 = tpu.memref_slice %arg3[%dma_start3A_421] : memref<2609152xf32, #tpu.memory_space<hbm>> -> memref<2609152xf32, #tpu.memory_space<hbm>>
    tpu.enqueue_indirect_dma source(%dma_start3A_422 : memref<2609152xf32, #tpu.memory_space<hbm>>) target(%dma_start3A_418 : memref<128xf32, #tpu.memory_space<vmem>>) offsets(%dma_start3A_420 : memref<128xi32, #tpu.memory_space<vmem>>) semaphore(%arg12 : memref<!tpu.dma_semaphore, #tpu.memory_space<semaphore_mem>>)
    %dma_start3A_423 = arith.constant 256 : i32
    %dma_start3A_424 = tpu.memref_slice %arg10[%dma_start3A_423] : memref<512xf32, #tpu.memory_space<vmem>> -> memref<128xf32, #tpu.memory_space<vmem>>
    %dma_start3A_425 = arith.constant 256 : i32
    %dma_start3A_426 = tpu.memref_slice %arg8[%dma_start3A_425] : memref<512xi32, #tpu.memory_space<vmem>> -> memref<128xi32, #tpu.memory_space<vmem>>
    %dma_start3A_427 = arith.constant 0 : i32
    %dma_start3A_428 = tpu.memref_slice %arg3[%dma_start3A_427] : memref<2609152xf32, #tpu.memory_space<hbm>> -> memref<2609152xf32, #tpu.memory_space<hbm>>
    tpu.enqueue_indirect_dma source(%dma_start3A_428 : memref<2609152xf32, #tpu.memory_space<hbm>>) target(%dma_start3A_424 : memref<128xf32, #tpu.memory_space<vmem>>) offsets(%dma_start3A_426 : memref<128xi32, #tpu.memory_space<vmem>>) semaphore(%arg12 : memref<!tpu.dma_semaphore, #tpu.memory_space<semaphore_mem>>)
    %dma_start3A_429 = arith.constant 384 : i32
    %dma_start3A_430 = tpu.memref_slice %arg10[%dma_start3A_429] : memref<512xf32, #tpu.memory_space<vmem>> -> memref<128xf32, #tpu.memory_space<vmem>>
    %dma_start3A_431 = arith.constant 384 : i32
    %dma_start3A_432 = tpu.memref_slice %arg8[%dma_start3A_431] : memref<512xi32, #tpu.memory_space<vmem>> -> memref<128xi32, #tpu.memory_space<vmem>>
    %dma_start3A_433 = arith.constant 0 : i32
    %dma_start3A_434 = tpu.memref_slice %arg3[%dma_start3A_433] : memref<2609152xf32, #tpu.memory_space<hbm>> -> memref<2609152xf32, #tpu.memory_space<hbm>>
    tpu.enqueue_indirect_dma source(%dma_start3A_434 : memref<2609152xf32, #tpu.memory_space<hbm>>) target(%dma_start3A_430 : memref<128xf32, #tpu.memory_space<vmem>>) offsets(%dma_start3A_432 : memref<128xi32, #tpu.memory_space<vmem>>) semaphore(%arg12 : memref<!tpu.dma_semaphore, #tpu.memory_space<semaphore_mem>>)
    %dma_wait3A_435 = arith.constant 0 : i32
    %dma_wait3A_436 = tpu.memref_slice %arg9[%dma_wait3A_435] : memref<512xf32, #tpu.memory_space<vmem>> -> memref<128xf32, #tpu.memory_space<vmem>>
    %dma_wait3A_437 = arith.constant 0 : i32
    %dma_wait3A_438 = tpu.memref_slice %arg7[%dma_wait3A_437] : memref<512xi32, #tpu.memory_space<vmem>> -> memref<128xi32, #tpu.memory_space<vmem>>
    %dma_wait3A_439 = arith.constant 0 : i32
    %dma_wait3A_440 = tpu.memref_slice %arg3[%dma_wait3A_439] : memref<2609152xf32, #tpu.memory_space<hbm>> -> memref<2609152xf32, #tpu.memory_space<hbm>>
    tpu.wait_indirect_dma semaphore(%arg11 : memref<!tpu.dma_semaphore, #tpu.memory_space<semaphore_mem>>) src(%dma_wait3A_440 : memref<2609152xf32, #tpu.memory_space<hbm>>) dst(%dma_wait3A_436 : memref<128xf32, #tpu.memory_space<vmem>>)
    %dma_wait3A_441 = arith.constant 128 : i32
    %dma_wait3A_442 = tpu.memref_slice %arg9[%dma_wait3A_441] : memref<512xf32, #tpu.memory_space<vmem>> -> memref<128xf32, #tpu.memory_space<vmem>>
    %dma_wait3A_443 = arith.constant 128 : i32
    %dma_wait3A_444 = tpu.memref_slice %arg7[%dma_wait3A_443] : memref<512xi32, #tpu.memory_space<vmem>> -> memref<128xi32, #tpu.memory_space<vmem>>
    %dma_wait3A_445 = arith.constant 0 : i32
    %dma_wait3A_446 = tpu.memref_slice %arg3[%dma_wait3A_445] : memref<2609152xf32, #tpu.memory_space<hbm>> -> memref<2609152xf32, #tpu.memory_space<hbm>>
    tpu.wait_indirect_dma semaphore(%arg11 : memref<!tpu.dma_semaphore, #tpu.memory_space<semaphore_mem>>) src(%dma_wait3A_446 : memref<2609152xf32, #tpu.memory_space<hbm>>) dst(%dma_wait3A_442 : memref<128xf32, #tpu.memory_space<vmem>>)
    %dma_wait3A_447 = arith.constant 256 : i32
    %dma_wait3A_448 = tpu.memref_slice %arg9[%dma_wait3A_447] : memref<512xf32, #tpu.memory_space<vmem>> -> memref<128xf32, #tpu.memory_space<vmem>>
    %dma_wait3A_449 = arith.constant 256 : i32
    %dma_wait3A_450 = tpu.memref_slice %arg7[%dma_wait3A_449] : memref<512xi32, #tpu.memory_space<vmem>> -> memref<128xi32, #tpu.memory_space<vmem>>
    %dma_wait3A_451 = arith.constant 0 : i32
    %dma_wait3A_452 = tpu.memref_slice %arg3[%dma_wait3A_451] : memref<2609152xf32, #tpu.memory_space<hbm>> -> memref<2609152xf32, #tpu.memory_space<hbm>>
    tpu.wait_indirect_dma semaphore(%arg11 : memref<!tpu.dma_semaphore, #tpu.memory_space<semaphore_mem>>) src(%dma_wait3A_452 : memref<2609152xf32, #tpu.memory_space<hbm>>) dst(%dma_wait3A_448 : memref<128xf32, #tpu.memory_space<vmem>>)
    %dma_wait3A_453 = arith.constant 384 : i32
    %dma_wait3A_454 = tpu.memref_slice %arg9[%dma_wait3A_453] : memref<512xf32, #tpu.memory_space<vmem>> -> memref<128xf32, #tpu.memory_space<vmem>>
    %dma_wait3A_455 = arith.constant 384 : i32
    %dma_wait3A_456 = tpu.memref_slice %arg7[%dma_wait3A_455] : memref<512xi32, #tpu.memory_space<vmem>> -> memref<128xi32, #tpu.memory_space<vmem>>
    %dma_wait3A_457 = arith.constant 0 : i32
    %dma_wait3A_458 = tpu.memref_slice %arg3[%dma_wait3A_457] : memref<2609152xf32, #tpu.memory_space<hbm>> -> memref<2609152xf32, #tpu.memory_space<hbm>>
    tpu.wait_indirect_dma semaphore(%arg11 : memref<!tpu.dma_semaphore, #tpu.memory_space<semaphore_mem>>) src(%dma_wait3A_458 : memref<2609152xf32, #tpu.memory_space<hbm>>) dst(%dma_wait3A_454 : memref<128xf32, #tpu.memory_space<vmem>>)
    %scan3A_459 = arith.constant 0 : i32
    %scan3A_460 = arith.constant 0 : i32
    %scan3A_461 = arith.constant 32 : i32
    %scan3A_462 = arith.addi %scan3A_460, %scan3A_461 : i32
    %scan3A_463 = arith.constant 1 : i32
    scf.for %scan3A_1611 = %scan3A_460 to %scan3A_462 step %scan3A_463  : i32 {
      %mul3A_1612 = arith.constant 16 : i32
      %mul3A_1613 = arith.muli %scan3A_1611, %mul3A_1612 : i32
      %get3A = arith.index_cast %mul3A_1613 : i32 to index
      %get3A_1614 = tpu.vector_load %arg6[%get3A] {strides = array<i32>} : memref<512xf32, #tpu.memory_space<vmem>>, vector<16xf32>,
      %get3A_1615 = vector.shape_cast %get3A_1614 : vector<16xf32> to vector<16xf32>
      %get3A_1616 = arith.index_cast %mul3A_1613 : i32 to index
      %get3A_1617 = tpu.vector_load %arg9[%get3A_1616] {strides = array<i32>} : memref<512xf32, #tpu.memory_space<vmem>>, vector<16xf32>,
      %get3A_1618 = vector.shape_cast %get3A_1617 : vector<16xf32> to vector<16xf32>
      %add3A_1619 = arith.addf %get3A_1615, %get3A_1618 : vector<16xf32>
      %swap3A = arith.index_cast %mul3A_1613 : i32 to index
      %swap3A_1620 = tpu.vector_load %arg6[%swap3A] {strides = array<i32>} : memref<512xf32, #tpu.memory_space<vmem>>, vector<16xf32>,
      %swap3A_1621 = vector.shape_cast %swap3A_1620 : vector<16xf32> to vector<16xf32>
      %swap3A_1622 = vector.shape_cast %add3A_1619 : vector<16xf32> to vector<16xf32>
      tpu.vector_store %arg6[%swap3A], %swap3A_1622 {strides = array<i32>} : memref<512xf32, #tpu.memory_space<vmem>>, vector<16xf32>,
    }
    %scan3A_464 = arith.constant 32 : i32
    %run_scoped3A_465 = arith.constant 8 : i32
    "tpu.region"() ({
      %run_scoped3A_1611 = tpu.sem_alloc : memref<!tpu.dma_semaphore, #tpu.memory_space<semaphore_mem>>
      %dma_start3A_1612 = tpu.memref_slice %arg2[%run_scoped3A_465, %mul3A_2] : memref<26x16384xi32, #tpu.memory_space<hbm>> -> memref<1x512xi32, #tpu.memory_space<hbm>>
      %dma_start3A_1613 = tpu.memref_squeeze %dma_start3A_1612 : memref<1x512xi32, #tpu.memory_space<hbm>> -> memref<512xi32, #tpu.memory_space<hbm>>
      %dma_start3A_1614 = tpu.memref_slice %arg2[%run_scoped3A_465, %mul3A_2] : memref<26x16384xi32, #tpu.memory_space<hbm>> -> memref<1x512xi32, #tpu.memory_space<hbm>>
      %dma_start3A_1615 = tpu.memref_squeeze %dma_start3A_1614 : memref<1x512xi32, #tpu.memory_space<hbm>> -> memref<512xi32, #tpu.memory_space<hbm>>
      tpu.enqueue_dma source(%dma_start3A_1615 : memref<512xi32, #tpu.memory_space<hbm>>) target(%arg7 : memref<512xi32, #tpu.memory_space<vmem>>) target_semaphore(%run_scoped3A_1611 : memref<!tpu.dma_semaphore, #tpu.memory_space<semaphore_mem>>)
      %dma_wait3A_1616 = tpu.memref_slice %arg2[%run_scoped3A_465, %mul3A_2] : memref<26x16384xi32, #tpu.memory_space<hbm>> -> memref<1x512xi32, #tpu.memory_space<hbm>>
      %dma_wait3A_1617 = tpu.memref_squeeze %dma_wait3A_1616 : memref<1x512xi32, #tpu.memory_space<hbm>> -> memref<512xi32, #tpu.memory_space<hbm>>
      %dma_wait3A_1618 = tpu.memref_slice %arg2[%run_scoped3A_465, %mul3A_2] : memref<26x16384xi32, #tpu.memory_space<hbm>> -> memref<1x512xi32, #tpu.memory_space<hbm>>
      %dma_wait3A_1619 = tpu.memref_squeeze %dma_wait3A_1618 : memref<1x512xi32, #tpu.memory_space<hbm>> -> memref<512xi32, #tpu.memory_space<hbm>>
      tpu.wait_dma2 semaphore(%run_scoped3A_1611 : memref<!tpu.dma_semaphore, #tpu.memory_space<semaphore_mem>>) src(%dma_wait3A_1619 : memref<512xi32, #tpu.memory_space<hbm>>) dst(%arg7 : memref<512xi32, #tpu.memory_space<vmem>>)
      tpu.yield
    }) : () -> ()
    %scan3A_466 = arith.constant 0 : i32
    %scan3A_467 = arith.constant 802816 : i32
    %scan3A_468 = arith.constant 0 : i32
    %scan3A_469 = arith.constant 32 : i32
    %scan3A_470 = arith.addi %scan3A_468, %scan3A_469 : i32
    %scan3A_471 = arith.constant 1 : i32
    scf.for %scan3A_1611 = %scan3A_468 to %scan3A_470 step %scan3A_471  : i32 {
      %mul3A_1612 = arith.constant 16 : i32
      %mul3A_1613 = arith.muli %scan3A_1611, %mul3A_1612 : i32
      %get3A = arith.index_cast %mul3A_1613 : i32 to index
      %get3A_1614 = tpu.vector_load %arg7[%get3A] {strides = array<i32>} : memref<512xi32, #tpu.memory_space<vmem>>, vector<16xi32>,
      %get3A_1615 = vector.shape_cast %get3A_1614 : vector<16xi32> to vector<16xi32>
      %add3A_1616 = vector.broadcast %scan3A_467 : i32 to vector<16xi32>
      %add3A_1617 = arith.addi %get3A_1615, %add3A_1616 : vector<16xi32>
      %swap3A = arith.index_cast %mul3A_1613 : i32 to index
      %swap3A_1618 = tpu.vector_load %arg7[%swap3A] {strides = array<i32>} : memref<512xi32, #tpu.memory_space<vmem>>, vector<16xi32>,
      %swap3A_1619 = vector.shape_cast %swap3A_1618 : vector<16xi32> to vector<16xi32>
      %swap3A_1620 = vector.shape_cast %add3A_1617 : vector<16xi32> to vector<16xi32>
      tpu.vector_store %arg7[%swap3A], %swap3A_1620 {strides = array<i32>} : memref<512xi32, #tpu.memory_space<vmem>>, vector<16xi32>,
    }
    %scan3A_472 = arith.constant 32 : i32
    %dma_start3A_473 = arith.constant 0 : i32
    %dma_start3A_474 = tpu.memref_slice %arg9[%dma_start3A_473] : memref<512xf32, #tpu.memory_space<vmem>> -> memref<128xf32, #tpu.memory_space<vmem>>
    %dma_start3A_475 = arith.constant 0 : i32
    %dma_start3A_476 = tpu.memref_slice %arg7[%dma_start3A_475] : memref<512xi32, #tpu.memory_space<vmem>> -> memref<128xi32, #tpu.memory_space<vmem>>
    %dma_start3A_477 = arith.constant 0 : i32
    %dma_start3A_478 = tpu.memref_slice %arg3[%dma_start3A_477] : memref<2609152xf32, #tpu.memory_space<hbm>> -> memref<2609152xf32, #tpu.memory_space<hbm>>
    tpu.enqueue_indirect_dma source(%dma_start3A_478 : memref<2609152xf32, #tpu.memory_space<hbm>>) target(%dma_start3A_474 : memref<128xf32, #tpu.memory_space<vmem>>) offsets(%dma_start3A_476 : memref<128xi32, #tpu.memory_space<vmem>>) semaphore(%arg11 : memref<!tpu.dma_semaphore, #tpu.memory_space<semaphore_mem>>)
    %dma_start3A_479 = arith.constant 128 : i32
    %dma_start3A_480 = tpu.memref_slice %arg9[%dma_start3A_479] : memref<512xf32, #tpu.memory_space<vmem>> -> memref<128xf32, #tpu.memory_space<vmem>>
    %dma_start3A_481 = arith.constant 128 : i32
    %dma_start3A_482 = tpu.memref_slice %arg7[%dma_start3A_481] : memref<512xi32, #tpu.memory_space<vmem>> -> memref<128xi32, #tpu.memory_space<vmem>>
    %dma_start3A_483 = arith.constant 0 : i32
    %dma_start3A_484 = tpu.memref_slice %arg3[%dma_start3A_483] : memref<2609152xf32, #tpu.memory_space<hbm>> -> memref<2609152xf32, #tpu.memory_space<hbm>>
    tpu.enqueue_indirect_dma source(%dma_start3A_484 : memref<2609152xf32, #tpu.memory_space<hbm>>) target(%dma_start3A_480 : memref<128xf32, #tpu.memory_space<vmem>>) offsets(%dma_start3A_482 : memref<128xi32, #tpu.memory_space<vmem>>) semaphore(%arg11 : memref<!tpu.dma_semaphore, #tpu.memory_space<semaphore_mem>>)
    %dma_start3A_485 = arith.constant 256 : i32
    %dma_start3A_486 = tpu.memref_slice %arg9[%dma_start3A_485] : memref<512xf32, #tpu.memory_space<vmem>> -> memref<128xf32, #tpu.memory_space<vmem>>
    %dma_start3A_487 = arith.constant 256 : i32
    %dma_start3A_488 = tpu.memref_slice %arg7[%dma_start3A_487] : memref<512xi32, #tpu.memory_space<vmem>> -> memref<128xi32, #tpu.memory_space<vmem>>
    %dma_start3A_489 = arith.constant 0 : i32
    %dma_start3A_490 = tpu.memref_slice %arg3[%dma_start3A_489] : memref<2609152xf32, #tpu.memory_space<hbm>> -> memref<2609152xf32, #tpu.memory_space<hbm>>
    tpu.enqueue_indirect_dma source(%dma_start3A_490 : memref<2609152xf32, #tpu.memory_space<hbm>>) target(%dma_start3A_486 : memref<128xf32, #tpu.memory_space<vmem>>) offsets(%dma_start3A_488 : memref<128xi32, #tpu.memory_space<vmem>>) semaphore(%arg11 : memref<!tpu.dma_semaphore, #tpu.memory_space<semaphore_mem>>)
    %dma_start3A_491 = arith.constant 384 : i32
    %dma_start3A_492 = tpu.memref_slice %arg9[%dma_start3A_491] : memref<512xf32, #tpu.memory_space<vmem>> -> memref<128xf32, #tpu.memory_space<vmem>>
    %dma_start3A_493 = arith.constant 384 : i32
    %dma_start3A_494 = tpu.memref_slice %arg7[%dma_start3A_493] : memref<512xi32, #tpu.memory_space<vmem>> -> memref<128xi32, #tpu.memory_space<vmem>>
    %dma_start3A_495 = arith.constant 0 : i32
    %dma_start3A_496 = tpu.memref_slice %arg3[%dma_start3A_495] : memref<2609152xf32, #tpu.memory_space<hbm>> -> memref<2609152xf32, #tpu.memory_space<hbm>>
    tpu.enqueue_indirect_dma source(%dma_start3A_496 : memref<2609152xf32, #tpu.memory_space<hbm>>) target(%dma_start3A_492 : memref<128xf32, #tpu.memory_space<vmem>>) offsets(%dma_start3A_494 : memref<128xi32, #tpu.memory_space<vmem>>) semaphore(%arg11 : memref<!tpu.dma_semaphore, #tpu.memory_space<semaphore_mem>>)
    %dma_wait3A_497 = arith.constant 0 : i32
    %dma_wait3A_498 = tpu.memref_slice %arg10[%dma_wait3A_497] : memref<512xf32, #tpu.memory_space<vmem>> -> memref<128xf32, #tpu.memory_space<vmem>>
    %dma_wait3A_499 = arith.constant 0 : i32
    %dma_wait3A_500 = tpu.memref_slice %arg8[%dma_wait3A_499] : memref<512xi32, #tpu.memory_space<vmem>> -> memref<128xi32, #tpu.memory_space<vmem>>
    %dma_wait3A_501 = arith.constant 0 : i32
    %dma_wait3A_502 = tpu.memref_slice %arg3[%dma_wait3A_501] : memref<2609152xf32, #tpu.memory_space<hbm>> -> memref<2609152xf32, #tpu.memory_space<hbm>>
    tpu.wait_indirect_dma semaphore(%arg12 : memref<!tpu.dma_semaphore, #tpu.memory_space<semaphore_mem>>) src(%dma_wait3A_502 : memref<2609152xf32, #tpu.memory_space<hbm>>) dst(%dma_wait3A_498 : memref<128xf32, #tpu.memory_space<vmem>>)
    %dma_wait3A_503 = arith.constant 128 : i32
    %dma_wait3A_504 = tpu.memref_slice %arg10[%dma_wait3A_503] : memref<512xf32, #tpu.memory_space<vmem>> -> memref<128xf32, #tpu.memory_space<vmem>>
    %dma_wait3A_505 = arith.constant 128 : i32
    %dma_wait3A_506 = tpu.memref_slice %arg8[%dma_wait3A_505] : memref<512xi32, #tpu.memory_space<vmem>> -> memref<128xi32, #tpu.memory_space<vmem>>
    %dma_wait3A_507 = arith.constant 0 : i32
    %dma_wait3A_508 = tpu.memref_slice %arg3[%dma_wait3A_507] : memref<2609152xf32, #tpu.memory_space<hbm>> -> memref<2609152xf32, #tpu.memory_space<hbm>>
    tpu.wait_indirect_dma semaphore(%arg12 : memref<!tpu.dma_semaphore, #tpu.memory_space<semaphore_mem>>) src(%dma_wait3A_508 : memref<2609152xf32, #tpu.memory_space<hbm>>) dst(%dma_wait3A_504 : memref<128xf32, #tpu.memory_space<vmem>>)
    %dma_wait3A_509 = arith.constant 256 : i32
    %dma_wait3A_510 = tpu.memref_slice %arg10[%dma_wait3A_509] : memref<512xf32, #tpu.memory_space<vmem>> -> memref<128xf32, #tpu.memory_space<vmem>>
    %dma_wait3A_511 = arith.constant 256 : i32
    %dma_wait3A_512 = tpu.memref_slice %arg8[%dma_wait3A_511] : memref<512xi32, #tpu.memory_space<vmem>> -> memref<128xi32, #tpu.memory_space<vmem>>
    %dma_wait3A_513 = arith.constant 0 : i32
    %dma_wait3A_514 = tpu.memref_slice %arg3[%dma_wait3A_513] : memref<2609152xf32, #tpu.memory_space<hbm>> -> memref<2609152xf32, #tpu.memory_space<hbm>>
    tpu.wait_indirect_dma semaphore(%arg12 : memref<!tpu.dma_semaphore, #tpu.memory_space<semaphore_mem>>) src(%dma_wait3A_514 : memref<2609152xf32, #tpu.memory_space<hbm>>) dst(%dma_wait3A_510 : memref<128xf32, #tpu.memory_space<vmem>>)
    %dma_wait3A_515 = arith.constant 384 : i32
    %dma_wait3A_516 = tpu.memref_slice %arg10[%dma_wait3A_515] : memref<512xf32, #tpu.memory_space<vmem>> -> memref<128xf32, #tpu.memory_space<vmem>>
    %dma_wait3A_517 = arith.constant 384 : i32
    %dma_wait3A_518 = tpu.memref_slice %arg8[%dma_wait3A_517] : memref<512xi32, #tpu.memory_space<vmem>> -> memref<128xi32, #tpu.memory_space<vmem>>
    %dma_wait3A_519 = arith.constant 0 : i32
    %dma_wait3A_520 = tpu.memref_slice %arg3[%dma_wait3A_519] : memref<2609152xf32, #tpu.memory_space<hbm>> -> memref<2609152xf32, #tpu.memory_space<hbm>>
    tpu.wait_indirect_dma semaphore(%arg12 : memref<!tpu.dma_semaphore, #tpu.memory_space<semaphore_mem>>) src(%dma_wait3A_520 : memref<2609152xf32, #tpu.memory_space<hbm>>) dst(%dma_wait3A_516 : memref<128xf32, #tpu.memory_space<vmem>>)
    %scan3A_521 = arith.constant 0 : i32
    %scan3A_522 = arith.constant 0 : i32
    %scan3A_523 = arith.constant 32 : i32
    %scan3A_524 = arith.addi %scan3A_522, %scan3A_523 : i32
    %scan3A_525 = arith.constant 1 : i32
    scf.for %scan3A_1611 = %scan3A_522 to %scan3A_524 step %scan3A_525  : i32 {
      %mul3A_1612 = arith.constant 16 : i32
      %mul3A_1613 = arith.muli %scan3A_1611, %mul3A_1612 : i32
      %get3A = arith.index_cast %mul3A_1613 : i32 to index
      %get3A_1614 = tpu.vector_load %arg6[%get3A] {strides = array<i32>} : memref<512xf32, #tpu.memory_space<vmem>>, vector<16xf32>,
      %get3A_1615 = vector.shape_cast %get3A_1614 : vector<16xf32> to vector<16xf32>
      %get3A_1616 = arith.index_cast %mul3A_1613 : i32 to index
      %get3A_1617 = tpu.vector_load %arg10[%get3A_1616] {strides = array<i32>} : memref<512xf32, #tpu.memory_space<vmem>>, vector<16xf32>,
      %get3A_1618 = vector.shape_cast %get3A_1617 : vector<16xf32> to vector<16xf32>
      %add3A_1619 = arith.addf %get3A_1615, %get3A_1618 : vector<16xf32>
      %swap3A = arith.index_cast %mul3A_1613 : i32 to index
      %swap3A_1620 = tpu.vector_load %arg6[%swap3A] {strides = array<i32>} : memref<512xf32, #tpu.memory_space<vmem>>, vector<16xf32>,
      %swap3A_1621 = vector.shape_cast %swap3A_1620 : vector<16xf32> to vector<16xf32>
      %swap3A_1622 = vector.shape_cast %add3A_1619 : vector<16xf32> to vector<16xf32>
      tpu.vector_store %arg6[%swap3A], %swap3A_1622 {strides = array<i32>} : memref<512xf32, #tpu.memory_space<vmem>>, vector<16xf32>,
    }
    %scan3A_526 = arith.constant 32 : i32
    %run_scoped3A_527 = arith.constant 9 : i32
    "tpu.region"() ({
      %run_scoped3A_1611 = tpu.sem_alloc : memref<!tpu.dma_semaphore, #tpu.memory_space<semaphore_mem>>
      %dma_start3A_1612 = tpu.memref_slice %arg2[%run_scoped3A_527, %mul3A_2] : memref<26x16384xi32, #tpu.memory_space<hbm>> -> memref<1x512xi32, #tpu.memory_space<hbm>>
      %dma_start3A_1613 = tpu.memref_squeeze %dma_start3A_1612 : memref<1x512xi32, #tpu.memory_space<hbm>> -> memref<512xi32, #tpu.memory_space<hbm>>
      %dma_start3A_1614 = tpu.memref_slice %arg2[%run_scoped3A_527, %mul3A_2] : memref<26x16384xi32, #tpu.memory_space<hbm>> -> memref<1x512xi32, #tpu.memory_space<hbm>>
      %dma_start3A_1615 = tpu.memref_squeeze %dma_start3A_1614 : memref<1x512xi32, #tpu.memory_space<hbm>> -> memref<512xi32, #tpu.memory_space<hbm>>
      tpu.enqueue_dma source(%dma_start3A_1615 : memref<512xi32, #tpu.memory_space<hbm>>) target(%arg8 : memref<512xi32, #tpu.memory_space<vmem>>) target_semaphore(%run_scoped3A_1611 : memref<!tpu.dma_semaphore, #tpu.memory_space<semaphore_mem>>)
      %dma_wait3A_1616 = tpu.memref_slice %arg2[%run_scoped3A_527, %mul3A_2] : memref<26x16384xi32, #tpu.memory_space<hbm>> -> memref<1x512xi32, #tpu.memory_space<hbm>>
      %dma_wait3A_1617 = tpu.memref_squeeze %dma_wait3A_1616 : memref<1x512xi32, #tpu.memory_space<hbm>> -> memref<512xi32, #tpu.memory_space<hbm>>
      %dma_wait3A_1618 = tpu.memref_slice %arg2[%run_scoped3A_527, %mul3A_2] : memref<26x16384xi32, #tpu.memory_space<hbm>> -> memref<1x512xi32, #tpu.memory_space<hbm>>
      %dma_wait3A_1619 = tpu.memref_squeeze %dma_wait3A_1618 : memref<1x512xi32, #tpu.memory_space<hbm>> -> memref<512xi32, #tpu.memory_space<hbm>>
      tpu.wait_dma2 semaphore(%run_scoped3A_1611 : memref<!tpu.dma_semaphore, #tpu.memory_space<semaphore_mem>>) src(%dma_wait3A_1619 : memref<512xi32, #tpu.memory_space<hbm>>) dst(%arg8 : memref<512xi32, #tpu.memory_space<vmem>>)
      tpu.yield
    }) : () -> ()
    %scan3A_528 = arith.constant 0 : i32
    %scan3A_529 = arith.constant 903168 : i32
    %scan3A_530 = arith.constant 0 : i32
    %scan3A_531 = arith.constant 32 : i32
    %scan3A_532 = arith.addi %scan3A_530, %scan3A_531 : i32
    %scan3A_533 = arith.constant 1 : i32
    scf.for %scan3A_1611 = %scan3A_530 to %scan3A_532 step %scan3A_533  : i32 {
      %mul3A_1612 = arith.constant 16 : i32
      %mul3A_1613 = arith.muli %scan3A_1611, %mul3A_1612 : i32
      %get3A = arith.index_cast %mul3A_1613 : i32 to index
      %get3A_1614 = tpu.vector_load %arg8[%get3A] {strides = array<i32>} : memref<512xi32, #tpu.memory_space<vmem>>, vector<16xi32>,
      %get3A_1615 = vector.shape_cast %get3A_1614 : vector<16xi32> to vector<16xi32>
      %add3A_1616 = vector.broadcast %scan3A_529 : i32 to vector<16xi32>
      %add3A_1617 = arith.addi %get3A_1615, %add3A_1616 : vector<16xi32>
      %swap3A = arith.index_cast %mul3A_1613 : i32 to index
      %swap3A_1618 = tpu.vector_load %arg8[%swap3A] {strides = array<i32>} : memref<512xi32, #tpu.memory_space<vmem>>, vector<16xi32>,
      %swap3A_1619 = vector.shape_cast %swap3A_1618 : vector<16xi32> to vector<16xi32>
      %swap3A_1620 = vector.shape_cast %add3A_1617 : vector<16xi32> to vector<16xi32>
      tpu.vector_store %arg8[%swap3A], %swap3A_1620 {strides = array<i32>} : memref<512xi32, #tpu.memory_space<vmem>>, vector<16xi32>,
    }
    %scan3A_534 = arith.constant 32 : i32
    %dma_start3A_535 = arith.constant 0 : i32
    %dma_start3A_536 = tpu.memref_slice %arg10[%dma_start3A_535] : memref<512xf32, #tpu.memory_space<vmem>> -> memref<128xf32, #tpu.memory_space<vmem>>
    %dma_start3A_537 = arith.constant 0 : i32
    %dma_start3A_538 = tpu.memref_slice %arg8[%dma_start3A_537] : memref<512xi32, #tpu.memory_space<vmem>> -> memref<128xi32, #tpu.memory_space<vmem>>
    %dma_start3A_539 = arith.constant 0 : i32
    %dma_start3A_540 = tpu.memref_slice %arg3[%dma_start3A_539] : memref<2609152xf32, #tpu.memory_space<hbm>> -> memref<2609152xf32, #tpu.memory_space<hbm>>
    tpu.enqueue_indirect_dma source(%dma_start3A_540 : memref<2609152xf32, #tpu.memory_space<hbm>>) target(%dma_start3A_536 : memref<128xf32, #tpu.memory_space<vmem>>) offsets(%dma_start3A_538 : memref<128xi32, #tpu.memory_space<vmem>>) semaphore(%arg12 : memref<!tpu.dma_semaphore, #tpu.memory_space<semaphore_mem>>)
    %dma_start3A_541 = arith.constant 128 : i32
    %dma_start3A_542 = tpu.memref_slice %arg10[%dma_start3A_541] : memref<512xf32, #tpu.memory_space<vmem>> -> memref<128xf32, #tpu.memory_space<vmem>>
    %dma_start3A_543 = arith.constant 128 : i32
    %dma_start3A_544 = tpu.memref_slice %arg8[%dma_start3A_543] : memref<512xi32, #tpu.memory_space<vmem>> -> memref<128xi32, #tpu.memory_space<vmem>>
    %dma_start3A_545 = arith.constant 0 : i32
    %dma_start3A_546 = tpu.memref_slice %arg3[%dma_start3A_545] : memref<2609152xf32, #tpu.memory_space<hbm>> -> memref<2609152xf32, #tpu.memory_space<hbm>>
    tpu.enqueue_indirect_dma source(%dma_start3A_546 : memref<2609152xf32, #tpu.memory_space<hbm>>) target(%dma_start3A_542 : memref<128xf32, #tpu.memory_space<vmem>>) offsets(%dma_start3A_544 : memref<128xi32, #tpu.memory_space<vmem>>) semaphore(%arg12 : memref<!tpu.dma_semaphore, #tpu.memory_space<semaphore_mem>>)
    %dma_start3A_547 = arith.constant 256 : i32
    %dma_start3A_548 = tpu.memref_slice %arg10[%dma_start3A_547] : memref<512xf32, #tpu.memory_space<vmem>> -> memref<128xf32, #tpu.memory_space<vmem>>
    %dma_start3A_549 = arith.constant 256 : i32
    %dma_start3A_550 = tpu.memref_slice %arg8[%dma_start3A_549] : memref<512xi32, #tpu.memory_space<vmem>> -> memref<128xi32, #tpu.memory_space<vmem>>
    %dma_start3A_551 = arith.constant 0 : i32
    %dma_start3A_552 = tpu.memref_slice %arg3[%dma_start3A_551] : memref<2609152xf32, #tpu.memory_space<hbm>> -> memref<2609152xf32, #tpu.memory_space<hbm>>
    tpu.enqueue_indirect_dma source(%dma_start3A_552 : memref<2609152xf32, #tpu.memory_space<hbm>>) target(%dma_start3A_548 : memref<128xf32, #tpu.memory_space<vmem>>) offsets(%dma_start3A_550 : memref<128xi32, #tpu.memory_space<vmem>>) semaphore(%arg12 : memref<!tpu.dma_semaphore, #tpu.memory_space<semaphore_mem>>)
    %dma_start3A_553 = arith.constant 384 : i32
    %dma_start3A_554 = tpu.memref_slice %arg10[%dma_start3A_553] : memref<512xf32, #tpu.memory_space<vmem>> -> memref<128xf32, #tpu.memory_space<vmem>>
    %dma_start3A_555 = arith.constant 384 : i32
    %dma_start3A_556 = tpu.memref_slice %arg8[%dma_start3A_555] : memref<512xi32, #tpu.memory_space<vmem>> -> memref<128xi32, #tpu.memory_space<vmem>>
    %dma_start3A_557 = arith.constant 0 : i32
    %dma_start3A_558 = tpu.memref_slice %arg3[%dma_start3A_557] : memref<2609152xf32, #tpu.memory_space<hbm>> -> memref<2609152xf32, #tpu.memory_space<hbm>>
    tpu.enqueue_indirect_dma source(%dma_start3A_558 : memref<2609152xf32, #tpu.memory_space<hbm>>) target(%dma_start3A_554 : memref<128xf32, #tpu.memory_space<vmem>>) offsets(%dma_start3A_556 : memref<128xi32, #tpu.memory_space<vmem>>) semaphore(%arg12 : memref<!tpu.dma_semaphore, #tpu.memory_space<semaphore_mem>>)
    %dma_wait3A_559 = arith.constant 0 : i32
    %dma_wait3A_560 = tpu.memref_slice %arg9[%dma_wait3A_559] : memref<512xf32, #tpu.memory_space<vmem>> -> memref<128xf32, #tpu.memory_space<vmem>>
    %dma_wait3A_561 = arith.constant 0 : i32
    %dma_wait3A_562 = tpu.memref_slice %arg7[%dma_wait3A_561] : memref<512xi32, #tpu.memory_space<vmem>> -> memref<128xi32, #tpu.memory_space<vmem>>
    %dma_wait3A_563 = arith.constant 0 : i32
    %dma_wait3A_564 = tpu.memref_slice %arg3[%dma_wait3A_563] : memref<2609152xf32, #tpu.memory_space<hbm>> -> memref<2609152xf32, #tpu.memory_space<hbm>>
    tpu.wait_indirect_dma semaphore(%arg11 : memref<!tpu.dma_semaphore, #tpu.memory_space<semaphore_mem>>) src(%dma_wait3A_564 : memref<2609152xf32, #tpu.memory_space<hbm>>) dst(%dma_wait3A_560 : memref<128xf32, #tpu.memory_space<vmem>>)
    %dma_wait3A_565 = arith.constant 128 : i32
    %dma_wait3A_566 = tpu.memref_slice %arg9[%dma_wait3A_565] : memref<512xf32, #tpu.memory_space<vmem>> -> memref<128xf32, #tpu.memory_space<vmem>>
    %dma_wait3A_567 = arith.constant 128 : i32
    %dma_wait3A_568 = tpu.memref_slice %arg7[%dma_wait3A_567] : memref<512xi32, #tpu.memory_space<vmem>> -> memref<128xi32, #tpu.memory_space<vmem>>
    %dma_wait3A_569 = arith.constant 0 : i32
    %dma_wait3A_570 = tpu.memref_slice %arg3[%dma_wait3A_569] : memref<2609152xf32, #tpu.memory_space<hbm>> -> memref<2609152xf32, #tpu.memory_space<hbm>>
    tpu.wait_indirect_dma semaphore(%arg11 : memref<!tpu.dma_semaphore, #tpu.memory_space<semaphore_mem>>) src(%dma_wait3A_570 : memref<2609152xf32, #tpu.memory_space<hbm>>) dst(%dma_wait3A_566 : memref<128xf32, #tpu.memory_space<vmem>>)
    %dma_wait3A_571 = arith.constant 256 : i32
    %dma_wait3A_572 = tpu.memref_slice %arg9[%dma_wait3A_571] : memref<512xf32, #tpu.memory_space<vmem>> -> memref<128xf32, #tpu.memory_space<vmem>>
    %dma_wait3A_573 = arith.constant 256 : i32
    %dma_wait3A_574 = tpu.memref_slice %arg7[%dma_wait3A_573] : memref<512xi32, #tpu.memory_space<vmem>> -> memref<128xi32, #tpu.memory_space<vmem>>
    %dma_wait3A_575 = arith.constant 0 : i32
    %dma_wait3A_576 = tpu.memref_slice %arg3[%dma_wait3A_575] : memref<2609152xf32, #tpu.memory_space<hbm>> -> memref<2609152xf32, #tpu.memory_space<hbm>>
    tpu.wait_indirect_dma semaphore(%arg11 : memref<!tpu.dma_semaphore, #tpu.memory_space<semaphore_mem>>) src(%dma_wait3A_576 : memref<2609152xf32, #tpu.memory_space<hbm>>) dst(%dma_wait3A_572 : memref<128xf32, #tpu.memory_space<vmem>>)
    %dma_wait3A_577 = arith.constant 384 : i32
    %dma_wait3A_578 = tpu.memref_slice %arg9[%dma_wait3A_577] : memref<512xf32, #tpu.memory_space<vmem>> -> memref<128xf32, #tpu.memory_space<vmem>>
    %dma_wait3A_579 = arith.constant 384 : i32
    %dma_wait3A_580 = tpu.memref_slice %arg7[%dma_wait3A_579] : memref<512xi32, #tpu.memory_space<vmem>> -> memref<128xi32, #tpu.memory_space<vmem>>
    %dma_wait3A_581 = arith.constant 0 : i32
    %dma_wait3A_582 = tpu.memref_slice %arg3[%dma_wait3A_581] : memref<2609152xf32, #tpu.memory_space<hbm>> -> memref<2609152xf32, #tpu.memory_space<hbm>>
    tpu.wait_indirect_dma semaphore(%arg11 : memref<!tpu.dma_semaphore, #tpu.memory_space<semaphore_mem>>) src(%dma_wait3A_582 : memref<2609152xf32, #tpu.memory_space<hbm>>) dst(%dma_wait3A_578 : memref<128xf32, #tpu.memory_space<vmem>>)
    %scan3A_583 = arith.constant 0 : i32
    %scan3A_584 = arith.constant 0 : i32
    %scan3A_585 = arith.constant 32 : i32
    %scan3A_586 = arith.addi %scan3A_584, %scan3A_585 : i32
    %scan3A_587 = arith.constant 1 : i32
    scf.for %scan3A_1611 = %scan3A_584 to %scan3A_586 step %scan3A_587  : i32 {
      %mul3A_1612 = arith.constant 16 : i32
      %mul3A_1613 = arith.muli %scan3A_1611, %mul3A_1612 : i32
      %get3A = arith.index_cast %mul3A_1613 : i32 to index
      %get3A_1614 = tpu.vector_load %arg6[%get3A] {strides = array<i32>} : memref<512xf32, #tpu.memory_space<vmem>>, vector<16xf32>,
      %get3A_1615 = vector.shape_cast %get3A_1614 : vector<16xf32> to vector<16xf32>
      %get3A_1616 = arith.index_cast %mul3A_1613 : i32 to index
      %get3A_1617 = tpu.vector_load %arg9[%get3A_1616] {strides = array<i32>} : memref<512xf32, #tpu.memory_space<vmem>>, vector<16xf32>,
      %get3A_1618 = vector.shape_cast %get3A_1617 : vector<16xf32> to vector<16xf32>
      %add3A_1619 = arith.addf %get3A_1615, %get3A_1618 : vector<16xf32>
      %swap3A = arith.index_cast %mul3A_1613 : i32 to index
      %swap3A_1620 = tpu.vector_load %arg6[%swap3A] {strides = array<i32>} : memref<512xf32, #tpu.memory_space<vmem>>, vector<16xf32>,
      %swap3A_1621 = vector.shape_cast %swap3A_1620 : vector<16xf32> to vector<16xf32>
      %swap3A_1622 = vector.shape_cast %add3A_1619 : vector<16xf32> to vector<16xf32>
      tpu.vector_store %arg6[%swap3A], %swap3A_1622 {strides = array<i32>} : memref<512xf32, #tpu.memory_space<vmem>>, vector<16xf32>,
    }
    %scan3A_588 = arith.constant 32 : i32
    %run_scoped3A_589 = arith.constant 10 : i32
    "tpu.region"() ({
      %run_scoped3A_1611 = tpu.sem_alloc : memref<!tpu.dma_semaphore, #tpu.memory_space<semaphore_mem>>
      %dma_start3A_1612 = tpu.memref_slice %arg2[%run_scoped3A_589, %mul3A_2] : memref<26x16384xi32, #tpu.memory_space<hbm>> -> memref<1x512xi32, #tpu.memory_space<hbm>>
      %dma_start3A_1613 = tpu.memref_squeeze %dma_start3A_1612 : memref<1x512xi32, #tpu.memory_space<hbm>> -> memref<512xi32, #tpu.memory_space<hbm>>
      %dma_start3A_1614 = tpu.memref_slice %arg2[%run_scoped3A_589, %mul3A_2] : memref<26x16384xi32, #tpu.memory_space<hbm>> -> memref<1x512xi32, #tpu.memory_space<hbm>>
      %dma_start3A_1615 = tpu.memref_squeeze %dma_start3A_1614 : memref<1x512xi32, #tpu.memory_space<hbm>> -> memref<512xi32, #tpu.memory_space<hbm>>
      tpu.enqueue_dma source(%dma_start3A_1615 : memref<512xi32, #tpu.memory_space<hbm>>) target(%arg7 : memref<512xi32, #tpu.memory_space<vmem>>) target_semaphore(%run_scoped3A_1611 : memref<!tpu.dma_semaphore, #tpu.memory_space<semaphore_mem>>)
      %dma_wait3A_1616 = tpu.memref_slice %arg2[%run_scoped3A_589, %mul3A_2] : memref<26x16384xi32, #tpu.memory_space<hbm>> -> memref<1x512xi32, #tpu.memory_space<hbm>>
      %dma_wait3A_1617 = tpu.memref_squeeze %dma_wait3A_1616 : memref<1x512xi32, #tpu.memory_space<hbm>> -> memref<512xi32, #tpu.memory_space<hbm>>
      %dma_wait3A_1618 = tpu.memref_slice %arg2[%run_scoped3A_589, %mul3A_2] : memref<26x16384xi32, #tpu.memory_space<hbm>> -> memref<1x512xi32, #tpu.memory_space<hbm>>
      %dma_wait3A_1619 = tpu.memref_squeeze %dma_wait3A_1618 : memref<1x512xi32, #tpu.memory_space<hbm>> -> memref<512xi32, #tpu.memory_space<hbm>>
      tpu.wait_dma2 semaphore(%run_scoped3A_1611 : memref<!tpu.dma_semaphore, #tpu.memory_space<semaphore_mem>>) src(%dma_wait3A_1619 : memref<512xi32, #tpu.memory_space<hbm>>) dst(%arg7 : memref<512xi32, #tpu.memory_space<vmem>>)
      tpu.yield
    }) : () -> ()
    %scan3A_590 = arith.constant 0 : i32
    %scan3A_591 = arith.constant 1003520 : i32
    %scan3A_592 = arith.constant 0 : i32
    %scan3A_593 = arith.constant 32 : i32
    %scan3A_594 = arith.addi %scan3A_592, %scan3A_593 : i32
    %scan3A_595 = arith.constant 1 : i32
    scf.for %scan3A_1611 = %scan3A_592 to %scan3A_594 step %scan3A_595  : i32 {
      %mul3A_1612 = arith.constant 16 : i32
      %mul3A_1613 = arith.muli %scan3A_1611, %mul3A_1612 : i32
      %get3A = arith.index_cast %mul3A_1613 : i32 to index
      %get3A_1614 = tpu.vector_load %arg7[%get3A] {strides = array<i32>} : memref<512xi32, #tpu.memory_space<vmem>>, vector<16xi32>,
      %get3A_1615 = vector.shape_cast %get3A_1614 : vector<16xi32> to vector<16xi32>
      %add3A_1616 = vector.broadcast %scan3A_591 : i32 to vector<16xi32>
      %add3A_1617 = arith.addi %get3A_1615, %add3A_1616 : vector<16xi32>
      %swap3A = arith.index_cast %mul3A_1613 : i32 to index
      %swap3A_1618 = tpu.vector_load %arg7[%swap3A] {strides = array<i32>} : memref<512xi32, #tpu.memory_space<vmem>>, vector<16xi32>,
      %swap3A_1619 = vector.shape_cast %swap3A_1618 : vector<16xi32> to vector<16xi32>
      %swap3A_1620 = vector.shape_cast %add3A_1617 : vector<16xi32> to vector<16xi32>
      tpu.vector_store %arg7[%swap3A], %swap3A_1620 {strides = array<i32>} : memref<512xi32, #tpu.memory_space<vmem>>, vector<16xi32>,
    }
    %scan3A_596 = arith.constant 32 : i32
    %dma_start3A_597 = arith.constant 0 : i32
    %dma_start3A_598 = tpu.memref_slice %arg9[%dma_start3A_597] : memref<512xf32, #tpu.memory_space<vmem>> -> memref<128xf32, #tpu.memory_space<vmem>>
    %dma_start3A_599 = arith.constant 0 : i32
    %dma_start3A_600 = tpu.memref_slice %arg7[%dma_start3A_599] : memref<512xi32, #tpu.memory_space<vmem>> -> memref<128xi32, #tpu.memory_space<vmem>>
    %dma_start3A_601 = arith.constant 0 : i32
    %dma_start3A_602 = tpu.memref_slice %arg3[%dma_start3A_601] : memref<2609152xf32, #tpu.memory_space<hbm>> -> memref<2609152xf32, #tpu.memory_space<hbm>>
    tpu.enqueue_indirect_dma source(%dma_start3A_602 : memref<2609152xf32, #tpu.memory_space<hbm>>) target(%dma_start3A_598 : memref<128xf32, #tpu.memory_space<vmem>>) offsets(%dma_start3A_600 : memref<128xi32, #tpu.memory_space<vmem>>) semaphore(%arg11 : memref<!tpu.dma_semaphore, #tpu.memory_space<semaphore_mem>>)
    %dma_start3A_603 = arith.constant 128 : i32
    %dma_start3A_604 = tpu.memref_slice %arg9[%dma_start3A_603] : memref<512xf32, #tpu.memory_space<vmem>> -> memref<128xf32, #tpu.memory_space<vmem>>
    %dma_start3A_605 = arith.constant 128 : i32
    %dma_start3A_606 = tpu.memref_slice %arg7[%dma_start3A_605] : memref<512xi32, #tpu.memory_space<vmem>> -> memref<128xi32, #tpu.memory_space<vmem>>
    %dma_start3A_607 = arith.constant 0 : i32
    %dma_start3A_608 = tpu.memref_slice %arg3[%dma_start3A_607] : memref<2609152xf32, #tpu.memory_space<hbm>> -> memref<2609152xf32, #tpu.memory_space<hbm>>
    tpu.enqueue_indirect_dma source(%dma_start3A_608 : memref<2609152xf32, #tpu.memory_space<hbm>>) target(%dma_start3A_604 : memref<128xf32, #tpu.memory_space<vmem>>) offsets(%dma_start3A_606 : memref<128xi32, #tpu.memory_space<vmem>>) semaphore(%arg11 : memref<!tpu.dma_semaphore, #tpu.memory_space<semaphore_mem>>)
    %dma_start3A_609 = arith.constant 256 : i32
    %dma_start3A_610 = tpu.memref_slice %arg9[%dma_start3A_609] : memref<512xf32, #tpu.memory_space<vmem>> -> memref<128xf32, #tpu.memory_space<vmem>>
    %dma_start3A_611 = arith.constant 256 : i32
    %dma_start3A_612 = tpu.memref_slice %arg7[%dma_start3A_611] : memref<512xi32, #tpu.memory_space<vmem>> -> memref<128xi32, #tpu.memory_space<vmem>>
    %dma_start3A_613 = arith.constant 0 : i32
    %dma_start3A_614 = tpu.memref_slice %arg3[%dma_start3A_613] : memref<2609152xf32, #tpu.memory_space<hbm>> -> memref<2609152xf32, #tpu.memory_space<hbm>>
    tpu.enqueue_indirect_dma source(%dma_start3A_614 : memref<2609152xf32, #tpu.memory_space<hbm>>) target(%dma_start3A_610 : memref<128xf32, #tpu.memory_space<vmem>>) offsets(%dma_start3A_612 : memref<128xi32, #tpu.memory_space<vmem>>) semaphore(%arg11 : memref<!tpu.dma_semaphore, #tpu.memory_space<semaphore_mem>>)
    %dma_start3A_615 = arith.constant 384 : i32
    %dma_start3A_616 = tpu.memref_slice %arg9[%dma_start3A_615] : memref<512xf32, #tpu.memory_space<vmem>> -> memref<128xf32, #tpu.memory_space<vmem>>
    %dma_start3A_617 = arith.constant 384 : i32
    %dma_start3A_618 = tpu.memref_slice %arg7[%dma_start3A_617] : memref<512xi32, #tpu.memory_space<vmem>> -> memref<128xi32, #tpu.memory_space<vmem>>
    %dma_start3A_619 = arith.constant 0 : i32
    %dma_start3A_620 = tpu.memref_slice %arg3[%dma_start3A_619] : memref<2609152xf32, #tpu.memory_space<hbm>> -> memref<2609152xf32, #tpu.memory_space<hbm>>
    tpu.enqueue_indirect_dma source(%dma_start3A_620 : memref<2609152xf32, #tpu.memory_space<hbm>>) target(%dma_start3A_616 : memref<128xf32, #tpu.memory_space<vmem>>) offsets(%dma_start3A_618 : memref<128xi32, #tpu.memory_space<vmem>>) semaphore(%arg11 : memref<!tpu.dma_semaphore, #tpu.memory_space<semaphore_mem>>)
    %dma_wait3A_621 = arith.constant 0 : i32
    %dma_wait3A_622 = tpu.memref_slice %arg10[%dma_wait3A_621] : memref<512xf32, #tpu.memory_space<vmem>> -> memref<128xf32, #tpu.memory_space<vmem>>
    %dma_wait3A_623 = arith.constant 0 : i32
    %dma_wait3A_624 = tpu.memref_slice %arg8[%dma_wait3A_623] : memref<512xi32, #tpu.memory_space<vmem>> -> memref<128xi32, #tpu.memory_space<vmem>>
    %dma_wait3A_625 = arith.constant 0 : i32
    %dma_wait3A_626 = tpu.memref_slice %arg3[%dma_wait3A_625] : memref<2609152xf32, #tpu.memory_space<hbm>> -> memref<2609152xf32, #tpu.memory_space<hbm>>
    tpu.wait_indirect_dma semaphore(%arg12 : memref<!tpu.dma_semaphore, #tpu.memory_space<semaphore_mem>>) src(%dma_wait3A_626 : memref<2609152xf32, #tpu.memory_space<hbm>>) dst(%dma_wait3A_622 : memref<128xf32, #tpu.memory_space<vmem>>)
    %dma_wait3A_627 = arith.constant 128 : i32
    %dma_wait3A_628 = tpu.memref_slice %arg10[%dma_wait3A_627] : memref<512xf32, #tpu.memory_space<vmem>> -> memref<128xf32, #tpu.memory_space<vmem>>
    %dma_wait3A_629 = arith.constant 128 : i32
    %dma_wait3A_630 = tpu.memref_slice %arg8[%dma_wait3A_629] : memref<512xi32, #tpu.memory_space<vmem>> -> memref<128xi32, #tpu.memory_space<vmem>>
    %dma_wait3A_631 = arith.constant 0 : i32
    %dma_wait3A_632 = tpu.memref_slice %arg3[%dma_wait3A_631] : memref<2609152xf32, #tpu.memory_space<hbm>> -> memref<2609152xf32, #tpu.memory_space<hbm>>
    tpu.wait_indirect_dma semaphore(%arg12 : memref<!tpu.dma_semaphore, #tpu.memory_space<semaphore_mem>>) src(%dma_wait3A_632 : memref<2609152xf32, #tpu.memory_space<hbm>>) dst(%dma_wait3A_628 : memref<128xf32, #tpu.memory_space<vmem>>)
    %dma_wait3A_633 = arith.constant 256 : i32
    %dma_wait3A_634 = tpu.memref_slice %arg10[%dma_wait3A_633] : memref<512xf32, #tpu.memory_space<vmem>> -> memref<128xf32, #tpu.memory_space<vmem>>
    %dma_wait3A_635 = arith.constant 256 : i32
    %dma_wait3A_636 = tpu.memref_slice %arg8[%dma_wait3A_635] : memref<512xi32, #tpu.memory_space<vmem>> -> memref<128xi32, #tpu.memory_space<vmem>>
    %dma_wait3A_637 = arith.constant 0 : i32
    %dma_wait3A_638 = tpu.memref_slice %arg3[%dma_wait3A_637] : memref<2609152xf32, #tpu.memory_space<hbm>> -> memref<2609152xf32, #tpu.memory_space<hbm>>
    tpu.wait_indirect_dma semaphore(%arg12 : memref<!tpu.dma_semaphore, #tpu.memory_space<semaphore_mem>>) src(%dma_wait3A_638 : memref<2609152xf32, #tpu.memory_space<hbm>>) dst(%dma_wait3A_634 : memref<128xf32, #tpu.memory_space<vmem>>)
    %dma_wait3A_639 = arith.constant 384 : i32
    %dma_wait3A_640 = tpu.memref_slice %arg10[%dma_wait3A_639] : memref<512xf32, #tpu.memory_space<vmem>> -> memref<128xf32, #tpu.memory_space<vmem>>
    %dma_wait3A_641 = arith.constant 384 : i32
    %dma_wait3A_642 = tpu.memref_slice %arg8[%dma_wait3A_641] : memref<512xi32, #tpu.memory_space<vmem>> -> memref<128xi32, #tpu.memory_space<vmem>>
    %dma_wait3A_643 = arith.constant 0 : i32
    %dma_wait3A_644 = tpu.memref_slice %arg3[%dma_wait3A_643] : memref<2609152xf32, #tpu.memory_space<hbm>> -> memref<2609152xf32, #tpu.memory_space<hbm>>
    tpu.wait_indirect_dma semaphore(%arg12 : memref<!tpu.dma_semaphore, #tpu.memory_space<semaphore_mem>>) src(%dma_wait3A_644 : memref<2609152xf32, #tpu.memory_space<hbm>>) dst(%dma_wait3A_640 : memref<128xf32, #tpu.memory_space<vmem>>)
    %scan3A_645 = arith.constant 0 : i32
    %scan3A_646 = arith.constant 0 : i32
    %scan3A_647 = arith.constant 32 : i32
    %scan3A_648 = arith.addi %scan3A_646, %scan3A_647 : i32
    %scan3A_649 = arith.constant 1 : i32
    scf.for %scan3A_1611 = %scan3A_646 to %scan3A_648 step %scan3A_649  : i32 {
      %mul3A_1612 = arith.constant 16 : i32
      %mul3A_1613 = arith.muli %scan3A_1611, %mul3A_1612 : i32
      %get3A = arith.index_cast %mul3A_1613 : i32 to index
      %get3A_1614 = tpu.vector_load %arg6[%get3A] {strides = array<i32>} : memref<512xf32, #tpu.memory_space<vmem>>, vector<16xf32>,
      %get3A_1615 = vector.shape_cast %get3A_1614 : vector<16xf32> to vector<16xf32>
      %get3A_1616 = arith.index_cast %mul3A_1613 : i32 to index
      %get3A_1617 = tpu.vector_load %arg10[%get3A_1616] {strides = array<i32>} : memref<512xf32, #tpu.memory_space<vmem>>, vector<16xf32>,
      %get3A_1618 = vector.shape_cast %get3A_1617 : vector<16xf32> to vector<16xf32>
      %add3A_1619 = arith.addf %get3A_1615, %get3A_1618 : vector<16xf32>
      %swap3A = arith.index_cast %mul3A_1613 : i32 to index
      %swap3A_1620 = tpu.vector_load %arg6[%swap3A] {strides = array<i32>} : memref<512xf32, #tpu.memory_space<vmem>>, vector<16xf32>,
      %swap3A_1621 = vector.shape_cast %swap3A_1620 : vector<16xf32> to vector<16xf32>
      %swap3A_1622 = vector.shape_cast %add3A_1619 : vector<16xf32> to vector<16xf32>
      tpu.vector_store %arg6[%swap3A], %swap3A_1622 {strides = array<i32>} : memref<512xf32, #tpu.memory_space<vmem>>, vector<16xf32>,
    }
    %scan3A_650 = arith.constant 32 : i32
    %run_scoped3A_651 = arith.constant 11 : i32
    "tpu.region"() ({
      %run_scoped3A_1611 = tpu.sem_alloc : memref<!tpu.dma_semaphore, #tpu.memory_space<semaphore_mem>>
      %dma_start3A_1612 = tpu.memref_slice %arg2[%run_scoped3A_651, %mul3A_2] : memref<26x16384xi32, #tpu.memory_space<hbm>> -> memref<1x512xi32, #tpu.memory_space<hbm>>
      %dma_start3A_1613 = tpu.memref_squeeze %dma_start3A_1612 : memref<1x512xi32, #tpu.memory_space<hbm>> -> memref<512xi32, #tpu.memory_space<hbm>>
      %dma_start3A_1614 = tpu.memref_slice %arg2[%run_scoped3A_651, %mul3A_2] : memref<26x16384xi32, #tpu.memory_space<hbm>> -> memref<1x512xi32, #tpu.memory_space<hbm>>
      %dma_start3A_1615 = tpu.memref_squeeze %dma_start3A_1614 : memref<1x512xi32, #tpu.memory_space<hbm>> -> memref<512xi32, #tpu.memory_space<hbm>>
      tpu.enqueue_dma source(%dma_start3A_1615 : memref<512xi32, #tpu.memory_space<hbm>>) target(%arg8 : memref<512xi32, #tpu.memory_space<vmem>>) target_semaphore(%run_scoped3A_1611 : memref<!tpu.dma_semaphore, #tpu.memory_space<semaphore_mem>>)
      %dma_wait3A_1616 = tpu.memref_slice %arg2[%run_scoped3A_651, %mul3A_2] : memref<26x16384xi32, #tpu.memory_space<hbm>> -> memref<1x512xi32, #tpu.memory_space<hbm>>
      %dma_wait3A_1617 = tpu.memref_squeeze %dma_wait3A_1616 : memref<1x512xi32, #tpu.memory_space<hbm>> -> memref<512xi32, #tpu.memory_space<hbm>>
      %dma_wait3A_1618 = tpu.memref_slice %arg2[%run_scoped3A_651, %mul3A_2] : memref<26x16384xi32, #tpu.memory_space<hbm>> -> memref<1x512xi32, #tpu.memory_space<hbm>>
      %dma_wait3A_1619 = tpu.memref_squeeze %dma_wait3A_1618 : memref<1x512xi32, #tpu.memory_space<hbm>> -> memref<512xi32, #tpu.memory_space<hbm>>
      tpu.wait_dma2 semaphore(%run_scoped3A_1611 : memref<!tpu.dma_semaphore, #tpu.memory_space<semaphore_mem>>) src(%dma_wait3A_1619 : memref<512xi32, #tpu.memory_space<hbm>>) dst(%arg8 : memref<512xi32, #tpu.memory_space<vmem>>)
      tpu.yield
    }) : () -> ()
    %scan3A_652 = arith.constant 0 : i32
    %scan3A_653 = arith.constant 1103872 : i32
    %scan3A_654 = arith.constant 0 : i32
    %scan3A_655 = arith.constant 32 : i32
    %scan3A_656 = arith.addi %scan3A_654, %scan3A_655 : i32
    %scan3A_657 = arith.constant 1 : i32
    scf.for %scan3A_1611 = %scan3A_654 to %scan3A_656 step %scan3A_657  : i32 {
      %mul3A_1612 = arith.constant 16 : i32
      %mul3A_1613 = arith.muli %scan3A_1611, %mul3A_1612 : i32
      %get3A = arith.index_cast %mul3A_1613 : i32 to index
      %get3A_1614 = tpu.vector_load %arg8[%get3A] {strides = array<i32>} : memref<512xi32, #tpu.memory_space<vmem>>, vector<16xi32>,
      %get3A_1615 = vector.shape_cast %get3A_1614 : vector<16xi32> to vector<16xi32>
      %add3A_1616 = vector.broadcast %scan3A_653 : i32 to vector<16xi32>
      %add3A_1617 = arith.addi %get3A_1615, %add3A_1616 : vector<16xi32>
      %swap3A = arith.index_cast %mul3A_1613 : i32 to index
      %swap3A_1618 = tpu.vector_load %arg8[%swap3A] {strides = array<i32>} : memref<512xi32, #tpu.memory_space<vmem>>, vector<16xi32>,
      %swap3A_1619 = vector.shape_cast %swap3A_1618 : vector<16xi32> to vector<16xi32>
      %swap3A_1620 = vector.shape_cast %add3A_1617 : vector<16xi32> to vector<16xi32>
      tpu.vector_store %arg8[%swap3A], %swap3A_1620 {strides = array<i32>} : memref<512xi32, #tpu.memory_space<vmem>>, vector<16xi32>,
    }
    %scan3A_658 = arith.constant 32 : i32
    %dma_start3A_659 = arith.constant 0 : i32
    %dma_start3A_660 = tpu.memref_slice %arg10[%dma_start3A_659] : memref<512xf32, #tpu.memory_space<vmem>> -> memref<128xf32, #tpu.memory_space<vmem>>
    %dma_start3A_661 = arith.constant 0 : i32
    %dma_start3A_662 = tpu.memref_slice %arg8[%dma_start3A_661] : memref<512xi32, #tpu.memory_space<vmem>> -> memref<128xi32, #tpu.memory_space<vmem>>
    %dma_start3A_663 = arith.constant 0 : i32
    %dma_start3A_664 = tpu.memref_slice %arg3[%dma_start3A_663] : memref<2609152xf32, #tpu.memory_space<hbm>> -> memref<2609152xf32, #tpu.memory_space<hbm>>
    tpu.enqueue_indirect_dma source(%dma_start3A_664 : memref<2609152xf32, #tpu.memory_space<hbm>>) target(%dma_start3A_660 : memref<128xf32, #tpu.memory_space<vmem>>) offsets(%dma_start3A_662 : memref<128xi32, #tpu.memory_space<vmem>>) semaphore(%arg12 : memref<!tpu.dma_semaphore, #tpu.memory_space<semaphore_mem>>)
    %dma_start3A_665 = arith.constant 128 : i32
    %dma_start3A_666 = tpu.memref_slice %arg10[%dma_start3A_665] : memref<512xf32, #tpu.memory_space<vmem>> -> memref<128xf32, #tpu.memory_space<vmem>>
    %dma_start3A_667 = arith.constant 128 : i32
    %dma_start3A_668 = tpu.memref_slice %arg8[%dma_start3A_667] : memref<512xi32, #tpu.memory_space<vmem>> -> memref<128xi32, #tpu.memory_space<vmem>>
    %dma_start3A_669 = arith.constant 0 : i32
    %dma_start3A_670 = tpu.memref_slice %arg3[%dma_start3A_669] : memref<2609152xf32, #tpu.memory_space<hbm>> -> memref<2609152xf32, #tpu.memory_space<hbm>>
    tpu.enqueue_indirect_dma source(%dma_start3A_670 : memref<2609152xf32, #tpu.memory_space<hbm>>) target(%dma_start3A_666 : memref<128xf32, #tpu.memory_space<vmem>>) offsets(%dma_start3A_668 : memref<128xi32, #tpu.memory_space<vmem>>) semaphore(%arg12 : memref<!tpu.dma_semaphore, #tpu.memory_space<semaphore_mem>>)
    %dma_start3A_671 = arith.constant 256 : i32
    %dma_start3A_672 = tpu.memref_slice %arg10[%dma_start3A_671] : memref<512xf32, #tpu.memory_space<vmem>> -> memref<128xf32, #tpu.memory_space<vmem>>
    %dma_start3A_673 = arith.constant 256 : i32
    %dma_start3A_674 = tpu.memref_slice %arg8[%dma_start3A_673] : memref<512xi32, #tpu.memory_space<vmem>> -> memref<128xi32, #tpu.memory_space<vmem>>
    %dma_start3A_675 = arith.constant 0 : i32
    %dma_start3A_676 = tpu.memref_slice %arg3[%dma_start3A_675] : memref<2609152xf32, #tpu.memory_space<hbm>> -> memref<2609152xf32, #tpu.memory_space<hbm>>
    tpu.enqueue_indirect_dma source(%dma_start3A_676 : memref<2609152xf32, #tpu.memory_space<hbm>>) target(%dma_start3A_672 : memref<128xf32, #tpu.memory_space<vmem>>) offsets(%dma_start3A_674 : memref<128xi32, #tpu.memory_space<vmem>>) semaphore(%arg12 : memref<!tpu.dma_semaphore, #tpu.memory_space<semaphore_mem>>)
    %dma_start3A_677 = arith.constant 384 : i32
    %dma_start3A_678 = tpu.memref_slice %arg10[%dma_start3A_677] : memref<512xf32, #tpu.memory_space<vmem>> -> memref<128xf32, #tpu.memory_space<vmem>>
    %dma_start3A_679 = arith.constant 384 : i32
    %dma_start3A_680 = tpu.memref_slice %arg8[%dma_start3A_679] : memref<512xi32, #tpu.memory_space<vmem>> -> memref<128xi32, #tpu.memory_space<vmem>>
    %dma_start3A_681 = arith.constant 0 : i32
    %dma_start3A_682 = tpu.memref_slice %arg3[%dma_start3A_681] : memref<2609152xf32, #tpu.memory_space<hbm>> -> memref<2609152xf32, #tpu.memory_space<hbm>>
    tpu.enqueue_indirect_dma source(%dma_start3A_682 : memref<2609152xf32, #tpu.memory_space<hbm>>) target(%dma_start3A_678 : memref<128xf32, #tpu.memory_space<vmem>>) offsets(%dma_start3A_680 : memref<128xi32, #tpu.memory_space<vmem>>) semaphore(%arg12 : memref<!tpu.dma_semaphore, #tpu.memory_space<semaphore_mem>>)
    %dma_wait3A_683 = arith.constant 0 : i32
    %dma_wait3A_684 = tpu.memref_slice %arg9[%dma_wait3A_683] : memref<512xf32, #tpu.memory_space<vmem>> -> memref<128xf32, #tpu.memory_space<vmem>>
    %dma_wait3A_685 = arith.constant 0 : i32
    %dma_wait3A_686 = tpu.memref_slice %arg7[%dma_wait3A_685] : memref<512xi32, #tpu.memory_space<vmem>> -> memref<128xi32, #tpu.memory_space<vmem>>
    %dma_wait3A_687 = arith.constant 0 : i32
    %dma_wait3A_688 = tpu.memref_slice %arg3[%dma_wait3A_687] : memref<2609152xf32, #tpu.memory_space<hbm>> -> memref<2609152xf32, #tpu.memory_space<hbm>>
    tpu.wait_indirect_dma semaphore(%arg11 : memref<!tpu.dma_semaphore, #tpu.memory_space<semaphore_mem>>) src(%dma_wait3A_688 : memref<2609152xf32, #tpu.memory_space<hbm>>) dst(%dma_wait3A_684 : memref<128xf32, #tpu.memory_space<vmem>>)
    %dma_wait3A_689 = arith.constant 128 : i32
    %dma_wait3A_690 = tpu.memref_slice %arg9[%dma_wait3A_689] : memref<512xf32, #tpu.memory_space<vmem>> -> memref<128xf32, #tpu.memory_space<vmem>>
    %dma_wait3A_691 = arith.constant 128 : i32
    %dma_wait3A_692 = tpu.memref_slice %arg7[%dma_wait3A_691] : memref<512xi32, #tpu.memory_space<vmem>> -> memref<128xi32, #tpu.memory_space<vmem>>
    %dma_wait3A_693 = arith.constant 0 : i32
    %dma_wait3A_694 = tpu.memref_slice %arg3[%dma_wait3A_693] : memref<2609152xf32, #tpu.memory_space<hbm>> -> memref<2609152xf32, #tpu.memory_space<hbm>>
    tpu.wait_indirect_dma semaphore(%arg11 : memref<!tpu.dma_semaphore, #tpu.memory_space<semaphore_mem>>) src(%dma_wait3A_694 : memref<2609152xf32, #tpu.memory_space<hbm>>) dst(%dma_wait3A_690 : memref<128xf32, #tpu.memory_space<vmem>>)
    %dma_wait3A_695 = arith.constant 256 : i32
    %dma_wait3A_696 = tpu.memref_slice %arg9[%dma_wait3A_695] : memref<512xf32, #tpu.memory_space<vmem>> -> memref<128xf32, #tpu.memory_space<vmem>>
    %dma_wait3A_697 = arith.constant 256 : i32
    %dma_wait3A_698 = tpu.memref_slice %arg7[%dma_wait3A_697] : memref<512xi32, #tpu.memory_space<vmem>> -> memref<128xi32, #tpu.memory_space<vmem>>
    %dma_wait3A_699 = arith.constant 0 : i32
    %dma_wait3A_700 = tpu.memref_slice %arg3[%dma_wait3A_699] : memref<2609152xf32, #tpu.memory_space<hbm>> -> memref<2609152xf32, #tpu.memory_space<hbm>>
    tpu.wait_indirect_dma semaphore(%arg11 : memref<!tpu.dma_semaphore, #tpu.memory_space<semaphore_mem>>) src(%dma_wait3A_700 : memref<2609152xf32, #tpu.memory_space<hbm>>) dst(%dma_wait3A_696 : memref<128xf32, #tpu.memory_space<vmem>>)
    %dma_wait3A_701 = arith.constant 384 : i32
    %dma_wait3A_702 = tpu.memref_slice %arg9[%dma_wait3A_701] : memref<512xf32, #tpu.memory_space<vmem>> -> memref<128xf32, #tpu.memory_space<vmem>>
    %dma_wait3A_703 = arith.constant 384 : i32
    %dma_wait3A_704 = tpu.memref_slice %arg7[%dma_wait3A_703] : memref<512xi32, #tpu.memory_space<vmem>> -> memref<128xi32, #tpu.memory_space<vmem>>
    %dma_wait3A_705 = arith.constant 0 : i32
    %dma_wait3A_706 = tpu.memref_slice %arg3[%dma_wait3A_705] : memref<2609152xf32, #tpu.memory_space<hbm>> -> memref<2609152xf32, #tpu.memory_space<hbm>>
    tpu.wait_indirect_dma semaphore(%arg11 : memref<!tpu.dma_semaphore, #tpu.memory_space<semaphore_mem>>) src(%dma_wait3A_706 : memref<2609152xf32, #tpu.memory_space<hbm>>) dst(%dma_wait3A_702 : memref<128xf32, #tpu.memory_space<vmem>>)
    %scan3A_707 = arith.constant 0 : i32
    %scan3A_708 = arith.constant 0 : i32
    %scan3A_709 = arith.constant 32 : i32
    %scan3A_710 = arith.addi %scan3A_708, %scan3A_709 : i32
    %scan3A_711 = arith.constant 1 : i32
    scf.for %scan3A_1611 = %scan3A_708 to %scan3A_710 step %scan3A_711  : i32 {
      %mul3A_1612 = arith.constant 16 : i32
      %mul3A_1613 = arith.muli %scan3A_1611, %mul3A_1612 : i32
      %get3A = arith.index_cast %mul3A_1613 : i32 to index
      %get3A_1614 = tpu.vector_load %arg6[%get3A] {strides = array<i32>} : memref<512xf32, #tpu.memory_space<vmem>>, vector<16xf32>,
      %get3A_1615 = vector.shape_cast %get3A_1614 : vector<16xf32> to vector<16xf32>
      %get3A_1616 = arith.index_cast %mul3A_1613 : i32 to index
      %get3A_1617 = tpu.vector_load %arg9[%get3A_1616] {strides = array<i32>} : memref<512xf32, #tpu.memory_space<vmem>>, vector<16xf32>,
      %get3A_1618 = vector.shape_cast %get3A_1617 : vector<16xf32> to vector<16xf32>
      %add3A_1619 = arith.addf %get3A_1615, %get3A_1618 : vector<16xf32>
      %swap3A = arith.index_cast %mul3A_1613 : i32 to index
      %swap3A_1620 = tpu.vector_load %arg6[%swap3A] {strides = array<i32>} : memref<512xf32, #tpu.memory_space<vmem>>, vector<16xf32>,
      %swap3A_1621 = vector.shape_cast %swap3A_1620 : vector<16xf32> to vector<16xf32>
      %swap3A_1622 = vector.shape_cast %add3A_1619 : vector<16xf32> to vector<16xf32>
      tpu.vector_store %arg6[%swap3A], %swap3A_1622 {strides = array<i32>} : memref<512xf32, #tpu.memory_space<vmem>>, vector<16xf32>,
    }
    %scan3A_712 = arith.constant 32 : i32
    %run_scoped3A_713 = arith.constant 12 : i32
    "tpu.region"() ({
      %run_scoped3A_1611 = tpu.sem_alloc : memref<!tpu.dma_semaphore, #tpu.memory_space<semaphore_mem>>
      %dma_start3A_1612 = tpu.memref_slice %arg2[%run_scoped3A_713, %mul3A_2] : memref<26x16384xi32, #tpu.memory_space<hbm>> -> memref<1x512xi32, #tpu.memory_space<hbm>>
      %dma_start3A_1613 = tpu.memref_squeeze %dma_start3A_1612 : memref<1x512xi32, #tpu.memory_space<hbm>> -> memref<512xi32, #tpu.memory_space<hbm>>
      %dma_start3A_1614 = tpu.memref_slice %arg2[%run_scoped3A_713, %mul3A_2] : memref<26x16384xi32, #tpu.memory_space<hbm>> -> memref<1x512xi32, #tpu.memory_space<hbm>>
      %dma_start3A_1615 = tpu.memref_squeeze %dma_start3A_1614 : memref<1x512xi32, #tpu.memory_space<hbm>> -> memref<512xi32, #tpu.memory_space<hbm>>
      tpu.enqueue_dma source(%dma_start3A_1615 : memref<512xi32, #tpu.memory_space<hbm>>) target(%arg7 : memref<512xi32, #tpu.memory_space<vmem>>) target_semaphore(%run_scoped3A_1611 : memref<!tpu.dma_semaphore, #tpu.memory_space<semaphore_mem>>)
      %dma_wait3A_1616 = tpu.memref_slice %arg2[%run_scoped3A_713, %mul3A_2] : memref<26x16384xi32, #tpu.memory_space<hbm>> -> memref<1x512xi32, #tpu.memory_space<hbm>>
      %dma_wait3A_1617 = tpu.memref_squeeze %dma_wait3A_1616 : memref<1x512xi32, #tpu.memory_space<hbm>> -> memref<512xi32, #tpu.memory_space<hbm>>
      %dma_wait3A_1618 = tpu.memref_slice %arg2[%run_scoped3A_713, %mul3A_2] : memref<26x16384xi32, #tpu.memory_space<hbm>> -> memref<1x512xi32, #tpu.memory_space<hbm>>
      %dma_wait3A_1619 = tpu.memref_squeeze %dma_wait3A_1618 : memref<1x512xi32, #tpu.memory_space<hbm>> -> memref<512xi32, #tpu.memory_space<hbm>>
      tpu.wait_dma2 semaphore(%run_scoped3A_1611 : memref<!tpu.dma_semaphore, #tpu.memory_space<semaphore_mem>>) src(%dma_wait3A_1619 : memref<512xi32, #tpu.memory_space<hbm>>) dst(%arg7 : memref<512xi32, #tpu.memory_space<vmem>>)
      tpu.yield
    }) : () -> ()
    %scan3A_714 = arith.constant 0 : i32
    %scan3A_715 = arith.constant 1204224 : i32
    %scan3A_716 = arith.constant 0 : i32
    %scan3A_717 = arith.constant 32 : i32
    %scan3A_718 = arith.addi %scan3A_716, %scan3A_717 : i32
    %scan3A_719 = arith.constant 1 : i32
    scf.for %scan3A_1611 = %scan3A_716 to %scan3A_718 step %scan3A_719  : i32 {
      %mul3A_1612 = arith.constant 16 : i32
      %mul3A_1613 = arith.muli %scan3A_1611, %mul3A_1612 : i32
      %get3A = arith.index_cast %mul3A_1613 : i32 to index
      %get3A_1614 = tpu.vector_load %arg7[%get3A] {strides = array<i32>} : memref<512xi32, #tpu.memory_space<vmem>>, vector<16xi32>,
      %get3A_1615 = vector.shape_cast %get3A_1614 : vector<16xi32> to vector<16xi32>
      %add3A_1616 = vector.broadcast %scan3A_715 : i32 to vector<16xi32>
      %add3A_1617 = arith.addi %get3A_1615, %add3A_1616 : vector<16xi32>
      %swap3A = arith.index_cast %mul3A_1613 : i32 to index
      %swap3A_1618 = tpu.vector_load %arg7[%swap3A] {strides = array<i32>} : memref<512xi32, #tpu.memory_space<vmem>>, vector<16xi32>,
      %swap3A_1619 = vector.shape_cast %swap3A_1618 : vector<16xi32> to vector<16xi32>
      %swap3A_1620 = vector.shape_cast %add3A_1617 : vector<16xi32> to vector<16xi32>
      tpu.vector_store %arg7[%swap3A], %swap3A_1620 {strides = array<i32>} : memref<512xi32, #tpu.memory_space<vmem>>, vector<16xi32>,
    }
    %scan3A_720 = arith.constant 32 : i32
    %dma_start3A_721 = arith.constant 0 : i32
    %dma_start3A_722 = tpu.memref_slice %arg9[%dma_start3A_721] : memref<512xf32, #tpu.memory_space<vmem>> -> memref<128xf32, #tpu.memory_space<vmem>>
    %dma_start3A_723 = arith.constant 0 : i32
    %dma_start3A_724 = tpu.memref_slice %arg7[%dma_start3A_723] : memref<512xi32, #tpu.memory_space<vmem>> -> memref<128xi32, #tpu.memory_space<vmem>>
    %dma_start3A_725 = arith.constant 0 : i32
    %dma_start3A_726 = tpu.memref_slice %arg3[%dma_start3A_725] : memref<2609152xf32, #tpu.memory_space<hbm>> -> memref<2609152xf32, #tpu.memory_space<hbm>>
    tpu.enqueue_indirect_dma source(%dma_start3A_726 : memref<2609152xf32, #tpu.memory_space<hbm>>) target(%dma_start3A_722 : memref<128xf32, #tpu.memory_space<vmem>>) offsets(%dma_start3A_724 : memref<128xi32, #tpu.memory_space<vmem>>) semaphore(%arg11 : memref<!tpu.dma_semaphore, #tpu.memory_space<semaphore_mem>>)
    %dma_start3A_727 = arith.constant 128 : i32
    %dma_start3A_728 = tpu.memref_slice %arg9[%dma_start3A_727] : memref<512xf32, #tpu.memory_space<vmem>> -> memref<128xf32, #tpu.memory_space<vmem>>
    %dma_start3A_729 = arith.constant 128 : i32
    %dma_start3A_730 = tpu.memref_slice %arg7[%dma_start3A_729] : memref<512xi32, #tpu.memory_space<vmem>> -> memref<128xi32, #tpu.memory_space<vmem>>
    %dma_start3A_731 = arith.constant 0 : i32
    %dma_start3A_732 = tpu.memref_slice %arg3[%dma_start3A_731] : memref<2609152xf32, #tpu.memory_space<hbm>> -> memref<2609152xf32, #tpu.memory_space<hbm>>
    tpu.enqueue_indirect_dma source(%dma_start3A_732 : memref<2609152xf32, #tpu.memory_space<hbm>>) target(%dma_start3A_728 : memref<128xf32, #tpu.memory_space<vmem>>) offsets(%dma_start3A_730 : memref<128xi32, #tpu.memory_space<vmem>>) semaphore(%arg11 : memref<!tpu.dma_semaphore, #tpu.memory_space<semaphore_mem>>)
    %dma_start3A_733 = arith.constant 256 : i32
    %dma_start3A_734 = tpu.memref_slice %arg9[%dma_start3A_733] : memref<512xf32, #tpu.memory_space<vmem>> -> memref<128xf32, #tpu.memory_space<vmem>>
    %dma_start3A_735 = arith.constant 256 : i32
    %dma_start3A_736 = tpu.memref_slice %arg7[%dma_start3A_735] : memref<512xi32, #tpu.memory_space<vmem>> -> memref<128xi32, #tpu.memory_space<vmem>>
    %dma_start3A_737 = arith.constant 0 : i32
    %dma_start3A_738 = tpu.memref_slice %arg3[%dma_start3A_737] : memref<2609152xf32, #tpu.memory_space<hbm>> -> memref<2609152xf32, #tpu.memory_space<hbm>>
    tpu.enqueue_indirect_dma source(%dma_start3A_738 : memref<2609152xf32, #tpu.memory_space<hbm>>) target(%dma_start3A_734 : memref<128xf32, #tpu.memory_space<vmem>>) offsets(%dma_start3A_736 : memref<128xi32, #tpu.memory_space<vmem>>) semaphore(%arg11 : memref<!tpu.dma_semaphore, #tpu.memory_space<semaphore_mem>>)
    %dma_start3A_739 = arith.constant 384 : i32
    %dma_start3A_740 = tpu.memref_slice %arg9[%dma_start3A_739] : memref<512xf32, #tpu.memory_space<vmem>> -> memref<128xf32, #tpu.memory_space<vmem>>
    %dma_start3A_741 = arith.constant 384 : i32
    %dma_start3A_742 = tpu.memref_slice %arg7[%dma_start3A_741] : memref<512xi32, #tpu.memory_space<vmem>> -> memref<128xi32, #tpu.memory_space<vmem>>
    %dma_start3A_743 = arith.constant 0 : i32
    %dma_start3A_744 = tpu.memref_slice %arg3[%dma_start3A_743] : memref<2609152xf32, #tpu.memory_space<hbm>> -> memref<2609152xf32, #tpu.memory_space<hbm>>
    tpu.enqueue_indirect_dma source(%dma_start3A_744 : memref<2609152xf32, #tpu.memory_space<hbm>>) target(%dma_start3A_740 : memref<128xf32, #tpu.memory_space<vmem>>) offsets(%dma_start3A_742 : memref<128xi32, #tpu.memory_space<vmem>>) semaphore(%arg11 : memref<!tpu.dma_semaphore, #tpu.memory_space<semaphore_mem>>)
    %dma_wait3A_745 = arith.constant 0 : i32
    %dma_wait3A_746 = tpu.memref_slice %arg10[%dma_wait3A_745] : memref<512xf32, #tpu.memory_space<vmem>> -> memref<128xf32, #tpu.memory_space<vmem>>
    %dma_wait3A_747 = arith.constant 0 : i32
    %dma_wait3A_748 = tpu.memref_slice %arg8[%dma_wait3A_747] : memref<512xi32, #tpu.memory_space<vmem>> -> memref<128xi32, #tpu.memory_space<vmem>>
    %dma_wait3A_749 = arith.constant 0 : i32
    %dma_wait3A_750 = tpu.memref_slice %arg3[%dma_wait3A_749] : memref<2609152xf32, #tpu.memory_space<hbm>> -> memref<2609152xf32, #tpu.memory_space<hbm>>
    tpu.wait_indirect_dma semaphore(%arg12 : memref<!tpu.dma_semaphore, #tpu.memory_space<semaphore_mem>>) src(%dma_wait3A_750 : memref<2609152xf32, #tpu.memory_space<hbm>>) dst(%dma_wait3A_746 : memref<128xf32, #tpu.memory_space<vmem>>)
    %dma_wait3A_751 = arith.constant 128 : i32
    %dma_wait3A_752 = tpu.memref_slice %arg10[%dma_wait3A_751] : memref<512xf32, #tpu.memory_space<vmem>> -> memref<128xf32, #tpu.memory_space<vmem>>
    %dma_wait3A_753 = arith.constant 128 : i32
    %dma_wait3A_754 = tpu.memref_slice %arg8[%dma_wait3A_753] : memref<512xi32, #tpu.memory_space<vmem>> -> memref<128xi32, #tpu.memory_space<vmem>>
    %dma_wait3A_755 = arith.constant 0 : i32
    %dma_wait3A_756 = tpu.memref_slice %arg3[%dma_wait3A_755] : memref<2609152xf32, #tpu.memory_space<hbm>> -> memref<2609152xf32, #tpu.memory_space<hbm>>
    tpu.wait_indirect_dma semaphore(%arg12 : memref<!tpu.dma_semaphore, #tpu.memory_space<semaphore_mem>>) src(%dma_wait3A_756 : memref<2609152xf32, #tpu.memory_space<hbm>>) dst(%dma_wait3A_752 : memref<128xf32, #tpu.memory_space<vmem>>)
    %dma_wait3A_757 = arith.constant 256 : i32
    %dma_wait3A_758 = tpu.memref_slice %arg10[%dma_wait3A_757] : memref<512xf32, #tpu.memory_space<vmem>> -> memref<128xf32, #tpu.memory_space<vmem>>
    %dma_wait3A_759 = arith.constant 256 : i32
    %dma_wait3A_760 = tpu.memref_slice %arg8[%dma_wait3A_759] : memref<512xi32, #tpu.memory_space<vmem>> -> memref<128xi32, #tpu.memory_space<vmem>>
    %dma_wait3A_761 = arith.constant 0 : i32
    %dma_wait3A_762 = tpu.memref_slice %arg3[%dma_wait3A_761] : memref<2609152xf32, #tpu.memory_space<hbm>> -> memref<2609152xf32, #tpu.memory_space<hbm>>
    tpu.wait_indirect_dma semaphore(%arg12 : memref<!tpu.dma_semaphore, #tpu.memory_space<semaphore_mem>>) src(%dma_wait3A_762 : memref<2609152xf32, #tpu.memory_space<hbm>>) dst(%dma_wait3A_758 : memref<128xf32, #tpu.memory_space<vmem>>)
    %dma_wait3A_763 = arith.constant 384 : i32
    %dma_wait3A_764 = tpu.memref_slice %arg10[%dma_wait3A_763] : memref<512xf32, #tpu.memory_space<vmem>> -> memref<128xf32, #tpu.memory_space<vmem>>
    %dma_wait3A_765 = arith.constant 384 : i32
    %dma_wait3A_766 = tpu.memref_slice %arg8[%dma_wait3A_765] : memref<512xi32, #tpu.memory_space<vmem>> -> memref<128xi32, #tpu.memory_space<vmem>>
    %dma_wait3A_767 = arith.constant 0 : i32
    %dma_wait3A_768 = tpu.memref_slice %arg3[%dma_wait3A_767] : memref<2609152xf32, #tpu.memory_space<hbm>> -> memref<2609152xf32, #tpu.memory_space<hbm>>
    tpu.wait_indirect_dma semaphore(%arg12 : memref<!tpu.dma_semaphore, #tpu.memory_space<semaphore_mem>>) src(%dma_wait3A_768 : memref<2609152xf32, #tpu.memory_space<hbm>>) dst(%dma_wait3A_764 : memref<128xf32, #tpu.memory_space<vmem>>)
    %scan3A_769 = arith.constant 0 : i32
    %scan3A_770 = arith.constant 0 : i32
    %scan3A_771 = arith.constant 32 : i32
    %scan3A_772 = arith.addi %scan3A_770, %scan3A_771 : i32
    %scan3A_773 = arith.constant 1 : i32
    scf.for %scan3A_1611 = %scan3A_770 to %scan3A_772 step %scan3A_773  : i32 {
      %mul3A_1612 = arith.constant 16 : i32
      %mul3A_1613 = arith.muli %scan3A_1611, %mul3A_1612 : i32
      %get3A = arith.index_cast %mul3A_1613 : i32 to index
      %get3A_1614 = tpu.vector_load %arg6[%get3A] {strides = array<i32>} : memref<512xf32, #tpu.memory_space<vmem>>, vector<16xf32>,
      %get3A_1615 = vector.shape_cast %get3A_1614 : vector<16xf32> to vector<16xf32>
      %get3A_1616 = arith.index_cast %mul3A_1613 : i32 to index
      %get3A_1617 = tpu.vector_load %arg10[%get3A_1616] {strides = array<i32>} : memref<512xf32, #tpu.memory_space<vmem>>, vector<16xf32>,
      %get3A_1618 = vector.shape_cast %get3A_1617 : vector<16xf32> to vector<16xf32>
      %add3A_1619 = arith.addf %get3A_1615, %get3A_1618 : vector<16xf32>
      %swap3A = arith.index_cast %mul3A_1613 : i32 to index
      %swap3A_1620 = tpu.vector_load %arg6[%swap3A] {strides = array<i32>} : memref<512xf32, #tpu.memory_space<vmem>>, vector<16xf32>,
      %swap3A_1621 = vector.shape_cast %swap3A_1620 : vector<16xf32> to vector<16xf32>
      %swap3A_1622 = vector.shape_cast %add3A_1619 : vector<16xf32> to vector<16xf32>
      tpu.vector_store %arg6[%swap3A], %swap3A_1622 {strides = array<i32>} : memref<512xf32, #tpu.memory_space<vmem>>, vector<16xf32>,
    }
    %scan3A_774 = arith.constant 32 : i32
    %run_scoped3A_775 = arith.constant 13 : i32
    "tpu.region"() ({
      %run_scoped3A_1611 = tpu.sem_alloc : memref<!tpu.dma_semaphore, #tpu.memory_space<semaphore_mem>>
      %dma_start3A_1612 = tpu.memref_slice %arg2[%run_scoped3A_775, %mul3A_2] : memref<26x16384xi32, #tpu.memory_space<hbm>> -> memref<1x512xi32, #tpu.memory_space<hbm>>
      %dma_start3A_1613 = tpu.memref_squeeze %dma_start3A_1612 : memref<1x512xi32, #tpu.memory_space<hbm>> -> memref<512xi32, #tpu.memory_space<hbm>>
      %dma_start3A_1614 = tpu.memref_slice %arg2[%run_scoped3A_775, %mul3A_2] : memref<26x16384xi32, #tpu.memory_space<hbm>> -> memref<1x512xi32, #tpu.memory_space<hbm>>
      %dma_start3A_1615 = tpu.memref_squeeze %dma_start3A_1614 : memref<1x512xi32, #tpu.memory_space<hbm>> -> memref<512xi32, #tpu.memory_space<hbm>>
      tpu.enqueue_dma source(%dma_start3A_1615 : memref<512xi32, #tpu.memory_space<hbm>>) target(%arg8 : memref<512xi32, #tpu.memory_space<vmem>>) target_semaphore(%run_scoped3A_1611 : memref<!tpu.dma_semaphore, #tpu.memory_space<semaphore_mem>>)
      %dma_wait3A_1616 = tpu.memref_slice %arg2[%run_scoped3A_775, %mul3A_2] : memref<26x16384xi32, #tpu.memory_space<hbm>> -> memref<1x512xi32, #tpu.memory_space<hbm>>
      %dma_wait3A_1617 = tpu.memref_squeeze %dma_wait3A_1616 : memref<1x512xi32, #tpu.memory_space<hbm>> -> memref<512xi32, #tpu.memory_space<hbm>>
      %dma_wait3A_1618 = tpu.memref_slice %arg2[%run_scoped3A_775, %mul3A_2] : memref<26x16384xi32, #tpu.memory_space<hbm>> -> memref<1x512xi32, #tpu.memory_space<hbm>>
      %dma_wait3A_1619 = tpu.memref_squeeze %dma_wait3A_1618 : memref<1x512xi32, #tpu.memory_space<hbm>> -> memref<512xi32, #tpu.memory_space<hbm>>
      tpu.wait_dma2 semaphore(%run_scoped3A_1611 : memref<!tpu.dma_semaphore, #tpu.memory_space<semaphore_mem>>) src(%dma_wait3A_1619 : memref<512xi32, #tpu.memory_space<hbm>>) dst(%arg8 : memref<512xi32, #tpu.memory_space<vmem>>)
      tpu.yield
    }) : () -> ()
    %scan3A_776 = arith.constant 0 : i32
    %scan3A_777 = arith.constant 1304576 : i32
    %scan3A_778 = arith.constant 0 : i32
    %scan3A_779 = arith.constant 32 : i32
    %scan3A_780 = arith.addi %scan3A_778, %scan3A_779 : i32
    %scan3A_781 = arith.constant 1 : i32
    scf.for %scan3A_1611 = %scan3A_778 to %scan3A_780 step %scan3A_781  : i32 {
      %mul3A_1612 = arith.constant 16 : i32
      %mul3A_1613 = arith.muli %scan3A_1611, %mul3A_1612 : i32
      %get3A = arith.index_cast %mul3A_1613 : i32 to index
      %get3A_1614 = tpu.vector_load %arg8[%get3A] {strides = array<i32>} : memref<512xi32, #tpu.memory_space<vmem>>, vector<16xi32>,
      %get3A_1615 = vector.shape_cast %get3A_1614 : vector<16xi32> to vector<16xi32>
      %add3A_1616 = vector.broadcast %scan3A_777 : i32 to vector<16xi32>
      %add3A_1617 = arith.addi %get3A_1615, %add3A_1616 : vector<16xi32>
      %swap3A = arith.index_cast %mul3A_1613 : i32 to index
      %swap3A_1618 = tpu.vector_load %arg8[%swap3A] {strides = array<i32>} : memref<512xi32, #tpu.memory_space<vmem>>, vector<16xi32>,
      %swap3A_1619 = vector.shape_cast %swap3A_1618 : vector<16xi32> to vector<16xi32>
      %swap3A_1620 = vector.shape_cast %add3A_1617 : vector<16xi32> to vector<16xi32>
      tpu.vector_store %arg8[%swap3A], %swap3A_1620 {strides = array<i32>} : memref<512xi32, #tpu.memory_space<vmem>>, vector<16xi32>,
    }
    %scan3A_782 = arith.constant 32 : i32
    %dma_start3A_783 = arith.constant 0 : i32
    %dma_start3A_784 = tpu.memref_slice %arg10[%dma_start3A_783] : memref<512xf32, #tpu.memory_space<vmem>> -> memref<128xf32, #tpu.memory_space<vmem>>
    %dma_start3A_785 = arith.constant 0 : i32
    %dma_start3A_786 = tpu.memref_slice %arg8[%dma_start3A_785] : memref<512xi32, #tpu.memory_space<vmem>> -> memref<128xi32, #tpu.memory_space<vmem>>
    %dma_start3A_787 = arith.constant 0 : i32
    %dma_start3A_788 = tpu.memref_slice %arg3[%dma_start3A_787] : memref<2609152xf32, #tpu.memory_space<hbm>> -> memref<2609152xf32, #tpu.memory_space<hbm>>
    tpu.enqueue_indirect_dma source(%dma_start3A_788 : memref<2609152xf32, #tpu.memory_space<hbm>>) target(%dma_start3A_784 : memref<128xf32, #tpu.memory_space<vmem>>) offsets(%dma_start3A_786 : memref<128xi32, #tpu.memory_space<vmem>>) semaphore(%arg12 : memref<!tpu.dma_semaphore, #tpu.memory_space<semaphore_mem>>)
    %dma_start3A_789 = arith.constant 128 : i32
    %dma_start3A_790 = tpu.memref_slice %arg10[%dma_start3A_789] : memref<512xf32, #tpu.memory_space<vmem>> -> memref<128xf32, #tpu.memory_space<vmem>>
    %dma_start3A_791 = arith.constant 128 : i32
    %dma_start3A_792 = tpu.memref_slice %arg8[%dma_start3A_791] : memref<512xi32, #tpu.memory_space<vmem>> -> memref<128xi32, #tpu.memory_space<vmem>>
    %dma_start3A_793 = arith.constant 0 : i32
    %dma_start3A_794 = tpu.memref_slice %arg3[%dma_start3A_793] : memref<2609152xf32, #tpu.memory_space<hbm>> -> memref<2609152xf32, #tpu.memory_space<hbm>>
    tpu.enqueue_indirect_dma source(%dma_start3A_794 : memref<2609152xf32, #tpu.memory_space<hbm>>) target(%dma_start3A_790 : memref<128xf32, #tpu.memory_space<vmem>>) offsets(%dma_start3A_792 : memref<128xi32, #tpu.memory_space<vmem>>) semaphore(%arg12 : memref<!tpu.dma_semaphore, #tpu.memory_space<semaphore_mem>>)
    %dma_start3A_795 = arith.constant 256 : i32
    %dma_start3A_796 = tpu.memref_slice %arg10[%dma_start3A_795] : memref<512xf32, #tpu.memory_space<vmem>> -> memref<128xf32, #tpu.memory_space<vmem>>
    %dma_start3A_797 = arith.constant 256 : i32
    %dma_start3A_798 = tpu.memref_slice %arg8[%dma_start3A_797] : memref<512xi32, #tpu.memory_space<vmem>> -> memref<128xi32, #tpu.memory_space<vmem>>
    %dma_start3A_799 = arith.constant 0 : i32
    %dma_start3A_800 = tpu.memref_slice %arg3[%dma_start3A_799] : memref<2609152xf32, #tpu.memory_space<hbm>> -> memref<2609152xf32, #tpu.memory_space<hbm>>
    tpu.enqueue_indirect_dma source(%dma_start3A_800 : memref<2609152xf32, #tpu.memory_space<hbm>>) target(%dma_start3A_796 : memref<128xf32, #tpu.memory_space<vmem>>) offsets(%dma_start3A_798 : memref<128xi32, #tpu.memory_space<vmem>>) semaphore(%arg12 : memref<!tpu.dma_semaphore, #tpu.memory_space<semaphore_mem>>)
    %dma_start3A_801 = arith.constant 384 : i32
    %dma_start3A_802 = tpu.memref_slice %arg10[%dma_start3A_801] : memref<512xf32, #tpu.memory_space<vmem>> -> memref<128xf32, #tpu.memory_space<vmem>>
    %dma_start3A_803 = arith.constant 384 : i32
    %dma_start3A_804 = tpu.memref_slice %arg8[%dma_start3A_803] : memref<512xi32, #tpu.memory_space<vmem>> -> memref<128xi32, #tpu.memory_space<vmem>>
    %dma_start3A_805 = arith.constant 0 : i32
    %dma_start3A_806 = tpu.memref_slice %arg3[%dma_start3A_805] : memref<2609152xf32, #tpu.memory_space<hbm>> -> memref<2609152xf32, #tpu.memory_space<hbm>>
    tpu.enqueue_indirect_dma source(%dma_start3A_806 : memref<2609152xf32, #tpu.memory_space<hbm>>) target(%dma_start3A_802 : memref<128xf32, #tpu.memory_space<vmem>>) offsets(%dma_start3A_804 : memref<128xi32, #tpu.memory_space<vmem>>) semaphore(%arg12 : memref<!tpu.dma_semaphore, #tpu.memory_space<semaphore_mem>>)
    %dma_wait3A_807 = arith.constant 0 : i32
    %dma_wait3A_808 = tpu.memref_slice %arg9[%dma_wait3A_807] : memref<512xf32, #tpu.memory_space<vmem>> -> memref<128xf32, #tpu.memory_space<vmem>>
    %dma_wait3A_809 = arith.constant 0 : i32
    %dma_wait3A_810 = tpu.memref_slice %arg7[%dma_wait3A_809] : memref<512xi32, #tpu.memory_space<vmem>> -> memref<128xi32, #tpu.memory_space<vmem>>
    %dma_wait3A_811 = arith.constant 0 : i32
    %dma_wait3A_812 = tpu.memref_slice %arg3[%dma_wait3A_811] : memref<2609152xf32, #tpu.memory_space<hbm>> -> memref<2609152xf32, #tpu.memory_space<hbm>>
    tpu.wait_indirect_dma semaphore(%arg11 : memref<!tpu.dma_semaphore, #tpu.memory_space<semaphore_mem>>) src(%dma_wait3A_812 : memref<2609152xf32, #tpu.memory_space<hbm>>) dst(%dma_wait3A_808 : memref<128xf32, #tpu.memory_space<vmem>>)
    %dma_wait3A_813 = arith.constant 128 : i32
    %dma_wait3A_814 = tpu.memref_slice %arg9[%dma_wait3A_813] : memref<512xf32, #tpu.memory_space<vmem>> -> memref<128xf32, #tpu.memory_space<vmem>>
    %dma_wait3A_815 = arith.constant 128 : i32
    %dma_wait3A_816 = tpu.memref_slice %arg7[%dma_wait3A_815] : memref<512xi32, #tpu.memory_space<vmem>> -> memref<128xi32, #tpu.memory_space<vmem>>
    %dma_wait3A_817 = arith.constant 0 : i32
    %dma_wait3A_818 = tpu.memref_slice %arg3[%dma_wait3A_817] : memref<2609152xf32, #tpu.memory_space<hbm>> -> memref<2609152xf32, #tpu.memory_space<hbm>>
    tpu.wait_indirect_dma semaphore(%arg11 : memref<!tpu.dma_semaphore, #tpu.memory_space<semaphore_mem>>) src(%dma_wait3A_818 : memref<2609152xf32, #tpu.memory_space<hbm>>) dst(%dma_wait3A_814 : memref<128xf32, #tpu.memory_space<vmem>>)
    %dma_wait3A_819 = arith.constant 256 : i32
    %dma_wait3A_820 = tpu.memref_slice %arg9[%dma_wait3A_819] : memref<512xf32, #tpu.memory_space<vmem>> -> memref<128xf32, #tpu.memory_space<vmem>>
    %dma_wait3A_821 = arith.constant 256 : i32
    %dma_wait3A_822 = tpu.memref_slice %arg7[%dma_wait3A_821] : memref<512xi32, #tpu.memory_space<vmem>> -> memref<128xi32, #tpu.memory_space<vmem>>
    %dma_wait3A_823 = arith.constant 0 : i32
    %dma_wait3A_824 = tpu.memref_slice %arg3[%dma_wait3A_823] : memref<2609152xf32, #tpu.memory_space<hbm>> -> memref<2609152xf32, #tpu.memory_space<hbm>>
    tpu.wait_indirect_dma semaphore(%arg11 : memref<!tpu.dma_semaphore, #tpu.memory_space<semaphore_mem>>) src(%dma_wait3A_824 : memref<2609152xf32, #tpu.memory_space<hbm>>) dst(%dma_wait3A_820 : memref<128xf32, #tpu.memory_space<vmem>>)
    %dma_wait3A_825 = arith.constant 384 : i32
    %dma_wait3A_826 = tpu.memref_slice %arg9[%dma_wait3A_825] : memref<512xf32, #tpu.memory_space<vmem>> -> memref<128xf32, #tpu.memory_space<vmem>>
    %dma_wait3A_827 = arith.constant 384 : i32
    %dma_wait3A_828 = tpu.memref_slice %arg7[%dma_wait3A_827] : memref<512xi32, #tpu.memory_space<vmem>> -> memref<128xi32, #tpu.memory_space<vmem>>
    %dma_wait3A_829 = arith.constant 0 : i32
    %dma_wait3A_830 = tpu.memref_slice %arg3[%dma_wait3A_829] : memref<2609152xf32, #tpu.memory_space<hbm>> -> memref<2609152xf32, #tpu.memory_space<hbm>>
    tpu.wait_indirect_dma semaphore(%arg11 : memref<!tpu.dma_semaphore, #tpu.memory_space<semaphore_mem>>) src(%dma_wait3A_830 : memref<2609152xf32, #tpu.memory_space<hbm>>) dst(%dma_wait3A_826 : memref<128xf32, #tpu.memory_space<vmem>>)
    %scan3A_831 = arith.constant 0 : i32
    %scan3A_832 = arith.constant 0 : i32
    %scan3A_833 = arith.constant 32 : i32
    %scan3A_834 = arith.addi %scan3A_832, %scan3A_833 : i32
    %scan3A_835 = arith.constant 1 : i32
    scf.for %scan3A_1611 = %scan3A_832 to %scan3A_834 step %scan3A_835  : i32 {
      %mul3A_1612 = arith.constant 16 : i32
      %mul3A_1613 = arith.muli %scan3A_1611, %mul3A_1612 : i32
      %get3A = arith.index_cast %mul3A_1613 : i32 to index
      %get3A_1614 = tpu.vector_load %arg6[%get3A] {strides = array<i32>} : memref<512xf32, #tpu.memory_space<vmem>>, vector<16xf32>,
      %get3A_1615 = vector.shape_cast %get3A_1614 : vector<16xf32> to vector<16xf32>
      %get3A_1616 = arith.index_cast %mul3A_1613 : i32 to index
      %get3A_1617 = tpu.vector_load %arg9[%get3A_1616] {strides = array<i32>} : memref<512xf32, #tpu.memory_space<vmem>>, vector<16xf32>,
      %get3A_1618 = vector.shape_cast %get3A_1617 : vector<16xf32> to vector<16xf32>
      %add3A_1619 = arith.addf %get3A_1615, %get3A_1618 : vector<16xf32>
      %swap3A = arith.index_cast %mul3A_1613 : i32 to index
      %swap3A_1620 = tpu.vector_load %arg6[%swap3A] {strides = array<i32>} : memref<512xf32, #tpu.memory_space<vmem>>, vector<16xf32>,
      %swap3A_1621 = vector.shape_cast %swap3A_1620 : vector<16xf32> to vector<16xf32>
      %swap3A_1622 = vector.shape_cast %add3A_1619 : vector<16xf32> to vector<16xf32>
      tpu.vector_store %arg6[%swap3A], %swap3A_1622 {strides = array<i32>} : memref<512xf32, #tpu.memory_space<vmem>>, vector<16xf32>,
    }
    %scan3A_836 = arith.constant 32 : i32
    %run_scoped3A_837 = arith.constant 14 : i32
    "tpu.region"() ({
      %run_scoped3A_1611 = tpu.sem_alloc : memref<!tpu.dma_semaphore, #tpu.memory_space<semaphore_mem>>
      %dma_start3A_1612 = tpu.memref_slice %arg2[%run_scoped3A_837, %mul3A_2] : memref<26x16384xi32, #tpu.memory_space<hbm>> -> memref<1x512xi32, #tpu.memory_space<hbm>>
      %dma_start3A_1613 = tpu.memref_squeeze %dma_start3A_1612 : memref<1x512xi32, #tpu.memory_space<hbm>> -> memref<512xi32, #tpu.memory_space<hbm>>
      %dma_start3A_1614 = tpu.memref_slice %arg2[%run_scoped3A_837, %mul3A_2] : memref<26x16384xi32, #tpu.memory_space<hbm>> -> memref<1x512xi32, #tpu.memory_space<hbm>>
      %dma_start3A_1615 = tpu.memref_squeeze %dma_start3A_1614 : memref<1x512xi32, #tpu.memory_space<hbm>> -> memref<512xi32, #tpu.memory_space<hbm>>
      tpu.enqueue_dma source(%dma_start3A_1615 : memref<512xi32, #tpu.memory_space<hbm>>) target(%arg7 : memref<512xi32, #tpu.memory_space<vmem>>) target_semaphore(%run_scoped3A_1611 : memref<!tpu.dma_semaphore, #tpu.memory_space<semaphore_mem>>)
      %dma_wait3A_1616 = tpu.memref_slice %arg2[%run_scoped3A_837, %mul3A_2] : memref<26x16384xi32, #tpu.memory_space<hbm>> -> memref<1x512xi32, #tpu.memory_space<hbm>>
      %dma_wait3A_1617 = tpu.memref_squeeze %dma_wait3A_1616 : memref<1x512xi32, #tpu.memory_space<hbm>> -> memref<512xi32, #tpu.memory_space<hbm>>
      %dma_wait3A_1618 = tpu.memref_slice %arg2[%run_scoped3A_837, %mul3A_2] : memref<26x16384xi32, #tpu.memory_space<hbm>> -> memref<1x512xi32, #tpu.memory_space<hbm>>
      %dma_wait3A_1619 = tpu.memref_squeeze %dma_wait3A_1618 : memref<1x512xi32, #tpu.memory_space<hbm>> -> memref<512xi32, #tpu.memory_space<hbm>>
      tpu.wait_dma2 semaphore(%run_scoped3A_1611 : memref<!tpu.dma_semaphore, #tpu.memory_space<semaphore_mem>>) src(%dma_wait3A_1619 : memref<512xi32, #tpu.memory_space<hbm>>) dst(%arg7 : memref<512xi32, #tpu.memory_space<vmem>>)
      tpu.yield
    }) : () -> ()
    %scan3A_838 = arith.constant 0 : i32
    %scan3A_839 = arith.constant 1404928 : i32
    %scan3A_840 = arith.constant 0 : i32
    %scan3A_841 = arith.constant 32 : i32
    %scan3A_842 = arith.addi %scan3A_840, %scan3A_841 : i32
    %scan3A_843 = arith.constant 1 : i32
    scf.for %scan3A_1611 = %scan3A_840 to %scan3A_842 step %scan3A_843  : i32 {
      %mul3A_1612 = arith.constant 16 : i32
      %mul3A_1613 = arith.muli %scan3A_1611, %mul3A_1612 : i32
      %get3A = arith.index_cast %mul3A_1613 : i32 to index
      %get3A_1614 = tpu.vector_load %arg7[%get3A] {strides = array<i32>} : memref<512xi32, #tpu.memory_space<vmem>>, vector<16xi32>,
      %get3A_1615 = vector.shape_cast %get3A_1614 : vector<16xi32> to vector<16xi32>
      %add3A_1616 = vector.broadcast %scan3A_839 : i32 to vector<16xi32>
      %add3A_1617 = arith.addi %get3A_1615, %add3A_1616 : vector<16xi32>
      %swap3A = arith.index_cast %mul3A_1613 : i32 to index
      %swap3A_1618 = tpu.vector_load %arg7[%swap3A] {strides = array<i32>} : memref<512xi32, #tpu.memory_space<vmem>>, vector<16xi32>,
      %swap3A_1619 = vector.shape_cast %swap3A_1618 : vector<16xi32> to vector<16xi32>
      %swap3A_1620 = vector.shape_cast %add3A_1617 : vector<16xi32> to vector<16xi32>
      tpu.vector_store %arg7[%swap3A], %swap3A_1620 {strides = array<i32>} : memref<512xi32, #tpu.memory_space<vmem>>, vector<16xi32>,
    }
    %scan3A_844 = arith.constant 32 : i32
    %dma_start3A_845 = arith.constant 0 : i32
    %dma_start3A_846 = tpu.memref_slice %arg9[%dma_start3A_845] : memref<512xf32, #tpu.memory_space<vmem>> -> memref<128xf32, #tpu.memory_space<vmem>>
    %dma_start3A_847 = arith.constant 0 : i32
    %dma_start3A_848 = tpu.memref_slice %arg7[%dma_start3A_847] : memref<512xi32, #tpu.memory_space<vmem>> -> memref<128xi32, #tpu.memory_space<vmem>>
    %dma_start3A_849 = arith.constant 0 : i32
    %dma_start3A_850 = tpu.memref_slice %arg3[%dma_start3A_849] : memref<2609152xf32, #tpu.memory_space<hbm>> -> memref<2609152xf32, #tpu.memory_space<hbm>>
    tpu.enqueue_indirect_dma source(%dma_start3A_850 : memref<2609152xf32, #tpu.memory_space<hbm>>) target(%dma_start3A_846 : memref<128xf32, #tpu.memory_space<vmem>>) offsets(%dma_start3A_848 : memref<128xi32, #tpu.memory_space<vmem>>) semaphore(%arg11 : memref<!tpu.dma_semaphore, #tpu.memory_space<semaphore_mem>>)
    %dma_start3A_851 = arith.constant 128 : i32
    %dma_start3A_852 = tpu.memref_slice %arg9[%dma_start3A_851] : memref<512xf32, #tpu.memory_space<vmem>> -> memref<128xf32, #tpu.memory_space<vmem>>
    %dma_start3A_853 = arith.constant 128 : i32
    %dma_start3A_854 = tpu.memref_slice %arg7[%dma_start3A_853] : memref<512xi32, #tpu.memory_space<vmem>> -> memref<128xi32, #tpu.memory_space<vmem>>
    %dma_start3A_855 = arith.constant 0 : i32
    %dma_start3A_856 = tpu.memref_slice %arg3[%dma_start3A_855] : memref<2609152xf32, #tpu.memory_space<hbm>> -> memref<2609152xf32, #tpu.memory_space<hbm>>
    tpu.enqueue_indirect_dma source(%dma_start3A_856 : memref<2609152xf32, #tpu.memory_space<hbm>>) target(%dma_start3A_852 : memref<128xf32, #tpu.memory_space<vmem>>) offsets(%dma_start3A_854 : memref<128xi32, #tpu.memory_space<vmem>>) semaphore(%arg11 : memref<!tpu.dma_semaphore, #tpu.memory_space<semaphore_mem>>)
    %dma_start3A_857 = arith.constant 256 : i32
    %dma_start3A_858 = tpu.memref_slice %arg9[%dma_start3A_857] : memref<512xf32, #tpu.memory_space<vmem>> -> memref<128xf32, #tpu.memory_space<vmem>>
    %dma_start3A_859 = arith.constant 256 : i32
    %dma_start3A_860 = tpu.memref_slice %arg7[%dma_start3A_859] : memref<512xi32, #tpu.memory_space<vmem>> -> memref<128xi32, #tpu.memory_space<vmem>>
    %dma_start3A_861 = arith.constant 0 : i32
    %dma_start3A_862 = tpu.memref_slice %arg3[%dma_start3A_861] : memref<2609152xf32, #tpu.memory_space<hbm>> -> memref<2609152xf32, #tpu.memory_space<hbm>>
    tpu.enqueue_indirect_dma source(%dma_start3A_862 : memref<2609152xf32, #tpu.memory_space<hbm>>) target(%dma_start3A_858 : memref<128xf32, #tpu.memory_space<vmem>>) offsets(%dma_start3A_860 : memref<128xi32, #tpu.memory_space<vmem>>) semaphore(%arg11 : memref<!tpu.dma_semaphore, #tpu.memory_space<semaphore_mem>>)
    %dma_start3A_863 = arith.constant 384 : i32
    %dma_start3A_864 = tpu.memref_slice %arg9[%dma_start3A_863] : memref<512xf32, #tpu.memory_space<vmem>> -> memref<128xf32, #tpu.memory_space<vmem>>
    %dma_start3A_865 = arith.constant 384 : i32
    %dma_start3A_866 = tpu.memref_slice %arg7[%dma_start3A_865] : memref<512xi32, #tpu.memory_space<vmem>> -> memref<128xi32, #tpu.memory_space<vmem>>
    %dma_start3A_867 = arith.constant 0 : i32
    %dma_start3A_868 = tpu.memref_slice %arg3[%dma_start3A_867] : memref<2609152xf32, #tpu.memory_space<hbm>> -> memref<2609152xf32, #tpu.memory_space<hbm>>
    tpu.enqueue_indirect_dma source(%dma_start3A_868 : memref<2609152xf32, #tpu.memory_space<hbm>>) target(%dma_start3A_864 : memref<128xf32, #tpu.memory_space<vmem>>) offsets(%dma_start3A_866 : memref<128xi32, #tpu.memory_space<vmem>>) semaphore(%arg11 : memref<!tpu.dma_semaphore, #tpu.memory_space<semaphore_mem>>)
    %dma_wait3A_869 = arith.constant 0 : i32
    %dma_wait3A_870 = tpu.memref_slice %arg10[%dma_wait3A_869] : memref<512xf32, #tpu.memory_space<vmem>> -> memref<128xf32, #tpu.memory_space<vmem>>
    %dma_wait3A_871 = arith.constant 0 : i32
    %dma_wait3A_872 = tpu.memref_slice %arg8[%dma_wait3A_871] : memref<512xi32, #tpu.memory_space<vmem>> -> memref<128xi32, #tpu.memory_space<vmem>>
    %dma_wait3A_873 = arith.constant 0 : i32
    %dma_wait3A_874 = tpu.memref_slice %arg3[%dma_wait3A_873] : memref<2609152xf32, #tpu.memory_space<hbm>> -> memref<2609152xf32, #tpu.memory_space<hbm>>
    tpu.wait_indirect_dma semaphore(%arg12 : memref<!tpu.dma_semaphore, #tpu.memory_space<semaphore_mem>>) src(%dma_wait3A_874 : memref<2609152xf32, #tpu.memory_space<hbm>>) dst(%dma_wait3A_870 : memref<128xf32, #tpu.memory_space<vmem>>)
    %dma_wait3A_875 = arith.constant 128 : i32
    %dma_wait3A_876 = tpu.memref_slice %arg10[%dma_wait3A_875] : memref<512xf32, #tpu.memory_space<vmem>> -> memref<128xf32, #tpu.memory_space<vmem>>
    %dma_wait3A_877 = arith.constant 128 : i32
    %dma_wait3A_878 = tpu.memref_slice %arg8[%dma_wait3A_877] : memref<512xi32, #tpu.memory_space<vmem>> -> memref<128xi32, #tpu.memory_space<vmem>>
    %dma_wait3A_879 = arith.constant 0 : i32
    %dma_wait3A_880 = tpu.memref_slice %arg3[%dma_wait3A_879] : memref<2609152xf32, #tpu.memory_space<hbm>> -> memref<2609152xf32, #tpu.memory_space<hbm>>
    tpu.wait_indirect_dma semaphore(%arg12 : memref<!tpu.dma_semaphore, #tpu.memory_space<semaphore_mem>>) src(%dma_wait3A_880 : memref<2609152xf32, #tpu.memory_space<hbm>>) dst(%dma_wait3A_876 : memref<128xf32, #tpu.memory_space<vmem>>)
    %dma_wait3A_881 = arith.constant 256 : i32
    %dma_wait3A_882 = tpu.memref_slice %arg10[%dma_wait3A_881] : memref<512xf32, #tpu.memory_space<vmem>> -> memref<128xf32, #tpu.memory_space<vmem>>
    %dma_wait3A_883 = arith.constant 256 : i32
    %dma_wait3A_884 = tpu.memref_slice %arg8[%dma_wait3A_883] : memref<512xi32, #tpu.memory_space<vmem>> -> memref<128xi32, #tpu.memory_space<vmem>>
    %dma_wait3A_885 = arith.constant 0 : i32
    %dma_wait3A_886 = tpu.memref_slice %arg3[%dma_wait3A_885] : memref<2609152xf32, #tpu.memory_space<hbm>> -> memref<2609152xf32, #tpu.memory_space<hbm>>
    tpu.wait_indirect_dma semaphore(%arg12 : memref<!tpu.dma_semaphore, #tpu.memory_space<semaphore_mem>>) src(%dma_wait3A_886 : memref<2609152xf32, #tpu.memory_space<hbm>>) dst(%dma_wait3A_882 : memref<128xf32, #tpu.memory_space<vmem>>)
    %dma_wait3A_887 = arith.constant 384 : i32
    %dma_wait3A_888 = tpu.memref_slice %arg10[%dma_wait3A_887] : memref<512xf32, #tpu.memory_space<vmem>> -> memref<128xf32, #tpu.memory_space<vmem>>
    %dma_wait3A_889 = arith.constant 384 : i32
    %dma_wait3A_890 = tpu.memref_slice %arg8[%dma_wait3A_889] : memref<512xi32, #tpu.memory_space<vmem>> -> memref<128xi32, #tpu.memory_space<vmem>>
    %dma_wait3A_891 = arith.constant 0 : i32
    %dma_wait3A_892 = tpu.memref_slice %arg3[%dma_wait3A_891] : memref<2609152xf32, #tpu.memory_space<hbm>> -> memref<2609152xf32, #tpu.memory_space<hbm>>
    tpu.wait_indirect_dma semaphore(%arg12 : memref<!tpu.dma_semaphore, #tpu.memory_space<semaphore_mem>>) src(%dma_wait3A_892 : memref<2609152xf32, #tpu.memory_space<hbm>>) dst(%dma_wait3A_888 : memref<128xf32, #tpu.memory_space<vmem>>)
    %scan3A_893 = arith.constant 0 : i32
    %scan3A_894 = arith.constant 0 : i32
    %scan3A_895 = arith.constant 32 : i32
    %scan3A_896 = arith.addi %scan3A_894, %scan3A_895 : i32
    %scan3A_897 = arith.constant 1 : i32
    scf.for %scan3A_1611 = %scan3A_894 to %scan3A_896 step %scan3A_897  : i32 {
      %mul3A_1612 = arith.constant 16 : i32
      %mul3A_1613 = arith.muli %scan3A_1611, %mul3A_1612 : i32
      %get3A = arith.index_cast %mul3A_1613 : i32 to index
      %get3A_1614 = tpu.vector_load %arg6[%get3A] {strides = array<i32>} : memref<512xf32, #tpu.memory_space<vmem>>, vector<16xf32>,
      %get3A_1615 = vector.shape_cast %get3A_1614 : vector<16xf32> to vector<16xf32>
      %get3A_1616 = arith.index_cast %mul3A_1613 : i32 to index
      %get3A_1617 = tpu.vector_load %arg10[%get3A_1616] {strides = array<i32>} : memref<512xf32, #tpu.memory_space<vmem>>, vector<16xf32>,
      %get3A_1618 = vector.shape_cast %get3A_1617 : vector<16xf32> to vector<16xf32>
      %add3A_1619 = arith.addf %get3A_1615, %get3A_1618 : vector<16xf32>
      %swap3A = arith.index_cast %mul3A_1613 : i32 to index
      %swap3A_1620 = tpu.vector_load %arg6[%swap3A] {strides = array<i32>} : memref<512xf32, #tpu.memory_space<vmem>>, vector<16xf32>,
      %swap3A_1621 = vector.shape_cast %swap3A_1620 : vector<16xf32> to vector<16xf32>
      %swap3A_1622 = vector.shape_cast %add3A_1619 : vector<16xf32> to vector<16xf32>
      tpu.vector_store %arg6[%swap3A], %swap3A_1622 {strides = array<i32>} : memref<512xf32, #tpu.memory_space<vmem>>, vector<16xf32>,
    }
    %scan3A_898 = arith.constant 32 : i32
    %run_scoped3A_899 = arith.constant 15 : i32
    "tpu.region"() ({
      %run_scoped3A_1611 = tpu.sem_alloc : memref<!tpu.dma_semaphore, #tpu.memory_space<semaphore_mem>>
      %dma_start3A_1612 = tpu.memref_slice %arg2[%run_scoped3A_899, %mul3A_2] : memref<26x16384xi32, #tpu.memory_space<hbm>> -> memref<1x512xi32, #tpu.memory_space<hbm>>
      %dma_start3A_1613 = tpu.memref_squeeze %dma_start3A_1612 : memref<1x512xi32, #tpu.memory_space<hbm>> -> memref<512xi32, #tpu.memory_space<hbm>>
      %dma_start3A_1614 = tpu.memref_slice %arg2[%run_scoped3A_899, %mul3A_2] : memref<26x16384xi32, #tpu.memory_space<hbm>> -> memref<1x512xi32, #tpu.memory_space<hbm>>
      %dma_start3A_1615 = tpu.memref_squeeze %dma_start3A_1614 : memref<1x512xi32, #tpu.memory_space<hbm>> -> memref<512xi32, #tpu.memory_space<hbm>>
      tpu.enqueue_dma source(%dma_start3A_1615 : memref<512xi32, #tpu.memory_space<hbm>>) target(%arg8 : memref<512xi32, #tpu.memory_space<vmem>>) target_semaphore(%run_scoped3A_1611 : memref<!tpu.dma_semaphore, #tpu.memory_space<semaphore_mem>>)
      %dma_wait3A_1616 = tpu.memref_slice %arg2[%run_scoped3A_899, %mul3A_2] : memref<26x16384xi32, #tpu.memory_space<hbm>> -> memref<1x512xi32, #tpu.memory_space<hbm>>
      %dma_wait3A_1617 = tpu.memref_squeeze %dma_wait3A_1616 : memref<1x512xi32, #tpu.memory_space<hbm>> -> memref<512xi32, #tpu.memory_space<hbm>>
      %dma_wait3A_1618 = tpu.memref_slice %arg2[%run_scoped3A_899, %mul3A_2] : memref<26x16384xi32, #tpu.memory_space<hbm>> -> memref<1x512xi32, #tpu.memory_space<hbm>>
      %dma_wait3A_1619 = tpu.memref_squeeze %dma_wait3A_1618 : memref<1x512xi32, #tpu.memory_space<hbm>> -> memref<512xi32, #tpu.memory_space<hbm>>
      tpu.wait_dma2 semaphore(%run_scoped3A_1611 : memref<!tpu.dma_semaphore, #tpu.memory_space<semaphore_mem>>) src(%dma_wait3A_1619 : memref<512xi32, #tpu.memory_space<hbm>>) dst(%arg8 : memref<512xi32, #tpu.memory_space<vmem>>)
      tpu.yield
    }) : () -> ()
    %scan3A_900 = arith.constant 0 : i32
    %scan3A_901 = arith.constant 1505280 : i32
    %scan3A_902 = arith.constant 0 : i32
    %scan3A_903 = arith.constant 32 : i32
    %scan3A_904 = arith.addi %scan3A_902, %scan3A_903 : i32
    %scan3A_905 = arith.constant 1 : i32
    scf.for %scan3A_1611 = %scan3A_902 to %scan3A_904 step %scan3A_905  : i32 {
      %mul3A_1612 = arith.constant 16 : i32
      %mul3A_1613 = arith.muli %scan3A_1611, %mul3A_1612 : i32
      %get3A = arith.index_cast %mul3A_1613 : i32 to index
      %get3A_1614 = tpu.vector_load %arg8[%get3A] {strides = array<i32>} : memref<512xi32, #tpu.memory_space<vmem>>, vector<16xi32>,
      %get3A_1615 = vector.shape_cast %get3A_1614 : vector<16xi32> to vector<16xi32>
      %add3A_1616 = vector.broadcast %scan3A_901 : i32 to vector<16xi32>
      %add3A_1617 = arith.addi %get3A_1615, %add3A_1616 : vector<16xi32>
      %swap3A = arith.index_cast %mul3A_1613 : i32 to index
      %swap3A_1618 = tpu.vector_load %arg8[%swap3A] {strides = array<i32>} : memref<512xi32, #tpu.memory_space<vmem>>, vector<16xi32>,
      %swap3A_1619 = vector.shape_cast %swap3A_1618 : vector<16xi32> to vector<16xi32>
      %swap3A_1620 = vector.shape_cast %add3A_1617 : vector<16xi32> to vector<16xi32>
      tpu.vector_store %arg8[%swap3A], %swap3A_1620 {strides = array<i32>} : memref<512xi32, #tpu.memory_space<vmem>>, vector<16xi32>,
    }
    %scan3A_906 = arith.constant 32 : i32
    %dma_start3A_907 = arith.constant 0 : i32
    %dma_start3A_908 = tpu.memref_slice %arg10[%dma_start3A_907] : memref<512xf32, #tpu.memory_space<vmem>> -> memref<128xf32, #tpu.memory_space<vmem>>
    %dma_start3A_909 = arith.constant 0 : i32
    %dma_start3A_910 = tpu.memref_slice %arg8[%dma_start3A_909] : memref<512xi32, #tpu.memory_space<vmem>> -> memref<128xi32, #tpu.memory_space<vmem>>
    %dma_start3A_911 = arith.constant 0 : i32
    %dma_start3A_912 = tpu.memref_slice %arg3[%dma_start3A_911] : memref<2609152xf32, #tpu.memory_space<hbm>> -> memref<2609152xf32, #tpu.memory_space<hbm>>
    tpu.enqueue_indirect_dma source(%dma_start3A_912 : memref<2609152xf32, #tpu.memory_space<hbm>>) target(%dma_start3A_908 : memref<128xf32, #tpu.memory_space<vmem>>) offsets(%dma_start3A_910 : memref<128xi32, #tpu.memory_space<vmem>>) semaphore(%arg12 : memref<!tpu.dma_semaphore, #tpu.memory_space<semaphore_mem>>)
    %dma_start3A_913 = arith.constant 128 : i32
    %dma_start3A_914 = tpu.memref_slice %arg10[%dma_start3A_913] : memref<512xf32, #tpu.memory_space<vmem>> -> memref<128xf32, #tpu.memory_space<vmem>>
    %dma_start3A_915 = arith.constant 128 : i32
    %dma_start3A_916 = tpu.memref_slice %arg8[%dma_start3A_915] : memref<512xi32, #tpu.memory_space<vmem>> -> memref<128xi32, #tpu.memory_space<vmem>>
    %dma_start3A_917 = arith.constant 0 : i32
    %dma_start3A_918 = tpu.memref_slice %arg3[%dma_start3A_917] : memref<2609152xf32, #tpu.memory_space<hbm>> -> memref<2609152xf32, #tpu.memory_space<hbm>>
    tpu.enqueue_indirect_dma source(%dma_start3A_918 : memref<2609152xf32, #tpu.memory_space<hbm>>) target(%dma_start3A_914 : memref<128xf32, #tpu.memory_space<vmem>>) offsets(%dma_start3A_916 : memref<128xi32, #tpu.memory_space<vmem>>) semaphore(%arg12 : memref<!tpu.dma_semaphore, #tpu.memory_space<semaphore_mem>>)
    %dma_start3A_919 = arith.constant 256 : i32
    %dma_start3A_920 = tpu.memref_slice %arg10[%dma_start3A_919] : memref<512xf32, #tpu.memory_space<vmem>> -> memref<128xf32, #tpu.memory_space<vmem>>
    %dma_start3A_921 = arith.constant 256 : i32
    %dma_start3A_922 = tpu.memref_slice %arg8[%dma_start3A_921] : memref<512xi32, #tpu.memory_space<vmem>> -> memref<128xi32, #tpu.memory_space<vmem>>
    %dma_start3A_923 = arith.constant 0 : i32
    %dma_start3A_924 = tpu.memref_slice %arg3[%dma_start3A_923] : memref<2609152xf32, #tpu.memory_space<hbm>> -> memref<2609152xf32, #tpu.memory_space<hbm>>
    tpu.enqueue_indirect_dma source(%dma_start3A_924 : memref<2609152xf32, #tpu.memory_space<hbm>>) target(%dma_start3A_920 : memref<128xf32, #tpu.memory_space<vmem>>) offsets(%dma_start3A_922 : memref<128xi32, #tpu.memory_space<vmem>>) semaphore(%arg12 : memref<!tpu.dma_semaphore, #tpu.memory_space<semaphore_mem>>)
    %dma_start3A_925 = arith.constant 384 : i32
    %dma_start3A_926 = tpu.memref_slice %arg10[%dma_start3A_925] : memref<512xf32, #tpu.memory_space<vmem>> -> memref<128xf32, #tpu.memory_space<vmem>>
    %dma_start3A_927 = arith.constant 384 : i32
    %dma_start3A_928 = tpu.memref_slice %arg8[%dma_start3A_927] : memref<512xi32, #tpu.memory_space<vmem>> -> memref<128xi32, #tpu.memory_space<vmem>>
    %dma_start3A_929 = arith.constant 0 : i32
    %dma_start3A_930 = tpu.memref_slice %arg3[%dma_start3A_929] : memref<2609152xf32, #tpu.memory_space<hbm>> -> memref<2609152xf32, #tpu.memory_space<hbm>>
    tpu.enqueue_indirect_dma source(%dma_start3A_930 : memref<2609152xf32, #tpu.memory_space<hbm>>) target(%dma_start3A_926 : memref<128xf32, #tpu.memory_space<vmem>>) offsets(%dma_start3A_928 : memref<128xi32, #tpu.memory_space<vmem>>) semaphore(%arg12 : memref<!tpu.dma_semaphore, #tpu.memory_space<semaphore_mem>>)
    %dma_wait3A_931 = arith.constant 0 : i32
    %dma_wait3A_932 = tpu.memref_slice %arg9[%dma_wait3A_931] : memref<512xf32, #tpu.memory_space<vmem>> -> memref<128xf32, #tpu.memory_space<vmem>>
    %dma_wait3A_933 = arith.constant 0 : i32
    %dma_wait3A_934 = tpu.memref_slice %arg7[%dma_wait3A_933] : memref<512xi32, #tpu.memory_space<vmem>> -> memref<128xi32, #tpu.memory_space<vmem>>
    %dma_wait3A_935 = arith.constant 0 : i32
    %dma_wait3A_936 = tpu.memref_slice %arg3[%dma_wait3A_935] : memref<2609152xf32, #tpu.memory_space<hbm>> -> memref<2609152xf32, #tpu.memory_space<hbm>>
    tpu.wait_indirect_dma semaphore(%arg11 : memref<!tpu.dma_semaphore, #tpu.memory_space<semaphore_mem>>) src(%dma_wait3A_936 : memref<2609152xf32, #tpu.memory_space<hbm>>) dst(%dma_wait3A_932 : memref<128xf32, #tpu.memory_space<vmem>>)
    %dma_wait3A_937 = arith.constant 128 : i32
    %dma_wait3A_938 = tpu.memref_slice %arg9[%dma_wait3A_937] : memref<512xf32, #tpu.memory_space<vmem>> -> memref<128xf32, #tpu.memory_space<vmem>>
    %dma_wait3A_939 = arith.constant 128 : i32
    %dma_wait3A_940 = tpu.memref_slice %arg7[%dma_wait3A_939] : memref<512xi32, #tpu.memory_space<vmem>> -> memref<128xi32, #tpu.memory_space<vmem>>
    %dma_wait3A_941 = arith.constant 0 : i32
    %dma_wait3A_942 = tpu.memref_slice %arg3[%dma_wait3A_941] : memref<2609152xf32, #tpu.memory_space<hbm>> -> memref<2609152xf32, #tpu.memory_space<hbm>>
    tpu.wait_indirect_dma semaphore(%arg11 : memref<!tpu.dma_semaphore, #tpu.memory_space<semaphore_mem>>) src(%dma_wait3A_942 : memref<2609152xf32, #tpu.memory_space<hbm>>) dst(%dma_wait3A_938 : memref<128xf32, #tpu.memory_space<vmem>>)
    %dma_wait3A_943 = arith.constant 256 : i32
    %dma_wait3A_944 = tpu.memref_slice %arg9[%dma_wait3A_943] : memref<512xf32, #tpu.memory_space<vmem>> -> memref<128xf32, #tpu.memory_space<vmem>>
    %dma_wait3A_945 = arith.constant 256 : i32
    %dma_wait3A_946 = tpu.memref_slice %arg7[%dma_wait3A_945] : memref<512xi32, #tpu.memory_space<vmem>> -> memref<128xi32, #tpu.memory_space<vmem>>
    %dma_wait3A_947 = arith.constant 0 : i32
    %dma_wait3A_948 = tpu.memref_slice %arg3[%dma_wait3A_947] : memref<2609152xf32, #tpu.memory_space<hbm>> -> memref<2609152xf32, #tpu.memory_space<hbm>>
    tpu.wait_indirect_dma semaphore(%arg11 : memref<!tpu.dma_semaphore, #tpu.memory_space<semaphore_mem>>) src(%dma_wait3A_948 : memref<2609152xf32, #tpu.memory_space<hbm>>) dst(%dma_wait3A_944 : memref<128xf32, #tpu.memory_space<vmem>>)
    %dma_wait3A_949 = arith.constant 384 : i32
    %dma_wait3A_950 = tpu.memref_slice %arg9[%dma_wait3A_949] : memref<512xf32, #tpu.memory_space<vmem>> -> memref<128xf32, #tpu.memory_space<vmem>>
    %dma_wait3A_951 = arith.constant 384 : i32
    %dma_wait3A_952 = tpu.memref_slice %arg7[%dma_wait3A_951] : memref<512xi32, #tpu.memory_space<vmem>> -> memref<128xi32, #tpu.memory_space<vmem>>
    %dma_wait3A_953 = arith.constant 0 : i32
    %dma_wait3A_954 = tpu.memref_slice %arg3[%dma_wait3A_953] : memref<2609152xf32, #tpu.memory_space<hbm>> -> memref<2609152xf32, #tpu.memory_space<hbm>>
    tpu.wait_indirect_dma semaphore(%arg11 : memref<!tpu.dma_semaphore, #tpu.memory_space<semaphore_mem>>) src(%dma_wait3A_954 : memref<2609152xf32, #tpu.memory_space<hbm>>) dst(%dma_wait3A_950 : memref<128xf32, #tpu.memory_space<vmem>>)
    %scan3A_955 = arith.constant 0 : i32
    %scan3A_956 = arith.constant 0 : i32
    %scan3A_957 = arith.constant 32 : i32
    %scan3A_958 = arith.addi %scan3A_956, %scan3A_957 : i32
    %scan3A_959 = arith.constant 1 : i32
    scf.for %scan3A_1611 = %scan3A_956 to %scan3A_958 step %scan3A_959  : i32 {
      %mul3A_1612 = arith.constant 16 : i32
      %mul3A_1613 = arith.muli %scan3A_1611, %mul3A_1612 : i32
      %get3A = arith.index_cast %mul3A_1613 : i32 to index
      %get3A_1614 = tpu.vector_load %arg6[%get3A] {strides = array<i32>} : memref<512xf32, #tpu.memory_space<vmem>>, vector<16xf32>,
      %get3A_1615 = vector.shape_cast %get3A_1614 : vector<16xf32> to vector<16xf32>
      %get3A_1616 = arith.index_cast %mul3A_1613 : i32 to index
      %get3A_1617 = tpu.vector_load %arg9[%get3A_1616] {strides = array<i32>} : memref<512xf32, #tpu.memory_space<vmem>>, vector<16xf32>,
      %get3A_1618 = vector.shape_cast %get3A_1617 : vector<16xf32> to vector<16xf32>
      %add3A_1619 = arith.addf %get3A_1615, %get3A_1618 : vector<16xf32>
      %swap3A = arith.index_cast %mul3A_1613 : i32 to index
      %swap3A_1620 = tpu.vector_load %arg6[%swap3A] {strides = array<i32>} : memref<512xf32, #tpu.memory_space<vmem>>, vector<16xf32>,
      %swap3A_1621 = vector.shape_cast %swap3A_1620 : vector<16xf32> to vector<16xf32>
      %swap3A_1622 = vector.shape_cast %add3A_1619 : vector<16xf32> to vector<16xf32>
      tpu.vector_store %arg6[%swap3A], %swap3A_1622 {strides = array<i32>} : memref<512xf32, #tpu.memory_space<vmem>>, vector<16xf32>,
    }
    %scan3A_960 = arith.constant 32 : i32
    %run_scoped3A_961 = arith.constant 16 : i32
    "tpu.region"() ({
      %run_scoped3A_1611 = tpu.sem_alloc : memref<!tpu.dma_semaphore, #tpu.memory_space<semaphore_mem>>
      %dma_start3A_1612 = tpu.memref_slice %arg2[%run_scoped3A_961, %mul3A_2] : memref<26x16384xi32, #tpu.memory_space<hbm>> -> memref<1x512xi32, #tpu.memory_space<hbm>>
      %dma_start3A_1613 = tpu.memref_squeeze %dma_start3A_1612 : memref<1x512xi32, #tpu.memory_space<hbm>> -> memref<512xi32, #tpu.memory_space<hbm>>
      %dma_start3A_1614 = tpu.memref_slice %arg2[%run_scoped3A_961, %mul3A_2] : memref<26x16384xi32, #tpu.memory_space<hbm>> -> memref<1x512xi32, #tpu.memory_space<hbm>>
      %dma_start3A_1615 = tpu.memref_squeeze %dma_start3A_1614 : memref<1x512xi32, #tpu.memory_space<hbm>> -> memref<512xi32, #tpu.memory_space<hbm>>
      tpu.enqueue_dma source(%dma_start3A_1615 : memref<512xi32, #tpu.memory_space<hbm>>) target(%arg7 : memref<512xi32, #tpu.memory_space<vmem>>) target_semaphore(%run_scoped3A_1611 : memref<!tpu.dma_semaphore, #tpu.memory_space<semaphore_mem>>)
      %dma_wait3A_1616 = tpu.memref_slice %arg2[%run_scoped3A_961, %mul3A_2] : memref<26x16384xi32, #tpu.memory_space<hbm>> -> memref<1x512xi32, #tpu.memory_space<hbm>>
      %dma_wait3A_1617 = tpu.memref_squeeze %dma_wait3A_1616 : memref<1x512xi32, #tpu.memory_space<hbm>> -> memref<512xi32, #tpu.memory_space<hbm>>
      %dma_wait3A_1618 = tpu.memref_slice %arg2[%run_scoped3A_961, %mul3A_2] : memref<26x16384xi32, #tpu.memory_space<hbm>> -> memref<1x512xi32, #tpu.memory_space<hbm>>
      %dma_wait3A_1619 = tpu.memref_squeeze %dma_wait3A_1618 : memref<1x512xi32, #tpu.memory_space<hbm>> -> memref<512xi32, #tpu.memory_space<hbm>>
      tpu.wait_dma2 semaphore(%run_scoped3A_1611 : memref<!tpu.dma_semaphore, #tpu.memory_space<semaphore_mem>>) src(%dma_wait3A_1619 : memref<512xi32, #tpu.memory_space<hbm>>) dst(%arg7 : memref<512xi32, #tpu.memory_space<vmem>>)
      tpu.yield
    }) : () -> ()
    %scan3A_962 = arith.constant 0 : i32
    %scan3A_963 = arith.constant 1605632 : i32
    %scan3A_964 = arith.constant 0 : i32
    %scan3A_965 = arith.constant 32 : i32
    %scan3A_966 = arith.addi %scan3A_964, %scan3A_965 : i32
    %scan3A_967 = arith.constant 1 : i32
    scf.for %scan3A_1611 = %scan3A_964 to %scan3A_966 step %scan3A_967  : i32 {
      %mul3A_1612 = arith.constant 16 : i32
      %mul3A_1613 = arith.muli %scan3A_1611, %mul3A_1612 : i32
      %get3A = arith.index_cast %mul3A_1613 : i32 to index
      %get3A_1614 = tpu.vector_load %arg7[%get3A] {strides = array<i32>} : memref<512xi32, #tpu.memory_space<vmem>>, vector<16xi32>,
      %get3A_1615 = vector.shape_cast %get3A_1614 : vector<16xi32> to vector<16xi32>
      %add3A_1616 = vector.broadcast %scan3A_963 : i32 to vector<16xi32>
      %add3A_1617 = arith.addi %get3A_1615, %add3A_1616 : vector<16xi32>
      %swap3A = arith.index_cast %mul3A_1613 : i32 to index
      %swap3A_1618 = tpu.vector_load %arg7[%swap3A] {strides = array<i32>} : memref<512xi32, #tpu.memory_space<vmem>>, vector<16xi32>,
      %swap3A_1619 = vector.shape_cast %swap3A_1618 : vector<16xi32> to vector<16xi32>
      %swap3A_1620 = vector.shape_cast %add3A_1617 : vector<16xi32> to vector<16xi32>
      tpu.vector_store %arg7[%swap3A], %swap3A_1620 {strides = array<i32>} : memref<512xi32, #tpu.memory_space<vmem>>, vector<16xi32>,
    }
    %scan3A_968 = arith.constant 32 : i32
    %dma_start3A_969 = arith.constant 0 : i32
    %dma_start3A_970 = tpu.memref_slice %arg9[%dma_start3A_969] : memref<512xf32, #tpu.memory_space<vmem>> -> memref<128xf32, #tpu.memory_space<vmem>>
    %dma_start3A_971 = arith.constant 0 : i32
    %dma_start3A_972 = tpu.memref_slice %arg7[%dma_start3A_971] : memref<512xi32, #tpu.memory_space<vmem>> -> memref<128xi32, #tpu.memory_space<vmem>>
    %dma_start3A_973 = arith.constant 0 : i32
    %dma_start3A_974 = tpu.memref_slice %arg3[%dma_start3A_973] : memref<2609152xf32, #tpu.memory_space<hbm>> -> memref<2609152xf32, #tpu.memory_space<hbm>>
    tpu.enqueue_indirect_dma source(%dma_start3A_974 : memref<2609152xf32, #tpu.memory_space<hbm>>) target(%dma_start3A_970 : memref<128xf32, #tpu.memory_space<vmem>>) offsets(%dma_start3A_972 : memref<128xi32, #tpu.memory_space<vmem>>) semaphore(%arg11 : memref<!tpu.dma_semaphore, #tpu.memory_space<semaphore_mem>>)
    %dma_start3A_975 = arith.constant 128 : i32
    %dma_start3A_976 = tpu.memref_slice %arg9[%dma_start3A_975] : memref<512xf32, #tpu.memory_space<vmem>> -> memref<128xf32, #tpu.memory_space<vmem>>
    %dma_start3A_977 = arith.constant 128 : i32
    %dma_start3A_978 = tpu.memref_slice %arg7[%dma_start3A_977] : memref<512xi32, #tpu.memory_space<vmem>> -> memref<128xi32, #tpu.memory_space<vmem>>
    %dma_start3A_979 = arith.constant 0 : i32
    %dma_start3A_980 = tpu.memref_slice %arg3[%dma_start3A_979] : memref<2609152xf32, #tpu.memory_space<hbm>> -> memref<2609152xf32, #tpu.memory_space<hbm>>
    tpu.enqueue_indirect_dma source(%dma_start3A_980 : memref<2609152xf32, #tpu.memory_space<hbm>>) target(%dma_start3A_976 : memref<128xf32, #tpu.memory_space<vmem>>) offsets(%dma_start3A_978 : memref<128xi32, #tpu.memory_space<vmem>>) semaphore(%arg11 : memref<!tpu.dma_semaphore, #tpu.memory_space<semaphore_mem>>)
    %dma_start3A_981 = arith.constant 256 : i32
    %dma_start3A_982 = tpu.memref_slice %arg9[%dma_start3A_981] : memref<512xf32, #tpu.memory_space<vmem>> -> memref<128xf32, #tpu.memory_space<vmem>>
    %dma_start3A_983 = arith.constant 256 : i32
    %dma_start3A_984 = tpu.memref_slice %arg7[%dma_start3A_983] : memref<512xi32, #tpu.memory_space<vmem>> -> memref<128xi32, #tpu.memory_space<vmem>>
    %dma_start3A_985 = arith.constant 0 : i32
    %dma_start3A_986 = tpu.memref_slice %arg3[%dma_start3A_985] : memref<2609152xf32, #tpu.memory_space<hbm>> -> memref<2609152xf32, #tpu.memory_space<hbm>>
    tpu.enqueue_indirect_dma source(%dma_start3A_986 : memref<2609152xf32, #tpu.memory_space<hbm>>) target(%dma_start3A_982 : memref<128xf32, #tpu.memory_space<vmem>>) offsets(%dma_start3A_984 : memref<128xi32, #tpu.memory_space<vmem>>) semaphore(%arg11 : memref<!tpu.dma_semaphore, #tpu.memory_space<semaphore_mem>>)
    %dma_start3A_987 = arith.constant 384 : i32
    %dma_start3A_988 = tpu.memref_slice %arg9[%dma_start3A_987] : memref<512xf32, #tpu.memory_space<vmem>> -> memref<128xf32, #tpu.memory_space<vmem>>
    %dma_start3A_989 = arith.constant 384 : i32
    %dma_start3A_990 = tpu.memref_slice %arg7[%dma_start3A_989] : memref<512xi32, #tpu.memory_space<vmem>> -> memref<128xi32, #tpu.memory_space<vmem>>
    %dma_start3A_991 = arith.constant 0 : i32
    %dma_start3A_992 = tpu.memref_slice %arg3[%dma_start3A_991] : memref<2609152xf32, #tpu.memory_space<hbm>> -> memref<2609152xf32, #tpu.memory_space<hbm>>
    tpu.enqueue_indirect_dma source(%dma_start3A_992 : memref<2609152xf32, #tpu.memory_space<hbm>>) target(%dma_start3A_988 : memref<128xf32, #tpu.memory_space<vmem>>) offsets(%dma_start3A_990 : memref<128xi32, #tpu.memory_space<vmem>>) semaphore(%arg11 : memref<!tpu.dma_semaphore, #tpu.memory_space<semaphore_mem>>)
    %dma_wait3A_993 = arith.constant 0 : i32
    %dma_wait3A_994 = tpu.memref_slice %arg10[%dma_wait3A_993] : memref<512xf32, #tpu.memory_space<vmem>> -> memref<128xf32, #tpu.memory_space<vmem>>
    %dma_wait3A_995 = arith.constant 0 : i32
    %dma_wait3A_996 = tpu.memref_slice %arg8[%dma_wait3A_995] : memref<512xi32, #tpu.memory_space<vmem>> -> memref<128xi32, #tpu.memory_space<vmem>>
    %dma_wait3A_997 = arith.constant 0 : i32
    %dma_wait3A_998 = tpu.memref_slice %arg3[%dma_wait3A_997] : memref<2609152xf32, #tpu.memory_space<hbm>> -> memref<2609152xf32, #tpu.memory_space<hbm>>
    tpu.wait_indirect_dma semaphore(%arg12 : memref<!tpu.dma_semaphore, #tpu.memory_space<semaphore_mem>>) src(%dma_wait3A_998 : memref<2609152xf32, #tpu.memory_space<hbm>>) dst(%dma_wait3A_994 : memref<128xf32, #tpu.memory_space<vmem>>)
    %dma_wait3A_999 = arith.constant 128 : i32
    %dma_wait3A_1000 = tpu.memref_slice %arg10[%dma_wait3A_999] : memref<512xf32, #tpu.memory_space<vmem>> -> memref<128xf32, #tpu.memory_space<vmem>>
    %dma_wait3A_1001 = arith.constant 128 : i32
    %dma_wait3A_1002 = tpu.memref_slice %arg8[%dma_wait3A_1001] : memref<512xi32, #tpu.memory_space<vmem>> -> memref<128xi32, #tpu.memory_space<vmem>>
    %dma_wait3A_1003 = arith.constant 0 : i32
    %dma_wait3A_1004 = tpu.memref_slice %arg3[%dma_wait3A_1003] : memref<2609152xf32, #tpu.memory_space<hbm>> -> memref<2609152xf32, #tpu.memory_space<hbm>>
    tpu.wait_indirect_dma semaphore(%arg12 : memref<!tpu.dma_semaphore, #tpu.memory_space<semaphore_mem>>) src(%dma_wait3A_1004 : memref<2609152xf32, #tpu.memory_space<hbm>>) dst(%dma_wait3A_1000 : memref<128xf32, #tpu.memory_space<vmem>>)
    %dma_wait3A_1005 = arith.constant 256 : i32
    %dma_wait3A_1006 = tpu.memref_slice %arg10[%dma_wait3A_1005] : memref<512xf32, #tpu.memory_space<vmem>> -> memref<128xf32, #tpu.memory_space<vmem>>
    %dma_wait3A_1007 = arith.constant 256 : i32
    %dma_wait3A_1008 = tpu.memref_slice %arg8[%dma_wait3A_1007] : memref<512xi32, #tpu.memory_space<vmem>> -> memref<128xi32, #tpu.memory_space<vmem>>
    %dma_wait3A_1009 = arith.constant 0 : i32
    %dma_wait3A_1010 = tpu.memref_slice %arg3[%dma_wait3A_1009] : memref<2609152xf32, #tpu.memory_space<hbm>> -> memref<2609152xf32, #tpu.memory_space<hbm>>
    tpu.wait_indirect_dma semaphore(%arg12 : memref<!tpu.dma_semaphore, #tpu.memory_space<semaphore_mem>>) src(%dma_wait3A_1010 : memref<2609152xf32, #tpu.memory_space<hbm>>) dst(%dma_wait3A_1006 : memref<128xf32, #tpu.memory_space<vmem>>)
    %dma_wait3A_1011 = arith.constant 384 : i32
    %dma_wait3A_1012 = tpu.memref_slice %arg10[%dma_wait3A_1011] : memref<512xf32, #tpu.memory_space<vmem>> -> memref<128xf32, #tpu.memory_space<vmem>>
    %dma_wait3A_1013 = arith.constant 384 : i32
    %dma_wait3A_1014 = tpu.memref_slice %arg8[%dma_wait3A_1013] : memref<512xi32, #tpu.memory_space<vmem>> -> memref<128xi32, #tpu.memory_space<vmem>>
    %dma_wait3A_1015 = arith.constant 0 : i32
    %dma_wait3A_1016 = tpu.memref_slice %arg3[%dma_wait3A_1015] : memref<2609152xf32, #tpu.memory_space<hbm>> -> memref<2609152xf32, #tpu.memory_space<hbm>>
    tpu.wait_indirect_dma semaphore(%arg12 : memref<!tpu.dma_semaphore, #tpu.memory_space<semaphore_mem>>) src(%dma_wait3A_1016 : memref<2609152xf32, #tpu.memory_space<hbm>>) dst(%dma_wait3A_1012 : memref<128xf32, #tpu.memory_space<vmem>>)
    %scan3A_1017 = arith.constant 0 : i32
    %scan3A_1018 = arith.constant 0 : i32
    %scan3A_1019 = arith.constant 32 : i32
    %scan3A_1020 = arith.addi %scan3A_1018, %scan3A_1019 : i32
    %scan3A_1021 = arith.constant 1 : i32
    scf.for %scan3A_1611 = %scan3A_1018 to %scan3A_1020 step %scan3A_1021  : i32 {
      %mul3A_1612 = arith.constant 16 : i32
      %mul3A_1613 = arith.muli %scan3A_1611, %mul3A_1612 : i32
      %get3A = arith.index_cast %mul3A_1613 : i32 to index
      %get3A_1614 = tpu.vector_load %arg6[%get3A] {strides = array<i32>} : memref<512xf32, #tpu.memory_space<vmem>>, vector<16xf32>,
      %get3A_1615 = vector.shape_cast %get3A_1614 : vector<16xf32> to vector<16xf32>
      %get3A_1616 = arith.index_cast %mul3A_1613 : i32 to index
      %get3A_1617 = tpu.vector_load %arg10[%get3A_1616] {strides = array<i32>} : memref<512xf32, #tpu.memory_space<vmem>>, vector<16xf32>,
      %get3A_1618 = vector.shape_cast %get3A_1617 : vector<16xf32> to vector<16xf32>
      %add3A_1619 = arith.addf %get3A_1615, %get3A_1618 : vector<16xf32>
      %swap3A = arith.index_cast %mul3A_1613 : i32 to index
      %swap3A_1620 = tpu.vector_load %arg6[%swap3A] {strides = array<i32>} : memref<512xf32, #tpu.memory_space<vmem>>, vector<16xf32>,
      %swap3A_1621 = vector.shape_cast %swap3A_1620 : vector<16xf32> to vector<16xf32>
      %swap3A_1622 = vector.shape_cast %add3A_1619 : vector<16xf32> to vector<16xf32>
      tpu.vector_store %arg6[%swap3A], %swap3A_1622 {strides = array<i32>} : memref<512xf32, #tpu.memory_space<vmem>>, vector<16xf32>,
    }
    %scan3A_1022 = arith.constant 32 : i32
    %run_scoped3A_1023 = arith.constant 17 : i32
    "tpu.region"() ({
      %run_scoped3A_1611 = tpu.sem_alloc : memref<!tpu.dma_semaphore, #tpu.memory_space<semaphore_mem>>
      %dma_start3A_1612 = tpu.memref_slice %arg2[%run_scoped3A_1023, %mul3A_2] : memref<26x16384xi32, #tpu.memory_space<hbm>> -> memref<1x512xi32, #tpu.memory_space<hbm>>
      %dma_start3A_1613 = tpu.memref_squeeze %dma_start3A_1612 : memref<1x512xi32, #tpu.memory_space<hbm>> -> memref<512xi32, #tpu.memory_space<hbm>>
      %dma_start3A_1614 = tpu.memref_slice %arg2[%run_scoped3A_1023, %mul3A_2] : memref<26x16384xi32, #tpu.memory_space<hbm>> -> memref<1x512xi32, #tpu.memory_space<hbm>>
      %dma_start3A_1615 = tpu.memref_squeeze %dma_start3A_1614 : memref<1x512xi32, #tpu.memory_space<hbm>> -> memref<512xi32, #tpu.memory_space<hbm>>
      tpu.enqueue_dma source(%dma_start3A_1615 : memref<512xi32, #tpu.memory_space<hbm>>) target(%arg8 : memref<512xi32, #tpu.memory_space<vmem>>) target_semaphore(%run_scoped3A_1611 : memref<!tpu.dma_semaphore, #tpu.memory_space<semaphore_mem>>)
      %dma_wait3A_1616 = tpu.memref_slice %arg2[%run_scoped3A_1023, %mul3A_2] : memref<26x16384xi32, #tpu.memory_space<hbm>> -> memref<1x512xi32, #tpu.memory_space<hbm>>
      %dma_wait3A_1617 = tpu.memref_squeeze %dma_wait3A_1616 : memref<1x512xi32, #tpu.memory_space<hbm>> -> memref<512xi32, #tpu.memory_space<hbm>>
      %dma_wait3A_1618 = tpu.memref_slice %arg2[%run_scoped3A_1023, %mul3A_2] : memref<26x16384xi32, #tpu.memory_space<hbm>> -> memref<1x512xi32, #tpu.memory_space<hbm>>
      %dma_wait3A_1619 = tpu.memref_squeeze %dma_wait3A_1618 : memref<1x512xi32, #tpu.memory_space<hbm>> -> memref<512xi32, #tpu.memory_space<hbm>>
      tpu.wait_dma2 semaphore(%run_scoped3A_1611 : memref<!tpu.dma_semaphore, #tpu.memory_space<semaphore_mem>>) src(%dma_wait3A_1619 : memref<512xi32, #tpu.memory_space<hbm>>) dst(%arg8 : memref<512xi32, #tpu.memory_space<vmem>>)
      tpu.yield
    }) : () -> ()
    %scan3A_1024 = arith.constant 0 : i32
    %scan3A_1025 = arith.constant 1705984 : i32
    %scan3A_1026 = arith.constant 0 : i32
    %scan3A_1027 = arith.constant 32 : i32
    %scan3A_1028 = arith.addi %scan3A_1026, %scan3A_1027 : i32
    %scan3A_1029 = arith.constant 1 : i32
    scf.for %scan3A_1611 = %scan3A_1026 to %scan3A_1028 step %scan3A_1029  : i32 {
      %mul3A_1612 = arith.constant 16 : i32
      %mul3A_1613 = arith.muli %scan3A_1611, %mul3A_1612 : i32
      %get3A = arith.index_cast %mul3A_1613 : i32 to index
      %get3A_1614 = tpu.vector_load %arg8[%get3A] {strides = array<i32>} : memref<512xi32, #tpu.memory_space<vmem>>, vector<16xi32>,
      %get3A_1615 = vector.shape_cast %get3A_1614 : vector<16xi32> to vector<16xi32>
      %add3A_1616 = vector.broadcast %scan3A_1025 : i32 to vector<16xi32>
      %add3A_1617 = arith.addi %get3A_1615, %add3A_1616 : vector<16xi32>
      %swap3A = arith.index_cast %mul3A_1613 : i32 to index
      %swap3A_1618 = tpu.vector_load %arg8[%swap3A] {strides = array<i32>} : memref<512xi32, #tpu.memory_space<vmem>>, vector<16xi32>,
      %swap3A_1619 = vector.shape_cast %swap3A_1618 : vector<16xi32> to vector<16xi32>
      %swap3A_1620 = vector.shape_cast %add3A_1617 : vector<16xi32> to vector<16xi32>
      tpu.vector_store %arg8[%swap3A], %swap3A_1620 {strides = array<i32>} : memref<512xi32, #tpu.memory_space<vmem>>, vector<16xi32>,
    }
    %scan3A_1030 = arith.constant 32 : i32
    %dma_start3A_1031 = arith.constant 0 : i32
    %dma_start3A_1032 = tpu.memref_slice %arg10[%dma_start3A_1031] : memref<512xf32, #tpu.memory_space<vmem>> -> memref<128xf32, #tpu.memory_space<vmem>>
    %dma_start3A_1033 = arith.constant 0 : i32
    %dma_start3A_1034 = tpu.memref_slice %arg8[%dma_start3A_1033] : memref<512xi32, #tpu.memory_space<vmem>> -> memref<128xi32, #tpu.memory_space<vmem>>
    %dma_start3A_1035 = arith.constant 0 : i32
    %dma_start3A_1036 = tpu.memref_slice %arg3[%dma_start3A_1035] : memref<2609152xf32, #tpu.memory_space<hbm>> -> memref<2609152xf32, #tpu.memory_space<hbm>>
    tpu.enqueue_indirect_dma source(%dma_start3A_1036 : memref<2609152xf32, #tpu.memory_space<hbm>>) target(%dma_start3A_1032 : memref<128xf32, #tpu.memory_space<vmem>>) offsets(%dma_start3A_1034 : memref<128xi32, #tpu.memory_space<vmem>>) semaphore(%arg12 : memref<!tpu.dma_semaphore, #tpu.memory_space<semaphore_mem>>)
    %dma_start3A_1037 = arith.constant 128 : i32
    %dma_start3A_1038 = tpu.memref_slice %arg10[%dma_start3A_1037] : memref<512xf32, #tpu.memory_space<vmem>> -> memref<128xf32, #tpu.memory_space<vmem>>
    %dma_start3A_1039 = arith.constant 128 : i32
    %dma_start3A_1040 = tpu.memref_slice %arg8[%dma_start3A_1039] : memref<512xi32, #tpu.memory_space<vmem>> -> memref<128xi32, #tpu.memory_space<vmem>>
    %dma_start3A_1041 = arith.constant 0 : i32
    %dma_start3A_1042 = tpu.memref_slice %arg3[%dma_start3A_1041] : memref<2609152xf32, #tpu.memory_space<hbm>> -> memref<2609152xf32, #tpu.memory_space<hbm>>
    tpu.enqueue_indirect_dma source(%dma_start3A_1042 : memref<2609152xf32, #tpu.memory_space<hbm>>) target(%dma_start3A_1038 : memref<128xf32, #tpu.memory_space<vmem>>) offsets(%dma_start3A_1040 : memref<128xi32, #tpu.memory_space<vmem>>) semaphore(%arg12 : memref<!tpu.dma_semaphore, #tpu.memory_space<semaphore_mem>>)
    %dma_start3A_1043 = arith.constant 256 : i32
    %dma_start3A_1044 = tpu.memref_slice %arg10[%dma_start3A_1043] : memref<512xf32, #tpu.memory_space<vmem>> -> memref<128xf32, #tpu.memory_space<vmem>>
    %dma_start3A_1045 = arith.constant 256 : i32
    %dma_start3A_1046 = tpu.memref_slice %arg8[%dma_start3A_1045] : memref<512xi32, #tpu.memory_space<vmem>> -> memref<128xi32, #tpu.memory_space<vmem>>
    %dma_start3A_1047 = arith.constant 0 : i32
    %dma_start3A_1048 = tpu.memref_slice %arg3[%dma_start3A_1047] : memref<2609152xf32, #tpu.memory_space<hbm>> -> memref<2609152xf32, #tpu.memory_space<hbm>>
    tpu.enqueue_indirect_dma source(%dma_start3A_1048 : memref<2609152xf32, #tpu.memory_space<hbm>>) target(%dma_start3A_1044 : memref<128xf32, #tpu.memory_space<vmem>>) offsets(%dma_start3A_1046 : memref<128xi32, #tpu.memory_space<vmem>>) semaphore(%arg12 : memref<!tpu.dma_semaphore, #tpu.memory_space<semaphore_mem>>)
    %dma_start3A_1049 = arith.constant 384 : i32
    %dma_start3A_1050 = tpu.memref_slice %arg10[%dma_start3A_1049] : memref<512xf32, #tpu.memory_space<vmem>> -> memref<128xf32, #tpu.memory_space<vmem>>
    %dma_start3A_1051 = arith.constant 384 : i32
    %dma_start3A_1052 = tpu.memref_slice %arg8[%dma_start3A_1051] : memref<512xi32, #tpu.memory_space<vmem>> -> memref<128xi32, #tpu.memory_space<vmem>>
    %dma_start3A_1053 = arith.constant 0 : i32
    %dma_start3A_1054 = tpu.memref_slice %arg3[%dma_start3A_1053] : memref<2609152xf32, #tpu.memory_space<hbm>> -> memref<2609152xf32, #tpu.memory_space<hbm>>
    tpu.enqueue_indirect_dma source(%dma_start3A_1054 : memref<2609152xf32, #tpu.memory_space<hbm>>) target(%dma_start3A_1050 : memref<128xf32, #tpu.memory_space<vmem>>) offsets(%dma_start3A_1052 : memref<128xi32, #tpu.memory_space<vmem>>) semaphore(%arg12 : memref<!tpu.dma_semaphore, #tpu.memory_space<semaphore_mem>>)
    %dma_wait3A_1055 = arith.constant 0 : i32
    %dma_wait3A_1056 = tpu.memref_slice %arg9[%dma_wait3A_1055] : memref<512xf32, #tpu.memory_space<vmem>> -> memref<128xf32, #tpu.memory_space<vmem>>
    %dma_wait3A_1057 = arith.constant 0 : i32
    %dma_wait3A_1058 = tpu.memref_slice %arg7[%dma_wait3A_1057] : memref<512xi32, #tpu.memory_space<vmem>> -> memref<128xi32, #tpu.memory_space<vmem>>
    %dma_wait3A_1059 = arith.constant 0 : i32
    %dma_wait3A_1060 = tpu.memref_slice %arg3[%dma_wait3A_1059] : memref<2609152xf32, #tpu.memory_space<hbm>> -> memref<2609152xf32, #tpu.memory_space<hbm>>
    tpu.wait_indirect_dma semaphore(%arg11 : memref<!tpu.dma_semaphore, #tpu.memory_space<semaphore_mem>>) src(%dma_wait3A_1060 : memref<2609152xf32, #tpu.memory_space<hbm>>) dst(%dma_wait3A_1056 : memref<128xf32, #tpu.memory_space<vmem>>)
    %dma_wait3A_1061 = arith.constant 128 : i32
    %dma_wait3A_1062 = tpu.memref_slice %arg9[%dma_wait3A_1061] : memref<512xf32, #tpu.memory_space<vmem>> -> memref<128xf32, #tpu.memory_space<vmem>>
    %dma_wait3A_1063 = arith.constant 128 : i32
    %dma_wait3A_1064 = tpu.memref_slice %arg7[%dma_wait3A_1063] : memref<512xi32, #tpu.memory_space<vmem>> -> memref<128xi32, #tpu.memory_space<vmem>>
    %dma_wait3A_1065 = arith.constant 0 : i32
    %dma_wait3A_1066 = tpu.memref_slice %arg3[%dma_wait3A_1065] : memref<2609152xf32, #tpu.memory_space<hbm>> -> memref<2609152xf32, #tpu.memory_space<hbm>>
    tpu.wait_indirect_dma semaphore(%arg11 : memref<!tpu.dma_semaphore, #tpu.memory_space<semaphore_mem>>) src(%dma_wait3A_1066 : memref<2609152xf32, #tpu.memory_space<hbm>>) dst(%dma_wait3A_1062 : memref<128xf32, #tpu.memory_space<vmem>>)
    %dma_wait3A_1067 = arith.constant 256 : i32
    %dma_wait3A_1068 = tpu.memref_slice %arg9[%dma_wait3A_1067] : memref<512xf32, #tpu.memory_space<vmem>> -> memref<128xf32, #tpu.memory_space<vmem>>
    %dma_wait3A_1069 = arith.constant 256 : i32
    %dma_wait3A_1070 = tpu.memref_slice %arg7[%dma_wait3A_1069] : memref<512xi32, #tpu.memory_space<vmem>> -> memref<128xi32, #tpu.memory_space<vmem>>
    %dma_wait3A_1071 = arith.constant 0 : i32
    %dma_wait3A_1072 = tpu.memref_slice %arg3[%dma_wait3A_1071] : memref<2609152xf32, #tpu.memory_space<hbm>> -> memref<2609152xf32, #tpu.memory_space<hbm>>
    tpu.wait_indirect_dma semaphore(%arg11 : memref<!tpu.dma_semaphore, #tpu.memory_space<semaphore_mem>>) src(%dma_wait3A_1072 : memref<2609152xf32, #tpu.memory_space<hbm>>) dst(%dma_wait3A_1068 : memref<128xf32, #tpu.memory_space<vmem>>)
    %dma_wait3A_1073 = arith.constant 384 : i32
    %dma_wait3A_1074 = tpu.memref_slice %arg9[%dma_wait3A_1073] : memref<512xf32, #tpu.memory_space<vmem>> -> memref<128xf32, #tpu.memory_space<vmem>>
    %dma_wait3A_1075 = arith.constant 384 : i32
    %dma_wait3A_1076 = tpu.memref_slice %arg7[%dma_wait3A_1075] : memref<512xi32, #tpu.memory_space<vmem>> -> memref<128xi32, #tpu.memory_space<vmem>>
    %dma_wait3A_1077 = arith.constant 0 : i32
    %dma_wait3A_1078 = tpu.memref_slice %arg3[%dma_wait3A_1077] : memref<2609152xf32, #tpu.memory_space<hbm>> -> memref<2609152xf32, #tpu.memory_space<hbm>>
    tpu.wait_indirect_dma semaphore(%arg11 : memref<!tpu.dma_semaphore, #tpu.memory_space<semaphore_mem>>) src(%dma_wait3A_1078 : memref<2609152xf32, #tpu.memory_space<hbm>>) dst(%dma_wait3A_1074 : memref<128xf32, #tpu.memory_space<vmem>>)
    %scan3A_1079 = arith.constant 0 : i32
    %scan3A_1080 = arith.constant 0 : i32
    %scan3A_1081 = arith.constant 32 : i32
    %scan3A_1082 = arith.addi %scan3A_1080, %scan3A_1081 : i32
    %scan3A_1083 = arith.constant 1 : i32
    scf.for %scan3A_1611 = %scan3A_1080 to %scan3A_1082 step %scan3A_1083  : i32 {
      %mul3A_1612 = arith.constant 16 : i32
      %mul3A_1613 = arith.muli %scan3A_1611, %mul3A_1612 : i32
      %get3A = arith.index_cast %mul3A_1613 : i32 to index
      %get3A_1614 = tpu.vector_load %arg6[%get3A] {strides = array<i32>} : memref<512xf32, #tpu.memory_space<vmem>>, vector<16xf32>,
      %get3A_1615 = vector.shape_cast %get3A_1614 : vector<16xf32> to vector<16xf32>
      %get3A_1616 = arith.index_cast %mul3A_1613 : i32 to index
      %get3A_1617 = tpu.vector_load %arg9[%get3A_1616] {strides = array<i32>} : memref<512xf32, #tpu.memory_space<vmem>>, vector<16xf32>,
      %get3A_1618 = vector.shape_cast %get3A_1617 : vector<16xf32> to vector<16xf32>
      %add3A_1619 = arith.addf %get3A_1615, %get3A_1618 : vector<16xf32>
      %swap3A = arith.index_cast %mul3A_1613 : i32 to index
      %swap3A_1620 = tpu.vector_load %arg6[%swap3A] {strides = array<i32>} : memref<512xf32, #tpu.memory_space<vmem>>, vector<16xf32>,
      %swap3A_1621 = vector.shape_cast %swap3A_1620 : vector<16xf32> to vector<16xf32>
      %swap3A_1622 = vector.shape_cast %add3A_1619 : vector<16xf32> to vector<16xf32>
      tpu.vector_store %arg6[%swap3A], %swap3A_1622 {strides = array<i32>} : memref<512xf32, #tpu.memory_space<vmem>>, vector<16xf32>,
    }
    %scan3A_1084 = arith.constant 32 : i32
    %run_scoped3A_1085 = arith.constant 18 : i32
    "tpu.region"() ({
      %run_scoped3A_1611 = tpu.sem_alloc : memref<!tpu.dma_semaphore, #tpu.memory_space<semaphore_mem>>
      %dma_start3A_1612 = tpu.memref_slice %arg2[%run_scoped3A_1085, %mul3A_2] : memref<26x16384xi32, #tpu.memory_space<hbm>> -> memref<1x512xi32, #tpu.memory_space<hbm>>
      %dma_start3A_1613 = tpu.memref_squeeze %dma_start3A_1612 : memref<1x512xi32, #tpu.memory_space<hbm>> -> memref<512xi32, #tpu.memory_space<hbm>>
      %dma_start3A_1614 = tpu.memref_slice %arg2[%run_scoped3A_1085, %mul3A_2] : memref<26x16384xi32, #tpu.memory_space<hbm>> -> memref<1x512xi32, #tpu.memory_space<hbm>>
      %dma_start3A_1615 = tpu.memref_squeeze %dma_start3A_1614 : memref<1x512xi32, #tpu.memory_space<hbm>> -> memref<512xi32, #tpu.memory_space<hbm>>
      tpu.enqueue_dma source(%dma_start3A_1615 : memref<512xi32, #tpu.memory_space<hbm>>) target(%arg7 : memref<512xi32, #tpu.memory_space<vmem>>) target_semaphore(%run_scoped3A_1611 : memref<!tpu.dma_semaphore, #tpu.memory_space<semaphore_mem>>)
      %dma_wait3A_1616 = tpu.memref_slice %arg2[%run_scoped3A_1085, %mul3A_2] : memref<26x16384xi32, #tpu.memory_space<hbm>> -> memref<1x512xi32, #tpu.memory_space<hbm>>
      %dma_wait3A_1617 = tpu.memref_squeeze %dma_wait3A_1616 : memref<1x512xi32, #tpu.memory_space<hbm>> -> memref<512xi32, #tpu.memory_space<hbm>>
      %dma_wait3A_1618 = tpu.memref_slice %arg2[%run_scoped3A_1085, %mul3A_2] : memref<26x16384xi32, #tpu.memory_space<hbm>> -> memref<1x512xi32, #tpu.memory_space<hbm>>
      %dma_wait3A_1619 = tpu.memref_squeeze %dma_wait3A_1618 : memref<1x512xi32, #tpu.memory_space<hbm>> -> memref<512xi32, #tpu.memory_space<hbm>>
      tpu.wait_dma2 semaphore(%run_scoped3A_1611 : memref<!tpu.dma_semaphore, #tpu.memory_space<semaphore_mem>>) src(%dma_wait3A_1619 : memref<512xi32, #tpu.memory_space<hbm>>) dst(%arg7 : memref<512xi32, #tpu.memory_space<vmem>>)
      tpu.yield
    }) : () -> ()
    %scan3A_1086 = arith.constant 0 : i32
    %scan3A_1087 = arith.constant 1806336 : i32
    %scan3A_1088 = arith.constant 0 : i32
    %scan3A_1089 = arith.constant 32 : i32
    %scan3A_1090 = arith.addi %scan3A_1088, %scan3A_1089 : i32
    %scan3A_1091 = arith.constant 1 : i32
    scf.for %scan3A_1611 = %scan3A_1088 to %scan3A_1090 step %scan3A_1091  : i32 {
      %mul3A_1612 = arith.constant 16 : i32
      %mul3A_1613 = arith.muli %scan3A_1611, %mul3A_1612 : i32
      %get3A = arith.index_cast %mul3A_1613 : i32 to index
      %get3A_1614 = tpu.vector_load %arg7[%get3A] {strides = array<i32>} : memref<512xi32, #tpu.memory_space<vmem>>, vector<16xi32>,
      %get3A_1615 = vector.shape_cast %get3A_1614 : vector<16xi32> to vector<16xi32>
      %add3A_1616 = vector.broadcast %scan3A_1087 : i32 to vector<16xi32>
      %add3A_1617 = arith.addi %get3A_1615, %add3A_1616 : vector<16xi32>
      %swap3A = arith.index_cast %mul3A_1613 : i32 to index
      %swap3A_1618 = tpu.vector_load %arg7[%swap3A] {strides = array<i32>} : memref<512xi32, #tpu.memory_space<vmem>>, vector<16xi32>,
      %swap3A_1619 = vector.shape_cast %swap3A_1618 : vector<16xi32> to vector<16xi32>
      %swap3A_1620 = vector.shape_cast %add3A_1617 : vector<16xi32> to vector<16xi32>
      tpu.vector_store %arg7[%swap3A], %swap3A_1620 {strides = array<i32>} : memref<512xi32, #tpu.memory_space<vmem>>, vector<16xi32>,
    }
    %scan3A_1092 = arith.constant 32 : i32
    %dma_start3A_1093 = arith.constant 0 : i32
    %dma_start3A_1094 = tpu.memref_slice %arg9[%dma_start3A_1093] : memref<512xf32, #tpu.memory_space<vmem>> -> memref<128xf32, #tpu.memory_space<vmem>>
    %dma_start3A_1095 = arith.constant 0 : i32
    %dma_start3A_1096 = tpu.memref_slice %arg7[%dma_start3A_1095] : memref<512xi32, #tpu.memory_space<vmem>> -> memref<128xi32, #tpu.memory_space<vmem>>
    %dma_start3A_1097 = arith.constant 0 : i32
    %dma_start3A_1098 = tpu.memref_slice %arg3[%dma_start3A_1097] : memref<2609152xf32, #tpu.memory_space<hbm>> -> memref<2609152xf32, #tpu.memory_space<hbm>>
    tpu.enqueue_indirect_dma source(%dma_start3A_1098 : memref<2609152xf32, #tpu.memory_space<hbm>>) target(%dma_start3A_1094 : memref<128xf32, #tpu.memory_space<vmem>>) offsets(%dma_start3A_1096 : memref<128xi32, #tpu.memory_space<vmem>>) semaphore(%arg11 : memref<!tpu.dma_semaphore, #tpu.memory_space<semaphore_mem>>)
    %dma_start3A_1099 = arith.constant 128 : i32
    %dma_start3A_1100 = tpu.memref_slice %arg9[%dma_start3A_1099] : memref<512xf32, #tpu.memory_space<vmem>> -> memref<128xf32, #tpu.memory_space<vmem>>
    %dma_start3A_1101 = arith.constant 128 : i32
    %dma_start3A_1102 = tpu.memref_slice %arg7[%dma_start3A_1101] : memref<512xi32, #tpu.memory_space<vmem>> -> memref<128xi32, #tpu.memory_space<vmem>>
    %dma_start3A_1103 = arith.constant 0 : i32
    %dma_start3A_1104 = tpu.memref_slice %arg3[%dma_start3A_1103] : memref<2609152xf32, #tpu.memory_space<hbm>> -> memref<2609152xf32, #tpu.memory_space<hbm>>
    tpu.enqueue_indirect_dma source(%dma_start3A_1104 : memref<2609152xf32, #tpu.memory_space<hbm>>) target(%dma_start3A_1100 : memref<128xf32, #tpu.memory_space<vmem>>) offsets(%dma_start3A_1102 : memref<128xi32, #tpu.memory_space<vmem>>) semaphore(%arg11 : memref<!tpu.dma_semaphore, #tpu.memory_space<semaphore_mem>>)
    %dma_start3A_1105 = arith.constant 256 : i32
    %dma_start3A_1106 = tpu.memref_slice %arg9[%dma_start3A_1105] : memref<512xf32, #tpu.memory_space<vmem>> -> memref<128xf32, #tpu.memory_space<vmem>>
    %dma_start3A_1107 = arith.constant 256 : i32
    %dma_start3A_1108 = tpu.memref_slice %arg7[%dma_start3A_1107] : memref<512xi32, #tpu.memory_space<vmem>> -> memref<128xi32, #tpu.memory_space<vmem>>
    %dma_start3A_1109 = arith.constant 0 : i32
    %dma_start3A_1110 = tpu.memref_slice %arg3[%dma_start3A_1109] : memref<2609152xf32, #tpu.memory_space<hbm>> -> memref<2609152xf32, #tpu.memory_space<hbm>>
    tpu.enqueue_indirect_dma source(%dma_start3A_1110 : memref<2609152xf32, #tpu.memory_space<hbm>>) target(%dma_start3A_1106 : memref<128xf32, #tpu.memory_space<vmem>>) offsets(%dma_start3A_1108 : memref<128xi32, #tpu.memory_space<vmem>>) semaphore(%arg11 : memref<!tpu.dma_semaphore, #tpu.memory_space<semaphore_mem>>)
    %dma_start3A_1111 = arith.constant 384 : i32
    %dma_start3A_1112 = tpu.memref_slice %arg9[%dma_start3A_1111] : memref<512xf32, #tpu.memory_space<vmem>> -> memref<128xf32, #tpu.memory_space<vmem>>
    %dma_start3A_1113 = arith.constant 384 : i32
    %dma_start3A_1114 = tpu.memref_slice %arg7[%dma_start3A_1113] : memref<512xi32, #tpu.memory_space<vmem>> -> memref<128xi32, #tpu.memory_space<vmem>>
    %dma_start3A_1115 = arith.constant 0 : i32
    %dma_start3A_1116 = tpu.memref_slice %arg3[%dma_start3A_1115] : memref<2609152xf32, #tpu.memory_space<hbm>> -> memref<2609152xf32, #tpu.memory_space<hbm>>
    tpu.enqueue_indirect_dma source(%dma_start3A_1116 : memref<2609152xf32, #tpu.memory_space<hbm>>) target(%dma_start3A_1112 : memref<128xf32, #tpu.memory_space<vmem>>) offsets(%dma_start3A_1114 : memref<128xi32, #tpu.memory_space<vmem>>) semaphore(%arg11 : memref<!tpu.dma_semaphore, #tpu.memory_space<semaphore_mem>>)
    %dma_wait3A_1117 = arith.constant 0 : i32
    %dma_wait3A_1118 = tpu.memref_slice %arg10[%dma_wait3A_1117] : memref<512xf32, #tpu.memory_space<vmem>> -> memref<128xf32, #tpu.memory_space<vmem>>
    %dma_wait3A_1119 = arith.constant 0 : i32
    %dma_wait3A_1120 = tpu.memref_slice %arg8[%dma_wait3A_1119] : memref<512xi32, #tpu.memory_space<vmem>> -> memref<128xi32, #tpu.memory_space<vmem>>
    %dma_wait3A_1121 = arith.constant 0 : i32
    %dma_wait3A_1122 = tpu.memref_slice %arg3[%dma_wait3A_1121] : memref<2609152xf32, #tpu.memory_space<hbm>> -> memref<2609152xf32, #tpu.memory_space<hbm>>
    tpu.wait_indirect_dma semaphore(%arg12 : memref<!tpu.dma_semaphore, #tpu.memory_space<semaphore_mem>>) src(%dma_wait3A_1122 : memref<2609152xf32, #tpu.memory_space<hbm>>) dst(%dma_wait3A_1118 : memref<128xf32, #tpu.memory_space<vmem>>)
    %dma_wait3A_1123 = arith.constant 128 : i32
    %dma_wait3A_1124 = tpu.memref_slice %arg10[%dma_wait3A_1123] : memref<512xf32, #tpu.memory_space<vmem>> -> memref<128xf32, #tpu.memory_space<vmem>>
    %dma_wait3A_1125 = arith.constant 128 : i32
    %dma_wait3A_1126 = tpu.memref_slice %arg8[%dma_wait3A_1125] : memref<512xi32, #tpu.memory_space<vmem>> -> memref<128xi32, #tpu.memory_space<vmem>>
    %dma_wait3A_1127 = arith.constant 0 : i32
    %dma_wait3A_1128 = tpu.memref_slice %arg3[%dma_wait3A_1127] : memref<2609152xf32, #tpu.memory_space<hbm>> -> memref<2609152xf32, #tpu.memory_space<hbm>>
    tpu.wait_indirect_dma semaphore(%arg12 : memref<!tpu.dma_semaphore, #tpu.memory_space<semaphore_mem>>) src(%dma_wait3A_1128 : memref<2609152xf32, #tpu.memory_space<hbm>>) dst(%dma_wait3A_1124 : memref<128xf32, #tpu.memory_space<vmem>>)
    %dma_wait3A_1129 = arith.constant 256 : i32
    %dma_wait3A_1130 = tpu.memref_slice %arg10[%dma_wait3A_1129] : memref<512xf32, #tpu.memory_space<vmem>> -> memref<128xf32, #tpu.memory_space<vmem>>
    %dma_wait3A_1131 = arith.constant 256 : i32
    %dma_wait3A_1132 = tpu.memref_slice %arg8[%dma_wait3A_1131] : memref<512xi32, #tpu.memory_space<vmem>> -> memref<128xi32, #tpu.memory_space<vmem>>
    %dma_wait3A_1133 = arith.constant 0 : i32
    %dma_wait3A_1134 = tpu.memref_slice %arg3[%dma_wait3A_1133] : memref<2609152xf32, #tpu.memory_space<hbm>> -> memref<2609152xf32, #tpu.memory_space<hbm>>
    tpu.wait_indirect_dma semaphore(%arg12 : memref<!tpu.dma_semaphore, #tpu.memory_space<semaphore_mem>>) src(%dma_wait3A_1134 : memref<2609152xf32, #tpu.memory_space<hbm>>) dst(%dma_wait3A_1130 : memref<128xf32, #tpu.memory_space<vmem>>)
    %dma_wait3A_1135 = arith.constant 384 : i32
    %dma_wait3A_1136 = tpu.memref_slice %arg10[%dma_wait3A_1135] : memref<512xf32, #tpu.memory_space<vmem>> -> memref<128xf32, #tpu.memory_space<vmem>>
    %dma_wait3A_1137 = arith.constant 384 : i32
    %dma_wait3A_1138 = tpu.memref_slice %arg8[%dma_wait3A_1137] : memref<512xi32, #tpu.memory_space<vmem>> -> memref<128xi32, #tpu.memory_space<vmem>>
    %dma_wait3A_1139 = arith.constant 0 : i32
    %dma_wait3A_1140 = tpu.memref_slice %arg3[%dma_wait3A_1139] : memref<2609152xf32, #tpu.memory_space<hbm>> -> memref<2609152xf32, #tpu.memory_space<hbm>>
    tpu.wait_indirect_dma semaphore(%arg12 : memref<!tpu.dma_semaphore, #tpu.memory_space<semaphore_mem>>) src(%dma_wait3A_1140 : memref<2609152xf32, #tpu.memory_space<hbm>>) dst(%dma_wait3A_1136 : memref<128xf32, #tpu.memory_space<vmem>>)
    %scan3A_1141 = arith.constant 0 : i32
    %scan3A_1142 = arith.constant 0 : i32
    %scan3A_1143 = arith.constant 32 : i32
    %scan3A_1144 = arith.addi %scan3A_1142, %scan3A_1143 : i32
    %scan3A_1145 = arith.constant 1 : i32
    scf.for %scan3A_1611 = %scan3A_1142 to %scan3A_1144 step %scan3A_1145  : i32 {
      %mul3A_1612 = arith.constant 16 : i32
      %mul3A_1613 = arith.muli %scan3A_1611, %mul3A_1612 : i32
      %get3A = arith.index_cast %mul3A_1613 : i32 to index
      %get3A_1614 = tpu.vector_load %arg6[%get3A] {strides = array<i32>} : memref<512xf32, #tpu.memory_space<vmem>>, vector<16xf32>,
      %get3A_1615 = vector.shape_cast %get3A_1614 : vector<16xf32> to vector<16xf32>
      %get3A_1616 = arith.index_cast %mul3A_1613 : i32 to index
      %get3A_1617 = tpu.vector_load %arg10[%get3A_1616] {strides = array<i32>} : memref<512xf32, #tpu.memory_space<vmem>>, vector<16xf32>,
      %get3A_1618 = vector.shape_cast %get3A_1617 : vector<16xf32> to vector<16xf32>
      %add3A_1619 = arith.addf %get3A_1615, %get3A_1618 : vector<16xf32>
      %swap3A = arith.index_cast %mul3A_1613 : i32 to index
      %swap3A_1620 = tpu.vector_load %arg6[%swap3A] {strides = array<i32>} : memref<512xf32, #tpu.memory_space<vmem>>, vector<16xf32>,
      %swap3A_1621 = vector.shape_cast %swap3A_1620 : vector<16xf32> to vector<16xf32>
      %swap3A_1622 = vector.shape_cast %add3A_1619 : vector<16xf32> to vector<16xf32>
      tpu.vector_store %arg6[%swap3A], %swap3A_1622 {strides = array<i32>} : memref<512xf32, #tpu.memory_space<vmem>>, vector<16xf32>,
    }
    %scan3A_1146 = arith.constant 32 : i32
    %run_scoped3A_1147 = arith.constant 19 : i32
    "tpu.region"() ({
      %run_scoped3A_1611 = tpu.sem_alloc : memref<!tpu.dma_semaphore, #tpu.memory_space<semaphore_mem>>
      %dma_start3A_1612 = tpu.memref_slice %arg2[%run_scoped3A_1147, %mul3A_2] : memref<26x16384xi32, #tpu.memory_space<hbm>> -> memref<1x512xi32, #tpu.memory_space<hbm>>
      %dma_start3A_1613 = tpu.memref_squeeze %dma_start3A_1612 : memref<1x512xi32, #tpu.memory_space<hbm>> -> memref<512xi32, #tpu.memory_space<hbm>>
      %dma_start3A_1614 = tpu.memref_slice %arg2[%run_scoped3A_1147, %mul3A_2] : memref<26x16384xi32, #tpu.memory_space<hbm>> -> memref<1x512xi32, #tpu.memory_space<hbm>>
      %dma_start3A_1615 = tpu.memref_squeeze %dma_start3A_1614 : memref<1x512xi32, #tpu.memory_space<hbm>> -> memref<512xi32, #tpu.memory_space<hbm>>
      tpu.enqueue_dma source(%dma_start3A_1615 : memref<512xi32, #tpu.memory_space<hbm>>) target(%arg8 : memref<512xi32, #tpu.memory_space<vmem>>) target_semaphore(%run_scoped3A_1611 : memref<!tpu.dma_semaphore, #tpu.memory_space<semaphore_mem>>)
      %dma_wait3A_1616 = tpu.memref_slice %arg2[%run_scoped3A_1147, %mul3A_2] : memref<26x16384xi32, #tpu.memory_space<hbm>> -> memref<1x512xi32, #tpu.memory_space<hbm>>
      %dma_wait3A_1617 = tpu.memref_squeeze %dma_wait3A_1616 : memref<1x512xi32, #tpu.memory_space<hbm>> -> memref<512xi32, #tpu.memory_space<hbm>>
      %dma_wait3A_1618 = tpu.memref_slice %arg2[%run_scoped3A_1147, %mul3A_2] : memref<26x16384xi32, #tpu.memory_space<hbm>> -> memref<1x512xi32, #tpu.memory_space<hbm>>
      %dma_wait3A_1619 = tpu.memref_squeeze %dma_wait3A_1618 : memref<1x512xi32, #tpu.memory_space<hbm>> -> memref<512xi32, #tpu.memory_space<hbm>>
      tpu.wait_dma2 semaphore(%run_scoped3A_1611 : memref<!tpu.dma_semaphore, #tpu.memory_space<semaphore_mem>>) src(%dma_wait3A_1619 : memref<512xi32, #tpu.memory_space<hbm>>) dst(%arg8 : memref<512xi32, #tpu.memory_space<vmem>>)
      tpu.yield
    }) : () -> ()
    %scan3A_1148 = arith.constant 0 : i32
    %scan3A_1149 = arith.constant 1906688 : i32
    %scan3A_1150 = arith.constant 0 : i32
    %scan3A_1151 = arith.constant 32 : i32
    %scan3A_1152 = arith.addi %scan3A_1150, %scan3A_1151 : i32
    %scan3A_1153 = arith.constant 1 : i32
    scf.for %scan3A_1611 = %scan3A_1150 to %scan3A_1152 step %scan3A_1153  : i32 {
      %mul3A_1612 = arith.constant 16 : i32
      %mul3A_1613 = arith.muli %scan3A_1611, %mul3A_1612 : i32
      %get3A = arith.index_cast %mul3A_1613 : i32 to index
      %get3A_1614 = tpu.vector_load %arg8[%get3A] {strides = array<i32>} : memref<512xi32, #tpu.memory_space<vmem>>, vector<16xi32>,
      %get3A_1615 = vector.shape_cast %get3A_1614 : vector<16xi32> to vector<16xi32>
      %add3A_1616 = vector.broadcast %scan3A_1149 : i32 to vector<16xi32>
      %add3A_1617 = arith.addi %get3A_1615, %add3A_1616 : vector<16xi32>
      %swap3A = arith.index_cast %mul3A_1613 : i32 to index
      %swap3A_1618 = tpu.vector_load %arg8[%swap3A] {strides = array<i32>} : memref<512xi32, #tpu.memory_space<vmem>>, vector<16xi32>,
      %swap3A_1619 = vector.shape_cast %swap3A_1618 : vector<16xi32> to vector<16xi32>
      %swap3A_1620 = vector.shape_cast %add3A_1617 : vector<16xi32> to vector<16xi32>
      tpu.vector_store %arg8[%swap3A], %swap3A_1620 {strides = array<i32>} : memref<512xi32, #tpu.memory_space<vmem>>, vector<16xi32>,
    }
    %scan3A_1154 = arith.constant 32 : i32
    %dma_start3A_1155 = arith.constant 0 : i32
    %dma_start3A_1156 = tpu.memref_slice %arg10[%dma_start3A_1155] : memref<512xf32, #tpu.memory_space<vmem>> -> memref<128xf32, #tpu.memory_space<vmem>>
    %dma_start3A_1157 = arith.constant 0 : i32
    %dma_start3A_1158 = tpu.memref_slice %arg8[%dma_start3A_1157] : memref<512xi32, #tpu.memory_space<vmem>> -> memref<128xi32, #tpu.memory_space<vmem>>
    %dma_start3A_1159 = arith.constant 0 : i32
    %dma_start3A_1160 = tpu.memref_slice %arg3[%dma_start3A_1159] : memref<2609152xf32, #tpu.memory_space<hbm>> -> memref<2609152xf32, #tpu.memory_space<hbm>>
    tpu.enqueue_indirect_dma source(%dma_start3A_1160 : memref<2609152xf32, #tpu.memory_space<hbm>>) target(%dma_start3A_1156 : memref<128xf32, #tpu.memory_space<vmem>>) offsets(%dma_start3A_1158 : memref<128xi32, #tpu.memory_space<vmem>>) semaphore(%arg12 : memref<!tpu.dma_semaphore, #tpu.memory_space<semaphore_mem>>)
    %dma_start3A_1161 = arith.constant 128 : i32
    %dma_start3A_1162 = tpu.memref_slice %arg10[%dma_start3A_1161] : memref<512xf32, #tpu.memory_space<vmem>> -> memref<128xf32, #tpu.memory_space<vmem>>
    %dma_start3A_1163 = arith.constant 128 : i32
    %dma_start3A_1164 = tpu.memref_slice %arg8[%dma_start3A_1163] : memref<512xi32, #tpu.memory_space<vmem>> -> memref<128xi32, #tpu.memory_space<vmem>>
    %dma_start3A_1165 = arith.constant 0 : i32
    %dma_start3A_1166 = tpu.memref_slice %arg3[%dma_start3A_1165] : memref<2609152xf32, #tpu.memory_space<hbm>> -> memref<2609152xf32, #tpu.memory_space<hbm>>
    tpu.enqueue_indirect_dma source(%dma_start3A_1166 : memref<2609152xf32, #tpu.memory_space<hbm>>) target(%dma_start3A_1162 : memref<128xf32, #tpu.memory_space<vmem>>) offsets(%dma_start3A_1164 : memref<128xi32, #tpu.memory_space<vmem>>) semaphore(%arg12 : memref<!tpu.dma_semaphore, #tpu.memory_space<semaphore_mem>>)
    %dma_start3A_1167 = arith.constant 256 : i32
    %dma_start3A_1168 = tpu.memref_slice %arg10[%dma_start3A_1167] : memref<512xf32, #tpu.memory_space<vmem>> -> memref<128xf32, #tpu.memory_space<vmem>>
    %dma_start3A_1169 = arith.constant 256 : i32
    %dma_start3A_1170 = tpu.memref_slice %arg8[%dma_start3A_1169] : memref<512xi32, #tpu.memory_space<vmem>> -> memref<128xi32, #tpu.memory_space<vmem>>
    %dma_start3A_1171 = arith.constant 0 : i32
    %dma_start3A_1172 = tpu.memref_slice %arg3[%dma_start3A_1171] : memref<2609152xf32, #tpu.memory_space<hbm>> -> memref<2609152xf32, #tpu.memory_space<hbm>>
    tpu.enqueue_indirect_dma source(%dma_start3A_1172 : memref<2609152xf32, #tpu.memory_space<hbm>>) target(%dma_start3A_1168 : memref<128xf32, #tpu.memory_space<vmem>>) offsets(%dma_start3A_1170 : memref<128xi32, #tpu.memory_space<vmem>>) semaphore(%arg12 : memref<!tpu.dma_semaphore, #tpu.memory_space<semaphore_mem>>)
    %dma_start3A_1173 = arith.constant 384 : i32
    %dma_start3A_1174 = tpu.memref_slice %arg10[%dma_start3A_1173] : memref<512xf32, #tpu.memory_space<vmem>> -> memref<128xf32, #tpu.memory_space<vmem>>
    %dma_start3A_1175 = arith.constant 384 : i32
    %dma_start3A_1176 = tpu.memref_slice %arg8[%dma_start3A_1175] : memref<512xi32, #tpu.memory_space<vmem>> -> memref<128xi32, #tpu.memory_space<vmem>>
    %dma_start3A_1177 = arith.constant 0 : i32
    %dma_start3A_1178 = tpu.memref_slice %arg3[%dma_start3A_1177] : memref<2609152xf32, #tpu.memory_space<hbm>> -> memref<2609152xf32, #tpu.memory_space<hbm>>
    tpu.enqueue_indirect_dma source(%dma_start3A_1178 : memref<2609152xf32, #tpu.memory_space<hbm>>) target(%dma_start3A_1174 : memref<128xf32, #tpu.memory_space<vmem>>) offsets(%dma_start3A_1176 : memref<128xi32, #tpu.memory_space<vmem>>) semaphore(%arg12 : memref<!tpu.dma_semaphore, #tpu.memory_space<semaphore_mem>>)
    %dma_wait3A_1179 = arith.constant 0 : i32
    %dma_wait3A_1180 = tpu.memref_slice %arg9[%dma_wait3A_1179] : memref<512xf32, #tpu.memory_space<vmem>> -> memref<128xf32, #tpu.memory_space<vmem>>
    %dma_wait3A_1181 = arith.constant 0 : i32
    %dma_wait3A_1182 = tpu.memref_slice %arg7[%dma_wait3A_1181] : memref<512xi32, #tpu.memory_space<vmem>> -> memref<128xi32, #tpu.memory_space<vmem>>
    %dma_wait3A_1183 = arith.constant 0 : i32
    %dma_wait3A_1184 = tpu.memref_slice %arg3[%dma_wait3A_1183] : memref<2609152xf32, #tpu.memory_space<hbm>> -> memref<2609152xf32, #tpu.memory_space<hbm>>
    tpu.wait_indirect_dma semaphore(%arg11 : memref<!tpu.dma_semaphore, #tpu.memory_space<semaphore_mem>>) src(%dma_wait3A_1184 : memref<2609152xf32, #tpu.memory_space<hbm>>) dst(%dma_wait3A_1180 : memref<128xf32, #tpu.memory_space<vmem>>)
    %dma_wait3A_1185 = arith.constant 128 : i32
    %dma_wait3A_1186 = tpu.memref_slice %arg9[%dma_wait3A_1185] : memref<512xf32, #tpu.memory_space<vmem>> -> memref<128xf32, #tpu.memory_space<vmem>>
    %dma_wait3A_1187 = arith.constant 128 : i32
    %dma_wait3A_1188 = tpu.memref_slice %arg7[%dma_wait3A_1187] : memref<512xi32, #tpu.memory_space<vmem>> -> memref<128xi32, #tpu.memory_space<vmem>>
    %dma_wait3A_1189 = arith.constant 0 : i32
    %dma_wait3A_1190 = tpu.memref_slice %arg3[%dma_wait3A_1189] : memref<2609152xf32, #tpu.memory_space<hbm>> -> memref<2609152xf32, #tpu.memory_space<hbm>>
    tpu.wait_indirect_dma semaphore(%arg11 : memref<!tpu.dma_semaphore, #tpu.memory_space<semaphore_mem>>) src(%dma_wait3A_1190 : memref<2609152xf32, #tpu.memory_space<hbm>>) dst(%dma_wait3A_1186 : memref<128xf32, #tpu.memory_space<vmem>>)
    %dma_wait3A_1191 = arith.constant 256 : i32
    %dma_wait3A_1192 = tpu.memref_slice %arg9[%dma_wait3A_1191] : memref<512xf32, #tpu.memory_space<vmem>> -> memref<128xf32, #tpu.memory_space<vmem>>
    %dma_wait3A_1193 = arith.constant 256 : i32
    %dma_wait3A_1194 = tpu.memref_slice %arg7[%dma_wait3A_1193] : memref<512xi32, #tpu.memory_space<vmem>> -> memref<128xi32, #tpu.memory_space<vmem>>
    %dma_wait3A_1195 = arith.constant 0 : i32
    %dma_wait3A_1196 = tpu.memref_slice %arg3[%dma_wait3A_1195] : memref<2609152xf32, #tpu.memory_space<hbm>> -> memref<2609152xf32, #tpu.memory_space<hbm>>
    tpu.wait_indirect_dma semaphore(%arg11 : memref<!tpu.dma_semaphore, #tpu.memory_space<semaphore_mem>>) src(%dma_wait3A_1196 : memref<2609152xf32, #tpu.memory_space<hbm>>) dst(%dma_wait3A_1192 : memref<128xf32, #tpu.memory_space<vmem>>)
    %dma_wait3A_1197 = arith.constant 384 : i32
    %dma_wait3A_1198 = tpu.memref_slice %arg9[%dma_wait3A_1197] : memref<512xf32, #tpu.memory_space<vmem>> -> memref<128xf32, #tpu.memory_space<vmem>>
    %dma_wait3A_1199 = arith.constant 384 : i32
    %dma_wait3A_1200 = tpu.memref_slice %arg7[%dma_wait3A_1199] : memref<512xi32, #tpu.memory_space<vmem>> -> memref<128xi32, #tpu.memory_space<vmem>>
    %dma_wait3A_1201 = arith.constant 0 : i32
    %dma_wait3A_1202 = tpu.memref_slice %arg3[%dma_wait3A_1201] : memref<2609152xf32, #tpu.memory_space<hbm>> -> memref<2609152xf32, #tpu.memory_space<hbm>>
    tpu.wait_indirect_dma semaphore(%arg11 : memref<!tpu.dma_semaphore, #tpu.memory_space<semaphore_mem>>) src(%dma_wait3A_1202 : memref<2609152xf32, #tpu.memory_space<hbm>>) dst(%dma_wait3A_1198 : memref<128xf32, #tpu.memory_space<vmem>>)
    %scan3A_1203 = arith.constant 0 : i32
    %scan3A_1204 = arith.constant 0 : i32
    %scan3A_1205 = arith.constant 32 : i32
    %scan3A_1206 = arith.addi %scan3A_1204, %scan3A_1205 : i32
    %scan3A_1207 = arith.constant 1 : i32
    scf.for %scan3A_1611 = %scan3A_1204 to %scan3A_1206 step %scan3A_1207  : i32 {
      %mul3A_1612 = arith.constant 16 : i32
      %mul3A_1613 = arith.muli %scan3A_1611, %mul3A_1612 : i32
      %get3A = arith.index_cast %mul3A_1613 : i32 to index
      %get3A_1614 = tpu.vector_load %arg6[%get3A] {strides = array<i32>} : memref<512xf32, #tpu.memory_space<vmem>>, vector<16xf32>,
      %get3A_1615 = vector.shape_cast %get3A_1614 : vector<16xf32> to vector<16xf32>
      %get3A_1616 = arith.index_cast %mul3A_1613 : i32 to index
      %get3A_1617 = tpu.vector_load %arg9[%get3A_1616] {strides = array<i32>} : memref<512xf32, #tpu.memory_space<vmem>>, vector<16xf32>,
      %get3A_1618 = vector.shape_cast %get3A_1617 : vector<16xf32> to vector<16xf32>
      %add3A_1619 = arith.addf %get3A_1615, %get3A_1618 : vector<16xf32>
      %swap3A = arith.index_cast %mul3A_1613 : i32 to index
      %swap3A_1620 = tpu.vector_load %arg6[%swap3A] {strides = array<i32>} : memref<512xf32, #tpu.memory_space<vmem>>, vector<16xf32>,
      %swap3A_1621 = vector.shape_cast %swap3A_1620 : vector<16xf32> to vector<16xf32>
      %swap3A_1622 = vector.shape_cast %add3A_1619 : vector<16xf32> to vector<16xf32>
      tpu.vector_store %arg6[%swap3A], %swap3A_1622 {strides = array<i32>} : memref<512xf32, #tpu.memory_space<vmem>>, vector<16xf32>,
    }
    %scan3A_1208 = arith.constant 32 : i32
    %run_scoped3A_1209 = arith.constant 20 : i32
    "tpu.region"() ({
      %run_scoped3A_1611 = tpu.sem_alloc : memref<!tpu.dma_semaphore, #tpu.memory_space<semaphore_mem>>
      %dma_start3A_1612 = tpu.memref_slice %arg2[%run_scoped3A_1209, %mul3A_2] : memref<26x16384xi32, #tpu.memory_space<hbm>> -> memref<1x512xi32, #tpu.memory_space<hbm>>
      %dma_start3A_1613 = tpu.memref_squeeze %dma_start3A_1612 : memref<1x512xi32, #tpu.memory_space<hbm>> -> memref<512xi32, #tpu.memory_space<hbm>>
      %dma_start3A_1614 = tpu.memref_slice %arg2[%run_scoped3A_1209, %mul3A_2] : memref<26x16384xi32, #tpu.memory_space<hbm>> -> memref<1x512xi32, #tpu.memory_space<hbm>>
      %dma_start3A_1615 = tpu.memref_squeeze %dma_start3A_1614 : memref<1x512xi32, #tpu.memory_space<hbm>> -> memref<512xi32, #tpu.memory_space<hbm>>
      tpu.enqueue_dma source(%dma_start3A_1615 : memref<512xi32, #tpu.memory_space<hbm>>) target(%arg7 : memref<512xi32, #tpu.memory_space<vmem>>) target_semaphore(%run_scoped3A_1611 : memref<!tpu.dma_semaphore, #tpu.memory_space<semaphore_mem>>)
      %dma_wait3A_1616 = tpu.memref_slice %arg2[%run_scoped3A_1209, %mul3A_2] : memref<26x16384xi32, #tpu.memory_space<hbm>> -> memref<1x512xi32, #tpu.memory_space<hbm>>
      %dma_wait3A_1617 = tpu.memref_squeeze %dma_wait3A_1616 : memref<1x512xi32, #tpu.memory_space<hbm>> -> memref<512xi32, #tpu.memory_space<hbm>>
      %dma_wait3A_1618 = tpu.memref_slice %arg2[%run_scoped3A_1209, %mul3A_2] : memref<26x16384xi32, #tpu.memory_space<hbm>> -> memref<1x512xi32, #tpu.memory_space<hbm>>
      %dma_wait3A_1619 = tpu.memref_squeeze %dma_wait3A_1618 : memref<1x512xi32, #tpu.memory_space<hbm>> -> memref<512xi32, #tpu.memory_space<hbm>>
      tpu.wait_dma2 semaphore(%run_scoped3A_1611 : memref<!tpu.dma_semaphore, #tpu.memory_space<semaphore_mem>>) src(%dma_wait3A_1619 : memref<512xi32, #tpu.memory_space<hbm>>) dst(%arg7 : memref<512xi32, #tpu.memory_space<vmem>>)
      tpu.yield
    }) : () -> ()
    %scan3A_1210 = arith.constant 0 : i32
    %scan3A_1211 = arith.constant 2007040 : i32
    %scan3A_1212 = arith.constant 0 : i32
    %scan3A_1213 = arith.constant 32 : i32
    %scan3A_1214 = arith.addi %scan3A_1212, %scan3A_1213 : i32
    %scan3A_1215 = arith.constant 1 : i32
    scf.for %scan3A_1611 = %scan3A_1212 to %scan3A_1214 step %scan3A_1215  : i32 {
      %mul3A_1612 = arith.constant 16 : i32
      %mul3A_1613 = arith.muli %scan3A_1611, %mul3A_1612 : i32
      %get3A = arith.index_cast %mul3A_1613 : i32 to index
      %get3A_1614 = tpu.vector_load %arg7[%get3A] {strides = array<i32>} : memref<512xi32, #tpu.memory_space<vmem>>, vector<16xi32>,
      %get3A_1615 = vector.shape_cast %get3A_1614 : vector<16xi32> to vector<16xi32>
      %add3A_1616 = vector.broadcast %scan3A_1211 : i32 to vector<16xi32>
      %add3A_1617 = arith.addi %get3A_1615, %add3A_1616 : vector<16xi32>
      %swap3A = arith.index_cast %mul3A_1613 : i32 to index
      %swap3A_1618 = tpu.vector_load %arg7[%swap3A] {strides = array<i32>} : memref<512xi32, #tpu.memory_space<vmem>>, vector<16xi32>,
      %swap3A_1619 = vector.shape_cast %swap3A_1618 : vector<16xi32> to vector<16xi32>
      %swap3A_1620 = vector.shape_cast %add3A_1617 : vector<16xi32> to vector<16xi32>
      tpu.vector_store %arg7[%swap3A], %swap3A_1620 {strides = array<i32>} : memref<512xi32, #tpu.memory_space<vmem>>, vector<16xi32>,
    }
    %scan3A_1216 = arith.constant 32 : i32
    %dma_start3A_1217 = arith.constant 0 : i32
    %dma_start3A_1218 = tpu.memref_slice %arg9[%dma_start3A_1217] : memref<512xf32, #tpu.memory_space<vmem>> -> memref<128xf32, #tpu.memory_space<vmem>>
    %dma_start3A_1219 = arith.constant 0 : i32
    %dma_start3A_1220 = tpu.memref_slice %arg7[%dma_start3A_1219] : memref<512xi32, #tpu.memory_space<vmem>> -> memref<128xi32, #tpu.memory_space<vmem>>
    %dma_start3A_1221 = arith.constant 0 : i32
    %dma_start3A_1222 = tpu.memref_slice %arg3[%dma_start3A_1221] : memref<2609152xf32, #tpu.memory_space<hbm>> -> memref<2609152xf32, #tpu.memory_space<hbm>>
    tpu.enqueue_indirect_dma source(%dma_start3A_1222 : memref<2609152xf32, #tpu.memory_space<hbm>>) target(%dma_start3A_1218 : memref<128xf32, #tpu.memory_space<vmem>>) offsets(%dma_start3A_1220 : memref<128xi32, #tpu.memory_space<vmem>>) semaphore(%arg11 : memref<!tpu.dma_semaphore, #tpu.memory_space<semaphore_mem>>)
    %dma_start3A_1223 = arith.constant 128 : i32
    %dma_start3A_1224 = tpu.memref_slice %arg9[%dma_start3A_1223] : memref<512xf32, #tpu.memory_space<vmem>> -> memref<128xf32, #tpu.memory_space<vmem>>
    %dma_start3A_1225 = arith.constant 128 : i32
    %dma_start3A_1226 = tpu.memref_slice %arg7[%dma_start3A_1225] : memref<512xi32, #tpu.memory_space<vmem>> -> memref<128xi32, #tpu.memory_space<vmem>>
    %dma_start3A_1227 = arith.constant 0 : i32
    %dma_start3A_1228 = tpu.memref_slice %arg3[%dma_start3A_1227] : memref<2609152xf32, #tpu.memory_space<hbm>> -> memref<2609152xf32, #tpu.memory_space<hbm>>
    tpu.enqueue_indirect_dma source(%dma_start3A_1228 : memref<2609152xf32, #tpu.memory_space<hbm>>) target(%dma_start3A_1224 : memref<128xf32, #tpu.memory_space<vmem>>) offsets(%dma_start3A_1226 : memref<128xi32, #tpu.memory_space<vmem>>) semaphore(%arg11 : memref<!tpu.dma_semaphore, #tpu.memory_space<semaphore_mem>>)
    %dma_start3A_1229 = arith.constant 256 : i32
    %dma_start3A_1230 = tpu.memref_slice %arg9[%dma_start3A_1229] : memref<512xf32, #tpu.memory_space<vmem>> -> memref<128xf32, #tpu.memory_space<vmem>>
    %dma_start3A_1231 = arith.constant 256 : i32
    %dma_start3A_1232 = tpu.memref_slice %arg7[%dma_start3A_1231] : memref<512xi32, #tpu.memory_space<vmem>> -> memref<128xi32, #tpu.memory_space<vmem>>
    %dma_start3A_1233 = arith.constant 0 : i32
    %dma_start3A_1234 = tpu.memref_slice %arg3[%dma_start3A_1233] : memref<2609152xf32, #tpu.memory_space<hbm>> -> memref<2609152xf32, #tpu.memory_space<hbm>>
    tpu.enqueue_indirect_dma source(%dma_start3A_1234 : memref<2609152xf32, #tpu.memory_space<hbm>>) target(%dma_start3A_1230 : memref<128xf32, #tpu.memory_space<vmem>>) offsets(%dma_start3A_1232 : memref<128xi32, #tpu.memory_space<vmem>>) semaphore(%arg11 : memref<!tpu.dma_semaphore, #tpu.memory_space<semaphore_mem>>)
    %dma_start3A_1235 = arith.constant 384 : i32
    %dma_start3A_1236 = tpu.memref_slice %arg9[%dma_start3A_1235] : memref<512xf32, #tpu.memory_space<vmem>> -> memref<128xf32, #tpu.memory_space<vmem>>
    %dma_start3A_1237 = arith.constant 384 : i32
    %dma_start3A_1238 = tpu.memref_slice %arg7[%dma_start3A_1237] : memref<512xi32, #tpu.memory_space<vmem>> -> memref<128xi32, #tpu.memory_space<vmem>>
    %dma_start3A_1239 = arith.constant 0 : i32
    %dma_start3A_1240 = tpu.memref_slice %arg3[%dma_start3A_1239] : memref<2609152xf32, #tpu.memory_space<hbm>> -> memref<2609152xf32, #tpu.memory_space<hbm>>
    tpu.enqueue_indirect_dma source(%dma_start3A_1240 : memref<2609152xf32, #tpu.memory_space<hbm>>) target(%dma_start3A_1236 : memref<128xf32, #tpu.memory_space<vmem>>) offsets(%dma_start3A_1238 : memref<128xi32, #tpu.memory_space<vmem>>) semaphore(%arg11 : memref<!tpu.dma_semaphore, #tpu.memory_space<semaphore_mem>>)
    %dma_wait3A_1241 = arith.constant 0 : i32
    %dma_wait3A_1242 = tpu.memref_slice %arg10[%dma_wait3A_1241] : memref<512xf32, #tpu.memory_space<vmem>> -> memref<128xf32, #tpu.memory_space<vmem>>
    %dma_wait3A_1243 = arith.constant 0 : i32
    %dma_wait3A_1244 = tpu.memref_slice %arg8[%dma_wait3A_1243] : memref<512xi32, #tpu.memory_space<vmem>> -> memref<128xi32, #tpu.memory_space<vmem>>
    %dma_wait3A_1245 = arith.constant 0 : i32
    %dma_wait3A_1246 = tpu.memref_slice %arg3[%dma_wait3A_1245] : memref<2609152xf32, #tpu.memory_space<hbm>> -> memref<2609152xf32, #tpu.memory_space<hbm>>
    tpu.wait_indirect_dma semaphore(%arg12 : memref<!tpu.dma_semaphore, #tpu.memory_space<semaphore_mem>>) src(%dma_wait3A_1246 : memref<2609152xf32, #tpu.memory_space<hbm>>) dst(%dma_wait3A_1242 : memref<128xf32, #tpu.memory_space<vmem>>)
    %dma_wait3A_1247 = arith.constant 128 : i32
    %dma_wait3A_1248 = tpu.memref_slice %arg10[%dma_wait3A_1247] : memref<512xf32, #tpu.memory_space<vmem>> -> memref<128xf32, #tpu.memory_space<vmem>>
    %dma_wait3A_1249 = arith.constant 128 : i32
    %dma_wait3A_1250 = tpu.memref_slice %arg8[%dma_wait3A_1249] : memref<512xi32, #tpu.memory_space<vmem>> -> memref<128xi32, #tpu.memory_space<vmem>>
    %dma_wait3A_1251 = arith.constant 0 : i32
    %dma_wait3A_1252 = tpu.memref_slice %arg3[%dma_wait3A_1251] : memref<2609152xf32, #tpu.memory_space<hbm>> -> memref<2609152xf32, #tpu.memory_space<hbm>>
    tpu.wait_indirect_dma semaphore(%arg12 : memref<!tpu.dma_semaphore, #tpu.memory_space<semaphore_mem>>) src(%dma_wait3A_1252 : memref<2609152xf32, #tpu.memory_space<hbm>>) dst(%dma_wait3A_1248 : memref<128xf32, #tpu.memory_space<vmem>>)
    %dma_wait3A_1253 = arith.constant 256 : i32
    %dma_wait3A_1254 = tpu.memref_slice %arg10[%dma_wait3A_1253] : memref<512xf32, #tpu.memory_space<vmem>> -> memref<128xf32, #tpu.memory_space<vmem>>
    %dma_wait3A_1255 = arith.constant 256 : i32
    %dma_wait3A_1256 = tpu.memref_slice %arg8[%dma_wait3A_1255] : memref<512xi32, #tpu.memory_space<vmem>> -> memref<128xi32, #tpu.memory_space<vmem>>
    %dma_wait3A_1257 = arith.constant 0 : i32
    %dma_wait3A_1258 = tpu.memref_slice %arg3[%dma_wait3A_1257] : memref<2609152xf32, #tpu.memory_space<hbm>> -> memref<2609152xf32, #tpu.memory_space<hbm>>
    tpu.wait_indirect_dma semaphore(%arg12 : memref<!tpu.dma_semaphore, #tpu.memory_space<semaphore_mem>>) src(%dma_wait3A_1258 : memref<2609152xf32, #tpu.memory_space<hbm>>) dst(%dma_wait3A_1254 : memref<128xf32, #tpu.memory_space<vmem>>)
    %dma_wait3A_1259 = arith.constant 384 : i32
    %dma_wait3A_1260 = tpu.memref_slice %arg10[%dma_wait3A_1259] : memref<512xf32, #tpu.memory_space<vmem>> -> memref<128xf32, #tpu.memory_space<vmem>>
    %dma_wait3A_1261 = arith.constant 384 : i32
    %dma_wait3A_1262 = tpu.memref_slice %arg8[%dma_wait3A_1261] : memref<512xi32, #tpu.memory_space<vmem>> -> memref<128xi32, #tpu.memory_space<vmem>>
    %dma_wait3A_1263 = arith.constant 0 : i32
    %dma_wait3A_1264 = tpu.memref_slice %arg3[%dma_wait3A_1263] : memref<2609152xf32, #tpu.memory_space<hbm>> -> memref<2609152xf32, #tpu.memory_space<hbm>>
    tpu.wait_indirect_dma semaphore(%arg12 : memref<!tpu.dma_semaphore, #tpu.memory_space<semaphore_mem>>) src(%dma_wait3A_1264 : memref<2609152xf32, #tpu.memory_space<hbm>>) dst(%dma_wait3A_1260 : memref<128xf32, #tpu.memory_space<vmem>>)
    %scan3A_1265 = arith.constant 0 : i32
    %scan3A_1266 = arith.constant 0 : i32
    %scan3A_1267 = arith.constant 32 : i32
    %scan3A_1268 = arith.addi %scan3A_1266, %scan3A_1267 : i32
    %scan3A_1269 = arith.constant 1 : i32
    scf.for %scan3A_1611 = %scan3A_1266 to %scan3A_1268 step %scan3A_1269  : i32 {
      %mul3A_1612 = arith.constant 16 : i32
      %mul3A_1613 = arith.muli %scan3A_1611, %mul3A_1612 : i32
      %get3A = arith.index_cast %mul3A_1613 : i32 to index
      %get3A_1614 = tpu.vector_load %arg6[%get3A] {strides = array<i32>} : memref<512xf32, #tpu.memory_space<vmem>>, vector<16xf32>,
      %get3A_1615 = vector.shape_cast %get3A_1614 : vector<16xf32> to vector<16xf32>
      %get3A_1616 = arith.index_cast %mul3A_1613 : i32 to index
      %get3A_1617 = tpu.vector_load %arg10[%get3A_1616] {strides = array<i32>} : memref<512xf32, #tpu.memory_space<vmem>>, vector<16xf32>,
      %get3A_1618 = vector.shape_cast %get3A_1617 : vector<16xf32> to vector<16xf32>
      %add3A_1619 = arith.addf %get3A_1615, %get3A_1618 : vector<16xf32>
      %swap3A = arith.index_cast %mul3A_1613 : i32 to index
      %swap3A_1620 = tpu.vector_load %arg6[%swap3A] {strides = array<i32>} : memref<512xf32, #tpu.memory_space<vmem>>, vector<16xf32>,
      %swap3A_1621 = vector.shape_cast %swap3A_1620 : vector<16xf32> to vector<16xf32>
      %swap3A_1622 = vector.shape_cast %add3A_1619 : vector<16xf32> to vector<16xf32>
      tpu.vector_store %arg6[%swap3A], %swap3A_1622 {strides = array<i32>} : memref<512xf32, #tpu.memory_space<vmem>>, vector<16xf32>,
    }
    %scan3A_1270 = arith.constant 32 : i32
    %run_scoped3A_1271 = arith.constant 21 : i32
    "tpu.region"() ({
      %run_scoped3A_1611 = tpu.sem_alloc : memref<!tpu.dma_semaphore, #tpu.memory_space<semaphore_mem>>
      %dma_start3A_1612 = tpu.memref_slice %arg2[%run_scoped3A_1271, %mul3A_2] : memref<26x16384xi32, #tpu.memory_space<hbm>> -> memref<1x512xi32, #tpu.memory_space<hbm>>
      %dma_start3A_1613 = tpu.memref_squeeze %dma_start3A_1612 : memref<1x512xi32, #tpu.memory_space<hbm>> -> memref<512xi32, #tpu.memory_space<hbm>>
      %dma_start3A_1614 = tpu.memref_slice %arg2[%run_scoped3A_1271, %mul3A_2] : memref<26x16384xi32, #tpu.memory_space<hbm>> -> memref<1x512xi32, #tpu.memory_space<hbm>>
      %dma_start3A_1615 = tpu.memref_squeeze %dma_start3A_1614 : memref<1x512xi32, #tpu.memory_space<hbm>> -> memref<512xi32, #tpu.memory_space<hbm>>
      tpu.enqueue_dma source(%dma_start3A_1615 : memref<512xi32, #tpu.memory_space<hbm>>) target(%arg8 : memref<512xi32, #tpu.memory_space<vmem>>) target_semaphore(%run_scoped3A_1611 : memref<!tpu.dma_semaphore, #tpu.memory_space<semaphore_mem>>)
      %dma_wait3A_1616 = tpu.memref_slice %arg2[%run_scoped3A_1271, %mul3A_2] : memref<26x16384xi32, #tpu.memory_space<hbm>> -> memref<1x512xi32, #tpu.memory_space<hbm>>
      %dma_wait3A_1617 = tpu.memref_squeeze %dma_wait3A_1616 : memref<1x512xi32, #tpu.memory_space<hbm>> -> memref<512xi32, #tpu.memory_space<hbm>>
      %dma_wait3A_1618 = tpu.memref_slice %arg2[%run_scoped3A_1271, %mul3A_2] : memref<26x16384xi32, #tpu.memory_space<hbm>> -> memref<1x512xi32, #tpu.memory_space<hbm>>
      %dma_wait3A_1619 = tpu.memref_squeeze %dma_wait3A_1618 : memref<1x512xi32, #tpu.memory_space<hbm>> -> memref<512xi32, #tpu.memory_space<hbm>>
      tpu.wait_dma2 semaphore(%run_scoped3A_1611 : memref<!tpu.dma_semaphore, #tpu.memory_space<semaphore_mem>>) src(%dma_wait3A_1619 : memref<512xi32, #tpu.memory_space<hbm>>) dst(%arg8 : memref<512xi32, #tpu.memory_space<vmem>>)
      tpu.yield
    }) : () -> ()
    %scan3A_1272 = arith.constant 0 : i32
    %scan3A_1273 = arith.constant 2107392 : i32
    %scan3A_1274 = arith.constant 0 : i32
    %scan3A_1275 = arith.constant 32 : i32
    %scan3A_1276 = arith.addi %scan3A_1274, %scan3A_1275 : i32
    %scan3A_1277 = arith.constant 1 : i32
    scf.for %scan3A_1611 = %scan3A_1274 to %scan3A_1276 step %scan3A_1277  : i32 {
      %mul3A_1612 = arith.constant 16 : i32
      %mul3A_1613 = arith.muli %scan3A_1611, %mul3A_1612 : i32
      %get3A = arith.index_cast %mul3A_1613 : i32 to index
      %get3A_1614 = tpu.vector_load %arg8[%get3A] {strides = array<i32>} : memref<512xi32, #tpu.memory_space<vmem>>, vector<16xi32>,
      %get3A_1615 = vector.shape_cast %get3A_1614 : vector<16xi32> to vector<16xi32>
      %add3A_1616 = vector.broadcast %scan3A_1273 : i32 to vector<16xi32>
      %add3A_1617 = arith.addi %get3A_1615, %add3A_1616 : vector<16xi32>
      %swap3A = arith.index_cast %mul3A_1613 : i32 to index
      %swap3A_1618 = tpu.vector_load %arg8[%swap3A] {strides = array<i32>} : memref<512xi32, #tpu.memory_space<vmem>>, vector<16xi32>,
      %swap3A_1619 = vector.shape_cast %swap3A_1618 : vector<16xi32> to vector<16xi32>
      %swap3A_1620 = vector.shape_cast %add3A_1617 : vector<16xi32> to vector<16xi32>
      tpu.vector_store %arg8[%swap3A], %swap3A_1620 {strides = array<i32>} : memref<512xi32, #tpu.memory_space<vmem>>, vector<16xi32>,
    }
    %scan3A_1278 = arith.constant 32 : i32
    %dma_start3A_1279 = arith.constant 0 : i32
    %dma_start3A_1280 = tpu.memref_slice %arg10[%dma_start3A_1279] : memref<512xf32, #tpu.memory_space<vmem>> -> memref<128xf32, #tpu.memory_space<vmem>>
    %dma_start3A_1281 = arith.constant 0 : i32
    %dma_start3A_1282 = tpu.memref_slice %arg8[%dma_start3A_1281] : memref<512xi32, #tpu.memory_space<vmem>> -> memref<128xi32, #tpu.memory_space<vmem>>
    %dma_start3A_1283 = arith.constant 0 : i32
    %dma_start3A_1284 = tpu.memref_slice %arg3[%dma_start3A_1283] : memref<2609152xf32, #tpu.memory_space<hbm>> -> memref<2609152xf32, #tpu.memory_space<hbm>>
    tpu.enqueue_indirect_dma source(%dma_start3A_1284 : memref<2609152xf32, #tpu.memory_space<hbm>>) target(%dma_start3A_1280 : memref<128xf32, #tpu.memory_space<vmem>>) offsets(%dma_start3A_1282 : memref<128xi32, #tpu.memory_space<vmem>>) semaphore(%arg12 : memref<!tpu.dma_semaphore, #tpu.memory_space<semaphore_mem>>)
    %dma_start3A_1285 = arith.constant 128 : i32
    %dma_start3A_1286 = tpu.memref_slice %arg10[%dma_start3A_1285] : memref<512xf32, #tpu.memory_space<vmem>> -> memref<128xf32, #tpu.memory_space<vmem>>
    %dma_start3A_1287 = arith.constant 128 : i32
    %dma_start3A_1288 = tpu.memref_slice %arg8[%dma_start3A_1287] : memref<512xi32, #tpu.memory_space<vmem>> -> memref<128xi32, #tpu.memory_space<vmem>>
    %dma_start3A_1289 = arith.constant 0 : i32
    %dma_start3A_1290 = tpu.memref_slice %arg3[%dma_start3A_1289] : memref<2609152xf32, #tpu.memory_space<hbm>> -> memref<2609152xf32, #tpu.memory_space<hbm>>
    tpu.enqueue_indirect_dma source(%dma_start3A_1290 : memref<2609152xf32, #tpu.memory_space<hbm>>) target(%dma_start3A_1286 : memref<128xf32, #tpu.memory_space<vmem>>) offsets(%dma_start3A_1288 : memref<128xi32, #tpu.memory_space<vmem>>) semaphore(%arg12 : memref<!tpu.dma_semaphore, #tpu.memory_space<semaphore_mem>>)
    %dma_start3A_1291 = arith.constant 256 : i32
    %dma_start3A_1292 = tpu.memref_slice %arg10[%dma_start3A_1291] : memref<512xf32, #tpu.memory_space<vmem>> -> memref<128xf32, #tpu.memory_space<vmem>>
    %dma_start3A_1293 = arith.constant 256 : i32
    %dma_start3A_1294 = tpu.memref_slice %arg8[%dma_start3A_1293] : memref<512xi32, #tpu.memory_space<vmem>> -> memref<128xi32, #tpu.memory_space<vmem>>
    %dma_start3A_1295 = arith.constant 0 : i32
    %dma_start3A_1296 = tpu.memref_slice %arg3[%dma_start3A_1295] : memref<2609152xf32, #tpu.memory_space<hbm>> -> memref<2609152xf32, #tpu.memory_space<hbm>>
    tpu.enqueue_indirect_dma source(%dma_start3A_1296 : memref<2609152xf32, #tpu.memory_space<hbm>>) target(%dma_start3A_1292 : memref<128xf32, #tpu.memory_space<vmem>>) offsets(%dma_start3A_1294 : memref<128xi32, #tpu.memory_space<vmem>>) semaphore(%arg12 : memref<!tpu.dma_semaphore, #tpu.memory_space<semaphore_mem>>)
    %dma_start3A_1297 = arith.constant 384 : i32
    %dma_start3A_1298 = tpu.memref_slice %arg10[%dma_start3A_1297] : memref<512xf32, #tpu.memory_space<vmem>> -> memref<128xf32, #tpu.memory_space<vmem>>
    %dma_start3A_1299 = arith.constant 384 : i32
    %dma_start3A_1300 = tpu.memref_slice %arg8[%dma_start3A_1299] : memref<512xi32, #tpu.memory_space<vmem>> -> memref<128xi32, #tpu.memory_space<vmem>>
    %dma_start3A_1301 = arith.constant 0 : i32
    %dma_start3A_1302 = tpu.memref_slice %arg3[%dma_start3A_1301] : memref<2609152xf32, #tpu.memory_space<hbm>> -> memref<2609152xf32, #tpu.memory_space<hbm>>
    tpu.enqueue_indirect_dma source(%dma_start3A_1302 : memref<2609152xf32, #tpu.memory_space<hbm>>) target(%dma_start3A_1298 : memref<128xf32, #tpu.memory_space<vmem>>) offsets(%dma_start3A_1300 : memref<128xi32, #tpu.memory_space<vmem>>) semaphore(%arg12 : memref<!tpu.dma_semaphore, #tpu.memory_space<semaphore_mem>>)
    %dma_wait3A_1303 = arith.constant 0 : i32
    %dma_wait3A_1304 = tpu.memref_slice %arg9[%dma_wait3A_1303] : memref<512xf32, #tpu.memory_space<vmem>> -> memref<128xf32, #tpu.memory_space<vmem>>
    %dma_wait3A_1305 = arith.constant 0 : i32
    %dma_wait3A_1306 = tpu.memref_slice %arg7[%dma_wait3A_1305] : memref<512xi32, #tpu.memory_space<vmem>> -> memref<128xi32, #tpu.memory_space<vmem>>
    %dma_wait3A_1307 = arith.constant 0 : i32
    %dma_wait3A_1308 = tpu.memref_slice %arg3[%dma_wait3A_1307] : memref<2609152xf32, #tpu.memory_space<hbm>> -> memref<2609152xf32, #tpu.memory_space<hbm>>
    tpu.wait_indirect_dma semaphore(%arg11 : memref<!tpu.dma_semaphore, #tpu.memory_space<semaphore_mem>>) src(%dma_wait3A_1308 : memref<2609152xf32, #tpu.memory_space<hbm>>) dst(%dma_wait3A_1304 : memref<128xf32, #tpu.memory_space<vmem>>)
    %dma_wait3A_1309 = arith.constant 128 : i32
    %dma_wait3A_1310 = tpu.memref_slice %arg9[%dma_wait3A_1309] : memref<512xf32, #tpu.memory_space<vmem>> -> memref<128xf32, #tpu.memory_space<vmem>>
    %dma_wait3A_1311 = arith.constant 128 : i32
    %dma_wait3A_1312 = tpu.memref_slice %arg7[%dma_wait3A_1311] : memref<512xi32, #tpu.memory_space<vmem>> -> memref<128xi32, #tpu.memory_space<vmem>>
    %dma_wait3A_1313 = arith.constant 0 : i32
    %dma_wait3A_1314 = tpu.memref_slice %arg3[%dma_wait3A_1313] : memref<2609152xf32, #tpu.memory_space<hbm>> -> memref<2609152xf32, #tpu.memory_space<hbm>>
    tpu.wait_indirect_dma semaphore(%arg11 : memref<!tpu.dma_semaphore, #tpu.memory_space<semaphore_mem>>) src(%dma_wait3A_1314 : memref<2609152xf32, #tpu.memory_space<hbm>>) dst(%dma_wait3A_1310 : memref<128xf32, #tpu.memory_space<vmem>>)
    %dma_wait3A_1315 = arith.constant 256 : i32
    %dma_wait3A_1316 = tpu.memref_slice %arg9[%dma_wait3A_1315] : memref<512xf32, #tpu.memory_space<vmem>> -> memref<128xf32, #tpu.memory_space<vmem>>
    %dma_wait3A_1317 = arith.constant 256 : i32
    %dma_wait3A_1318 = tpu.memref_slice %arg7[%dma_wait3A_1317] : memref<512xi32, #tpu.memory_space<vmem>> -> memref<128xi32, #tpu.memory_space<vmem>>
    %dma_wait3A_1319 = arith.constant 0 : i32
    %dma_wait3A_1320 = tpu.memref_slice %arg3[%dma_wait3A_1319] : memref<2609152xf32, #tpu.memory_space<hbm>> -> memref<2609152xf32, #tpu.memory_space<hbm>>
    tpu.wait_indirect_dma semaphore(%arg11 : memref<!tpu.dma_semaphore, #tpu.memory_space<semaphore_mem>>) src(%dma_wait3A_1320 : memref<2609152xf32, #tpu.memory_space<hbm>>) dst(%dma_wait3A_1316 : memref<128xf32, #tpu.memory_space<vmem>>)
    %dma_wait3A_1321 = arith.constant 384 : i32
    %dma_wait3A_1322 = tpu.memref_slice %arg9[%dma_wait3A_1321] : memref<512xf32, #tpu.memory_space<vmem>> -> memref<128xf32, #tpu.memory_space<vmem>>
    %dma_wait3A_1323 = arith.constant 384 : i32
    %dma_wait3A_1324 = tpu.memref_slice %arg7[%dma_wait3A_1323] : memref<512xi32, #tpu.memory_space<vmem>> -> memref<128xi32, #tpu.memory_space<vmem>>
    %dma_wait3A_1325 = arith.constant 0 : i32
    %dma_wait3A_1326 = tpu.memref_slice %arg3[%dma_wait3A_1325] : memref<2609152xf32, #tpu.memory_space<hbm>> -> memref<2609152xf32, #tpu.memory_space<hbm>>
    tpu.wait_indirect_dma semaphore(%arg11 : memref<!tpu.dma_semaphore, #tpu.memory_space<semaphore_mem>>) src(%dma_wait3A_1326 : memref<2609152xf32, #tpu.memory_space<hbm>>) dst(%dma_wait3A_1322 : memref<128xf32, #tpu.memory_space<vmem>>)
    %scan3A_1327 = arith.constant 0 : i32
    %scan3A_1328 = arith.constant 0 : i32
    %scan3A_1329 = arith.constant 32 : i32
    %scan3A_1330 = arith.addi %scan3A_1328, %scan3A_1329 : i32
    %scan3A_1331 = arith.constant 1 : i32
    scf.for %scan3A_1611 = %scan3A_1328 to %scan3A_1330 step %scan3A_1331  : i32 {
      %mul3A_1612 = arith.constant 16 : i32
      %mul3A_1613 = arith.muli %scan3A_1611, %mul3A_1612 : i32
      %get3A = arith.index_cast %mul3A_1613 : i32 to index
      %get3A_1614 = tpu.vector_load %arg6[%get3A] {strides = array<i32>} : memref<512xf32, #tpu.memory_space<vmem>>, vector<16xf32>,
      %get3A_1615 = vector.shape_cast %get3A_1614 : vector<16xf32> to vector<16xf32>
      %get3A_1616 = arith.index_cast %mul3A_1613 : i32 to index
      %get3A_1617 = tpu.vector_load %arg9[%get3A_1616] {strides = array<i32>} : memref<512xf32, #tpu.memory_space<vmem>>, vector<16xf32>,
      %get3A_1618 = vector.shape_cast %get3A_1617 : vector<16xf32> to vector<16xf32>
      %add3A_1619 = arith.addf %get3A_1615, %get3A_1618 : vector<16xf32>
      %swap3A = arith.index_cast %mul3A_1613 : i32 to index
      %swap3A_1620 = tpu.vector_load %arg6[%swap3A] {strides = array<i32>} : memref<512xf32, #tpu.memory_space<vmem>>, vector<16xf32>,
      %swap3A_1621 = vector.shape_cast %swap3A_1620 : vector<16xf32> to vector<16xf32>
      %swap3A_1622 = vector.shape_cast %add3A_1619 : vector<16xf32> to vector<16xf32>
      tpu.vector_store %arg6[%swap3A], %swap3A_1622 {strides = array<i32>} : memref<512xf32, #tpu.memory_space<vmem>>, vector<16xf32>,
    }
    %scan3A_1332 = arith.constant 32 : i32
    %run_scoped3A_1333 = arith.constant 22 : i32
    "tpu.region"() ({
      %run_scoped3A_1611 = tpu.sem_alloc : memref<!tpu.dma_semaphore, #tpu.memory_space<semaphore_mem>>
      %dma_start3A_1612 = tpu.memref_slice %arg2[%run_scoped3A_1333, %mul3A_2] : memref<26x16384xi32, #tpu.memory_space<hbm>> -> memref<1x512xi32, #tpu.memory_space<hbm>>
      %dma_start3A_1613 = tpu.memref_squeeze %dma_start3A_1612 : memref<1x512xi32, #tpu.memory_space<hbm>> -> memref<512xi32, #tpu.memory_space<hbm>>
      %dma_start3A_1614 = tpu.memref_slice %arg2[%run_scoped3A_1333, %mul3A_2] : memref<26x16384xi32, #tpu.memory_space<hbm>> -> memref<1x512xi32, #tpu.memory_space<hbm>>
      %dma_start3A_1615 = tpu.memref_squeeze %dma_start3A_1614 : memref<1x512xi32, #tpu.memory_space<hbm>> -> memref<512xi32, #tpu.memory_space<hbm>>
      tpu.enqueue_dma source(%dma_start3A_1615 : memref<512xi32, #tpu.memory_space<hbm>>) target(%arg7 : memref<512xi32, #tpu.memory_space<vmem>>) target_semaphore(%run_scoped3A_1611 : memref<!tpu.dma_semaphore, #tpu.memory_space<semaphore_mem>>)
      %dma_wait3A_1616 = tpu.memref_slice %arg2[%run_scoped3A_1333, %mul3A_2] : memref<26x16384xi32, #tpu.memory_space<hbm>> -> memref<1x512xi32, #tpu.memory_space<hbm>>
      %dma_wait3A_1617 = tpu.memref_squeeze %dma_wait3A_1616 : memref<1x512xi32, #tpu.memory_space<hbm>> -> memref<512xi32, #tpu.memory_space<hbm>>
      %dma_wait3A_1618 = tpu.memref_slice %arg2[%run_scoped3A_1333, %mul3A_2] : memref<26x16384xi32, #tpu.memory_space<hbm>> -> memref<1x512xi32, #tpu.memory_space<hbm>>
      %dma_wait3A_1619 = tpu.memref_squeeze %dma_wait3A_1618 : memref<1x512xi32, #tpu.memory_space<hbm>> -> memref<512xi32, #tpu.memory_space<hbm>>
      tpu.wait_dma2 semaphore(%run_scoped3A_1611 : memref<!tpu.dma_semaphore, #tpu.memory_space<semaphore_mem>>) src(%dma_wait3A_1619 : memref<512xi32, #tpu.memory_space<hbm>>) dst(%arg7 : memref<512xi32, #tpu.memory_space<vmem>>)
      tpu.yield
    }) : () -> ()
    %scan3A_1334 = arith.constant 0 : i32
    %scan3A_1335 = arith.constant 2207744 : i32
    %scan3A_1336 = arith.constant 0 : i32
    %scan3A_1337 = arith.constant 32 : i32
    %scan3A_1338 = arith.addi %scan3A_1336, %scan3A_1337 : i32
    %scan3A_1339 = arith.constant 1 : i32
    scf.for %scan3A_1611 = %scan3A_1336 to %scan3A_1338 step %scan3A_1339  : i32 {
      %mul3A_1612 = arith.constant 16 : i32
      %mul3A_1613 = arith.muli %scan3A_1611, %mul3A_1612 : i32
      %get3A = arith.index_cast %mul3A_1613 : i32 to index
      %get3A_1614 = tpu.vector_load %arg7[%get3A] {strides = array<i32>} : memref<512xi32, #tpu.memory_space<vmem>>, vector<16xi32>,
      %get3A_1615 = vector.shape_cast %get3A_1614 : vector<16xi32> to vector<16xi32>
      %add3A_1616 = vector.broadcast %scan3A_1335 : i32 to vector<16xi32>
      %add3A_1617 = arith.addi %get3A_1615, %add3A_1616 : vector<16xi32>
      %swap3A = arith.index_cast %mul3A_1613 : i32 to index
      %swap3A_1618 = tpu.vector_load %arg7[%swap3A] {strides = array<i32>} : memref<512xi32, #tpu.memory_space<vmem>>, vector<16xi32>,
      %swap3A_1619 = vector.shape_cast %swap3A_1618 : vector<16xi32> to vector<16xi32>
      %swap3A_1620 = vector.shape_cast %add3A_1617 : vector<16xi32> to vector<16xi32>
      tpu.vector_store %arg7[%swap3A], %swap3A_1620 {strides = array<i32>} : memref<512xi32, #tpu.memory_space<vmem>>, vector<16xi32>,
    }
    %scan3A_1340 = arith.constant 32 : i32
    %dma_start3A_1341 = arith.constant 0 : i32
    %dma_start3A_1342 = tpu.memref_slice %arg9[%dma_start3A_1341] : memref<512xf32, #tpu.memory_space<vmem>> -> memref<128xf32, #tpu.memory_space<vmem>>
    %dma_start3A_1343 = arith.constant 0 : i32
    %dma_start3A_1344 = tpu.memref_slice %arg7[%dma_start3A_1343] : memref<512xi32, #tpu.memory_space<vmem>> -> memref<128xi32, #tpu.memory_space<vmem>>
    %dma_start3A_1345 = arith.constant 0 : i32
    %dma_start3A_1346 = tpu.memref_slice %arg3[%dma_start3A_1345] : memref<2609152xf32, #tpu.memory_space<hbm>> -> memref<2609152xf32, #tpu.memory_space<hbm>>
    tpu.enqueue_indirect_dma source(%dma_start3A_1346 : memref<2609152xf32, #tpu.memory_space<hbm>>) target(%dma_start3A_1342 : memref<128xf32, #tpu.memory_space<vmem>>) offsets(%dma_start3A_1344 : memref<128xi32, #tpu.memory_space<vmem>>) semaphore(%arg11 : memref<!tpu.dma_semaphore, #tpu.memory_space<semaphore_mem>>)
    %dma_start3A_1347 = arith.constant 128 : i32
    %dma_start3A_1348 = tpu.memref_slice %arg9[%dma_start3A_1347] : memref<512xf32, #tpu.memory_space<vmem>> -> memref<128xf32, #tpu.memory_space<vmem>>
    %dma_start3A_1349 = arith.constant 128 : i32
    %dma_start3A_1350 = tpu.memref_slice %arg7[%dma_start3A_1349] : memref<512xi32, #tpu.memory_space<vmem>> -> memref<128xi32, #tpu.memory_space<vmem>>
    %dma_start3A_1351 = arith.constant 0 : i32
    %dma_start3A_1352 = tpu.memref_slice %arg3[%dma_start3A_1351] : memref<2609152xf32, #tpu.memory_space<hbm>> -> memref<2609152xf32, #tpu.memory_space<hbm>>
    tpu.enqueue_indirect_dma source(%dma_start3A_1352 : memref<2609152xf32, #tpu.memory_space<hbm>>) target(%dma_start3A_1348 : memref<128xf32, #tpu.memory_space<vmem>>) offsets(%dma_start3A_1350 : memref<128xi32, #tpu.memory_space<vmem>>) semaphore(%arg11 : memref<!tpu.dma_semaphore, #tpu.memory_space<semaphore_mem>>)
    %dma_start3A_1353 = arith.constant 256 : i32
    %dma_start3A_1354 = tpu.memref_slice %arg9[%dma_start3A_1353] : memref<512xf32, #tpu.memory_space<vmem>> -> memref<128xf32, #tpu.memory_space<vmem>>
    %dma_start3A_1355 = arith.constant 256 : i32
    %dma_start3A_1356 = tpu.memref_slice %arg7[%dma_start3A_1355] : memref<512xi32, #tpu.memory_space<vmem>> -> memref<128xi32, #tpu.memory_space<vmem>>
    %dma_start3A_1357 = arith.constant 0 : i32
    %dma_start3A_1358 = tpu.memref_slice %arg3[%dma_start3A_1357] : memref<2609152xf32, #tpu.memory_space<hbm>> -> memref<2609152xf32, #tpu.memory_space<hbm>>
    tpu.enqueue_indirect_dma source(%dma_start3A_1358 : memref<2609152xf32, #tpu.memory_space<hbm>>) target(%dma_start3A_1354 : memref<128xf32, #tpu.memory_space<vmem>>) offsets(%dma_start3A_1356 : memref<128xi32, #tpu.memory_space<vmem>>) semaphore(%arg11 : memref<!tpu.dma_semaphore, #tpu.memory_space<semaphore_mem>>)
    %dma_start3A_1359 = arith.constant 384 : i32
    %dma_start3A_1360 = tpu.memref_slice %arg9[%dma_start3A_1359] : memref<512xf32, #tpu.memory_space<vmem>> -> memref<128xf32, #tpu.memory_space<vmem>>
    %dma_start3A_1361 = arith.constant 384 : i32
    %dma_start3A_1362 = tpu.memref_slice %arg7[%dma_start3A_1361] : memref<512xi32, #tpu.memory_space<vmem>> -> memref<128xi32, #tpu.memory_space<vmem>>
    %dma_start3A_1363 = arith.constant 0 : i32
    %dma_start3A_1364 = tpu.memref_slice %arg3[%dma_start3A_1363] : memref<2609152xf32, #tpu.memory_space<hbm>> -> memref<2609152xf32, #tpu.memory_space<hbm>>
    tpu.enqueue_indirect_dma source(%dma_start3A_1364 : memref<2609152xf32, #tpu.memory_space<hbm>>) target(%dma_start3A_1360 : memref<128xf32, #tpu.memory_space<vmem>>) offsets(%dma_start3A_1362 : memref<128xi32, #tpu.memory_space<vmem>>) semaphore(%arg11 : memref<!tpu.dma_semaphore, #tpu.memory_space<semaphore_mem>>)
    %dma_wait3A_1365 = arith.constant 0 : i32
    %dma_wait3A_1366 = tpu.memref_slice %arg10[%dma_wait3A_1365] : memref<512xf32, #tpu.memory_space<vmem>> -> memref<128xf32, #tpu.memory_space<vmem>>
    %dma_wait3A_1367 = arith.constant 0 : i32
    %dma_wait3A_1368 = tpu.memref_slice %arg8[%dma_wait3A_1367] : memref<512xi32, #tpu.memory_space<vmem>> -> memref<128xi32, #tpu.memory_space<vmem>>
    %dma_wait3A_1369 = arith.constant 0 : i32
    %dma_wait3A_1370 = tpu.memref_slice %arg3[%dma_wait3A_1369] : memref<2609152xf32, #tpu.memory_space<hbm>> -> memref<2609152xf32, #tpu.memory_space<hbm>>
    tpu.wait_indirect_dma semaphore(%arg12 : memref<!tpu.dma_semaphore, #tpu.memory_space<semaphore_mem>>) src(%dma_wait3A_1370 : memref<2609152xf32, #tpu.memory_space<hbm>>) dst(%dma_wait3A_1366 : memref<128xf32, #tpu.memory_space<vmem>>)
    %dma_wait3A_1371 = arith.constant 128 : i32
    %dma_wait3A_1372 = tpu.memref_slice %arg10[%dma_wait3A_1371] : memref<512xf32, #tpu.memory_space<vmem>> -> memref<128xf32, #tpu.memory_space<vmem>>
    %dma_wait3A_1373 = arith.constant 128 : i32
    %dma_wait3A_1374 = tpu.memref_slice %arg8[%dma_wait3A_1373] : memref<512xi32, #tpu.memory_space<vmem>> -> memref<128xi32, #tpu.memory_space<vmem>>
    %dma_wait3A_1375 = arith.constant 0 : i32
    %dma_wait3A_1376 = tpu.memref_slice %arg3[%dma_wait3A_1375] : memref<2609152xf32, #tpu.memory_space<hbm>> -> memref<2609152xf32, #tpu.memory_space<hbm>>
    tpu.wait_indirect_dma semaphore(%arg12 : memref<!tpu.dma_semaphore, #tpu.memory_space<semaphore_mem>>) src(%dma_wait3A_1376 : memref<2609152xf32, #tpu.memory_space<hbm>>) dst(%dma_wait3A_1372 : memref<128xf32, #tpu.memory_space<vmem>>)
    %dma_wait3A_1377 = arith.constant 256 : i32
    %dma_wait3A_1378 = tpu.memref_slice %arg10[%dma_wait3A_1377] : memref<512xf32, #tpu.memory_space<vmem>> -> memref<128xf32, #tpu.memory_space<vmem>>
    %dma_wait3A_1379 = arith.constant 256 : i32
    %dma_wait3A_1380 = tpu.memref_slice %arg8[%dma_wait3A_1379] : memref<512xi32, #tpu.memory_space<vmem>> -> memref<128xi32, #tpu.memory_space<vmem>>
    %dma_wait3A_1381 = arith.constant 0 : i32
    %dma_wait3A_1382 = tpu.memref_slice %arg3[%dma_wait3A_1381] : memref<2609152xf32, #tpu.memory_space<hbm>> -> memref<2609152xf32, #tpu.memory_space<hbm>>
    tpu.wait_indirect_dma semaphore(%arg12 : memref<!tpu.dma_semaphore, #tpu.memory_space<semaphore_mem>>) src(%dma_wait3A_1382 : memref<2609152xf32, #tpu.memory_space<hbm>>) dst(%dma_wait3A_1378 : memref<128xf32, #tpu.memory_space<vmem>>)
    %dma_wait3A_1383 = arith.constant 384 : i32
    %dma_wait3A_1384 = tpu.memref_slice %arg10[%dma_wait3A_1383] : memref<512xf32, #tpu.memory_space<vmem>> -> memref<128xf32, #tpu.memory_space<vmem>>
    %dma_wait3A_1385 = arith.constant 384 : i32
    %dma_wait3A_1386 = tpu.memref_slice %arg8[%dma_wait3A_1385] : memref<512xi32, #tpu.memory_space<vmem>> -> memref<128xi32, #tpu.memory_space<vmem>>
    %dma_wait3A_1387 = arith.constant 0 : i32
    %dma_wait3A_1388 = tpu.memref_slice %arg3[%dma_wait3A_1387] : memref<2609152xf32, #tpu.memory_space<hbm>> -> memref<2609152xf32, #tpu.memory_space<hbm>>
    tpu.wait_indirect_dma semaphore(%arg12 : memref<!tpu.dma_semaphore, #tpu.memory_space<semaphore_mem>>) src(%dma_wait3A_1388 : memref<2609152xf32, #tpu.memory_space<hbm>>) dst(%dma_wait3A_1384 : memref<128xf32, #tpu.memory_space<vmem>>)
    %scan3A_1389 = arith.constant 0 : i32
    %scan3A_1390 = arith.constant 0 : i32
    %scan3A_1391 = arith.constant 32 : i32
    %scan3A_1392 = arith.addi %scan3A_1390, %scan3A_1391 : i32
    %scan3A_1393 = arith.constant 1 : i32
    scf.for %scan3A_1611 = %scan3A_1390 to %scan3A_1392 step %scan3A_1393  : i32 {
      %mul3A_1612 = arith.constant 16 : i32
      %mul3A_1613 = arith.muli %scan3A_1611, %mul3A_1612 : i32
      %get3A = arith.index_cast %mul3A_1613 : i32 to index
      %get3A_1614 = tpu.vector_load %arg6[%get3A] {strides = array<i32>} : memref<512xf32, #tpu.memory_space<vmem>>, vector<16xf32>,
      %get3A_1615 = vector.shape_cast %get3A_1614 : vector<16xf32> to vector<16xf32>
      %get3A_1616 = arith.index_cast %mul3A_1613 : i32 to index
      %get3A_1617 = tpu.vector_load %arg10[%get3A_1616] {strides = array<i32>} : memref<512xf32, #tpu.memory_space<vmem>>, vector<16xf32>,
      %get3A_1618 = vector.shape_cast %get3A_1617 : vector<16xf32> to vector<16xf32>
      %add3A_1619 = arith.addf %get3A_1615, %get3A_1618 : vector<16xf32>
      %swap3A = arith.index_cast %mul3A_1613 : i32 to index
      %swap3A_1620 = tpu.vector_load %arg6[%swap3A] {strides = array<i32>} : memref<512xf32, #tpu.memory_space<vmem>>, vector<16xf32>,
      %swap3A_1621 = vector.shape_cast %swap3A_1620 : vector<16xf32> to vector<16xf32>
      %swap3A_1622 = vector.shape_cast %add3A_1619 : vector<16xf32> to vector<16xf32>
      tpu.vector_store %arg6[%swap3A], %swap3A_1622 {strides = array<i32>} : memref<512xf32, #tpu.memory_space<vmem>>, vector<16xf32>,
    }
    %scan3A_1394 = arith.constant 32 : i32
    %run_scoped3A_1395 = arith.constant 23 : i32
    "tpu.region"() ({
      %run_scoped3A_1611 = tpu.sem_alloc : memref<!tpu.dma_semaphore, #tpu.memory_space<semaphore_mem>>
      %dma_start3A_1612 = tpu.memref_slice %arg2[%run_scoped3A_1395, %mul3A_2] : memref<26x16384xi32, #tpu.memory_space<hbm>> -> memref<1x512xi32, #tpu.memory_space<hbm>>
      %dma_start3A_1613 = tpu.memref_squeeze %dma_start3A_1612 : memref<1x512xi32, #tpu.memory_space<hbm>> -> memref<512xi32, #tpu.memory_space<hbm>>
      %dma_start3A_1614 = tpu.memref_slice %arg2[%run_scoped3A_1395, %mul3A_2] : memref<26x16384xi32, #tpu.memory_space<hbm>> -> memref<1x512xi32, #tpu.memory_space<hbm>>
      %dma_start3A_1615 = tpu.memref_squeeze %dma_start3A_1614 : memref<1x512xi32, #tpu.memory_space<hbm>> -> memref<512xi32, #tpu.memory_space<hbm>>
      tpu.enqueue_dma source(%dma_start3A_1615 : memref<512xi32, #tpu.memory_space<hbm>>) target(%arg8 : memref<512xi32, #tpu.memory_space<vmem>>) target_semaphore(%run_scoped3A_1611 : memref<!tpu.dma_semaphore, #tpu.memory_space<semaphore_mem>>)
      %dma_wait3A_1616 = tpu.memref_slice %arg2[%run_scoped3A_1395, %mul3A_2] : memref<26x16384xi32, #tpu.memory_space<hbm>> -> memref<1x512xi32, #tpu.memory_space<hbm>>
      %dma_wait3A_1617 = tpu.memref_squeeze %dma_wait3A_1616 : memref<1x512xi32, #tpu.memory_space<hbm>> -> memref<512xi32, #tpu.memory_space<hbm>>
      %dma_wait3A_1618 = tpu.memref_slice %arg2[%run_scoped3A_1395, %mul3A_2] : memref<26x16384xi32, #tpu.memory_space<hbm>> -> memref<1x512xi32, #tpu.memory_space<hbm>>
      %dma_wait3A_1619 = tpu.memref_squeeze %dma_wait3A_1618 : memref<1x512xi32, #tpu.memory_space<hbm>> -> memref<512xi32, #tpu.memory_space<hbm>>
      tpu.wait_dma2 semaphore(%run_scoped3A_1611 : memref<!tpu.dma_semaphore, #tpu.memory_space<semaphore_mem>>) src(%dma_wait3A_1619 : memref<512xi32, #tpu.memory_space<hbm>>) dst(%arg8 : memref<512xi32, #tpu.memory_space<vmem>>)
      tpu.yield
    }) : () -> ()
    %scan3A_1396 = arith.constant 0 : i32
    %scan3A_1397 = arith.constant 2308096 : i32
    %scan3A_1398 = arith.constant 0 : i32
    %scan3A_1399 = arith.constant 32 : i32
    %scan3A_1400 = arith.addi %scan3A_1398, %scan3A_1399 : i32
    %scan3A_1401 = arith.constant 1 : i32
    scf.for %scan3A_1611 = %scan3A_1398 to %scan3A_1400 step %scan3A_1401  : i32 {
      %mul3A_1612 = arith.constant 16 : i32
      %mul3A_1613 = arith.muli %scan3A_1611, %mul3A_1612 : i32
      %get3A = arith.index_cast %mul3A_1613 : i32 to index
      %get3A_1614 = tpu.vector_load %arg8[%get3A] {strides = array<i32>} : memref<512xi32, #tpu.memory_space<vmem>>, vector<16xi32>,
      %get3A_1615 = vector.shape_cast %get3A_1614 : vector<16xi32> to vector<16xi32>
      %add3A_1616 = vector.broadcast %scan3A_1397 : i32 to vector<16xi32>
      %add3A_1617 = arith.addi %get3A_1615, %add3A_1616 : vector<16xi32>
      %swap3A = arith.index_cast %mul3A_1613 : i32 to index
      %swap3A_1618 = tpu.vector_load %arg8[%swap3A] {strides = array<i32>} : memref<512xi32, #tpu.memory_space<vmem>>, vector<16xi32>,
      %swap3A_1619 = vector.shape_cast %swap3A_1618 : vector<16xi32> to vector<16xi32>
      %swap3A_1620 = vector.shape_cast %add3A_1617 : vector<16xi32> to vector<16xi32>
      tpu.vector_store %arg8[%swap3A], %swap3A_1620 {strides = array<i32>} : memref<512xi32, #tpu.memory_space<vmem>>, vector<16xi32>,
    }
    %scan3A_1402 = arith.constant 32 : i32
    %dma_start3A_1403 = arith.constant 0 : i32
    %dma_start3A_1404 = tpu.memref_slice %arg10[%dma_start3A_1403] : memref<512xf32, #tpu.memory_space<vmem>> -> memref<128xf32, #tpu.memory_space<vmem>>
    %dma_start3A_1405 = arith.constant 0 : i32
    %dma_start3A_1406 = tpu.memref_slice %arg8[%dma_start3A_1405] : memref<512xi32, #tpu.memory_space<vmem>> -> memref<128xi32, #tpu.memory_space<vmem>>
    %dma_start3A_1407 = arith.constant 0 : i32
    %dma_start3A_1408 = tpu.memref_slice %arg3[%dma_start3A_1407] : memref<2609152xf32, #tpu.memory_space<hbm>> -> memref<2609152xf32, #tpu.memory_space<hbm>>
    tpu.enqueue_indirect_dma source(%dma_start3A_1408 : memref<2609152xf32, #tpu.memory_space<hbm>>) target(%dma_start3A_1404 : memref<128xf32, #tpu.memory_space<vmem>>) offsets(%dma_start3A_1406 : memref<128xi32, #tpu.memory_space<vmem>>) semaphore(%arg12 : memref<!tpu.dma_semaphore, #tpu.memory_space<semaphore_mem>>)
    %dma_start3A_1409 = arith.constant 128 : i32
    %dma_start3A_1410 = tpu.memref_slice %arg10[%dma_start3A_1409] : memref<512xf32, #tpu.memory_space<vmem>> -> memref<128xf32, #tpu.memory_space<vmem>>
    %dma_start3A_1411 = arith.constant 128 : i32
    %dma_start3A_1412 = tpu.memref_slice %arg8[%dma_start3A_1411] : memref<512xi32, #tpu.memory_space<vmem>> -> memref<128xi32, #tpu.memory_space<vmem>>
    %dma_start3A_1413 = arith.constant 0 : i32
    %dma_start3A_1414 = tpu.memref_slice %arg3[%dma_start3A_1413] : memref<2609152xf32, #tpu.memory_space<hbm>> -> memref<2609152xf32, #tpu.memory_space<hbm>>
    tpu.enqueue_indirect_dma source(%dma_start3A_1414 : memref<2609152xf32, #tpu.memory_space<hbm>>) target(%dma_start3A_1410 : memref<128xf32, #tpu.memory_space<vmem>>) offsets(%dma_start3A_1412 : memref<128xi32, #tpu.memory_space<vmem>>) semaphore(%arg12 : memref<!tpu.dma_semaphore, #tpu.memory_space<semaphore_mem>>)
    %dma_start3A_1415 = arith.constant 256 : i32
    %dma_start3A_1416 = tpu.memref_slice %arg10[%dma_start3A_1415] : memref<512xf32, #tpu.memory_space<vmem>> -> memref<128xf32, #tpu.memory_space<vmem>>
    %dma_start3A_1417 = arith.constant 256 : i32
    %dma_start3A_1418 = tpu.memref_slice %arg8[%dma_start3A_1417] : memref<512xi32, #tpu.memory_space<vmem>> -> memref<128xi32, #tpu.memory_space<vmem>>
    %dma_start3A_1419 = arith.constant 0 : i32
    %dma_start3A_1420 = tpu.memref_slice %arg3[%dma_start3A_1419] : memref<2609152xf32, #tpu.memory_space<hbm>> -> memref<2609152xf32, #tpu.memory_space<hbm>>
    tpu.enqueue_indirect_dma source(%dma_start3A_1420 : memref<2609152xf32, #tpu.memory_space<hbm>>) target(%dma_start3A_1416 : memref<128xf32, #tpu.memory_space<vmem>>) offsets(%dma_start3A_1418 : memref<128xi32, #tpu.memory_space<vmem>>) semaphore(%arg12 : memref<!tpu.dma_semaphore, #tpu.memory_space<semaphore_mem>>)
    %dma_start3A_1421 = arith.constant 384 : i32
    %dma_start3A_1422 = tpu.memref_slice %arg10[%dma_start3A_1421] : memref<512xf32, #tpu.memory_space<vmem>> -> memref<128xf32, #tpu.memory_space<vmem>>
    %dma_start3A_1423 = arith.constant 384 : i32
    %dma_start3A_1424 = tpu.memref_slice %arg8[%dma_start3A_1423] : memref<512xi32, #tpu.memory_space<vmem>> -> memref<128xi32, #tpu.memory_space<vmem>>
    %dma_start3A_1425 = arith.constant 0 : i32
    %dma_start3A_1426 = tpu.memref_slice %arg3[%dma_start3A_1425] : memref<2609152xf32, #tpu.memory_space<hbm>> -> memref<2609152xf32, #tpu.memory_space<hbm>>
    tpu.enqueue_indirect_dma source(%dma_start3A_1426 : memref<2609152xf32, #tpu.memory_space<hbm>>) target(%dma_start3A_1422 : memref<128xf32, #tpu.memory_space<vmem>>) offsets(%dma_start3A_1424 : memref<128xi32, #tpu.memory_space<vmem>>) semaphore(%arg12 : memref<!tpu.dma_semaphore, #tpu.memory_space<semaphore_mem>>)
    %dma_wait3A_1427 = arith.constant 0 : i32
    %dma_wait3A_1428 = tpu.memref_slice %arg9[%dma_wait3A_1427] : memref<512xf32, #tpu.memory_space<vmem>> -> memref<128xf32, #tpu.memory_space<vmem>>
    %dma_wait3A_1429 = arith.constant 0 : i32
    %dma_wait3A_1430 = tpu.memref_slice %arg7[%dma_wait3A_1429] : memref<512xi32, #tpu.memory_space<vmem>> -> memref<128xi32, #tpu.memory_space<vmem>>
    %dma_wait3A_1431 = arith.constant 0 : i32
    %dma_wait3A_1432 = tpu.memref_slice %arg3[%dma_wait3A_1431] : memref<2609152xf32, #tpu.memory_space<hbm>> -> memref<2609152xf32, #tpu.memory_space<hbm>>
    tpu.wait_indirect_dma semaphore(%arg11 : memref<!tpu.dma_semaphore, #tpu.memory_space<semaphore_mem>>) src(%dma_wait3A_1432 : memref<2609152xf32, #tpu.memory_space<hbm>>) dst(%dma_wait3A_1428 : memref<128xf32, #tpu.memory_space<vmem>>)
    %dma_wait3A_1433 = arith.constant 128 : i32
    %dma_wait3A_1434 = tpu.memref_slice %arg9[%dma_wait3A_1433] : memref<512xf32, #tpu.memory_space<vmem>> -> memref<128xf32, #tpu.memory_space<vmem>>
    %dma_wait3A_1435 = arith.constant 128 : i32
    %dma_wait3A_1436 = tpu.memref_slice %arg7[%dma_wait3A_1435] : memref<512xi32, #tpu.memory_space<vmem>> -> memref<128xi32, #tpu.memory_space<vmem>>
    %dma_wait3A_1437 = arith.constant 0 : i32
    %dma_wait3A_1438 = tpu.memref_slice %arg3[%dma_wait3A_1437] : memref<2609152xf32, #tpu.memory_space<hbm>> -> memref<2609152xf32, #tpu.memory_space<hbm>>
    tpu.wait_indirect_dma semaphore(%arg11 : memref<!tpu.dma_semaphore, #tpu.memory_space<semaphore_mem>>) src(%dma_wait3A_1438 : memref<2609152xf32, #tpu.memory_space<hbm>>) dst(%dma_wait3A_1434 : memref<128xf32, #tpu.memory_space<vmem>>)
    %dma_wait3A_1439 = arith.constant 256 : i32
    %dma_wait3A_1440 = tpu.memref_slice %arg9[%dma_wait3A_1439] : memref<512xf32, #tpu.memory_space<vmem>> -> memref<128xf32, #tpu.memory_space<vmem>>
    %dma_wait3A_1441 = arith.constant 256 : i32
    %dma_wait3A_1442 = tpu.memref_slice %arg7[%dma_wait3A_1441] : memref<512xi32, #tpu.memory_space<vmem>> -> memref<128xi32, #tpu.memory_space<vmem>>
    %dma_wait3A_1443 = arith.constant 0 : i32
    %dma_wait3A_1444 = tpu.memref_slice %arg3[%dma_wait3A_1443] : memref<2609152xf32, #tpu.memory_space<hbm>> -> memref<2609152xf32, #tpu.memory_space<hbm>>
    tpu.wait_indirect_dma semaphore(%arg11 : memref<!tpu.dma_semaphore, #tpu.memory_space<semaphore_mem>>) src(%dma_wait3A_1444 : memref<2609152xf32, #tpu.memory_space<hbm>>) dst(%dma_wait3A_1440 : memref<128xf32, #tpu.memory_space<vmem>>)
    %dma_wait3A_1445 = arith.constant 384 : i32
    %dma_wait3A_1446 = tpu.memref_slice %arg9[%dma_wait3A_1445] : memref<512xf32, #tpu.memory_space<vmem>> -> memref<128xf32, #tpu.memory_space<vmem>>
    %dma_wait3A_1447 = arith.constant 384 : i32
    %dma_wait3A_1448 = tpu.memref_slice %arg7[%dma_wait3A_1447] : memref<512xi32, #tpu.memory_space<vmem>> -> memref<128xi32, #tpu.memory_space<vmem>>
    %dma_wait3A_1449 = arith.constant 0 : i32
    %dma_wait3A_1450 = tpu.memref_slice %arg3[%dma_wait3A_1449] : memref<2609152xf32, #tpu.memory_space<hbm>> -> memref<2609152xf32, #tpu.memory_space<hbm>>
    tpu.wait_indirect_dma semaphore(%arg11 : memref<!tpu.dma_semaphore, #tpu.memory_space<semaphore_mem>>) src(%dma_wait3A_1450 : memref<2609152xf32, #tpu.memory_space<hbm>>) dst(%dma_wait3A_1446 : memref<128xf32, #tpu.memory_space<vmem>>)
    %scan3A_1451 = arith.constant 0 : i32
    %scan3A_1452 = arith.constant 0 : i32
    %scan3A_1453 = arith.constant 32 : i32
    %scan3A_1454 = arith.addi %scan3A_1452, %scan3A_1453 : i32
    %scan3A_1455 = arith.constant 1 : i32
    scf.for %scan3A_1611 = %scan3A_1452 to %scan3A_1454 step %scan3A_1455  : i32 {
      %mul3A_1612 = arith.constant 16 : i32
      %mul3A_1613 = arith.muli %scan3A_1611, %mul3A_1612 : i32
      %get3A = arith.index_cast %mul3A_1613 : i32 to index
      %get3A_1614 = tpu.vector_load %arg6[%get3A] {strides = array<i32>} : memref<512xf32, #tpu.memory_space<vmem>>, vector<16xf32>,
      %get3A_1615 = vector.shape_cast %get3A_1614 : vector<16xf32> to vector<16xf32>
      %get3A_1616 = arith.index_cast %mul3A_1613 : i32 to index
      %get3A_1617 = tpu.vector_load %arg9[%get3A_1616] {strides = array<i32>} : memref<512xf32, #tpu.memory_space<vmem>>, vector<16xf32>,
      %get3A_1618 = vector.shape_cast %get3A_1617 : vector<16xf32> to vector<16xf32>
      %add3A_1619 = arith.addf %get3A_1615, %get3A_1618 : vector<16xf32>
      %swap3A = arith.index_cast %mul3A_1613 : i32 to index
      %swap3A_1620 = tpu.vector_load %arg6[%swap3A] {strides = array<i32>} : memref<512xf32, #tpu.memory_space<vmem>>, vector<16xf32>,
      %swap3A_1621 = vector.shape_cast %swap3A_1620 : vector<16xf32> to vector<16xf32>
      %swap3A_1622 = vector.shape_cast %add3A_1619 : vector<16xf32> to vector<16xf32>
      tpu.vector_store %arg6[%swap3A], %swap3A_1622 {strides = array<i32>} : memref<512xf32, #tpu.memory_space<vmem>>, vector<16xf32>,
    }
    %scan3A_1456 = arith.constant 32 : i32
    %run_scoped3A_1457 = arith.constant 24 : i32
    "tpu.region"() ({
      %run_scoped3A_1611 = tpu.sem_alloc : memref<!tpu.dma_semaphore, #tpu.memory_space<semaphore_mem>>
      %dma_start3A_1612 = tpu.memref_slice %arg2[%run_scoped3A_1457, %mul3A_2] : memref<26x16384xi32, #tpu.memory_space<hbm>> -> memref<1x512xi32, #tpu.memory_space<hbm>>
      %dma_start3A_1613 = tpu.memref_squeeze %dma_start3A_1612 : memref<1x512xi32, #tpu.memory_space<hbm>> -> memref<512xi32, #tpu.memory_space<hbm>>
      %dma_start3A_1614 = tpu.memref_slice %arg2[%run_scoped3A_1457, %mul3A_2] : memref<26x16384xi32, #tpu.memory_space<hbm>> -> memref<1x512xi32, #tpu.memory_space<hbm>>
      %dma_start3A_1615 = tpu.memref_squeeze %dma_start3A_1614 : memref<1x512xi32, #tpu.memory_space<hbm>> -> memref<512xi32, #tpu.memory_space<hbm>>
      tpu.enqueue_dma source(%dma_start3A_1615 : memref<512xi32, #tpu.memory_space<hbm>>) target(%arg7 : memref<512xi32, #tpu.memory_space<vmem>>) target_semaphore(%run_scoped3A_1611 : memref<!tpu.dma_semaphore, #tpu.memory_space<semaphore_mem>>)
      %dma_wait3A_1616 = tpu.memref_slice %arg2[%run_scoped3A_1457, %mul3A_2] : memref<26x16384xi32, #tpu.memory_space<hbm>> -> memref<1x512xi32, #tpu.memory_space<hbm>>
      %dma_wait3A_1617 = tpu.memref_squeeze %dma_wait3A_1616 : memref<1x512xi32, #tpu.memory_space<hbm>> -> memref<512xi32, #tpu.memory_space<hbm>>
      %dma_wait3A_1618 = tpu.memref_slice %arg2[%run_scoped3A_1457, %mul3A_2] : memref<26x16384xi32, #tpu.memory_space<hbm>> -> memref<1x512xi32, #tpu.memory_space<hbm>>
      %dma_wait3A_1619 = tpu.memref_squeeze %dma_wait3A_1618 : memref<1x512xi32, #tpu.memory_space<hbm>> -> memref<512xi32, #tpu.memory_space<hbm>>
      tpu.wait_dma2 semaphore(%run_scoped3A_1611 : memref<!tpu.dma_semaphore, #tpu.memory_space<semaphore_mem>>) src(%dma_wait3A_1619 : memref<512xi32, #tpu.memory_space<hbm>>) dst(%arg7 : memref<512xi32, #tpu.memory_space<vmem>>)
      tpu.yield
    }) : () -> ()
    %scan3A_1458 = arith.constant 0 : i32
    %scan3A_1459 = arith.constant 2408448 : i32
    %scan3A_1460 = arith.constant 0 : i32
    %scan3A_1461 = arith.constant 32 : i32
    %scan3A_1462 = arith.addi %scan3A_1460, %scan3A_1461 : i32
    %scan3A_1463 = arith.constant 1 : i32
    scf.for %scan3A_1611 = %scan3A_1460 to %scan3A_1462 step %scan3A_1463  : i32 {
      %mul3A_1612 = arith.constant 16 : i32
      %mul3A_1613 = arith.muli %scan3A_1611, %mul3A_1612 : i32
      %get3A = arith.index_cast %mul3A_1613 : i32 to index
      %get3A_1614 = tpu.vector_load %arg7[%get3A] {strides = array<i32>} : memref<512xi32, #tpu.memory_space<vmem>>, vector<16xi32>,
      %get3A_1615 = vector.shape_cast %get3A_1614 : vector<16xi32> to vector<16xi32>
      %add3A_1616 = vector.broadcast %scan3A_1459 : i32 to vector<16xi32>
      %add3A_1617 = arith.addi %get3A_1615, %add3A_1616 : vector<16xi32>
      %swap3A = arith.index_cast %mul3A_1613 : i32 to index
      %swap3A_1618 = tpu.vector_load %arg7[%swap3A] {strides = array<i32>} : memref<512xi32, #tpu.memory_space<vmem>>, vector<16xi32>,
      %swap3A_1619 = vector.shape_cast %swap3A_1618 : vector<16xi32> to vector<16xi32>
      %swap3A_1620 = vector.shape_cast %add3A_1617 : vector<16xi32> to vector<16xi32>
      tpu.vector_store %arg7[%swap3A], %swap3A_1620 {strides = array<i32>} : memref<512xi32, #tpu.memory_space<vmem>>, vector<16xi32>,
    }
    %scan3A_1464 = arith.constant 32 : i32
    %dma_start3A_1465 = arith.constant 0 : i32
    %dma_start3A_1466 = tpu.memref_slice %arg9[%dma_start3A_1465] : memref<512xf32, #tpu.memory_space<vmem>> -> memref<128xf32, #tpu.memory_space<vmem>>
    %dma_start3A_1467 = arith.constant 0 : i32
    %dma_start3A_1468 = tpu.memref_slice %arg7[%dma_start3A_1467] : memref<512xi32, #tpu.memory_space<vmem>> -> memref<128xi32, #tpu.memory_space<vmem>>
    %dma_start3A_1469 = arith.constant 0 : i32
    %dma_start3A_1470 = tpu.memref_slice %arg3[%dma_start3A_1469] : memref<2609152xf32, #tpu.memory_space<hbm>> -> memref<2609152xf32, #tpu.memory_space<hbm>>
    tpu.enqueue_indirect_dma source(%dma_start3A_1470 : memref<2609152xf32, #tpu.memory_space<hbm>>) target(%dma_start3A_1466 : memref<128xf32, #tpu.memory_space<vmem>>) offsets(%dma_start3A_1468 : memref<128xi32, #tpu.memory_space<vmem>>) semaphore(%arg11 : memref<!tpu.dma_semaphore, #tpu.memory_space<semaphore_mem>>)
    %dma_start3A_1471 = arith.constant 128 : i32
    %dma_start3A_1472 = tpu.memref_slice %arg9[%dma_start3A_1471] : memref<512xf32, #tpu.memory_space<vmem>> -> memref<128xf32, #tpu.memory_space<vmem>>
    %dma_start3A_1473 = arith.constant 128 : i32
    %dma_start3A_1474 = tpu.memref_slice %arg7[%dma_start3A_1473] : memref<512xi32, #tpu.memory_space<vmem>> -> memref<128xi32, #tpu.memory_space<vmem>>
    %dma_start3A_1475 = arith.constant 0 : i32
    %dma_start3A_1476 = tpu.memref_slice %arg3[%dma_start3A_1475] : memref<2609152xf32, #tpu.memory_space<hbm>> -> memref<2609152xf32, #tpu.memory_space<hbm>>
    tpu.enqueue_indirect_dma source(%dma_start3A_1476 : memref<2609152xf32, #tpu.memory_space<hbm>>) target(%dma_start3A_1472 : memref<128xf32, #tpu.memory_space<vmem>>) offsets(%dma_start3A_1474 : memref<128xi32, #tpu.memory_space<vmem>>) semaphore(%arg11 : memref<!tpu.dma_semaphore, #tpu.memory_space<semaphore_mem>>)
    %dma_start3A_1477 = arith.constant 256 : i32
    %dma_start3A_1478 = tpu.memref_slice %arg9[%dma_start3A_1477] : memref<512xf32, #tpu.memory_space<vmem>> -> memref<128xf32, #tpu.memory_space<vmem>>
    %dma_start3A_1479 = arith.constant 256 : i32
    %dma_start3A_1480 = tpu.memref_slice %arg7[%dma_start3A_1479] : memref<512xi32, #tpu.memory_space<vmem>> -> memref<128xi32, #tpu.memory_space<vmem>>
    %dma_start3A_1481 = arith.constant 0 : i32
    %dma_start3A_1482 = tpu.memref_slice %arg3[%dma_start3A_1481] : memref<2609152xf32, #tpu.memory_space<hbm>> -> memref<2609152xf32, #tpu.memory_space<hbm>>
    tpu.enqueue_indirect_dma source(%dma_start3A_1482 : memref<2609152xf32, #tpu.memory_space<hbm>>) target(%dma_start3A_1478 : memref<128xf32, #tpu.memory_space<vmem>>) offsets(%dma_start3A_1480 : memref<128xi32, #tpu.memory_space<vmem>>) semaphore(%arg11 : memref<!tpu.dma_semaphore, #tpu.memory_space<semaphore_mem>>)
    %dma_start3A_1483 = arith.constant 384 : i32
    %dma_start3A_1484 = tpu.memref_slice %arg9[%dma_start3A_1483] : memref<512xf32, #tpu.memory_space<vmem>> -> memref<128xf32, #tpu.memory_space<vmem>>
    %dma_start3A_1485 = arith.constant 384 : i32
    %dma_start3A_1486 = tpu.memref_slice %arg7[%dma_start3A_1485] : memref<512xi32, #tpu.memory_space<vmem>> -> memref<128xi32, #tpu.memory_space<vmem>>
    %dma_start3A_1487 = arith.constant 0 : i32
    %dma_start3A_1488 = tpu.memref_slice %arg3[%dma_start3A_1487] : memref<2609152xf32, #tpu.memory_space<hbm>> -> memref<2609152xf32, #tpu.memory_space<hbm>>
    tpu.enqueue_indirect_dma source(%dma_start3A_1488 : memref<2609152xf32, #tpu.memory_space<hbm>>) target(%dma_start3A_1484 : memref<128xf32, #tpu.memory_space<vmem>>) offsets(%dma_start3A_1486 : memref<128xi32, #tpu.memory_space<vmem>>) semaphore(%arg11 : memref<!tpu.dma_semaphore, #tpu.memory_space<semaphore_mem>>)
    %dma_wait3A_1489 = arith.constant 0 : i32
    %dma_wait3A_1490 = tpu.memref_slice %arg10[%dma_wait3A_1489] : memref<512xf32, #tpu.memory_space<vmem>> -> memref<128xf32, #tpu.memory_space<vmem>>
    %dma_wait3A_1491 = arith.constant 0 : i32
    %dma_wait3A_1492 = tpu.memref_slice %arg8[%dma_wait3A_1491] : memref<512xi32, #tpu.memory_space<vmem>> -> memref<128xi32, #tpu.memory_space<vmem>>
    %dma_wait3A_1493 = arith.constant 0 : i32
    %dma_wait3A_1494 = tpu.memref_slice %arg3[%dma_wait3A_1493] : memref<2609152xf32, #tpu.memory_space<hbm>> -> memref<2609152xf32, #tpu.memory_space<hbm>>
    tpu.wait_indirect_dma semaphore(%arg12 : memref<!tpu.dma_semaphore, #tpu.memory_space<semaphore_mem>>) src(%dma_wait3A_1494 : memref<2609152xf32, #tpu.memory_space<hbm>>) dst(%dma_wait3A_1490 : memref<128xf32, #tpu.memory_space<vmem>>)
    %dma_wait3A_1495 = arith.constant 128 : i32
    %dma_wait3A_1496 = tpu.memref_slice %arg10[%dma_wait3A_1495] : memref<512xf32, #tpu.memory_space<vmem>> -> memref<128xf32, #tpu.memory_space<vmem>>
    %dma_wait3A_1497 = arith.constant 128 : i32
    %dma_wait3A_1498 = tpu.memref_slice %arg8[%dma_wait3A_1497] : memref<512xi32, #tpu.memory_space<vmem>> -> memref<128xi32, #tpu.memory_space<vmem>>
    %dma_wait3A_1499 = arith.constant 0 : i32
    %dma_wait3A_1500 = tpu.memref_slice %arg3[%dma_wait3A_1499] : memref<2609152xf32, #tpu.memory_space<hbm>> -> memref<2609152xf32, #tpu.memory_space<hbm>>
    tpu.wait_indirect_dma semaphore(%arg12 : memref<!tpu.dma_semaphore, #tpu.memory_space<semaphore_mem>>) src(%dma_wait3A_1500 : memref<2609152xf32, #tpu.memory_space<hbm>>) dst(%dma_wait3A_1496 : memref<128xf32, #tpu.memory_space<vmem>>)
    %dma_wait3A_1501 = arith.constant 256 : i32
    %dma_wait3A_1502 = tpu.memref_slice %arg10[%dma_wait3A_1501] : memref<512xf32, #tpu.memory_space<vmem>> -> memref<128xf32, #tpu.memory_space<vmem>>
    %dma_wait3A_1503 = arith.constant 256 : i32
    %dma_wait3A_1504 = tpu.memref_slice %arg8[%dma_wait3A_1503] : memref<512xi32, #tpu.memory_space<vmem>> -> memref<128xi32, #tpu.memory_space<vmem>>
    %dma_wait3A_1505 = arith.constant 0 : i32
    %dma_wait3A_1506 = tpu.memref_slice %arg3[%dma_wait3A_1505] : memref<2609152xf32, #tpu.memory_space<hbm>> -> memref<2609152xf32, #tpu.memory_space<hbm>>
    tpu.wait_indirect_dma semaphore(%arg12 : memref<!tpu.dma_semaphore, #tpu.memory_space<semaphore_mem>>) src(%dma_wait3A_1506 : memref<2609152xf32, #tpu.memory_space<hbm>>) dst(%dma_wait3A_1502 : memref<128xf32, #tpu.memory_space<vmem>>)
    %dma_wait3A_1507 = arith.constant 384 : i32
    %dma_wait3A_1508 = tpu.memref_slice %arg10[%dma_wait3A_1507] : memref<512xf32, #tpu.memory_space<vmem>> -> memref<128xf32, #tpu.memory_space<vmem>>
    %dma_wait3A_1509 = arith.constant 384 : i32
    %dma_wait3A_1510 = tpu.memref_slice %arg8[%dma_wait3A_1509] : memref<512xi32, #tpu.memory_space<vmem>> -> memref<128xi32, #tpu.memory_space<vmem>>
    %dma_wait3A_1511 = arith.constant 0 : i32
    %dma_wait3A_1512 = tpu.memref_slice %arg3[%dma_wait3A_1511] : memref<2609152xf32, #tpu.memory_space<hbm>> -> memref<2609152xf32, #tpu.memory_space<hbm>>
    tpu.wait_indirect_dma semaphore(%arg12 : memref<!tpu.dma_semaphore, #tpu.memory_space<semaphore_mem>>) src(%dma_wait3A_1512 : memref<2609152xf32, #tpu.memory_space<hbm>>) dst(%dma_wait3A_1508 : memref<128xf32, #tpu.memory_space<vmem>>)
    %scan3A_1513 = arith.constant 0 : i32
    %scan3A_1514 = arith.constant 0 : i32
    %scan3A_1515 = arith.constant 32 : i32
    %scan3A_1516 = arith.addi %scan3A_1514, %scan3A_1515 : i32
    %scan3A_1517 = arith.constant 1 : i32
    scf.for %scan3A_1611 = %scan3A_1514 to %scan3A_1516 step %scan3A_1517  : i32 {
      %mul3A_1612 = arith.constant 16 : i32
      %mul3A_1613 = arith.muli %scan3A_1611, %mul3A_1612 : i32
      %get3A = arith.index_cast %mul3A_1613 : i32 to index
      %get3A_1614 = tpu.vector_load %arg6[%get3A] {strides = array<i32>} : memref<512xf32, #tpu.memory_space<vmem>>, vector<16xf32>,
      %get3A_1615 = vector.shape_cast %get3A_1614 : vector<16xf32> to vector<16xf32>
      %get3A_1616 = arith.index_cast %mul3A_1613 : i32 to index
      %get3A_1617 = tpu.vector_load %arg10[%get3A_1616] {strides = array<i32>} : memref<512xf32, #tpu.memory_space<vmem>>, vector<16xf32>,
      %get3A_1618 = vector.shape_cast %get3A_1617 : vector<16xf32> to vector<16xf32>
      %add3A_1619 = arith.addf %get3A_1615, %get3A_1618 : vector<16xf32>
      %swap3A = arith.index_cast %mul3A_1613 : i32 to index
      %swap3A_1620 = tpu.vector_load %arg6[%swap3A] {strides = array<i32>} : memref<512xf32, #tpu.memory_space<vmem>>, vector<16xf32>,
      %swap3A_1621 = vector.shape_cast %swap3A_1620 : vector<16xf32> to vector<16xf32>
      %swap3A_1622 = vector.shape_cast %add3A_1619 : vector<16xf32> to vector<16xf32>
      tpu.vector_store %arg6[%swap3A], %swap3A_1622 {strides = array<i32>} : memref<512xf32, #tpu.memory_space<vmem>>, vector<16xf32>,
    }
    %scan3A_1518 = arith.constant 32 : i32
    %run_scoped3A_1519 = arith.constant 25 : i32
    "tpu.region"() ({
      %run_scoped3A_1611 = tpu.sem_alloc : memref<!tpu.dma_semaphore, #tpu.memory_space<semaphore_mem>>
      %dma_start3A_1612 = tpu.memref_slice %arg2[%run_scoped3A_1519, %mul3A_2] : memref<26x16384xi32, #tpu.memory_space<hbm>> -> memref<1x512xi32, #tpu.memory_space<hbm>>
      %dma_start3A_1613 = tpu.memref_squeeze %dma_start3A_1612 : memref<1x512xi32, #tpu.memory_space<hbm>> -> memref<512xi32, #tpu.memory_space<hbm>>
      %dma_start3A_1614 = tpu.memref_slice %arg2[%run_scoped3A_1519, %mul3A_2] : memref<26x16384xi32, #tpu.memory_space<hbm>> -> memref<1x512xi32, #tpu.memory_space<hbm>>
      %dma_start3A_1615 = tpu.memref_squeeze %dma_start3A_1614 : memref<1x512xi32, #tpu.memory_space<hbm>> -> memref<512xi32, #tpu.memory_space<hbm>>
      tpu.enqueue_dma source(%dma_start3A_1615 : memref<512xi32, #tpu.memory_space<hbm>>) target(%arg8 : memref<512xi32, #tpu.memory_space<vmem>>) target_semaphore(%run_scoped3A_1611 : memref<!tpu.dma_semaphore, #tpu.memory_space<semaphore_mem>>)
      %dma_wait3A_1616 = tpu.memref_slice %arg2[%run_scoped3A_1519, %mul3A_2] : memref<26x16384xi32, #tpu.memory_space<hbm>> -> memref<1x512xi32, #tpu.memory_space<hbm>>
      %dma_wait3A_1617 = tpu.memref_squeeze %dma_wait3A_1616 : memref<1x512xi32, #tpu.memory_space<hbm>> -> memref<512xi32, #tpu.memory_space<hbm>>
      %dma_wait3A_1618 = tpu.memref_slice %arg2[%run_scoped3A_1519, %mul3A_2] : memref<26x16384xi32, #tpu.memory_space<hbm>> -> memref<1x512xi32, #tpu.memory_space<hbm>>
      %dma_wait3A_1619 = tpu.memref_squeeze %dma_wait3A_1618 : memref<1x512xi32, #tpu.memory_space<hbm>> -> memref<512xi32, #tpu.memory_space<hbm>>
      tpu.wait_dma2 semaphore(%run_scoped3A_1611 : memref<!tpu.dma_semaphore, #tpu.memory_space<semaphore_mem>>) src(%dma_wait3A_1619 : memref<512xi32, #tpu.memory_space<hbm>>) dst(%arg8 : memref<512xi32, #tpu.memory_space<vmem>>)
      tpu.yield
    }) : () -> ()
    %scan3A_1520 = arith.constant 0 : i32
    %scan3A_1521 = arith.constant 2508800 : i32
    %scan3A_1522 = arith.constant 0 : i32
    %scan3A_1523 = arith.constant 32 : i32
    %scan3A_1524 = arith.addi %scan3A_1522, %scan3A_1523 : i32
    %scan3A_1525 = arith.constant 1 : i32
    scf.for %scan3A_1611 = %scan3A_1522 to %scan3A_1524 step %scan3A_1525  : i32 {
      %mul3A_1612 = arith.constant 16 : i32
      %mul3A_1613 = arith.muli %scan3A_1611, %mul3A_1612 : i32
      %get3A = arith.index_cast %mul3A_1613 : i32 to index
      %get3A_1614 = tpu.vector_load %arg8[%get3A] {strides = array<i32>} : memref<512xi32, #tpu.memory_space<vmem>>, vector<16xi32>,
      %get3A_1615 = vector.shape_cast %get3A_1614 : vector<16xi32> to vector<16xi32>
      %add3A_1616 = vector.broadcast %scan3A_1521 : i32 to vector<16xi32>
      %add3A_1617 = arith.addi %get3A_1615, %add3A_1616 : vector<16xi32>
      %swap3A = arith.index_cast %mul3A_1613 : i32 to index
      %swap3A_1618 = tpu.vector_load %arg8[%swap3A] {strides = array<i32>} : memref<512xi32, #tpu.memory_space<vmem>>, vector<16xi32>,
      %swap3A_1619 = vector.shape_cast %swap3A_1618 : vector<16xi32> to vector<16xi32>
      %swap3A_1620 = vector.shape_cast %add3A_1617 : vector<16xi32> to vector<16xi32>
      tpu.vector_store %arg8[%swap3A], %swap3A_1620 {strides = array<i32>} : memref<512xi32, #tpu.memory_space<vmem>>, vector<16xi32>,
    }
    %scan3A_1526 = arith.constant 32 : i32
    %dma_start3A_1527 = arith.constant 0 : i32
    %dma_start3A_1528 = tpu.memref_slice %arg10[%dma_start3A_1527] : memref<512xf32, #tpu.memory_space<vmem>> -> memref<128xf32, #tpu.memory_space<vmem>>
    %dma_start3A_1529 = arith.constant 0 : i32
    %dma_start3A_1530 = tpu.memref_slice %arg8[%dma_start3A_1529] : memref<512xi32, #tpu.memory_space<vmem>> -> memref<128xi32, #tpu.memory_space<vmem>>
    %dma_start3A_1531 = arith.constant 0 : i32
    %dma_start3A_1532 = tpu.memref_slice %arg3[%dma_start3A_1531] : memref<2609152xf32, #tpu.memory_space<hbm>> -> memref<2609152xf32, #tpu.memory_space<hbm>>
    tpu.enqueue_indirect_dma source(%dma_start3A_1532 : memref<2609152xf32, #tpu.memory_space<hbm>>) target(%dma_start3A_1528 : memref<128xf32, #tpu.memory_space<vmem>>) offsets(%dma_start3A_1530 : memref<128xi32, #tpu.memory_space<vmem>>) semaphore(%arg12 : memref<!tpu.dma_semaphore, #tpu.memory_space<semaphore_mem>>)
    %dma_start3A_1533 = arith.constant 128 : i32
    %dma_start3A_1534 = tpu.memref_slice %arg10[%dma_start3A_1533] : memref<512xf32, #tpu.memory_space<vmem>> -> memref<128xf32, #tpu.memory_space<vmem>>
    %dma_start3A_1535 = arith.constant 128 : i32
    %dma_start3A_1536 = tpu.memref_slice %arg8[%dma_start3A_1535] : memref<512xi32, #tpu.memory_space<vmem>> -> memref<128xi32, #tpu.memory_space<vmem>>
    %dma_start3A_1537 = arith.constant 0 : i32
    %dma_start3A_1538 = tpu.memref_slice %arg3[%dma_start3A_1537] : memref<2609152xf32, #tpu.memory_space<hbm>> -> memref<2609152xf32, #tpu.memory_space<hbm>>
    tpu.enqueue_indirect_dma source(%dma_start3A_1538 : memref<2609152xf32, #tpu.memory_space<hbm>>) target(%dma_start3A_1534 : memref<128xf32, #tpu.memory_space<vmem>>) offsets(%dma_start3A_1536 : memref<128xi32, #tpu.memory_space<vmem>>) semaphore(%arg12 : memref<!tpu.dma_semaphore, #tpu.memory_space<semaphore_mem>>)
    %dma_start3A_1539 = arith.constant 256 : i32
    %dma_start3A_1540 = tpu.memref_slice %arg10[%dma_start3A_1539] : memref<512xf32, #tpu.memory_space<vmem>> -> memref<128xf32, #tpu.memory_space<vmem>>
    %dma_start3A_1541 = arith.constant 256 : i32
    %dma_start3A_1542 = tpu.memref_slice %arg8[%dma_start3A_1541] : memref<512xi32, #tpu.memory_space<vmem>> -> memref<128xi32, #tpu.memory_space<vmem>>
    %dma_start3A_1543 = arith.constant 0 : i32
    %dma_start3A_1544 = tpu.memref_slice %arg3[%dma_start3A_1543] : memref<2609152xf32, #tpu.memory_space<hbm>> -> memref<2609152xf32, #tpu.memory_space<hbm>>
    tpu.enqueue_indirect_dma source(%dma_start3A_1544 : memref<2609152xf32, #tpu.memory_space<hbm>>) target(%dma_start3A_1540 : memref<128xf32, #tpu.memory_space<vmem>>) offsets(%dma_start3A_1542 : memref<128xi32, #tpu.memory_space<vmem>>) semaphore(%arg12 : memref<!tpu.dma_semaphore, #tpu.memory_space<semaphore_mem>>)
    %dma_start3A_1545 = arith.constant 384 : i32
    %dma_start3A_1546 = tpu.memref_slice %arg10[%dma_start3A_1545] : memref<512xf32, #tpu.memory_space<vmem>> -> memref<128xf32, #tpu.memory_space<vmem>>
    %dma_start3A_1547 = arith.constant 384 : i32
    %dma_start3A_1548 = tpu.memref_slice %arg8[%dma_start3A_1547] : memref<512xi32, #tpu.memory_space<vmem>> -> memref<128xi32, #tpu.memory_space<vmem>>
    %dma_start3A_1549 = arith.constant 0 : i32
    %dma_start3A_1550 = tpu.memref_slice %arg3[%dma_start3A_1549] : memref<2609152xf32, #tpu.memory_space<hbm>> -> memref<2609152xf32, #tpu.memory_space<hbm>>
    tpu.enqueue_indirect_dma source(%dma_start3A_1550 : memref<2609152xf32, #tpu.memory_space<hbm>>) target(%dma_start3A_1546 : memref<128xf32, #tpu.memory_space<vmem>>) offsets(%dma_start3A_1548 : memref<128xi32, #tpu.memory_space<vmem>>) semaphore(%arg12 : memref<!tpu.dma_semaphore, #tpu.memory_space<semaphore_mem>>)
    %dma_wait3A_1551 = arith.constant 0 : i32
    %dma_wait3A_1552 = tpu.memref_slice %arg9[%dma_wait3A_1551] : memref<512xf32, #tpu.memory_space<vmem>> -> memref<128xf32, #tpu.memory_space<vmem>>
    %dma_wait3A_1553 = arith.constant 0 : i32
    %dma_wait3A_1554 = tpu.memref_slice %arg7[%dma_wait3A_1553] : memref<512xi32, #tpu.memory_space<vmem>> -> memref<128xi32, #tpu.memory_space<vmem>>
    %dma_wait3A_1555 = arith.constant 0 : i32
    %dma_wait3A_1556 = tpu.memref_slice %arg3[%dma_wait3A_1555] : memref<2609152xf32, #tpu.memory_space<hbm>> -> memref<2609152xf32, #tpu.memory_space<hbm>>
    tpu.wait_indirect_dma semaphore(%arg11 : memref<!tpu.dma_semaphore, #tpu.memory_space<semaphore_mem>>) src(%dma_wait3A_1556 : memref<2609152xf32, #tpu.memory_space<hbm>>) dst(%dma_wait3A_1552 : memref<128xf32, #tpu.memory_space<vmem>>)
    %dma_wait3A_1557 = arith.constant 128 : i32
    %dma_wait3A_1558 = tpu.memref_slice %arg9[%dma_wait3A_1557] : memref<512xf32, #tpu.memory_space<vmem>> -> memref<128xf32, #tpu.memory_space<vmem>>
    %dma_wait3A_1559 = arith.constant 128 : i32
    %dma_wait3A_1560 = tpu.memref_slice %arg7[%dma_wait3A_1559] : memref<512xi32, #tpu.memory_space<vmem>> -> memref<128xi32, #tpu.memory_space<vmem>>
    %dma_wait3A_1561 = arith.constant 0 : i32
    %dma_wait3A_1562 = tpu.memref_slice %arg3[%dma_wait3A_1561] : memref<2609152xf32, #tpu.memory_space<hbm>> -> memref<2609152xf32, #tpu.memory_space<hbm>>
    tpu.wait_indirect_dma semaphore(%arg11 : memref<!tpu.dma_semaphore, #tpu.memory_space<semaphore_mem>>) src(%dma_wait3A_1562 : memref<2609152xf32, #tpu.memory_space<hbm>>) dst(%dma_wait3A_1558 : memref<128xf32, #tpu.memory_space<vmem>>)
    %dma_wait3A_1563 = arith.constant 256 : i32
    %dma_wait3A_1564 = tpu.memref_slice %arg9[%dma_wait3A_1563] : memref<512xf32, #tpu.memory_space<vmem>> -> memref<128xf32, #tpu.memory_space<vmem>>
    %dma_wait3A_1565 = arith.constant 256 : i32
    %dma_wait3A_1566 = tpu.memref_slice %arg7[%dma_wait3A_1565] : memref<512xi32, #tpu.memory_space<vmem>> -> memref<128xi32, #tpu.memory_space<vmem>>
    %dma_wait3A_1567 = arith.constant 0 : i32
    %dma_wait3A_1568 = tpu.memref_slice %arg3[%dma_wait3A_1567] : memref<2609152xf32, #tpu.memory_space<hbm>> -> memref<2609152xf32, #tpu.memory_space<hbm>>
    tpu.wait_indirect_dma semaphore(%arg11 : memref<!tpu.dma_semaphore, #tpu.memory_space<semaphore_mem>>) src(%dma_wait3A_1568 : memref<2609152xf32, #tpu.memory_space<hbm>>) dst(%dma_wait3A_1564 : memref<128xf32, #tpu.memory_space<vmem>>)
    %dma_wait3A_1569 = arith.constant 384 : i32
    %dma_wait3A_1570 = tpu.memref_slice %arg9[%dma_wait3A_1569] : memref<512xf32, #tpu.memory_space<vmem>> -> memref<128xf32, #tpu.memory_space<vmem>>
    %dma_wait3A_1571 = arith.constant 384 : i32
    %dma_wait3A_1572 = tpu.memref_slice %arg7[%dma_wait3A_1571] : memref<512xi32, #tpu.memory_space<vmem>> -> memref<128xi32, #tpu.memory_space<vmem>>
    %dma_wait3A_1573 = arith.constant 0 : i32
    %dma_wait3A_1574 = tpu.memref_slice %arg3[%dma_wait3A_1573] : memref<2609152xf32, #tpu.memory_space<hbm>> -> memref<2609152xf32, #tpu.memory_space<hbm>>
    tpu.wait_indirect_dma semaphore(%arg11 : memref<!tpu.dma_semaphore, #tpu.memory_space<semaphore_mem>>) src(%dma_wait3A_1574 : memref<2609152xf32, #tpu.memory_space<hbm>>) dst(%dma_wait3A_1570 : memref<128xf32, #tpu.memory_space<vmem>>)
    %scan3A_1575 = arith.constant 0 : i32
    %scan3A_1576 = arith.constant 0 : i32
    %scan3A_1577 = arith.constant 32 : i32
    %scan3A_1578 = arith.addi %scan3A_1576, %scan3A_1577 : i32
    %scan3A_1579 = arith.constant 1 : i32
    scf.for %scan3A_1611 = %scan3A_1576 to %scan3A_1578 step %scan3A_1579  : i32 {
      %mul3A_1612 = arith.constant 16 : i32
      %mul3A_1613 = arith.muli %scan3A_1611, %mul3A_1612 : i32
      %get3A = arith.index_cast %mul3A_1613 : i32 to index
      %get3A_1614 = tpu.vector_load %arg6[%get3A] {strides = array<i32>} : memref<512xf32, #tpu.memory_space<vmem>>, vector<16xf32>,
      %get3A_1615 = vector.shape_cast %get3A_1614 : vector<16xf32> to vector<16xf32>
      %get3A_1616 = arith.index_cast %mul3A_1613 : i32 to index
      %get3A_1617 = tpu.vector_load %arg9[%get3A_1616] {strides = array<i32>} : memref<512xf32, #tpu.memory_space<vmem>>, vector<16xf32>,
      %get3A_1618 = vector.shape_cast %get3A_1617 : vector<16xf32> to vector<16xf32>
      %add3A_1619 = arith.addf %get3A_1615, %get3A_1618 : vector<16xf32>
      %swap3A = arith.index_cast %mul3A_1613 : i32 to index
      %swap3A_1620 = tpu.vector_load %arg6[%swap3A] {strides = array<i32>} : memref<512xf32, #tpu.memory_space<vmem>>, vector<16xf32>,
      %swap3A_1621 = vector.shape_cast %swap3A_1620 : vector<16xf32> to vector<16xf32>
      %swap3A_1622 = vector.shape_cast %add3A_1619 : vector<16xf32> to vector<16xf32>
      tpu.vector_store %arg6[%swap3A], %swap3A_1622 {strides = array<i32>} : memref<512xf32, #tpu.memory_space<vmem>>, vector<16xf32>,
    }
    %scan3A_1580 = arith.constant 32 : i32
    %dma_wait3A_1581 = arith.constant 0 : i32
    %dma_wait3A_1582 = tpu.memref_slice %arg10[%dma_wait3A_1581] : memref<512xf32, #tpu.memory_space<vmem>> -> memref<128xf32, #tpu.memory_space<vmem>>
    %dma_wait3A_1583 = arith.constant 0 : i32
    %dma_wait3A_1584 = tpu.memref_slice %arg8[%dma_wait3A_1583] : memref<512xi32, #tpu.memory_space<vmem>> -> memref<128xi32, #tpu.memory_space<vmem>>
    %dma_wait3A_1585 = arith.constant 0 : i32
    %dma_wait3A_1586 = tpu.memref_slice %arg3[%dma_wait3A_1585] : memref<2609152xf32, #tpu.memory_space<hbm>> -> memref<2609152xf32, #tpu.memory_space<hbm>>
    tpu.wait_indirect_dma semaphore(%arg12 : memref<!tpu.dma_semaphore, #tpu.memory_space<semaphore_mem>>) src(%dma_wait3A_1586 : memref<2609152xf32, #tpu.memory_space<hbm>>) dst(%dma_wait3A_1582 : memref<128xf32, #tpu.memory_space<vmem>>)
    %dma_wait3A_1587 = arith.constant 128 : i32
    %dma_wait3A_1588 = tpu.memref_slice %arg10[%dma_wait3A_1587] : memref<512xf32, #tpu.memory_space<vmem>> -> memref<128xf32, #tpu.memory_space<vmem>>
    %dma_wait3A_1589 = arith.constant 128 : i32
    %dma_wait3A_1590 = tpu.memref_slice %arg8[%dma_wait3A_1589] : memref<512xi32, #tpu.memory_space<vmem>> -> memref<128xi32, #tpu.memory_space<vmem>>
    %dma_wait3A_1591 = arith.constant 0 : i32
    %dma_wait3A_1592 = tpu.memref_slice %arg3[%dma_wait3A_1591] : memref<2609152xf32, #tpu.memory_space<hbm>> -> memref<2609152xf32, #tpu.memory_space<hbm>>
    tpu.wait_indirect_dma semaphore(%arg12 : memref<!tpu.dma_semaphore, #tpu.memory_space<semaphore_mem>>) src(%dma_wait3A_1592 : memref<2609152xf32, #tpu.memory_space<hbm>>) dst(%dma_wait3A_1588 : memref<128xf32, #tpu.memory_space<vmem>>)
    %dma_wait3A_1593 = arith.constant 256 : i32
    %dma_wait3A_1594 = tpu.memref_slice %arg10[%dma_wait3A_1593] : memref<512xf32, #tpu.memory_space<vmem>> -> memref<128xf32, #tpu.memory_space<vmem>>
    %dma_wait3A_1595 = arith.constant 256 : i32
    %dma_wait3A_1596 = tpu.memref_slice %arg8[%dma_wait3A_1595] : memref<512xi32, #tpu.memory_space<vmem>> -> memref<128xi32, #tpu.memory_space<vmem>>
    %dma_wait3A_1597 = arith.constant 0 : i32
    %dma_wait3A_1598 = tpu.memref_slice %arg3[%dma_wait3A_1597] : memref<2609152xf32, #tpu.memory_space<hbm>> -> memref<2609152xf32, #tpu.memory_space<hbm>>
    tpu.wait_indirect_dma semaphore(%arg12 : memref<!tpu.dma_semaphore, #tpu.memory_space<semaphore_mem>>) src(%dma_wait3A_1598 : memref<2609152xf32, #tpu.memory_space<hbm>>) dst(%dma_wait3A_1594 : memref<128xf32, #tpu.memory_space<vmem>>)
    %dma_wait3A_1599 = arith.constant 384 : i32
    %dma_wait3A_1600 = tpu.memref_slice %arg10[%dma_wait3A_1599] : memref<512xf32, #tpu.memory_space<vmem>> -> memref<128xf32, #tpu.memory_space<vmem>>
    %dma_wait3A_1601 = arith.constant 384 : i32
    %dma_wait3A_1602 = tpu.memref_slice %arg8[%dma_wait3A_1601] : memref<512xi32, #tpu.memory_space<vmem>> -> memref<128xi32, #tpu.memory_space<vmem>>
    %dma_wait3A_1603 = arith.constant 0 : i32
    %dma_wait3A_1604 = tpu.memref_slice %arg3[%dma_wait3A_1603] : memref<2609152xf32, #tpu.memory_space<hbm>> -> memref<2609152xf32, #tpu.memory_space<hbm>>
    tpu.wait_indirect_dma semaphore(%arg12 : memref<!tpu.dma_semaphore, #tpu.memory_space<semaphore_mem>>) src(%dma_wait3A_1604 : memref<2609152xf32, #tpu.memory_space<hbm>>) dst(%dma_wait3A_1600 : memref<128xf32, #tpu.memory_space<vmem>>)
    %scan3A_1605 = arith.constant 0 : i32
    %scan3A_1606 = arith.constant 0 : i32
    %scan3A_1607 = arith.constant 32 : i32
    %scan3A_1608 = arith.addi %scan3A_1606, %scan3A_1607 : i32
    %scan3A_1609 = arith.constant 1 : i32
    scf.for %scan3A_1611 = %scan3A_1606 to %scan3A_1608 step %scan3A_1609  : i32 {
      %mul3A_1612 = arith.constant 16 : i32
      %mul3A_1613 = arith.muli %scan3A_1611, %mul3A_1612 : i32
      %get3A = arith.index_cast %mul3A_1613 : i32 to index
      %get3A_1614 = tpu.vector_load %arg6[%get3A] {strides = array<i32>} : memref<512xf32, #tpu.memory_space<vmem>>, vector<16xf32>,
      %get3A_1615 = vector.shape_cast %get3A_1614 : vector<16xf32> to vector<16xf32>
      %get3A_1616 = arith.index_cast %mul3A_1613 : i32 to index
      %get3A_1617 = tpu.vector_load %arg10[%get3A_1616] {strides = array<i32>} : memref<512xf32, #tpu.memory_space<vmem>>, vector<16xf32>,
      %get3A_1618 = vector.shape_cast %get3A_1617 : vector<16xf32> to vector<16xf32>
      %add3A_1619 = arith.addf %get3A_1615, %get3A_1618 : vector<16xf32>
      %swap3A = arith.index_cast %mul3A_1613 : i32 to index
      %swap3A_1620 = tpu.vector_load %arg6[%swap3A] {strides = array<i32>} : memref<512xf32, #tpu.memory_space<vmem>>, vector<16xf32>,
      %swap3A_1621 = vector.shape_cast %swap3A_1620 : vector<16xf32> to vector<16xf32>
      %swap3A_1622 = vector.shape_cast %add3A_1619 : vector<16xf32> to vector<16xf32>
      tpu.vector_store %arg6[%swap3A], %swap3A_1622 {strides = array<i32>} : memref<512xf32, #tpu.memory_space<vmem>>, vector<16xf32>,
    }
    %scan3A_1610 = arith.constant 32 : i32
    "tpu.region"() ({
      %run_scoped3A_1611 = tpu.sem_alloc : memref<!tpu.dma_semaphore, #tpu.memory_space<semaphore_mem>>
      %dma_start3A_1612 = tpu.memref_slice %arg5[%mul3A_2] : memref<16384xf32, #tpu.memory_space<hbm>> -> memref<512xf32, #tpu.memory_space<hbm>>
      %dma_start3A_1613 = tpu.memref_slice %arg5[%mul3A_2] : memref<16384xf32, #tpu.memory_space<hbm>> -> memref<512xf32, #tpu.memory_space<hbm>>
      tpu.enqueue_dma source(%arg6 : memref<512xf32, #tpu.memory_space<vmem>>) target(%dma_start3A_1613 : memref<512xf32, #tpu.memory_space<hbm>>) target_semaphore(%run_scoped3A_1611 : memref<!tpu.dma_semaphore, #tpu.memory_space<semaphore_mem>>)
      %dma_wait3A_1614 = tpu.memref_slice %arg5[%mul3A_2] : memref<16384xf32, #tpu.memory_space<hbm>> -> memref<512xf32, #tpu.memory_space<hbm>>
      %dma_wait3A_1615 = tpu.memref_slice %arg5[%mul3A_2] : memref<16384xf32, #tpu.memory_space<hbm>> -> memref<512xf32, #tpu.memory_space<hbm>>
      tpu.wait_dma2 semaphore(%run_scoped3A_1611 : memref<!tpu.dma_semaphore, #tpu.memory_space<semaphore_mem>>) src(%arg6 : memref<512xf32, #tpu.memory_space<vmem>>) dst(%dma_wait3A_1615 : memref<512xf32, #tpu.memory_space<hbm>>)
      tpu.yield
    }) : () -> ()
    return
  }
}

module attributes {stable_mosaic.version = 14 : i64} {
  func.func @body(%arg0: i32, %arg1: memref<1x16x100000xf32, #tpu.memory_space<vmem>>, %arg2: memref<26x16xf32, #tpu.memory_space<vmem>>, %arg3: memref<1x784x128xf32, #tpu.memory_space<vmem>>) attributes {dimension_semantics = [#tpu.dimension_semantics<arbitrary>], iteration_bounds = array<i64: 26>, scalar_prefetch = 0 : i64, scratch_operands = 0 : i64, tpu.core_type = #tpu.core_type<tc>, window_params = [{transform_indices = @transform_0, window_bounds = array<i64: 1, 16, 100000>}, {pipeline_mode = #tpu.pipeline_mode<synchronous>, transform_indices = @transform_1, window_bounds = array<i64: 26, 16>}, {transform_indices = @transform_2, window_bounds = array<i64: 1, 784, 128>}]} {
    %get3A = arith.index_cast %arg0 : i32 to index
    %get3A_0 = arith.constant 0 : index
    %get3A_1 = vector.load %arg2[%get3A, %get3A_0] : memref<26x16xf32, #tpu.memory_space<vmem>>, vector<1x16xf32>
    %get3A_2 = vector.shape_cast %get3A_1 : vector<1x16xf32> to vector<16xf32>
    %get3A_3 = arith.constant 0 : index
    %get3A_4 = arith.constant 0 : index
    %get3A_5 = arith.constant 0 : index
    %get3A_6 = vector.load %arg1[%get3A_3, %get3A_4, %get3A_5] : memref<1x16x100000xf32, #tpu.memory_space<vmem>>, vector<1x16x100000xf32>
    %get3A_7 = vector.shape_cast %get3A_6 : vector<1x16x100000xf32> to vector<16x100000xf32>
    %broadcast_in_dim3A = vector.shape_cast %get3A_2 : vector<16xf32> to vector<16x1xf32>
    %mul3A = vector.broadcast %broadcast_in_dim3A : vector<16x1xf32> to vector<16x100000xf32>
    %mul3A_8 = arith.mulf %get3A_7, %mul3A : vector<16x100000xf32>
    %reduce_sum3A = arith.constant dense<0.000000e+00> : vector<100000xf32>
    %reduce_sum3A_9 = vector.multi_reduction <add>, %mul3A_8, %reduce_sum3A [0] : vector<16x100000xf32> to vector<100000xf32>
    %broadcast_in_dim3A_10 = arith.constant 0.000000e+00 : f32
    %broadcast_in_dim3A_11 = vector.broadcast %broadcast_in_dim3A_10 : f32 to vector<352xf32>
    %concatenate3A = tpu.concatenate %reduce_sum3A_9, %broadcast_in_dim3A_11 in 0 : vector<100000xf32>, vector<352xf32> -> vector<100352xf32>
    %reshape3A = vector.shape_cast %concatenate3A : vector<100352xf32> to vector<1x784x128xf32>
    %swap3A = arith.constant 0 : index
    %swap3A_12 = arith.constant 0 : index
    %swap3A_13 = arith.constant 0 : index
    %swap3A_14 = vector.load %arg3[%swap3A, %swap3A_12, %swap3A_13] : memref<1x784x128xf32, #tpu.memory_space<vmem>>, vector<1x784x128xf32>
    tpu.vector_store %arg3[%swap3A, %swap3A_12, %swap3A_13], %reshape3A {strides = array<i32>} : memref<1x784x128xf32, #tpu.memory_space<vmem>>, vector<1x784x128xf32>,
    return
  }
  func.func @transform_0(%arg0: i32) -> (i32, i32, i32) {
    %c0_i32 = arith.constant 0 : i32
    %c0_i32_0 = arith.constant 0 : i32
    %c0_i32_1 = arith.constant 0 : i32
    return %arg0, %c0_i32, %c0_i32_0 : i32, i32, i32
  }
  func.func @transform_1(%arg0: i32) -> (i32, i32) {
    %c0_i32 = arith.constant 0 : i32
    %c0_i32_0 = arith.constant 0 : i32
    %c0_i32_1 = arith.constant 0 : i32
    return %c0_i32, %c0_i32_0 : i32, i32
  }
  func.func @transform_2(%arg0: i32) -> (i32, i32, i32) {
    %c0_i32 = arith.constant 0 : i32
    %c0_i32_0 = arith.constant 0 : i32
    %c0_i32_1 = arith.constant 0 : i32
    return %arg0, %c0_i32, %c0_i32_0 : i32, i32, i32
  }
}

module attributes {stable_mosaic.version = 14 : i64} {
  func.func @body(%arg0: i32, %arg1: memref<13x2048xf32, #tpu.memory_space<vmem>>, %arg2: memref<13x1xf32, #tpu.memory_space<vmem>>, %arg3: memref<1x1xf32, #tpu.memory_space<vmem>>, %arg4: memref<1x1xf32, #tpu.memory_space<vmem>>, %arg5: memref<2048xf32, #tpu.memory_space<vmem>>) attributes {dimension_semantics = [#tpu.dimension_semantics<arbitrary>], iteration_bounds = array<i64: 8>, scalar_prefetch = 0 : i64, scratch_operands = 0 : i64, tpu.core_type = #tpu.core_type<tc>, window_params = [{transform_indices = @transform_0, window_bounds = array<i64: 13, 2048>}, {pipeline_mode = #tpu.pipeline_mode<synchronous>, transform_indices = @transform_1, window_bounds = array<i64: 13, 1>}, {pipeline_mode = #tpu.pipeline_mode<synchronous>, transform_indices = @transform_2, window_bounds = array<i64: 1, 1>}, {pipeline_mode = #tpu.pipeline_mode<synchronous>, transform_indices = @transform_3, window_bounds = array<i64: 1, 1>}, {transform_indices = @transform_4, window_bounds = array<i64: 2048>}]} {
    %get3A = arith.constant 0 : index
    %get3A_0 = arith.constant 0 : index
    %get3A_1 = vector.load %arg3[%get3A, %get3A_0] : memref<1x1xf32, #tpu.memory_space<vmem>>, vector<1x1xf32>
    %get3A_2 = vector.extract %get3A_1[0, 0] : f32 from vector<1x1xf32>
    %get3A_3 = arith.constant 0 : index
    %get3A_4 = arith.constant 0 : index
    %get3A_5 = vector.load %arg4[%get3A_3, %get3A_4] : memref<1x1xf32, #tpu.memory_space<vmem>>, vector<1x1xf32>
    %get3A_6 = vector.extract %get3A_5[0, 0] : f32 from vector<1x1xf32>
    %add3A = arith.addf %get3A_2, %get3A_6 : f32
    %broadcast_in_dim3A = vector.broadcast %add3A : f32 to vector<2048xf32>
    %get3A_7 = arith.constant 0 : index
    %get3A_8 = arith.constant 0 : index
    %get3A_9 = vector.load %arg1[%get3A_7, %get3A_8] : memref<13x2048xf32, #tpu.memory_space<vmem>>, vector<1x2048xf32>
    %get3A_10 = vector.shape_cast %get3A_9 : vector<1x2048xf32> to vector<2048xf32>
    %get3A_11 = arith.constant 0 : index
    %get3A_12 = arith.constant 0 : index
    %get3A_13 = vector.load %arg2[%get3A_11, %get3A_12] : memref<13x1xf32, #tpu.memory_space<vmem>>, vector<1x1xf32>
    %get3A_14 = vector.extract %get3A_13[0, 0] : f32 from vector<1x1xf32>
    %mul3A = vector.broadcast %get3A_14 : f32 to vector<2048xf32>
    %mul3A_15 = arith.mulf %get3A_10, %mul3A : vector<2048xf32>
    %add3A_16 = arith.addf %broadcast_in_dim3A, %mul3A_15 : vector<2048xf32>
    %get3A_17 = arith.constant 1 : index
    %get3A_18 = arith.constant 0 : index
    %get3A_19 = vector.load %arg1[%get3A_17, %get3A_18] : memref<13x2048xf32, #tpu.memory_space<vmem>>, vector<1x2048xf32>
    %get3A_20 = vector.shape_cast %get3A_19 : vector<1x2048xf32> to vector<2048xf32>
    %get3A_21 = arith.constant 1 : index
    %get3A_22 = arith.constant 0 : index
    %get3A_23 = vector.load %arg2[%get3A_21, %get3A_22] : memref<13x1xf32, #tpu.memory_space<vmem>>, vector<1x1xf32>
    %get3A_24 = vector.extract %get3A_23[0, 0] : f32 from vector<1x1xf32>
    %mul3A_25 = vector.broadcast %get3A_24 : f32 to vector<2048xf32>
    %mul3A_26 = arith.mulf %get3A_20, %mul3A_25 : vector<2048xf32>
    %add3A_27 = arith.addf %add3A_16, %mul3A_26 : vector<2048xf32>
    %get3A_28 = arith.constant 2 : index
    %get3A_29 = arith.constant 0 : index
    %get3A_30 = vector.load %arg1[%get3A_28, %get3A_29] : memref<13x2048xf32, #tpu.memory_space<vmem>>, vector<1x2048xf32>
    %get3A_31 = vector.shape_cast %get3A_30 : vector<1x2048xf32> to vector<2048xf32>
    %get3A_32 = arith.constant 2 : index
    %get3A_33 = arith.constant 0 : index
    %get3A_34 = vector.load %arg2[%get3A_32, %get3A_33] : memref<13x1xf32, #tpu.memory_space<vmem>>, vector<1x1xf32>
    %get3A_35 = vector.extract %get3A_34[0, 0] : f32 from vector<1x1xf32>
    %mul3A_36 = vector.broadcast %get3A_35 : f32 to vector<2048xf32>
    %mul3A_37 = arith.mulf %get3A_31, %mul3A_36 : vector<2048xf32>
    %add3A_38 = arith.addf %add3A_27, %mul3A_37 : vector<2048xf32>
    %get3A_39 = arith.constant 3 : index
    %get3A_40 = arith.constant 0 : index
    %get3A_41 = vector.load %arg1[%get3A_39, %get3A_40] : memref<13x2048xf32, #tpu.memory_space<vmem>>, vector<1x2048xf32>
    %get3A_42 = vector.shape_cast %get3A_41 : vector<1x2048xf32> to vector<2048xf32>
    %get3A_43 = arith.constant 3 : index
    %get3A_44 = arith.constant 0 : index
    %get3A_45 = vector.load %arg2[%get3A_43, %get3A_44] : memref<13x1xf32, #tpu.memory_space<vmem>>, vector<1x1xf32>
    %get3A_46 = vector.extract %get3A_45[0, 0] : f32 from vector<1x1xf32>
    %mul3A_47 = vector.broadcast %get3A_46 : f32 to vector<2048xf32>
    %mul3A_48 = arith.mulf %get3A_42, %mul3A_47 : vector<2048xf32>
    %add3A_49 = arith.addf %add3A_38, %mul3A_48 : vector<2048xf32>
    %get3A_50 = arith.constant 4 : index
    %get3A_51 = arith.constant 0 : index
    %get3A_52 = vector.load %arg1[%get3A_50, %get3A_51] : memref<13x2048xf32, #tpu.memory_space<vmem>>, vector<1x2048xf32>
    %get3A_53 = vector.shape_cast %get3A_52 : vector<1x2048xf32> to vector<2048xf32>
    %get3A_54 = arith.constant 4 : index
    %get3A_55 = arith.constant 0 : index
    %get3A_56 = vector.load %arg2[%get3A_54, %get3A_55] : memref<13x1xf32, #tpu.memory_space<vmem>>, vector<1x1xf32>
    %get3A_57 = vector.extract %get3A_56[0, 0] : f32 from vector<1x1xf32>
    %mul3A_58 = vector.broadcast %get3A_57 : f32 to vector<2048xf32>
    %mul3A_59 = arith.mulf %get3A_53, %mul3A_58 : vector<2048xf32>
    %add3A_60 = arith.addf %add3A_49, %mul3A_59 : vector<2048xf32>
    %get3A_61 = arith.constant 5 : index
    %get3A_62 = arith.constant 0 : index
    %get3A_63 = vector.load %arg1[%get3A_61, %get3A_62] : memref<13x2048xf32, #tpu.memory_space<vmem>>, vector<1x2048xf32>
    %get3A_64 = vector.shape_cast %get3A_63 : vector<1x2048xf32> to vector<2048xf32>
    %get3A_65 = arith.constant 5 : index
    %get3A_66 = arith.constant 0 : index
    %get3A_67 = vector.load %arg2[%get3A_65, %get3A_66] : memref<13x1xf32, #tpu.memory_space<vmem>>, vector<1x1xf32>
    %get3A_68 = vector.extract %get3A_67[0, 0] : f32 from vector<1x1xf32>
    %mul3A_69 = vector.broadcast %get3A_68 : f32 to vector<2048xf32>
    %mul3A_70 = arith.mulf %get3A_64, %mul3A_69 : vector<2048xf32>
    %add3A_71 = arith.addf %add3A_60, %mul3A_70 : vector<2048xf32>
    %get3A_72 = arith.constant 6 : index
    %get3A_73 = arith.constant 0 : index
    %get3A_74 = vector.load %arg1[%get3A_72, %get3A_73] : memref<13x2048xf32, #tpu.memory_space<vmem>>, vector<1x2048xf32>
    %get3A_75 = vector.shape_cast %get3A_74 : vector<1x2048xf32> to vector<2048xf32>
    %get3A_76 = arith.constant 6 : index
    %get3A_77 = arith.constant 0 : index
    %get3A_78 = vector.load %arg2[%get3A_76, %get3A_77] : memref<13x1xf32, #tpu.memory_space<vmem>>, vector<1x1xf32>
    %get3A_79 = vector.extract %get3A_78[0, 0] : f32 from vector<1x1xf32>
    %mul3A_80 = vector.broadcast %get3A_79 : f32 to vector<2048xf32>
    %mul3A_81 = arith.mulf %get3A_75, %mul3A_80 : vector<2048xf32>
    %add3A_82 = arith.addf %add3A_71, %mul3A_81 : vector<2048xf32>
    %get3A_83 = arith.constant 7 : index
    %get3A_84 = arith.constant 0 : index
    %get3A_85 = vector.load %arg1[%get3A_83, %get3A_84] : memref<13x2048xf32, #tpu.memory_space<vmem>>, vector<1x2048xf32>
    %get3A_86 = vector.shape_cast %get3A_85 : vector<1x2048xf32> to vector<2048xf32>
    %get3A_87 = arith.constant 7 : index
    %get3A_88 = arith.constant 0 : index
    %get3A_89 = vector.load %arg2[%get3A_87, %get3A_88] : memref<13x1xf32, #tpu.memory_space<vmem>>, vector<1x1xf32>
    %get3A_90 = vector.extract %get3A_89[0, 0] : f32 from vector<1x1xf32>
    %mul3A_91 = vector.broadcast %get3A_90 : f32 to vector<2048xf32>
    %mul3A_92 = arith.mulf %get3A_86, %mul3A_91 : vector<2048xf32>
    %add3A_93 = arith.addf %add3A_82, %mul3A_92 : vector<2048xf32>
    %get3A_94 = arith.constant 8 : index
    %get3A_95 = arith.constant 0 : index
    %get3A_96 = vector.load %arg1[%get3A_94, %get3A_95] : memref<13x2048xf32, #tpu.memory_space<vmem>>, vector<1x2048xf32>
    %get3A_97 = vector.shape_cast %get3A_96 : vector<1x2048xf32> to vector<2048xf32>
    %get3A_98 = arith.constant 8 : index
    %get3A_99 = arith.constant 0 : index
    %get3A_100 = vector.load %arg2[%get3A_98, %get3A_99] : memref<13x1xf32, #tpu.memory_space<vmem>>, vector<1x1xf32>
    %get3A_101 = vector.extract %get3A_100[0, 0] : f32 from vector<1x1xf32>
    %mul3A_102 = vector.broadcast %get3A_101 : f32 to vector<2048xf32>
    %mul3A_103 = arith.mulf %get3A_97, %mul3A_102 : vector<2048xf32>
    %add3A_104 = arith.addf %add3A_93, %mul3A_103 : vector<2048xf32>
    %get3A_105 = arith.constant 9 : index
    %get3A_106 = arith.constant 0 : index
    %get3A_107 = vector.load %arg1[%get3A_105, %get3A_106] : memref<13x2048xf32, #tpu.memory_space<vmem>>, vector<1x2048xf32>
    %get3A_108 = vector.shape_cast %get3A_107 : vector<1x2048xf32> to vector<2048xf32>
    %get3A_109 = arith.constant 9 : index
    %get3A_110 = arith.constant 0 : index
    %get3A_111 = vector.load %arg2[%get3A_109, %get3A_110] : memref<13x1xf32, #tpu.memory_space<vmem>>, vector<1x1xf32>
    %get3A_112 = vector.extract %get3A_111[0, 0] : f32 from vector<1x1xf32>
    %mul3A_113 = vector.broadcast %get3A_112 : f32 to vector<2048xf32>
    %mul3A_114 = arith.mulf %get3A_108, %mul3A_113 : vector<2048xf32>
    %add3A_115 = arith.addf %add3A_104, %mul3A_114 : vector<2048xf32>
    %get3A_116 = arith.constant 10 : index
    %get3A_117 = arith.constant 0 : index
    %get3A_118 = vector.load %arg1[%get3A_116, %get3A_117] : memref<13x2048xf32, #tpu.memory_space<vmem>>, vector<1x2048xf32>
    %get3A_119 = vector.shape_cast %get3A_118 : vector<1x2048xf32> to vector<2048xf32>
    %get3A_120 = arith.constant 10 : index
    %get3A_121 = arith.constant 0 : index
    %get3A_122 = vector.load %arg2[%get3A_120, %get3A_121] : memref<13x1xf32, #tpu.memory_space<vmem>>, vector<1x1xf32>
    %get3A_123 = vector.extract %get3A_122[0, 0] : f32 from vector<1x1xf32>
    %mul3A_124 = vector.broadcast %get3A_123 : f32 to vector<2048xf32>
    %mul3A_125 = arith.mulf %get3A_119, %mul3A_124 : vector<2048xf32>
    %add3A_126 = arith.addf %add3A_115, %mul3A_125 : vector<2048xf32>
    %get3A_127 = arith.constant 11 : index
    %get3A_128 = arith.constant 0 : index
    %get3A_129 = vector.load %arg1[%get3A_127, %get3A_128] : memref<13x2048xf32, #tpu.memory_space<vmem>>, vector<1x2048xf32>
    %get3A_130 = vector.shape_cast %get3A_129 : vector<1x2048xf32> to vector<2048xf32>
    %get3A_131 = arith.constant 11 : index
    %get3A_132 = arith.constant 0 : index
    %get3A_133 = vector.load %arg2[%get3A_131, %get3A_132] : memref<13x1xf32, #tpu.memory_space<vmem>>, vector<1x1xf32>
    %get3A_134 = vector.extract %get3A_133[0, 0] : f32 from vector<1x1xf32>
    %mul3A_135 = vector.broadcast %get3A_134 : f32 to vector<2048xf32>
    %mul3A_136 = arith.mulf %get3A_130, %mul3A_135 : vector<2048xf32>
    %add3A_137 = arith.addf %add3A_126, %mul3A_136 : vector<2048xf32>
    %get3A_138 = arith.constant 12 : index
    %get3A_139 = arith.constant 0 : index
    %get3A_140 = vector.load %arg1[%get3A_138, %get3A_139] : memref<13x2048xf32, #tpu.memory_space<vmem>>, vector<1x2048xf32>
    %get3A_141 = vector.shape_cast %get3A_140 : vector<1x2048xf32> to vector<2048xf32>
    %get3A_142 = arith.constant 12 : index
    %get3A_143 = arith.constant 0 : index
    %get3A_144 = vector.load %arg2[%get3A_142, %get3A_143] : memref<13x1xf32, #tpu.memory_space<vmem>>, vector<1x1xf32>
    %get3A_145 = vector.extract %get3A_144[0, 0] : f32 from vector<1x1xf32>
    %mul3A_146 = vector.broadcast %get3A_145 : f32 to vector<2048xf32>
    %mul3A_147 = arith.mulf %get3A_141, %mul3A_146 : vector<2048xf32>
    %add3A_148 = arith.addf %add3A_137, %mul3A_147 : vector<2048xf32>
    %swap3A = arith.constant 0 : index
    %swap3A_149 = vector.load %arg5[%swap3A] : memref<2048xf32, #tpu.memory_space<vmem>>, vector<2048xf32>
    tpu.vector_store %arg5[%swap3A], %add3A_148 {strides = array<i32>} : memref<2048xf32, #tpu.memory_space<vmem>>, vector<2048xf32>,
    return
  }
  func.func @transform_0(%arg0: i32) -> (i32, i32) {
    %c0_i32 = arith.constant 0 : i32
    %c0_i32_0 = arith.constant 0 : i32
    return %c0_i32, %arg0 : i32, i32
  }
  func.func @transform_1(%arg0: i32) -> (i32, i32) {
    %c0_i32 = arith.constant 0 : i32
    %c0_i32_0 = arith.constant 0 : i32
    %c0_i32_1 = arith.constant 0 : i32
    return %c0_i32, %c0_i32_0 : i32, i32
  }
  func.func @transform_2(%arg0: i32) -> (i32, i32) {
    %c0_i32 = arith.constant 0 : i32
    %c0_i32_0 = arith.constant 0 : i32
    %c0_i32_1 = arith.constant 0 : i32
    return %c0_i32, %c0_i32_0 : i32, i32
  }
  func.func @transform_3(%arg0: i32) -> (i32, i32) {
    %c0_i32 = arith.constant 0 : i32
    %c0_i32_0 = arith.constant 0 : i32
    %c0_i32_1 = arith.constant 0 : i32
    return %c0_i32, %c0_i32_0 : i32, i32
  }
  func.func @transform_4(%arg0: i32) -> i32 {
    %c0_i32 = arith.constant 0 : i32
    return %arg0 : i32
  }
}

</mosaic_0001>

<sc_bundles>
// kernel: kernel.5.cloned.1.call-start
scs
__scs_entry_jumppad:
0x0: {  	(pc) =	sbr.rel $0x88, $3  }
0x1: {  	(tag) =	ssettag $0x0;
	lr =	simm.s32 $0x1  }
0x2: {  	[smem:$0x3F9A] =	sst lr;
	_ =	strace $0xD0000000  }
0x3: {  	_ = 	snop  }
0x4: {  	_ = 	snop  }
0x5: {  	_ = 	snop  }
0x6: {  	_ = 	snop  }
0x7: {  	_ = 	snop  }
__scs_overlays_trampoline_lowered:
0x8: {  	[smem:$0x3FA9] =	sst s0  }
0x9: {  	[smem:$0x3FAA] =	sst s1  }
0xa: {  	[smem:$0x3FAB] =	sst s2  }
0xb: {  	[smem:$0x3FAC] =	sst s3  }
0xc: {  	[smem:$0x3FAD] =	sst s4  }
0xd: {  	[smem:$0x3FAE] =	sst s5  }
0xe: {  	[smem:$0x3FAF] =	sst s6  }
0xf: {  	[smem:$0x3FB0] =	sst s7  }
0x10: {  	[smem:$0x3FB1] =	sst s8  }
0x11: {  	[smem:$0x3FB2] =	sst s9;
	s0 =	simm.s32 @!p0 $0x0  }
0x12: {  	s1 =	sld [smem:$0x3F98];
	s0 =	simm.s32 @p0 $0x1  }
0x13: {  	[smem:$0x3FB3] =	sst s0;
	s0 =	simm.s32 @!p1 $0x0  }
0x14: {  	s2 =	sld [smem:$0x3F97];
	s0 =	simm.s32 @p1 $0x1  }
0x15: {  	[smem:$0x3FB4] =	sst s0;
	s0 =	simm.s32 @!p2 $0x0  }
0x16: {  	s3 =	sld [smem:$0x3FDB];
	s0 =	simm.s32 @p2 $0x1  }
0x17: {  	s4 =	simm.s32 $0x1BF5;
	[smem:$0x3FB6] =	sst s0  }
0x18: {  	s0 =	sld [smem:$0x3F99];
	_ =	swait.ge [sflag:s4], $0x0  }
0x19: {  	s7 =	sld [smem:$0x3F9A]  }
0x1a: {  	s8 =	sadd.s32 $0xFFFFE003, lr  }
0x1b: {  	s9 =	sadd.s32 $0xFFFFFEF7, lr;
	s5 =	simm.s32 $0xFFFFFFFF;
	p2 =	slt.u32 s8, $0xFFFFF086  }
0x1c: {  	p1 =	slt.u32 s9, $0xF7A;
	s5 =	simm.s32 @!p2 $0x0  }
0x1d: {  	s5 =	simm.s32 @p1 $0x1;
	p0 =	seq.s32 s7, s2  }
0x1e: {  	s7 =	smul.u32 @!p0 $0xF7A, s2;
	p2 =	seq.s32 @!p0 s5, $0x0  }
0x1f: {  	s9 =	smul.u32 $0xF7A, s1;
	s8 =	simm.s32 @!p0 $0x1BF5;
	p2 =	por !p2, p0  }
0x20: {  	[sflag:s8] =	ssyncset.s32 @!p0 $0xFFFFF086;
	s6 =	sadd.s32 @!p0 s3, s7;
	s7 =	simm.s32 @!p0 $0x108  }
0x21: {  	s3 =	sadd.s32 s3, s9;
	s6 =	sadd.s32 @!p0 $0x88, s6;
	s7 =	simm.s32 @p2 $0x1082  }
0x22: {  	[simem:s7], [sflag:s8] =	dma.local @!p0 [hbm:s6], $0xF7A  }
0x23: {  	s9 =	sor.u32 $0xD0000000, s2;
	s6 =	simm.s32 $0x108;
	_ =	swait.ge @!p0 [sflag:s8], $0x0  }
0x24: {  	s3 =	sadd.s32 $0x88, s3;
	s6 =	simm.s32 @!p1 $0x1082;
	[sflag:s4] =	ssyncset.s32 $0xFFFFF086  }
0x25: {  	[simem:s6], [sflag:s4] =	dma.local [hbm:s3], $0xF7A  }
0x26: {  	[smem:$0x3F9A] =	sst s1;
	(tag) =	ssettag s2;
	_ =	strace s9  }
0x27: {  	s1 =	sld [smem:$0x3FAA]  }
0x28: {  	s2 =	sld [smem:$0x3FAB]  }
0x29: {  	s4 =	sld [smem:$0x3FAD]  }
0x2a: {  	p0 =	seq.s32 s5, $0x0;
	s5 =	sld [smem:$0x3FAE]  }
0x2b: {  	s6 =	sld [smem:$0x3FAF]  }
0x2c: {  	s7 =	sld [smem:$0x3FB0]  }
0x2d: {  	s3 =	simm.s32 $0x108;
	s8 =	sld [smem:$0x3FB1]  }
0x2e: {  	s3 =	simm.s32 @!p0 $0x1082;
	s9 =	sld [smem:$0x3FB2]  }
0x2f: {  	lr =	sadd.s32 s0, s3;
	s0 =	sld [smem:$0x3FA9]  }
0x30: {  	s3 =	sld [smem:$0x3FAC]  }
0x31: {  	[smem:$0x3FB5] =	sst s10  }
0x32: {  	s10 =	sld [smem:$0x3FB3];
	_ =	sdelay $0x3  }
0x33: {  	p0 =	seq.s32 s10, $0x1;
	s10 =	sld [smem:$0x3FB5];
	_ =	sdelay $0x3  }
0x34: {  	[smem:$0x3FB5] =	sst s10  }
0x35: {  	s10 =	sld [smem:$0x3FB4];
	_ =	sdelay $0x3  }
0x36: {  	p1 =	seq.s32 s10, $0x1;
	s10 =	sld [smem:$0x3FB5];
	_ =	sdelay $0x3  }
0x37: {  	[smem:$0x3FB5] =	sst s10  }
0x38: {  	s10 =	sld [smem:$0x3FB6]  }
0x39: {  	_ = 	snop;
	(pc) =	sbr.ind lr, $3  }
0x3a: {  	_ = 	snop  }
0x3b: {  	_ = 	snop  }
0x3c: {  	p2 =	seq.s32 s10, $0x1;
	s10 =	sld [smem:$0x3FB5]  }
0x3d: {  	_ =	shalt  }
0x3e: {  	_ =	shalt  }
0x3f: {  	_ =	shalt  }
0x40: {  	_ =	shalt  }
0x41: {  	_ =	shalt  }
0x42: {  	_ =	shalt  }
0x43: {  	_ =	shalt  }
0x44: {  	_ =	shalt  }
0x45: {  	_ =	shalt  }
0x46: {  	_ =	shalt  }
0x47: {  	_ =	shalt  }
0x48: {  	_ =	shalt  }
0x49: {  	_ =	shalt  }
0x4a: {  	_ =	shalt  }
0x4b: {  	_ =	shalt  }
0x4c: {  	_ =	shalt  }
0x4d: {  	_ =	shalt  }
0x4e: {  	_ =	shalt  }
0x4f: {  	_ =	shalt  }
0x50: {  	_ =	shalt  }
0x51: {  	_ =	shalt  }
0x52: {  	_ =	shalt  }
0x53: {  	_ =	shalt  }
0x54: {  	_ =	shalt  }
0x55: {  	_ =	shalt  }
0x56: {  	_ =	shalt  }
0x57: {  	_ =	shalt  }
0x58: {  	_ =	shalt  }
0x59: {  	_ =	shalt  }
0x5a: {  	_ =	shalt  }
0x5b: {  	_ =	shalt  }
0x5c: {  	_ =	shalt  }
0x5d: {  	_ =	shalt  }
0x5e: {  	_ =	shalt  }
0x5f: {  	_ =	shalt  }
0x60: {  	_ =	shalt  }
0x61: {  	_ =	shalt  }
0x62: {  	_ =	shalt  }
0x63: {  	_ =	shalt  }
0x64: {  	_ =	shalt  }
0x65: {  	_ =	shalt  }
0x66: {  	_ =	shalt  }
0x67: {  	_ =	shalt  }
0x68: {  	_ =	shalt  }
0x69: {  	_ =	shalt  }
0x6a: {  	_ =	shalt  }
0x6b: {  	_ =	shalt  }
0x6c: {  	_ =	shalt  }
0x6d: {  	_ =	shalt  }
0x6e: {  	_ =	shalt  }
0x6f: {  	_ =	shalt  }
0x70: {  	_ =	shalt  }
0x71: {  	_ =	shalt  }
0x72: {  	_ =	shalt  }
0x73: {  	_ =	shalt  }
0x74: {  	_ =	shalt  }
0x75: {  	_ =	shalt  }
0x76: {  	_ =	shalt  }
0x77: {  	_ =	shalt  }
0x78: {  	_ =	shalt  }
0x79: {  	_ =	shalt  }
0x7a: {  	_ =	shalt  }
0x7b: {  	_ =	shalt  }
0x7c: {  	_ =	shalt  }
0x7d: {  	_ =	shalt  }
0x7e: {  	_ =	shalt  }
0x7f: {  	_ =	shalt  }
0x80: {  	_ =	shalt  }
0x81: {  	_ =	shalt  }
0x82: {  	_ =	shalt  }
0x83: {  	_ =	shalt  }
0x84: {  	_ =	shalt  }
0x85: {  	_ =	shalt  }
0x86: {  	_ =	shalt  }
0x87: {  	_ =	shalt  }
.Lfunc_end0:
.L_simem_size_0:
called_computation_lowered:
.L_overlay_start_0:
0x88: {  	s2 =	sld [smem:$0x3FD9]  }
0x89: {  	s3 =	sld [smem:$0x3FFE];
	_ =	sdelay $0x1  }
0x8a: {  	s1 =	srdreg.scid  }
0x8b: {  	s0 =	sand.u32 $0x1, s1  }
0x8c: {  	s17 =	sshll.u32 s0, $0xA;
	s2 =	sadd.s32 s3, s2  }
0x8d: {  	s2 =	sadd.s32 s2, s17  }
0x8e: {  	[smem:$0x3FC1] =	sst s2  }
0x8f: {  	_ = 	snop  }
0x90: {  	s2 =	sld [smem:$0x3FD0];
	(tm) =	ssettm $0x1  }
0x91: {  	s18 =	sld [smem:$0x3FFB];
	_ =	sdelay $0x3  }
0x92: {  	_ =	strace s18  }
0x93: {  	s3 =	sld [smem:$0x3FFC];
	_ =	sdelay $0x3  }
0x94: {  	_ =	strace s3  }
0x95: {  	s3 =	sld [smem:$0x3FFD];
	_ =	sdelay $0x3  }
0x96: {  	_ =	strace s3  }
0x97: {  	_ =	strace $0x8FFFFFFF  }
0x98: {  	s19 =	sld [smem:$0x3FDB];
	_ =	sdelay $0x1  }
0x99: {  	s4 =	simm.s32 $_scs_section_size  }
0x9a: {  	s5 =	simm.s32 $_size__tile_overlayer_lowered;
	s6 =	simm.s32 $_tile_overlayer_lowered  }
0x9b: {  	s22 =	simm.s32 $0x1BFF;
	s21 =	sshll.u32 s6, $0x1;
	s3 =	sadd.s32 s4, s19  }
0x9c: {  	s7 =	simm.s32 $0x0;
	s20 =	sshll.u32 s5, $0x1;
	s5 =	sadd.s32 s21, s3  }
0x9d: {  	[timem:s7], [sflag:s22] =	dma.local [hbm:s5], s20  }
0x9e: {  	_ =	swait.ge [sflag:s22], s20  }
0x9f: {  	s4 =	ssub.s32 $0x0, s20;
	[sflag:s22] =	ssyncset.done $0x0  }
0xa0: {  	[sflag:s22] =	ssyncadd.s32 s4;
	_ =	sdelay $0x1  }
0xa1: {  	s23 =	simm.s32 $0x1B8B  }
0xa2: {  	_ =	swait.ge [sflag:s23], $0x1  }
0xa3: {  	[sflag:s23] =	ssyncset.done $0x0  }
0xa4: {  	s25 =	simm.s32 $0x1B8E;
	s24 =	sld [smem:$0x3FFE];
	[sflag:s23] =	ssyncadd.s32 $0xFFFFFFFF  }
0xa5: {  	s26 =	simm.s32 $execute0_lowered;
	[smem:$0x3FD2] =	sst s25  }
0xa6: {  	s5 =	sshll.u32 s26, $0x1;
	_ =	strace $0x80000046;
	[dreg:$0x1] =	wrdreg $0xFFFFFFFF  }
0xa7: {  	s28 =	simm.s32 $_size_execute0_lowered;
	s3 =	sadd.s32 s3, s5;
	[dreg:$0x0] =	wrdreg $0x0  }
0xa8: {  	s5 =	sshll.u32 s28, $0x1;
	[dreg:$0x2] =	wrdreg s3  }
0xa9: {  	[dreg:$0x3] =	wrdreg s5  }
0xaa: {  	[dreg:$0x4] =	wrdreg $0xC0  }
0xab: {  	_ =	task [dreg:s7], $0x5FFFF  }
0xac: {  	[dreg:$0x1] =	wrdreg $0xFFFFFFFF  }
0xad: {  	[dreg:$0x0] =	wrdreg $0x60  }
0xae: {  	[dreg:$0x2] =	wrdreg s24  }
0xaf: {  	[dreg:$0x3] =	wrdreg s2  }
0xb0: {  	[dreg:$0x4] =	wrdreg $0x9  }
0xb1: {  	_ =	task.clear_ibuf [dreg:s7], $0x5FFFF;
	_ =	strace $0x90000046  }
0xb2: {  	s29 =	simm.s32 $0x9;
	_ =	strace $0x80000048  }
0xb3: {  	_ =	swait.ge [sflag:s29], $0x1  }
0xb4: {  	[sflag:s29] =	ssyncadd.s32 $0xFFFFFFFF  }
0xb5: {  	_ =	strace $0x90000048  }
0xb6: {  	_ =	sfence  }
0xb7: {  	s30 =	sld [smem:$0x0];
	_ =	sdelay $0x2  }
0xb8: {  	s31 =	sshll.u32 s1, $0xD;
	s1 =	sshrl.u32 s1, $0x2  }
0xb9: {  	s3 =	sand.u32 $0x4000, s31;
	s1 =	sadd.s32 s1, s30  }
0xba: {  	s0 =	sor.u32 s3, s0;
	s1 =	sshll.u32 s1, $0x11  }
0xbb: {  	s0 =	sor.u32 s1, s0  }
0xbc: {  	s0 =	sadd.s32 $0x8F2B, s0  }
0xbd: {  	[sflag:s0] =	ssyncadd.remote.s32 $0x1  }
0xbe: {  	_ =	sfence.sel $0xFFFF  }
0xbf: {  	[dreg:$0x0] =	wrdreg $0xFFFFFFFF;
	(pc) =	sbr.abs _section_cstart, $3  }
0xc0: {  	[dreg:$0x1] =	wrdreg $0xFFFFFFFF  }
0xc1: {  	_ =	task.clear_ibuf [dreg:s7], $0x2FFFF;
	_ =	strace $0x9FFFFFFF  }
0xc2: {  	(tm) =	ssettm $0x7FFFFFFF  }
0xc3: {  	_ =	shalt  }
tec
execute0_lowered:
.L_overlay_start_1:
0x0: {  	(tag) =	ssettag $0x1  }
0x1: {  	s3 =	srdreg.scid  }
0x2: {  	s4 =	stileid.u32;
	s3 =	sand.u32 $0x1, s3  }
0x3: {  	s0 =	rddreg [dreg:$0x0];
	s4 =	sshll.u32 s4, $0x7;
	s5 =	sshll.u32 s3, $0x6  }
0x4: {  	s1 =	rddreg [dreg:$0x1];
	s2 =	simm.s32 $0x0;
	s4 =	sor.u32 s5, s4  }
0x5: {  	[smem:$0x7FF] =	sst s2;
	s6 =	sadd.s32 s4, s0;
	s22 =	sadd.s32 s1, s4  }
0x6: {  	_ =	strace $0x80000047;
	s25 =	sadd.s32 $0x5D400, s6;
	[dreg:$0x15] =	wrdreg s22  }
0x7: {  	s26 =	sadd.s32 $0xA00, s6;
	[dreg:$0x3] =	wrdreg s25  }
0x8: {  	s28 =	sadd.s32 $0x1200, s6;
	[dreg:$0x4] =	wrdreg s26  }
0x9: {  	s7 =	sadd.s32 $0x1A00, s6;
	[dreg:$0x5] =	wrdreg s28  }
0xa: {  	s8 =	sadd.s32 $0x2200, s6;
	[dreg:$0x6] =	wrdreg s7  }
0xb: {  	s9 =	sadd.s32 $0x2A00, s6;
	[dreg:$0x7] =	wrdreg s8  }
0xc: {  	s10 =	sadd.s32 $0x3200, s6;
	[dreg:$0x8] =	wrdreg s9  }
0xd: {  	s11 =	sadd.s32 $0x3A00, s6;
	[dreg:$0x9] =	wrdreg s10  }
0xe: {  	s12 =	sadd.s32 $0x4200, s6;
	[dreg:$0xa] =	wrdreg s11  }
0xf: {  	s13 =	sadd.s32 $0x4A00, s6;
	[dreg:$0xb] =	wrdreg s12  }
0x10: {  	s23 =	ssub.s32 $0x2, s3;
	s14 =	sadd.s32 $0x5200, s6;
	[dreg:$0xc] =	wrdreg s13  }
0x11: {  	s3 =	sadd.s32 $0xDA00, s0;
	s15 =	sadd.s32 $0x5A00, s6;
	[dreg:$0xd] =	wrdreg s14  }
0x12: {  	s24 =	sshrl.u32 s23, $0x1;
	s16 =	sadd.s32 $0x6200, s6;
	[dreg:$0xe] =	wrdreg s15  }
0x13: {  	s5 =	ssub.s32 s23, s24;
	s17 =	sadd.s32 $0x6A00, s6;
	[dreg:$0xf] =	wrdreg s16  }
0x14: {  	s4 =	simm.s32 $0x3;
	s18 =	sadd.s32 $0x7200, s6;
	[dreg:$0x10] =	wrdreg s17  }
0x15: {  	s19 =	sadd.s32 $0x7A00, s6;
	s20 =	sadd.s32 $0x8200, s6;
	[dreg:$0x11] =	wrdreg s18  }
0x16: {  	s21 =	sadd.s32 $0x8A00, s6;
	s23 =	sadd.s32 $0x9200, s6;
	[dreg:$0x12] =	wrdreg s19  }
0x17: {  	s24 =	sadd.s32 $0x9A00, s6;
	s29 =	sadd.s32 $0xBA00, s6;
	[dreg:$0x13] =	wrdreg s20  }
0x18: {  	s30 =	sadd.s32 $0xC200, s6;
	s31 =	sadd.s32 $0xCA00, s6;
	[dreg:$0x14] =	wrdreg s21  }
0x19: {  	s0 =	sadd.s32 $0xD200, s6;
	s1 =	smax.u32 s5, $0x1;
	[dreg:$0x16] =	wrdreg s23  }
0x1a: {  	s5 =	simm.s32 $0x200;
	s22 =	simm.s32 $0x1;
	[dreg:$0x17] =	wrdreg s24  }
0x1b: {  	s25 =	sadd.s32 $0xA200, s6;
	s26 =	sadd.s32 $0xAA00, s6;
	s28 =	sadd.s32 $0xB200, s6  }
0x1c: {  	s6 =	simm.s32 $0x80;
	s7 =	simm.s32 $0x600;
	s8 =	simm.s32 $0x280  }
0x1d: {  	s9 =	simm.s32 $0x680;
	s10 =	simm.s32 $0x300;
	s11 =	simm.s32 $0x700  }
0x1e: {  	s12 =	simm.s32 $0x380;
	s13 =	simm.s32 $0x780;
	s14 =	simm.s32 $0x400  }
0x1f: {  	s15 =	simm.s32 $0x800;
	s16 =	simm.s32 $0x480;
	s17 =	simm.s32 $0x880  }
0x20: {  	s18 =	simm.s32 $0x500;
	s19 =	simm.s32 $0x900;
	[dreg:$0x18] =	wrdreg s25  }
0x21: {  	s20 =	simm.s32 $0x580;
	s21 =	simm.s32 $0x980;
	[dreg:$0x19] =	wrdreg s26  }
0x22: {  	s23 =	simm.s32 $0x2;
	s24 =	simm.s32 $0x0;
	[dreg:$0x1a] =	wrdreg s28  }
.LBB2_1:
0x23: {  	s25 =	rddreg [dreg:$0x3]  }
0x24: {  	[tilespmem:s2], [sflag:$0x3] =	stream.linear.gather [hbm4b:s25+s2], $0x200, $0x38;
	[tilespmem:$0xA00] =	vst v63  }
0x25: {  	_ =	swait.ge [sflag:s4], $0x200  }
0x26: {  	[sflag:s4] =	ssyncset.done $0x0  }
0x27: {  	s26 =	rddreg [dreg:$0x4];
	[sflag:s4] =	ssyncadd.s32 $0xFFFFFE00  }
0x28: {  	[tilespmem:s5], [sflag:$0x3] =	stream.linear.gather [hbm4b:s26+s2], $0x200, $0x38;
	[tilespmem:$0xA00] =	vst v63  }
0x29: {  	_ =	swait.ge [sflag:s4], $0x200  }
0x2a: {  	[sflag:s4] =	ssyncset.done $0x0  }
0x2b: {  	[sflag:s4] =	ssyncadd.s32 $0xFFFFFE00  }
0x2c: {  	[tilespmem:s7], [sflag:$0x1] =	stream.indirect.gather [hbm4b:s3+s6], $0x1, s5, s6, $0xb8;
	[tilespmem:$0xA00] =	vst v63  }
0x2d: {  	_ = 	snop  }
0x2e: {  	[tilespmem:s9], [sflag:$0x1] =	stream.indirect.gather [hbm4b:s3+s6], $0x1, s8, s6, $0xb8;
	[tilespmem:$0xA00] =	vst v63  }
0x2f: {  	_ = 	snop  }
0x30: {  	[tilespmem:s11], [sflag:$0x1] =	stream.indirect.gather [hbm4b:s3+s6], $0x1, s10, s6, $0xb8;
	[tilespmem:$0xA00] =	vst v63  }
0x31: {  	_ = 	snop  }
0x32: {  	[tilespmem:s13], [sflag:$0x1] =	stream.indirect.gather [hbm4b:s3+s6], $0x1, s12, s6, $0xb8;
	[tilespmem:$0xA00] =	vst v63  }
0x33: {  	s28 =	rddreg [dreg:$0x5]  }
0x34: {  	[tilespmem:s14], [sflag:$0x3] =	stream.linear.gather [hbm4b:s28+s2], $0x200, $0x38;
	[tilespmem:$0xA00] =	vst v63  }
0x35: {  	_ =	swait.ge [sflag:s4], $0x200  }
0x36: {  	[sflag:s4] =	ssyncset.done $0x0  }
0x37: {  	s25 =	simm.s32 $0x0;
	s26 =	simm.s32 $0x40;
	[sflag:s4] =	ssyncadd.s32 $0xFFFFFE00  }
.LBB2_2:
0x38: {  	p0 =	sne.s32 s26, $0x7C0;
	v0 =	vld [tilespmem:s25+$0x400];
	_ =	sdelay $0x1  }
.Ltmp0:
0x39: {  	(pc) =	sbr.rel @p0 .LBB2_2-.Ltmp0, $3  }
0x3a: {  	_ =	sdelay $0x1  }
0x3b: {  	v0 =	vadd.s32 $0x18800, v0  }
0x3c: {  	[tilespmem:s25+$0x400] =	vst v0;
	s25 =	sshra.s32 s26, $0x2;
	s26 =	sadd.s32 $0x40, s26  }
0x3d: {  	v0 =	vld [tilespmem:s25+$0x400];
	_ =	sdelay $0x4  }
0x3e: {  	v0 =	vadd.s32 $0x18800, v0  }
0x3f: {  	[tilespmem:s25+$0x400] =	vst v0  }
0x40: {  	[tilespmem:s15], [sflag:$0x2] =	stream.indirect.gather [hbm4b:s3+s6], $0x1, s14, s6, $0xb8;
	[tilespmem:$0xA00] =	vst v63  }
0x41: {  	_ = 	snop  }
0x42: {  	[tilespmem:s17], [sflag:$0x2] =	stream.indirect.gather [hbm4b:s3+s6], $0x1, s16, s6, $0xb8;
	[tilespmem:$0xA00] =	vst v63  }
0x43: {  	_ = 	snop  }
0x44: {  	[tilespmem:s19], [sflag:$0x2] =	stream.indirect.gather [hbm4b:s3+s6], $0x1, s18, s6, $0xb8;
	[tilespmem:$0xA00] =	vst v63  }
0x45: {  	_ = 	snop  }
0x46: {  	[tilespmem:s21], [sflag:$0x2] =	stream.indirect.gather [hbm4b:s3+s6], $0x1, s20, s6, $0xb8;
	[tilespmem:$0xA00] =	vst v63  }
0x47: {  	_ =	swait.ge [sflag:s22], $0x80  }
0x48: {  	[sflag:s22] =	ssyncset.done $0x0  }
0x49: {  	[sflag:s22] =	ssyncadd.s32 $0xFFFFFF80  }
0x4a: {  	_ =	swait.ge [sflag:s22], $0x80  }
0x4b: {  	[sflag:s22] =	ssyncset.done $0x0  }
0x4c: {  	[sflag:s22] =	ssyncadd.s32 $0xFFFFFF80  }
0x4d: {  	_ =	swait.ge [sflag:s22], $0x80  }
0x4e: {  	[sflag:s22] =	ssyncset.done $0x0  }
0x4f: {  	[sflag:s22] =	ssyncadd.s32 $0xFFFFFF80  }
0x50: {  	_ =	swait.ge [sflag:s22], $0x80  }
0x51: {  	[sflag:s22] =	ssyncset.done $0x0  }
0x52: {  	s25 =	simm.s32 $0x0;
	[sflag:s22] =	ssyncadd.s32 $0xFFFFFF80  }
0x53: {  	s26 =	simm.s32 $0x40;
	v0 =	vld [tilespmem:s25+$0x600]  }
.LBB2_4:
0x54: {  	p0 =	sne.s32 s26, $0x7C0;
	v1 =	vld [tilespmem:s25+$0x0];
	_ =	sdelay $0x2  }
.Ltmp1:
0x55: {  	(pc) =	sbr.rel @p0 .LBB2_4-.Ltmp1, $4  }
0x56: {  	_ = 	snop  }
0x57: {  	v1 =	vadd.f32 v0, v1  }
0x58: {  	s28 =	sshra.s32 s26, $0x2  }
0x59: {  	s26 =	sadd.s32 $0x40, s26;
	v0 =	vld [tilespmem:s28+$0x600];
	[tilespmem:s25+$0x0] =	vst v1;
	s25 =	smov.u32 s28  }
0x5a: {  	v1 =	vld [tilespmem:s25+$0x0];
	_ =	sdelay $0x4  }
0x5b: {  	v0 =	vadd.f32 v0, v1;
	_ =	sdelay $0x1  }
0x5c: {  	s28 =	simm.s32 $0x0;
	s26 =	rddreg [dreg:$0x6];
	[tilespmem:s25+$0x0] =	vst v0  }
0x5d: {  	[tilespmem:s5], [sflag:$0x3] =	stream.linear.gather [hbm4b:s26+s28], $0x200, $0x38;
	[tilespmem:$0xA00] =	vst v63  }
0x5e: {  	_ =	swait.ge [sflag:s4], $0x200  }
0x5f: {  	[sflag:s4] =	ssyncset.done $0x0  }
0x60: {  	s25 =	simm.s32 $0x0;
	s26 =	simm.s32 $0x40;
	[sflag:s4] =	ssyncadd.s32 $0xFFFFFE00  }
.LBB2_6:
0x61: {  	p0 =	sne.s32 s26, $0x7C0;
	v0 =	vld [tilespmem:s25+$0x200];
	_ =	sdelay $0x1  }
.Ltmp2:
0x62: {  	(pc) =	sbr.rel @p0 .LBB2_6-.Ltmp2, $3  }
0x63: {  	_ =	sdelay $0x1  }
0x64: {  	v0 =	vadd.s32 $0x31000, v0  }
0x65: {  	[tilespmem:s25+$0x200] =	vst v0;
	s25 =	sshra.s32 s26, $0x2;
	s26 =	sadd.s32 $0x40, s26  }
0x66: {  	v0 =	vld [tilespmem:s25+$0x200];
	_ =	sdelay $0x4  }
0x67: {  	v0 =	vadd.s32 $0x31000, v0  }
0x68: {  	[tilespmem:s25+$0x200] =	vst v0  }
0x69: {  	[tilespmem:s7], [sflag:$0x1] =	stream.indirect.gather [hbm4b:s3+s6], $0x1, s5, s6, $0xb8;
	[tilespmem:$0xA00] =	vst v63  }
0x6a: {  	_ = 	snop  }
0x6b: {  	[tilespmem:s9], [sflag:$0x1] =	stream.indirect.gather [hbm4b:s3+s6], $0x1, s8, s6, $0xb8;
	[tilespmem:$0xA00] =	vst v63  }
0x6c: {  	_ = 	snop  }
0x6d: {  	[tilespmem:s11], [sflag:$0x1] =	stream.indirect.gather [hbm4b:s3+s6], $0x1, s10, s6, $0xb8;
	[tilespmem:$0xA00] =	vst v63  }
0x6e: {  	_ = 	snop  }
0x6f: {  	[tilespmem:s13], [sflag:$0x1] =	stream.indirect.gather [hbm4b:s3+s6], $0x1, s12, s6, $0xb8;
	[tilespmem:$0xA00] =	vst v63  }
0x70: {  	_ =	swait.ge [sflag:s23], $0x80  }
0x71: {  	[sflag:s23] =	ssyncset.done $0x0  }
0x72: {  	[sflag:s23] =	ssyncadd.s32 $0xFFFFFF80  }
0x73: {  	_ =	swait.ge [sflag:s23], $0x80  }
0x74: {  	[sflag:s23] =	ssyncset.done $0x0  }
0x75: {  	[sflag:s23] =	ssyncadd.s32 $0xFFFFFF80  }
0x76: {  	_ =	swait.ge [sflag:s23], $0x80  }
0x77: {  	[sflag:s23] =	ssyncset.done $0x0  }
0x78: {  	[sflag:s23] =	ssyncadd.s32 $0xFFFFFF80  }
0x79: {  	_ =	swait.ge [sflag:s23], $0x80  }
0x7a: {  	[sflag:s23] =	ssyncset.done $0x0  }
0x7b: {  	s25 =	simm.s32 $0x0;
	[sflag:s23] =	ssyncadd.s32 $0xFFFFFF80  }
0x7c: {  	s26 =	simm.s32 $0x40;
	v0 =	vld [tilespmem:s25+$0x800]  }
.LBB2_8:
0x7d: {  	p0 =	sne.s32 s26, $0x7C0;
	v1 =	vld [tilespmem:s25+$0x0];
	_ =	sdelay $0x2  }
.Ltmp3:
0x7e: {  	(pc) =	sbr.rel @p0 .LBB2_8-.Ltmp3, $4  }
0x7f: {  	_ = 	snop  }
0x80: {  	v1 =	vadd.f32 v0, v1  }
0x81: {  	s28 =	sshra.s32 s26, $0x2  }
0x82: {  	s26 =	sadd.s32 $0x40, s26;
	v0 =	vld [tilespmem:s28+$0x800];
	[tilespmem:s25+$0x0] =	vst v1;
	s25 =	smov.u32 s28  }
0x83: {  	v1 =	vld [tilespmem:s25+$0x0];
	_ =	sdelay $0x4  }
0x84: {  	v0 =	vadd.f32 v0, v1;
	_ =	sdelay $0x1  }
0x85: {  	s28 =	simm.s32 $0x0;
	s26 =	rddreg [dreg:$0x7];
	[tilespmem:s25+$0x0] =	vst v0  }
0x86: {  	[tilespmem:s14], [sflag:$0x3] =	stream.linear.gather [hbm4b:s26+s28], $0x200, $0x38;
	[tilespmem:$0xA00] =	vst v63  }
0x87: {  	_ =	swait.ge [sflag:s4], $0x200  }
0x88: {  	[sflag:s4] =	ssyncset.done $0x0  }
0x89: {  	s25 =	simm.s32 $0x0;
	s26 =	simm.s32 $0x40;
	[sflag:s4] =	ssyncadd.s32 $0xFFFFFE00  }
.LBB2_10:
0x8a: {  	p0 =	sne.s32 s26, $0x7C0;
	v0 =	vld [tilespmem:s25+$0x400];
	_ =	sdelay $0x1  }
.Ltmp4:
0x8b: {  	(pc) =	sbr.rel @p0 .LBB2_10-.Ltmp4, $3  }
0x8c: {  	_ =	sdelay $0x1  }
0x8d: {  	v0 =	vadd.s32 $0x49800, v0  }
0x8e: {  	[tilespmem:s25+$0x400] =	vst v0;
	s25 =	sshra.s32 s26, $0x2;
	s26 =	sadd.s32 $0x40, s26  }
0x8f: {  	v0 =	vld [tilespmem:s25+$0x400];
	_ =	sdelay $0x4  }
0x90: {  	v0 =	vadd.s32 $0x49800, v0  }
0x91: {  	[tilespmem:s25+$0x400] =	vst v0  }
0x92: {  	[tilespmem:s15], [sflag:$0x2] =	stream.indirect.gather [hbm4b:s3+s6], $0x1, s14, s6, $0xb8;
	[tilespmem:$0xA00] =	vst v63  }
0x93: {  	_ = 	snop  }
0x94: {  	[tilespmem:s17], [sflag:$0x2] =	stream.indirect.gather [hbm4b:s3+s6], $0x1, s16, s6, $0xb8;
	[tilespmem:$0xA00] =	vst v63  }
0x95: {  	_ = 	snop  }
0x96: {  	[tilespmem:s19], [sflag:$0x2] =	stream.indirect.gather [hbm4b:s3+s6], $0x1, s18, s6, $0xb8;
	[tilespmem:$0xA00] =	vst v63  }
0x97: {  	_ = 	snop  }
0x98: {  	[tilespmem:s21], [sflag:$0x2] =	stream.indirect.gather [hbm4b:s3+s6], $0x1, s20, s6, $0xb8;
	[tilespmem:$0xA00] =	vst v63  }
0x99: {  	_ =	swait.ge [sflag:s22], $0x80  }
0x9a: {  	[sflag:s22] =	ssyncset.done $0x0  }
0x9b: {  	[sflag:s22] =	ssyncadd.s32 $0xFFFFFF80  }
0x9c: {  	_ =	swait.ge [sflag:s22], $0x80  }
0x9d: {  	[sflag:s22] =	ssyncset.done $0x0  }
0x9e: {  	[sflag:s22] =	ssyncadd.s32 $0xFFFFFF80  }
0x9f: {  	_ =	swait.ge [sflag:s22], $0x80  }
0xa0: {  	[sflag:s22] =	ssyncset.done $0x0  }
0xa1: {  	[sflag:s22] =	ssyncadd.s32 $0xFFFFFF80  }
0xa2: {  	_ =	swait.ge [sflag:s22], $0x80  }
0xa3: {  	[sflag:s22] =	ssyncset.done $0x0  }
0xa4: {  	s25 =	simm.s32 $0x0;
	[sflag:s22] =	ssyncadd.s32 $0xFFFFFF80  }
0xa5: {  	s26 =	simm.s32 $0x40;
	v0 =	vld [tilespmem:s25+$0x600]  }
.LBB2_12:
0xa6: {  	p0 =	sne.s32 s26, $0x7C0;
	v1 =	vld [tilespmem:s25+$0x0];
	_ =	sdelay $0x2  }
.Ltmp5:
0xa7: {  	(pc) =	sbr.rel @p0 .LBB2_12-.Ltmp5, $4  }
0xa8: {  	_ = 	snop  }
0xa9: {  	v1 =	vadd.f32 v0, v1  }
0xaa: {  	s28 =	sshra.s32 s26, $0x2  }
0xab: {  	s26 =	sadd.s32 $0x40, s26;
	v0 =	vld [tilespmem:s28+$0x600];
	[tilespmem:s25+$0x0] =	vst v1;
	s25 =	smov.u32 s28  }
0xac: {  	v1 =	vld [tilespmem:s25+$0x0];
	_ =	sdelay $0x4  }
0xad: {  	v0 =	vadd.f32 v0, v1;
	_ =	sdelay $0x1  }
0xae: {  	s28 =	simm.s32 $0x0;
	s26 =	rddreg [dreg:$0x8];
	[tilespmem:s25+$0x0] =	vst v0  }
0xaf: {  	[tilespmem:s5], [sflag:$0x3] =	stream.linear.gather [hbm4b:s26+s28], $0x200, $0x38;
	[tilespmem:$0xA00] =	vst v63  }
0xb0: {  	_ =	swait.ge [sflag:s4], $0x200  }
0xb1: {  	[sflag:s4] =	ssyncset.done $0x0  }
0xb2: {  	s25 =	simm.s32 $0x0;
	s26 =	simm.s32 $0x40;
	[sflag:s4] =	ssyncadd.s32 $0xFFFFFE00  }
.LBB2_14:
0xb3: {  	p0 =	sne.s32 s26, $0x7C0;
	v0 =	vld [tilespmem:s25+$0x200];
	_ =	sdelay $0x1  }
.Ltmp6:
0xb4: {  	(pc) =	sbr.rel @p0 .LBB2_14-.Ltmp6, $3  }
0xb5: {  	_ =	sdelay $0x1  }
0xb6: {  	v0 =	vadd.s32 $0x62000, v0  }
0xb7: {  	[tilespmem:s25+$0x200] =	vst v0;
	s25 =	sshra.s32 s26, $0x2;
	s26 =	sadd.s32 $0x40, s26  }
0xb8: {  	v0 =	vld [tilespmem:s25+$0x200];
	_ =	sdelay $0x4  }
0xb9: {  	v0 =	vadd.s32 $0x62000, v0  }
0xba: {  	[tilespmem:s25+$0x200] =	vst v0  }
0xbb: {  	[tilespmem:s7], [sflag:$0x1] =	stream.indirect.gather [hbm4b:s3+s6], $0x1, s5, s6, $0xb8;
	[tilespmem:$0xA00] =	vst v63  }
0xbc: {  	_ = 	snop  }
0xbd: {  	[tilespmem:s9], [sflag:$0x1] =	stream.indirect.gather [hbm4b:s3+s6], $0x1, s8, s6, $0xb8;
	[tilespmem:$0xA00] =	vst v63  }
0xbe: {  	_ = 	snop  }
0xbf: {  	[tilespmem:s11], [sflag:$0x1] =	stream.indirect.gather [hbm4b:s3+s6], $0x1, s10, s6, $0xb8;
	[tilespmem:$0xA00] =	vst v63  }
0xc0: {  	_ = 	snop  }
0xc1: {  	[tilespmem:s13], [sflag:$0x1] =	stream.indirect.gather [hbm4b:s3+s6], $0x1, s12, s6, $0xb8;
	[tilespmem:$0xA00] =	vst v63  }
0xc2: {  	_ =	swait.ge [sflag:s23], $0x80  }
0xc3: {  	[sflag:s23] =	ssyncset.done $0x0  }
0xc4: {  	[sflag:s23] =	ssyncadd.s32 $0xFFFFFF80  }
0xc5: {  	_ =	swait.ge [sflag:s23], $0x80  }
0xc6: {  	[sflag:s23] =	ssyncset.done $0x0  }
0xc7: {  	[sflag:s23] =	ssyncadd.s32 $0xFFFFFF80  }
0xc8: {  	_ =	swait.ge [sflag:s23], $0x80  }
0xc9: {  	[sflag:s23] =	ssyncset.done $0x0  }
0xca: {  	[sflag:s23] =	ssyncadd.s32 $0xFFFFFF80  }
0xcb: {  	_ =	swait.ge [sflag:s23], $0x80  }
0xcc: {  	[sflag:s23] =	ssyncset.done $0x0  }
0xcd: {  	s25 =	simm.s32 $0x0;
	[sflag:s23] =	ssyncadd.s32 $0xFFFFFF80  }
0xce: {  	s26 =	simm.s32 $0x40;
	v0 =	vld [tilespmem:s25+$0x800]  }
.LBB2_16:
0xcf: {  	p0 =	sne.s32 s26, $0x7C0;
	v1 =	vld [tilespmem:s25+$0x0];
	_ =	sdelay $0x2  }
.Ltmp7:
0xd0: {  	(pc) =	sbr.rel @p0 .LBB2_16-.Ltmp7, $4  }
0xd1: {  	_ = 	snop  }
0xd2: {  	v1 =	vadd.f32 v0, v1  }
0xd3: {  	s28 =	sshra.s32 s26, $0x2  }
0xd4: {  	s26 =	sadd.s32 $0x40, s26;
	v0 =	vld [tilespmem:s28+$0x800];
	[tilespmem:s25+$0x0] =	vst v1;
	s25 =	smov.u32 s28  }
0xd5: {  	v1 =	vld [tilespmem:s25+$0x0];
	_ =	sdelay $0x4  }
0xd6: {  	v0 =	vadd.f32 v0, v1;
	_ =	sdelay $0x1  }
0xd7: {  	s28 =	simm.s32 $0x0;
	s26 =	rddreg [dreg:$0x9];
	[tilespmem:s25+$0x0] =	vst v0  }
0xd8: {  	[tilespmem:s14], [sflag:$0x3] =	stream.linear.gather [hbm4b:s26+s28], $0x200, $0x38;
	[tilespmem:$0xA00] =	vst v63  }
0xd9: {  	_ =	swait.ge [sflag:s4], $0x200  }
0xda: {  	[sflag:s4] =	ssyncset.done $0x0  }
0xdb: {  	s25 =	simm.s32 $0x0;
	s26 =	simm.s32 $0x40;
	[sflag:s4] =	ssyncadd.s32 $0xFFFFFE00  }
.LBB2_18:
0xdc: {  	p0 =	sne.s32 s26, $0x7C0;
	v0 =	vld [tilespmem:s25+$0x400];
	_ =	sdelay $0x1  }
.Ltmp8:
0xdd: {  	(pc) =	sbr.rel @p0 .LBB2_18-.Ltmp8, $3  }
0xde: {  	_ =	sdelay $0x1  }
0xdf: {  	v0 =	vadd.s32 $0x7A800, v0  }
0xe0: {  	[tilespmem:s25+$0x400] =	vst v0;
	s25 =	sshra.s32 s26, $0x2;
	s26 =	sadd.s32 $0x40, s26  }
0xe1: {  	v0 =	vld [tilespmem:s25+$0x400];
	_ =	sdelay $0x4  }
0xe2: {  	v0 =	vadd.s32 $0x7A800, v0  }
0xe3: {  	[tilespmem:s25+$0x400] =	vst v0  }
0xe4: {  	[tilespmem:s15], [sflag:$0x2] =	stream.indirect.gather [hbm4b:s3+s6], $0x1, s14, s6, $0xb8;
	[tilespmem:$0xA00] =	vst v63  }
0xe5: {  	_ = 	snop  }
0xe6: {  	[tilespmem:s17], [sflag:$0x2] =	stream.indirect.gather [hbm4b:s3+s6], $0x1, s16, s6, $0xb8;
	[tilespmem:$0xA00] =	vst v63  }
0xe7: {  	_ = 	snop  }
0xe8: {  	[tilespmem:s19], [sflag:$0x2] =	stream.indirect.gather [hbm4b:s3+s6], $0x1, s18, s6, $0xb8;
	[tilespmem:$0xA00] =	vst v63  }
0xe9: {  	_ = 	snop  }
0xea: {  	[tilespmem:s21], [sflag:$0x2] =	stream.indirect.gather [hbm4b:s3+s6], $0x1, s20, s6, $0xb8;
	[tilespmem:$0xA00] =	vst v63  }
0xeb: {  	_ =	swait.ge [sflag:s22], $0x80  }
0xec: {  	[sflag:s22] =	ssyncset.done $0x0  }
0xed: {  	[sflag:s22] =	ssyncadd.s32 $0xFFFFFF80  }
0xee: {  	_ =	swait.ge [sflag:s22], $0x80  }
0xef: {  	[sflag:s22] =	ssyncset.done $0x0  }
0xf0: {  	[sflag:s22] =	ssyncadd.s32 $0xFFFFFF80  }
0xf1: {  	_ =	swait.ge [sflag:s22], $0x80  }
0xf2: {  	[sflag:s22] =	ssyncset.done $0x0  }
0xf3: {  	[sflag:s22] =	ssyncadd.s32 $0xFFFFFF80  }
0xf4: {  	_ =	swait.ge [sflag:s22], $0x80  }
0xf5: {  	[sflag:s22] =	ssyncset.done $0x0  }
0xf6: {  	s25 =	simm.s32 $0x0;
	[sflag:s22] =	ssyncadd.s32 $0xFFFFFF80  }
0xf7: {  	s26 =	simm.s32 $0x40;
	v0 =	vld [tilespmem:s25+$0x600]  }
.LBB2_20:
0xf8: {  	p0 =	sne.s32 s26, $0x7C0;
	v1 =	vld [tilespmem:s25+$0x0];
	_ =	sdelay $0x2  }
.Ltmp9:
0xf9: {  	(pc) =	sbr.rel @p0 .LBB2_20-.Ltmp9, $4  }
0xfa: {  	_ = 	snop  }
0xfb: {  	v1 =	vadd.f32 v0, v1  }
0xfc: {  	s28 =	sshra.s32 s26, $0x2  }
0xfd: {  	s26 =	sadd.s32 $0x40, s26;
	v0 =	vld [tilespmem:s28+$0x600];
	[tilespmem:s25+$0x0] =	vst v1;
	s25 =	smov.u32 s28  }
0xfe: {  	v1 =	vld [tilespmem:s25+$0x0];
	_ =	sdelay $0x4  }
0xff: {  	v0 =	vadd.f32 v0, v1;
	_ =	sdelay $0x1  }
0x100: {  	s28 =	simm.s32 $0x0;
	s26 =	rddreg [dreg:$0xa];
	[tilespmem:s25+$0x0] =	vst v0  }
0x101: {  	[tilespmem:s5], [sflag:$0x3] =	stream.linear.gather [hbm4b:s26+s28], $0x200, $0x38;
	[tilespmem:$0xA00] =	vst v63  }
0x102: {  	_ =	swait.ge [sflag:s4], $0x200  }
0x103: {  	[sflag:s4] =	ssyncset.done $0x0  }
0x104: {  	s25 =	simm.s32 $0x0;
	s26 =	simm.s32 $0x40;
	[sflag:s4] =	ssyncadd.s32 $0xFFFFFE00  }
.LBB2_22:
0x105: {  	p0 =	sne.s32 s26, $0x7C0;
	v0 =	vld [tilespmem:s25+$0x200];
	_ =	sdelay $0x1  }
.Ltmp10:
0x106: {  	(pc) =	sbr.rel @p0 .LBB2_22-.Ltmp10, $3  }
0x107: {  	_ =	sdelay $0x1  }
0x108: {  	v0 =	vadd.s32 $0x93000, v0  }
0x109: {  	[tilespmem:s25+$0x200] =	vst v0;
	s25 =	sshra.s32 s26, $0x2;
	s26 =	sadd.s32 $0x40, s26  }
0x10a: {  	v0 =	vld [tilespmem:s25+$0x200];
	_ =	sdelay $0x4  }
0x10b: {  	v0 =	vadd.s32 $0x93000, v0  }
0x10c: {  	[tilespmem:s25+$0x200] =	vst v0  }
0x10d: {  	[tilespmem:s7], [sflag:$0x1] =	stream.indirect.gather [hbm4b:s3+s6], $0x1, s5, s6, $0xb8;
	[tilespmem:$0xA00] =	vst v63  }
0x10e: {  	_ = 	snop  }
0x10f: {  	[tilespmem:s9], [sflag:$0x1] =	stream.indirect.gather [hbm4b:s3+s6], $0x1, s8, s6, $0xb8;
	[tilespmem:$0xA00] =	vst v63  }
0x110: {  	_ = 	snop  }
0x111: {  	[tilespmem:s11], [sflag:$0x1] =	stream.indirect.gather [hbm4b:s3+s6], $0x1, s10, s6, $0xb8;
	[tilespmem:$0xA00] =	vst v63  }
0x112: {  	_ = 	snop  }
0x113: {  	[tilespmem:s13], [sflag:$0x1] =	stream.indirect.gather [hbm4b:s3+s6], $0x1, s12, s6, $0xb8;
	[tilespmem:$0xA00] =	vst v63  }
0x114: {  	_ =	swait.ge [sflag:s23], $0x80  }
0x115: {  	[sflag:s23] =	ssyncset.done $0x0  }
0x116: {  	[sflag:s23] =	ssyncadd.s32 $0xFFFFFF80  }
0x117: {  	_ =	swait.ge [sflag:s23], $0x80  }
0x118: {  	[sflag:s23] =	ssyncset.done $0x0  }
0x119: {  	[sflag:s23] =	ssyncadd.s32 $0xFFFFFF80  }
0x11a: {  	_ =	swait.ge [sflag:s23], $0x80  }
0x11b: {  	[sflag:s23] =	ssyncset.done $0x0  }
0x11c: {  	[sflag:s23] =	ssyncadd.s32 $0xFFFFFF80  }
0x11d: {  	_ =	swait.ge [sflag:s23], $0x80  }
0x11e: {  	[sflag:s23] =	ssyncset.done $0x0  }
0x11f: {  	s25 =	simm.s32 $0x0;
	[sflag:s23] =	ssyncadd.s32 $0xFFFFFF80  }
0x120: {  	s26 =	simm.s32 $0x40;
	v0 =	vld [tilespmem:s25+$0x800]  }
.LBB2_24:
0x121: {  	p0 =	sne.s32 s26, $0x7C0;
	v1 =	vld [tilespmem:s25+$0x0];
	_ =	sdelay $0x2  }
.Ltmp11:
0x122: {  	(pc) =	sbr.rel @p0 .LBB2_24-.Ltmp11, $4  }
0x123: {  	_ = 	snop  }
0x124: {  	v1 =	vadd.f32 v0, v1  }
0x125: {  	s28 =	sshra.s32 s26, $0x2  }
0x126: {  	s26 =	sadd.s32 $0x40, s26;
	v0 =	vld [tilespmem:s28+$0x800];
	[tilespmem:s25+$0x0] =	vst v1;
	s25 =	smov.u32 s28  }
0x127: {  	v1 =	vld [tilespmem:s25+$0x0];
	_ =	sdelay $0x4  }
0x128: {  	v0 =	vadd.f32 v0, v1;
	_ =	sdelay $0x1  }
0x129: {  	s28 =	simm.s32 $0x0;
	s26 =	rddreg [dreg:$0xb];
	[tilespmem:s25+$0x0] =	vst v0  }
0x12a: {  	[tilespmem:s14], [sflag:$0x3] =	stream.linear.gather [hbm4b:s26+s28], $0x200, $0x38;
	[tilespmem:$0xA00] =	vst v63  }
0x12b: {  	_ =	swait.ge [sflag:s4], $0x200  }
0x12c: {  	[sflag:s4] =	ssyncset.done $0x0  }
0x12d: {  	s25 =	simm.s32 $0x0;
	s26 =	simm.s32 $0x40;
	[sflag:s4] =	ssyncadd.s32 $0xFFFFFE00  }
.LBB2_26:
0x12e: {  	p0 =	sne.s32 s26, $0x7C0;
	v0 =	vld [tilespmem:s25+$0x400];
	_ =	sdelay $0x1  }
.Ltmp12:
0x12f: {  	(pc) =	sbr.rel @p0 .LBB2_26-.Ltmp12, $3  }
0x130: {  	_ =	sdelay $0x1  }
0x131: {  	v0 =	vadd.s32 $0xAB800, v0  }
0x132: {  	[tilespmem:s25+$0x400] =	vst v0;
	s25 =	sshra.s32 s26, $0x2;
	s26 =	sadd.s32 $0x40, s26  }
0x133: {  	v0 =	vld [tilespmem:s25+$0x400];
	_ =	sdelay $0x4  }
0x134: {  	v0 =	vadd.s32 $0xAB800, v0  }
0x135: {  	[tilespmem:s25+$0x400] =	vst v0  }
0x136: {  	[tilespmem:s15], [sflag:$0x2] =	stream.indirect.gather [hbm4b:s3+s6], $0x1, s14, s6, $0xb8;
	[tilespmem:$0xA00] =	vst v63  }
0x137: {  	_ = 	snop  }
0x138: {  	[tilespmem:s17], [sflag:$0x2] =	stream.indirect.gather [hbm4b:s3+s6], $0x1, s16, s6, $0xb8;
	[tilespmem:$0xA00] =	vst v63  }
0x139: {  	_ = 	snop  }
0x13a: {  	[tilespmem:s19], [sflag:$0x2] =	stream.indirect.gather [hbm4b:s3+s6], $0x1, s18, s6, $0xb8;
	[tilespmem:$0xA00] =	vst v63  }
0x13b: {  	_ = 	snop  }
0x13c: {  	[tilespmem:s21], [sflag:$0x2] =	stream.indirect.gather [hbm4b:s3+s6], $0x1, s20, s6, $0xb8;
	[tilespmem:$0xA00] =	vst v63  }
0x13d: {  	_ =	swait.ge [sflag:s22], $0x80  }
0x13e: {  	[sflag:s22] =	ssyncset.done $0x0  }
0x13f: {  	[sflag:s22] =	ssyncadd.s32 $0xFFFFFF80  }
0x140: {  	_ =	swait.ge [sflag:s22], $0x80  }
0x141: {  	[sflag:s22] =	ssyncset.done $0x0  }
0x142: {  	[sflag:s22] =	ssyncadd.s32 $0xFFFFFF80  }
0x143: {  	_ =	swait.ge [sflag:s22], $0x80  }
0x144: {  	[sflag:s22] =	ssyncset.done $0x0  }
0x145: {  	[sflag:s22] =	ssyncadd.s32 $0xFFFFFF80  }
0x146: {  	_ =	swait.ge [sflag:s22], $0x80  }
0x147: {  	[sflag:s22] =	ssyncset.done $0x0  }
0x148: {  	s25 =	simm.s32 $0x0;
	[sflag:s22] =	ssyncadd.s32 $0xFFFFFF80  }
0x149: {  	s26 =	simm.s32 $0x40;
	v0 =	vld [tilespmem:s25+$0x600]  }
.LBB2_28:
0x14a: {  	p0 =	sne.s32 s26, $0x7C0;
	v1 =	vld [tilespmem:s25+$0x0];
	_ =	sdelay $0x2  }
.Ltmp13:
0x14b: {  	(pc) =	sbr.rel @p0 .LBB2_28-.Ltmp13, $4  }
0x14c: {  	_ = 	snop  }
0x14d: {  	v1 =	vadd.f32 v0, v1  }
0x14e: {  	s28 =	sshra.s32 s26, $0x2  }
0x14f: {  	s26 =	sadd.s32 $0x40, s26;
	v0 =	vld [tilespmem:s28+$0x600];
	[tilespmem:s25+$0x0] =	vst v1;
	s25 =	smov.u32 s28  }
0x150: {  	v1 =	vld [tilespmem:s25+$0x0];
	_ =	sdelay $0x4  }
0x151: {  	v0 =	vadd.f32 v0, v1;
	_ =	sdelay $0x1  }
0x152: {  	s28 =	simm.s32 $0x0;
	s26 =	rddreg [dreg:$0xc];
	[tilespmem:s25+$0x0] =	vst v0  }
0x153: {  	[tilespmem:s5], [sflag:$0x3] =	stream.linear.gather [hbm4b:s26+s28], $0x200, $0x38;
	[tilespmem:$0xA00] =	vst v63  }
0x154: {  	_ =	swait.ge [sflag:s4], $0x200  }
0x155: {  	[sflag:s4] =	ssyncset.done $0x0  }
0x156: {  	s25 =	simm.s32 $0x0;
	s26 =	simm.s32 $0x40;
	[sflag:s4] =	ssyncadd.s32 $0xFFFFFE00  }
.LBB2_30:
0x157: {  	p0 =	sne.s32 s26, $0x7C0;
	v0 =	vld [tilespmem:s25+$0x200];
	_ =	sdelay $0x1  }
.Ltmp14:
0x158: {  	(pc) =	sbr.rel @p0 .LBB2_30-.Ltmp14, $3  }
0x159: {  	_ =	sdelay $0x1  }
0x15a: {  	v0 =	vadd.s32 $0xC4000, v0  }
0x15b: {  	[tilespmem:s25+$0x200] =	vst v0;
	s25 =	sshra.s32 s26, $0x2;
	s26 =	sadd.s32 $0x40, s26  }
0x15c: {  	v0 =	vld [tilespmem:s25+$0x200];
	_ =	sdelay $0x4  }
0x15d: {  	v0 =	vadd.s32 $0xC4000, v0  }
0x15e: {  	[tilespmem:s25+$0x200] =	vst v0  }
0x15f: {  	[tilespmem:s7], [sflag:$0x1] =	stream.indirect.gather [hbm4b:s3+s6], $0x1, s5, s6, $0xb8;
	[tilespmem:$0xA00] =	vst v63  }
0x160: {  	_ = 	snop  }
0x161: {  	[tilespmem:s9], [sflag:$0x1] =	stream.indirect.gather [hbm4b:s3+s6], $0x1, s8, s6, $0xb8;
	[tilespmem:$0xA00] =	vst v63  }
0x162: {  	_ = 	snop  }
0x163: {  	[tilespmem:s11], [sflag:$0x1] =	stream.indirect.gather [hbm4b:s3+s6], $0x1, s10, s6, $0xb8;
	[tilespmem:$0xA00] =	vst v63  }
0x164: {  	_ = 	snop  }
0x165: {  	[tilespmem:s13], [sflag:$0x1] =	stream.indirect.gather [hbm4b:s3+s6], $0x1, s12, s6, $0xb8;
	[tilespmem:$0xA00] =	vst v63  }
0x166: {  	_ =	swait.ge [sflag:s23], $0x80  }
0x167: {  	[sflag:s23] =	ssyncset.done $0x0  }
0x168: {  	[sflag:s23] =	ssyncadd.s32 $0xFFFFFF80  }
0x169: {  	_ =	swait.ge [sflag:s23], $0x80  }
0x16a: {  	[sflag:s23] =	ssyncset.done $0x0  }
0x16b: {  	[sflag:s23] =	ssyncadd.s32 $0xFFFFFF80  }
0x16c: {  	_ =	swait.ge [sflag:s23], $0x80  }
0x16d: {  	[sflag:s23] =	ssyncset.done $0x0  }
0x16e: {  	[sflag:s23] =	ssyncadd.s32 $0xFFFFFF80  }
0x16f: {  	_ =	swait.ge [sflag:s23], $0x80  }
0x170: {  	[sflag:s23] =	ssyncset.done $0x0  }
0x171: {  	s25 =	simm.s32 $0x0;
	[sflag:s23] =	ssyncadd.s32 $0xFFFFFF80  }
0x172: {  	s26 =	simm.s32 $0x40;
	v0 =	vld [tilespmem:s25+$0x800]  }
.LBB2_32:
0x173: {  	p0 =	sne.s32 s26, $0x7C0;
	v1 =	vld [tilespmem:s25+$0x0];
	_ =	sdelay $0x2  }
.Ltmp15:
0x174: {  	(pc) =	sbr.rel @p0 .LBB2_32-.Ltmp15, $4  }
0x175: {  	_ = 	snop  }
0x176: {  	v1 =	vadd.f32 v0, v1  }
0x177: {  	s28 =	sshra.s32 s26, $0x2  }
0x178: {  	s26 =	sadd.s32 $0x40, s26;
	v0 =	vld [tilespmem:s28+$0x800];
	[tilespmem:s25+$0x0] =	vst v1;
	s25 =	smov.u32 s28  }
0x179: {  	v1 =	vld [tilespmem:s25+$0x0];
	_ =	sdelay $0x4  }
0x17a: {  	v0 =	vadd.f32 v0, v1;
	_ =	sdelay $0x1  }
0x17b: {  	s28 =	simm.s32 $0x0;
	s26 =	rddreg [dreg:$0xd];
	[tilespmem:s25+$0x0] =	vst v0  }
0x17c: {  	[tilespmem:s14], [sflag:$0x3] =	stream.linear.gather [hbm4b:s26+s28], $0x200, $0x38;
	[tilespmem:$0xA00] =	vst v63  }
0x17d: {  	_ =	swait.ge [sflag:s4], $0x200  }
0x17e: {  	[sflag:s4] =	ssyncset.done $0x0  }
0x17f: {  	s25 =	simm.s32 $0x0;
	s26 =	simm.s32 $0x40;
	[sflag:s4] =	ssyncadd.s32 $0xFFFFFE00  }
.LBB2_34:
0x180: {  	p0 =	sne.s32 s26, $0x7C0;
	v0 =	vld [tilespmem:s25+$0x400];
	_ =	sdelay $0x1  }
.Ltmp16:
0x181: {  	(pc) =	sbr.rel @p0 .LBB2_34-.Ltmp16, $3  }
0x182: {  	_ =	sdelay $0x1  }
0x183: {  	v0 =	vadd.s32 $0xDC800, v0  }
0x184: {  	[tilespmem:s25+$0x400] =	vst v0;
	s25 =	sshra.s32 s26, $0x2;
	s26 =	sadd.s32 $0x40, s26  }
0x185: {  	v0 =	vld [tilespmem:s25+$0x400];
	_ =	sdelay $0x4  }
0x186: {  	v0 =	vadd.s32 $0xDC800, v0  }
0x187: {  	[tilespmem:s25+$0x400] =	vst v0  }
0x188: {  	[tilespmem:s15], [sflag:$0x2] =	stream.indirect.gather [hbm4b:s3+s6], $0x1, s14, s6, $0xb8;
	[tilespmem:$0xA00] =	vst v63  }
0x189: {  	_ = 	snop  }
0x18a: {  	[tilespmem:s17], [sflag:$0x2] =	stream.indirect.gather [hbm4b:s3+s6], $0x1, s16, s6, $0xb8;
	[tilespmem:$0xA00] =	vst v63  }
0x18b: {  	_ = 	snop  }
0x18c: {  	[tilespmem:s19], [sflag:$0x2] =	stream.indirect.gather [hbm4b:s3+s6], $0x1, s18, s6, $0xb8;
	[tilespmem:$0xA00] =	vst v63  }
0x18d: {  	_ = 	snop  }
0x18e: {  	[tilespmem:s21], [sflag:$0x2] =	stream.indirect.gather [hbm4b:s3+s6], $0x1, s20, s6, $0xb8;
	[tilespmem:$0xA00] =	vst v63  }
0x18f: {  	_ =	swait.ge [sflag:s22], $0x80  }
0x190: {  	[sflag:s22] =	ssyncset.done $0x0  }
0x191: {  	[sflag:s22] =	ssyncadd.s32 $0xFFFFFF80  }
0x192: {  	_ =	swait.ge [sflag:s22], $0x80  }
0x193: {  	[sflag:s22] =	ssyncset.done $0x0  }
0x194: {  	[sflag:s22] =	ssyncadd.s32 $0xFFFFFF80  }
0x195: {  	_ =	swait.ge [sflag:s22], $0x80  }
0x196: {  	[sflag:s22] =	ssyncset.done $0x0  }
0x197: {  	[sflag:s22] =	ssyncadd.s32 $0xFFFFFF80  }
0x198: {  	_ =	swait.ge [sflag:s22], $0x80  }
0x199: {  	[sflag:s22] =	ssyncset.done $0x0  }
0x19a: {  	s25 =	simm.s32 $0x0;
	[sflag:s22] =	ssyncadd.s32 $0xFFFFFF80  }
0x19b: {  	s26 =	simm.s32 $0x40;
	v0 =	vld [tilespmem:s25+$0x600]  }
.LBB2_36:
0x19c: {  	p0 =	sne.s32 s26, $0x7C0;
	v1 =	vld [tilespmem:s25+$0x0];
	_ =	sdelay $0x2  }
.Ltmp17:
0x19d: {  	(pc) =	sbr.rel @p0 .LBB2_36-.Ltmp17, $4  }
0x19e: {  	_ = 	snop  }
0x19f: {  	v1 =	vadd.f32 v0, v1  }
0x1a0: {  	s28 =	sshra.s32 s26, $0x2  }
0x1a1: {  	s26 =	sadd.s32 $0x40, s26;
	v0 =	vld [tilespmem:s28+$0x600];
	[tilespmem:s25+$0x0] =	vst v1;
	s25 =	smov.u32 s28  }
0x1a2: {  	v1 =	vld [tilespmem:s25+$0x0];
	_ =	sdelay $0x4  }
0x1a3: {  	v0 =	vadd.f32 v0, v1;
	_ =	sdelay $0x1  }
0x1a4: {  	s28 =	simm.s32 $0x0;
	s26 =	rddreg [dreg:$0xe];
	[tilespmem:s25+$0x0] =	vst v0  }
0x1a5: {  	[tilespmem:s5], [sflag:$0x3] =	stream.linear.gather [hbm4b:s26+s28], $0x200, $0x38;
	[tilespmem:$0xA00] =	vst v63  }
0x1a6: {  	_ =	swait.ge [sflag:s4], $0x200  }
0x1a7: {  	[sflag:s4] =	ssyncset.done $0x0  }
0x1a8: {  	s25 =	simm.s32 $0x0;
	s26 =	simm.s32 $0x40;
	[sflag:s4] =	ssyncadd.s32 $0xFFFFFE00  }
.LBB2_38:
0x1a9: {  	p0 =	sne.s32 s26, $0x7C0;
	v0 =	vld [tilespmem:s25+$0x200];
	_ =	sdelay $0x1  }
.Ltmp18:
0x1aa: {  	(pc) =	sbr.rel @p0 .LBB2_38-.Ltmp18, $3  }
0x1ab: {  	_ =	sdelay $0x1  }
0x1ac: {  	v0 =	vadd.s32 $0xF5000, v0  }
0x1ad: {  	[tilespmem:s25+$0x200] =	vst v0;
	s25 =	sshra.s32 s26, $0x2;
	s26 =	sadd.s32 $0x40, s26  }
0x1ae: {  	v0 =	vld [tilespmem:s25+$0x200];
	_ =	sdelay $0x4  }
0x1af: {  	v0 =	vadd.s32 $0xF5000, v0  }
0x1b0: {  	[tilespmem:s25+$0x200] =	vst v0  }
0x1b1: {  	[tilespmem:s7], [sflag:$0x1] =	stream.indirect.gather [hbm4b:s3+s6], $0x1, s5, s6, $0xb8;
	[tilespmem:$0xA00] =	vst v63  }
0x1b2: {  	_ = 	snop  }
0x1b3: {  	[tilespmem:s9], [sflag:$0x1] =	stream.indirect.gather [hbm4b:s3+s6], $0x1, s8, s6, $0xb8;
	[tilespmem:$0xA00] =	vst v63  }
0x1b4: {  	_ = 	snop  }
0x1b5: {  	[tilespmem:s11], [sflag:$0x1] =	stream.indirect.gather [hbm4b:s3+s6], $0x1, s10, s6, $0xb8;
	[tilespmem:$0xA00] =	vst v63  }
0x1b6: {  	_ = 	snop  }
0x1b7: {  	[tilespmem:s13], [sflag:$0x1] =	stream.indirect.gather [hbm4b:s3+s6], $0x1, s12, s6, $0xb8;
	[tilespmem:$0xA00] =	vst v63  }
0x1b8: {  	_ =	swait.ge [sflag:s23], $0x80  }
0x1b9: {  	[sflag:s23] =	ssyncset.done $0x0  }
0x1ba: {  	[sflag:s23] =	ssyncadd.s32 $0xFFFFFF80  }
0x1bb: {  	_ =	swait.ge [sflag:s23], $0x80  }
0x1bc: {  	[sflag:s23] =	ssyncset.done $0x0  }
0x1bd: {  	[sflag:s23] =	ssyncadd.s32 $0xFFFFFF80  }
0x1be: {  	_ =	swait.ge [sflag:s23], $0x80  }
0x1bf: {  	[sflag:s23] =	ssyncset.done $0x0  }
0x1c0: {  	[sflag:s23] =	ssyncadd.s32 $0xFFFFFF80  }
0x1c1: {  	_ =	swait.ge [sflag:s23], $0x80  }
0x1c2: {  	[sflag:s23] =	ssyncset.done $0x0  }
0x1c3: {  	s25 =	simm.s32 $0x0;
	[sflag:s23] =	ssyncadd.s32 $0xFFFFFF80  }
0x1c4: {  	s26 =	simm.s32 $0x40;
	v0 =	vld [tilespmem:s25+$0x800]  }
.LBB2_40:
0x1c5: {  	p0 =	sne.s32 s26, $0x7C0;
	v1 =	vld [tilespmem:s25+$0x0];
	_ =	sdelay $0x2  }
.Ltmp19:
0x1c6: {  	(pc) =	sbr.rel @p0 .LBB2_40-.Ltmp19, $4  }
0x1c7: {  	_ = 	snop  }
0x1c8: {  	v1 =	vadd.f32 v0, v1  }
0x1c9: {  	s28 =	sshra.s32 s26, $0x2  }
0x1ca: {  	s26 =	sadd.s32 $0x40, s26;
	v0 =	vld [tilespmem:s28+$0x800];
	[tilespmem:s25+$0x0] =	vst v1;
	s25 =	smov.u32 s28  }
0x1cb: {  	v1 =	vld [tilespmem:s25+$0x0];
	_ =	sdelay $0x4  }
0x1cc: {  	v0 =	vadd.f32 v0, v1;
	_ =	sdelay $0x1  }
0x1cd: {  	s28 =	simm.s32 $0x0;
	s26 =	rddreg [dreg:$0xf];
	[tilespmem:s25+$0x0] =	vst v0  }
0x1ce: {  	[tilespmem:s14], [sflag:$0x3] =	stream.linear.gather [hbm4b:s26+s28], $0x200, $0x38;
	[tilespmem:$0xA00] =	vst v63  }
0x1cf: {  	_ =	swait.ge [sflag:s4], $0x200  }
0x1d0: {  	[sflag:s4] =	ssyncset.done $0x0  }
0x1d1: {  	s25 =	simm.s32 $0x0;
	s26 =	simm.s32 $0x40;
	[sflag:s4] =	ssyncadd.s32 $0xFFFFFE00  }
.LBB2_42:
0x1d2: {  	p0 =	sne.s32 s26, $0x7C0;
	v0 =	vld [tilespmem:s25+$0x400];
	_ =	sdelay $0x1  }
.Ltmp20:
0x1d3: {  	(pc) =	sbr.rel @p0 .LBB2_42-.Ltmp20, $3  }
0x1d4: {  	_ =	sdelay $0x1  }
0x1d5: {  	v0 =	vadd.s32 $0x10D800, v0  }
0x1d6: {  	[tilespmem:s25+$0x400] =	vst v0;
	s25 =	sshra.s32 s26, $0x2;
	s26 =	sadd.s32 $0x40, s26  }
0x1d7: {  	v0 =	vld [tilespmem:s25+$0x400];
	_ =	sdelay $0x4  }
0x1d8: {  	v0 =	vadd.s32 $0x10D800, v0  }
0x1d9: {  	[tilespmem:s25+$0x400] =	vst v0  }
0x1da: {  	[tilespmem:s15], [sflag:$0x2] =	stream.indirect.gather [hbm4b:s3+s6], $0x1, s14, s6, $0xb8;
	[tilespmem:$0xA00] =	vst v63  }
0x1db: {  	_ = 	snop  }
0x1dc: {  	[tilespmem:s17], [sflag:$0x2] =	stream.indirect.gather [hbm4b:s3+s6], $0x1, s16, s6, $0xb8;
	[tilespmem:$0xA00] =	vst v63  }
0x1dd: {  	_ = 	snop  }
0x1de: {  	[tilespmem:s19], [sflag:$0x2] =	stream.indirect.gather [hbm4b:s3+s6], $0x1, s18, s6, $0xb8;
	[tilespmem:$0xA00] =	vst v63  }
0x1df: {  	_ = 	snop  }
0x1e0: {  	[tilespmem:s21], [sflag:$0x2] =	stream.indirect.gather [hbm4b:s3+s6], $0x1, s20, s6, $0xb8;
	[tilespmem:$0xA00] =	vst v63  }
0x1e1: {  	_ =	swait.ge [sflag:s22], $0x80  }
0x1e2: {  	[sflag:s22] =	ssyncset.done $0x0  }
0x1e3: {  	[sflag:s22] =	ssyncadd.s32 $0xFFFFFF80  }
0x1e4: {  	_ =	swait.ge [sflag:s22], $0x80  }
0x1e5: {  	[sflag:s22] =	ssyncset.done $0x0  }
0x1e6: {  	[sflag:s22] =	ssyncadd.s32 $0xFFFFFF80  }
0x1e7: {  	_ =	swait.ge [sflag:s22], $0x80  }
0x1e8: {  	[sflag:s22] =	ssyncset.done $0x0  }
0x1e9: {  	[sflag:s22] =	ssyncadd.s32 $0xFFFFFF80  }
0x1ea: {  	_ =	swait.ge [sflag:s22], $0x80  }
0x1eb: {  	[sflag:s22] =	ssyncset.done $0x0  }
0x1ec: {  	s25 =	simm.s32 $0x0;
	[sflag:s22] =	ssyncadd.s32 $0xFFFFFF80  }
0x1ed: {  	s26 =	simm.s32 $0x40;
	v0 =	vld [tilespmem:s25+$0x600]  }
.LBB2_44:
0x1ee: {  	p0 =	sne.s32 s26, $0x7C0;
	v1 =	vld [tilespmem:s25+$0x0];
	_ =	sdelay $0x2  }
.Ltmp21:
0x1ef: {  	(pc) =	sbr.rel @p0 .LBB2_44-.Ltmp21, $4  }
0x1f0: {  	_ = 	snop  }
0x1f1: {  	v1 =	vadd.f32 v0, v1  }
0x1f2: {  	s28 =	sshra.s32 s26, $0x2  }
0x1f3: {  	s26 =	sadd.s32 $0x40, s26;
	v0 =	vld [tilespmem:s28+$0x600];
	[tilespmem:s25+$0x0] =	vst v1;
	s25 =	smov.u32 s28  }
0x1f4: {  	v1 =	vld [tilespmem:s25+$0x0];
	_ =	sdelay $0x4  }
0x1f5: {  	v0 =	vadd.f32 v0, v1;
	_ =	sdelay $0x1  }
0x1f6: {  	s28 =	simm.s32 $0x0;
	s26 =	rddreg [dreg:$0x10];
	[tilespmem:s25+$0x0] =	vst v0  }
0x1f7: {  	[tilespmem:s5], [sflag:$0x3] =	stream.linear.gather [hbm4b:s26+s28], $0x200, $0x38;
	[tilespmem:$0xA00] =	vst v63  }
0x1f8: {  	_ =	swait.ge [sflag:s4], $0x200  }
0x1f9: {  	[sflag:s4] =	ssyncset.done $0x0  }
0x1fa: {  	s25 =	simm.s32 $0x0;
	s26 =	simm.s32 $0x40;
	[sflag:s4] =	ssyncadd.s32 $0xFFFFFE00  }
.LBB2_46:
0x1fb: {  	p0 =	sne.s32 s26, $0x7C0;
	v0 =	vld [tilespmem:s25+$0x200];
	_ =	sdelay $0x1  }
.Ltmp22:
0x1fc: {  	(pc) =	sbr.rel @p0 .LBB2_46-.Ltmp22, $3  }
0x1fd: {  	_ =	sdelay $0x1  }
0x1fe: {  	v0 =	vadd.s32 $0x126000, v0  }
0x1ff: {  	[tilespmem:s25+$0x200] =	vst v0;
	s25 =	sshra.s32 s26, $0x2;
	s26 =	sadd.s32 $0x40, s26  }
0x200: {  	v0 =	vld [tilespmem:s25+$0x200];
	_ =	sdelay $0x4  }
0x201: {  	v0 =	vadd.s32 $0x126000, v0  }
0x202: {  	[tilespmem:s25+$0x200] =	vst v0  }
0x203: {  	[tilespmem:s7], [sflag:$0x1] =	stream.indirect.gather [hbm4b:s3+s6], $0x1, s5, s6, $0xb8;
	[tilespmem:$0xA00] =	vst v63  }
0x204: {  	_ = 	snop  }
0x205: {  	[tilespmem:s9], [sflag:$0x1] =	stream.indirect.gather [hbm4b:s3+s6], $0x1, s8, s6, $0xb8;
	[tilespmem:$0xA00] =	vst v63  }
0x206: {  	_ = 	snop  }
0x207: {  	[tilespmem:s11], [sflag:$0x1] =	stream.indirect.gather [hbm4b:s3+s6], $0x1, s10, s6, $0xb8;
	[tilespmem:$0xA00] =	vst v63  }
0x208: {  	_ = 	snop  }
0x209: {  	[tilespmem:s13], [sflag:$0x1] =	stream.indirect.gather [hbm4b:s3+s6], $0x1, s12, s6, $0xb8;
	[tilespmem:$0xA00] =	vst v63  }
0x20a: {  	_ =	swait.ge [sflag:s23], $0x80  }
0x20b: {  	[sflag:s23] =	ssyncset.done $0x0  }
0x20c: {  	[sflag:s23] =	ssyncadd.s32 $0xFFFFFF80  }
0x20d: {  	_ =	swait.ge [sflag:s23], $0x80  }
0x20e: {  	[sflag:s23] =	ssyncset.done $0x0  }
0x20f: {  	[sflag:s23] =	ssyncadd.s32 $0xFFFFFF80  }
0x210: {  	_ =	swait.ge [sflag:s23], $0x80  }
0x211: {  	[sflag:s23] =	ssyncset.done $0x0  }
0x212: {  	[sflag:s23] =	ssyncadd.s32 $0xFFFFFF80  }
0x213: {  	_ =	swait.ge [sflag:s23], $0x80  }
0x214: {  	[sflag:s23] =	ssyncset.done $0x0  }
0x215: {  	s25 =	simm.s32 $0x0;
	[sflag:s23] =	ssyncadd.s32 $0xFFFFFF80  }
0x216: {  	s26 =	simm.s32 $0x40;
	v0 =	vld [tilespmem:s25+$0x800]  }
.LBB2_48:
0x217: {  	p0 =	sne.s32 s26, $0x7C0;
	v1 =	vld [tilespmem:s25+$0x0];
	_ =	sdelay $0x2  }
.Ltmp23:
0x218: {  	(pc) =	sbr.rel @p0 .LBB2_48-.Ltmp23, $4  }
0x219: {  	_ = 	snop  }
0x21a: {  	v1 =	vadd.f32 v0, v1  }
0x21b: {  	s28 =	sshra.s32 s26, $0x2  }
0x21c: {  	s26 =	sadd.s32 $0x40, s26;
	v0 =	vld [tilespmem:s28+$0x800];
	[tilespmem:s25+$0x0] =	vst v1;
	s25 =	smov.u32 s28  }
0x21d: {  	v1 =	vld [tilespmem:s25+$0x0];
	_ =	sdelay $0x4  }
0x21e: {  	v0 =	vadd.f32 v0, v1;
	_ =	sdelay $0x1  }
0x21f: {  	s28 =	simm.s32 $0x0;
	s26 =	rddreg [dreg:$0x11];
	[tilespmem:s25+$0x0] =	vst v0  }
0x220: {  	[tilespmem:s14], [sflag:$0x3] =	stream.linear.gather [hbm4b:s26+s28], $0x200, $0x38;
	[tilespmem:$0xA00] =	vst v63  }
0x221: {  	_ =	swait.ge [sflag:s4], $0x200  }
0x222: {  	[sflag:s4] =	ssyncset.done $0x0  }
0x223: {  	s25 =	simm.s32 $0x0;
	s26 =	simm.s32 $0x40;
	[sflag:s4] =	ssyncadd.s32 $0xFFFFFE00  }
.LBB2_50:
0x224: {  	p0 =	sne.s32 s26, $0x7C0;
	v0 =	vld [tilespmem:s25+$0x400];
	_ =	sdelay $0x1  }
.Ltmp24:
0x225: {  	(pc) =	sbr.rel @p0 .LBB2_50-.Ltmp24, $3  }
0x226: {  	_ =	sdelay $0x1  }
0x227: {  	v0 =	vadd.s32 $0x13E800, v0  }
0x228: {  	[tilespmem:s25+$0x400] =	vst v0;
	s25 =	sshra.s32 s26, $0x2;
	s26 =	sadd.s32 $0x40, s26  }
0x229: {  	v0 =	vld [tilespmem:s25+$0x400];
	_ =	sdelay $0x4  }
0x22a: {  	v0 =	vadd.s32 $0x13E800, v0  }
0x22b: {  	[tilespmem:s25+$0x400] =	vst v0  }
0x22c: {  	[tilespmem:s15], [sflag:$0x2] =	stream.indirect.gather [hbm4b:s3+s6], $0x1, s14, s6, $0xb8;
	[tilespmem:$0xA00] =	vst v63  }
0x22d: {  	_ = 	snop  }
0x22e: {  	[tilespmem:s17], [sflag:$0x2] =	stream.indirect.gather [hbm4b:s3+s6], $0x1, s16, s6, $0xb8;
	[tilespmem:$0xA00] =	vst v63  }
0x22f: {  	_ = 	snop  }
0x230: {  	[tilespmem:s19], [sflag:$0x2] =	stream.indirect.gather [hbm4b:s3+s6], $0x1, s18, s6, $0xb8;
	[tilespmem:$0xA00] =	vst v63  }
0x231: {  	_ = 	snop  }
0x232: {  	[tilespmem:s21], [sflag:$0x2] =	stream.indirect.gather [hbm4b:s3+s6], $0x1, s20, s6, $0xb8;
	[tilespmem:$0xA00] =	vst v63  }
0x233: {  	_ =	swait.ge [sflag:s22], $0x80  }
0x234: {  	[sflag:s22] =	ssyncset.done $0x0  }
0x235: {  	[sflag:s22] =	ssyncadd.s32 $0xFFFFFF80  }
0x236: {  	_ =	swait.ge [sflag:s22], $0x80  }
0x237: {  	[sflag:s22] =	ssyncset.done $0x0  }
0x238: {  	[sflag:s22] =	ssyncadd.s32 $0xFFFFFF80  }
0x239: {  	_ =	swait.ge [sflag:s22], $0x80  }
0x23a: {  	[sflag:s22] =	ssyncset.done $0x0  }
0x23b: {  	[sflag:s22] =	ssyncadd.s32 $0xFFFFFF80  }
0x23c: {  	_ =	swait.ge [sflag:s22], $0x80  }
0x23d: {  	[sflag:s22] =	ssyncset.done $0x0  }
0x23e: {  	s25 =	simm.s32 $0x0;
	[sflag:s22] =	ssyncadd.s32 $0xFFFFFF80  }
0x23f: {  	s26 =	simm.s32 $0x40;
	v0 =	vld [tilespmem:s25+$0x600]  }
.LBB2_52:
0x240: {  	p0 =	sne.s32 s26, $0x7C0;
	v1 =	vld [tilespmem:s25+$0x0];
	_ =	sdelay $0x2  }
.Ltmp25:
0x241: {  	(pc) =	sbr.rel @p0 .LBB2_52-.Ltmp25, $4  }
0x242: {  	_ = 	snop  }
0x243: {  	v1 =	vadd.f32 v0, v1  }
0x244: {  	s28 =	sshra.s32 s26, $0x2  }
0x245: {  	s26 =	sadd.s32 $0x40, s26;
	v0 =	vld [tilespmem:s28+$0x600];
	[tilespmem:s25+$0x0] =	vst v1;
	s25 =	smov.u32 s28  }
0x246: {  	v1 =	vld [tilespmem:s25+$0x0];
	_ =	sdelay $0x4  }
0x247: {  	v0 =	vadd.f32 v0, v1;
	_ =	sdelay $0x1  }
0x248: {  	s28 =	simm.s32 $0x0;
	s26 =	rddreg [dreg:$0x12];
	[tilespmem:s25+$0x0] =	vst v0  }
0x249: {  	[tilespmem:s5], [sflag:$0x3] =	stream.linear.gather [hbm4b:s26+s28], $0x200, $0x38;
	[tilespmem:$0xA00] =	vst v63  }
0x24a: {  	_ =	swait.ge [sflag:s4], $0x200  }
0x24b: {  	[sflag:s4] =	ssyncset.done $0x0  }
0x24c: {  	s25 =	simm.s32 $0x0;
	s26 =	simm.s32 $0x40;
	[sflag:s4] =	ssyncadd.s32 $0xFFFFFE00  }
.LBB2_54:
0x24d: {  	p0 =	sne.s32 s26, $0x7C0;
	v0 =	vld [tilespmem:s25+$0x200];
	_ =	sdelay $0x1  }
.Ltmp26:
0x24e: {  	(pc) =	sbr.rel @p0 .LBB2_54-.Ltmp26, $3  }
0x24f: {  	_ =	sdelay $0x1  }
0x250: {  	v0 =	vadd.s32 $0x157000, v0  }
0x251: {  	[tilespmem:s25+$0x200] =	vst v0;
	s25 =	sshra.s32 s26, $0x2;
	s26 =	sadd.s32 $0x40, s26  }
0x252: {  	v0 =	vld [tilespmem:s25+$0x200];
	_ =	sdelay $0x4  }
0x253: {  	v0 =	vadd.s32 $0x157000, v0  }
0x254: {  	[tilespmem:s25+$0x200] =	vst v0  }
0x255: {  	[tilespmem:s7], [sflag:$0x1] =	stream.indirect.gather [hbm4b:s3+s6], $0x1, s5, s6, $0xb8;
	[tilespmem:$0xA00] =	vst v63  }
0x256: {  	_ = 	snop  }
0x257: {  	[tilespmem:s9], [sflag:$0x1] =	stream.indirect.gather [hbm4b:s3+s6], $0x1, s8, s6, $0xb8;
	[tilespmem:$0xA00] =	vst v63  }
0x258: {  	_ = 	snop  }
0x259: {  	[tilespmem:s11], [sflag:$0x1] =	stream.indirect.gather [hbm4b:s3+s6], $0x1, s10, s6, $0xb8;
	[tilespmem:$0xA00] =	vst v63  }
0x25a: {  	_ = 	snop  }
0x25b: {  	[tilespmem:s13], [sflag:$0x1] =	stream.indirect.gather [hbm4b:s3+s6], $0x1, s12, s6, $0xb8;
	[tilespmem:$0xA00] =	vst v63  }
0x25c: {  	_ =	swait.ge [sflag:s23], $0x80  }
0x25d: {  	[sflag:s23] =	ssyncset.done $0x0  }
0x25e: {  	[sflag:s23] =	ssyncadd.s32 $0xFFFFFF80  }
0x25f: {  	_ =	swait.ge [sflag:s23], $0x80  }
0x260: {  	[sflag:s23] =	ssyncset.done $0x0  }
0x261: {  	[sflag:s23] =	ssyncadd.s32 $0xFFFFFF80  }
0x262: {  	_ =	swait.ge [sflag:s23], $0x80  }
0x263: {  	[sflag:s23] =	ssyncset.done $0x0  }
0x264: {  	[sflag:s23] =	ssyncadd.s32 $0xFFFFFF80  }
0x265: {  	_ =	swait.ge [sflag:s23], $0x80  }
0x266: {  	[sflag:s23] =	ssyncset.done $0x0  }
0x267: {  	s25 =	simm.s32 $0x0;
	[sflag:s23] =	ssyncadd.s32 $0xFFFFFF80  }
0x268: {  	s26 =	simm.s32 $0x40;
	v0 =	vld [tilespmem:s25+$0x800]  }
.LBB2_56:
0x269: {  	p0 =	sne.s32 s26, $0x7C0;
	v1 =	vld [tilespmem:s25+$0x0];
	_ =	sdelay $0x2  }
.Ltmp27:
0x26a: {  	(pc) =	sbr.rel @p0 .LBB2_56-.Ltmp27, $4  }
0x26b: {  	_ = 	snop  }
0x26c: {  	v1 =	vadd.f32 v0, v1  }
0x26d: {  	s28 =	sshra.s32 s26, $0x2  }
0x26e: {  	s26 =	sadd.s32 $0x40, s26;
	v0 =	vld [tilespmem:s28+$0x800];
	[tilespmem:s25+$0x0] =	vst v1;
	s25 =	smov.u32 s28  }
0x26f: {  	v1 =	vld [tilespmem:s25+$0x0];
	_ =	sdelay $0x4  }
0x270: {  	v0 =	vadd.f32 v0, v1;
	_ =	sdelay $0x1  }
0x271: {  	s28 =	simm.s32 $0x0;
	s26 =	rddreg [dreg:$0x13];
	[tilespmem:s25+$0x0] =	vst v0  }
0x272: {  	[tilespmem:s14], [sflag:$0x3] =	stream.linear.gather [hbm4b:s26+s28], $0x200, $0x38;
	[tilespmem:$0xA00] =	vst v63  }
0x273: {  	_ =	swait.ge [sflag:s4], $0x200  }
0x274: {  	[sflag:s4] =	ssyncset.done $0x0  }
0x275: {  	s25 =	simm.s32 $0x0;
	s26 =	simm.s32 $0x40;
	[sflag:s4] =	ssyncadd.s32 $0xFFFFFE00  }
.LBB2_58:
0x276: {  	p0 =	sne.s32 s26, $0x7C0;
	v0 =	vld [tilespmem:s25+$0x400];
	_ =	sdelay $0x1  }
.Ltmp28:
0x277: {  	(pc) =	sbr.rel @p0 .LBB2_58-.Ltmp28, $3  }
0x278: {  	_ =	sdelay $0x1  }
0x279: {  	v0 =	vadd.s32 $0x16F800, v0  }
0x27a: {  	[tilespmem:s25+$0x400] =	vst v0;
	s25 =	sshra.s32 s26, $0x2;
	s26 =	sadd.s32 $0x40, s26  }
0x27b: {  	v0 =	vld [tilespmem:s25+$0x400];
	_ =	sdelay $0x4  }
0x27c: {  	v0 =	vadd.s32 $0x16F800, v0  }
0x27d: {  	[tilespmem:s25+$0x400] =	vst v0  }
0x27e: {  	[tilespmem:s15], [sflag:$0x2] =	stream.indirect.gather [hbm4b:s3+s6], $0x1, s14, s6, $0xb8;
	[tilespmem:$0xA00] =	vst v63  }
0x27f: {  	_ = 	snop  }
0x280: {  	[tilespmem:s17], [sflag:$0x2] =	stream.indirect.gather [hbm4b:s3+s6], $0x1, s16, s6, $0xb8;
	[tilespmem:$0xA00] =	vst v63  }
0x281: {  	_ = 	snop  }
0x282: {  	[tilespmem:s19], [sflag:$0x2] =	stream.indirect.gather [hbm4b:s3+s6], $0x1, s18, s6, $0xb8;
	[tilespmem:$0xA00] =	vst v63  }
0x283: {  	_ = 	snop  }
0x284: {  	[tilespmem:s21], [sflag:$0x2] =	stream.indirect.gather [hbm4b:s3+s6], $0x1, s20, s6, $0xb8;
	[tilespmem:$0xA00] =	vst v63  }
0x285: {  	_ =	swait.ge [sflag:s22], $0x80  }
0x286: {  	[sflag:s22] =	ssyncset.done $0x0  }
0x287: {  	[sflag:s22] =	ssyncadd.s32 $0xFFFFFF80  }
0x288: {  	_ =	swait.ge [sflag:s22], $0x80  }
0x289: {  	[sflag:s22] =	ssyncset.done $0x0  }
0x28a: {  	[sflag:s22] =	ssyncadd.s32 $0xFFFFFF80  }
0x28b: {  	_ =	swait.ge [sflag:s22], $0x80  }
0x28c: {  	[sflag:s22] =	ssyncset.done $0x0  }
0x28d: {  	[sflag:s22] =	ssyncadd.s32 $0xFFFFFF80  }
0x28e: {  	_ =	swait.ge [sflag:s22], $0x80  }
0x28f: {  	[sflag:s22] =	ssyncset.done $0x0  }
0x290: {  	s25 =	simm.s32 $0x0;
	[sflag:s22] =	ssyncadd.s32 $0xFFFFFF80  }
0x291: {  	s26 =	simm.s32 $0x40;
	v0 =	vld [tilespmem:s25+$0x600]  }
.LBB2_60:
0x292: {  	p0 =	sne.s32 s26, $0x7C0;
	v1 =	vld [tilespmem:s25+$0x0];
	_ =	sdelay $0x2  }
.Ltmp29:
0x293: {  	(pc) =	sbr.rel @p0 .LBB2_60-.Ltmp29, $4  }
0x294: {  	_ = 	snop  }
0x295: {  	v1 =	vadd.f32 v0, v1  }
0x296: {  	s28 =	sshra.s32 s26, $0x2  }
0x297: {  	s26 =	sadd.s32 $0x40, s26;
	v0 =	vld [tilespmem:s28+$0x600];
	[tilespmem:s25+$0x0] =	vst v1;
	s25 =	smov.u32 s28  }
0x298: {  	v1 =	vld [tilespmem:s25+$0x0];
	_ =	sdelay $0x4  }
0x299: {  	v0 =	vadd.f32 v0, v1;
	_ =	sdelay $0x1  }
0x29a: {  	s28 =	simm.s32 $0x0;
	s26 =	rddreg [dreg:$0x14];
	[tilespmem:s25+$0x0] =	vst v0  }
0x29b: {  	[tilespmem:s5], [sflag:$0x3] =	stream.linear.gather [hbm4b:s26+s28], $0x200, $0x38;
	[tilespmem:$0xA00] =	vst v63  }
0x29c: {  	_ =	swait.ge [sflag:s4], $0x200  }
0x29d: {  	[sflag:s4] =	ssyncset.done $0x0  }
0x29e: {  	s25 =	simm.s32 $0x0;
	s26 =	simm.s32 $0x40;
	[sflag:s4] =	ssyncadd.s32 $0xFFFFFE00  }
.LBB2_62:
0x29f: {  	p0 =	sne.s32 s26, $0x7C0;
	v0 =	vld [tilespmem:s25+$0x200];
	_ =	sdelay $0x1  }
.Ltmp30:
0x2a0: {  	(pc) =	sbr.rel @p0 .LBB2_62-.Ltmp30, $3  }
0x2a1: {  	_ =	sdelay $0x1  }
0x2a2: {  	v0 =	vadd.s32 $0x188000, v0  }
0x2a3: {  	[tilespmem:s25+$0x200] =	vst v0;
	s25 =	sshra.s32 s26, $0x2;
	s26 =	sadd.s32 $0x40, s26  }
0x2a4: {  	v0 =	vld [tilespmem:s25+$0x200];
	_ =	sdelay $0x4  }
0x2a5: {  	v0 =	vadd.s32 $0x188000, v0  }
0x2a6: {  	[tilespmem:s25+$0x200] =	vst v0  }
0x2a7: {  	[tilespmem:s7], [sflag:$0x1] =	stream.indirect.gather [hbm4b:s3+s6], $0x1, s5, s6, $0xb8;
	[tilespmem:$0xA00] =	vst v63  }
0x2a8: {  	_ = 	snop  }
0x2a9: {  	[tilespmem:s9], [sflag:$0x1] =	stream.indirect.gather [hbm4b:s3+s6], $0x1, s8, s6, $0xb8;
	[tilespmem:$0xA00] =	vst v63  }
0x2aa: {  	_ = 	snop  }
0x2ab: {  	[tilespmem:s11], [sflag:$0x1] =	stream.indirect.gather [hbm4b:s3+s6], $0x1, s10, s6, $0xb8;
	[tilespmem:$0xA00] =	vst v63  }
0x2ac: {  	_ = 	snop  }
0x2ad: {  	[tilespmem:s13], [sflag:$0x1] =	stream.indirect.gather [hbm4b:s3+s6], $0x1, s12, s6, $0xb8;
	[tilespmem:$0xA00] =	vst v63  }
0x2ae: {  	_ =	swait.ge [sflag:s23], $0x80  }
0x2af: {  	[sflag:s23] =	ssyncset.done $0x0  }
0x2b0: {  	[sflag:s23] =	ssyncadd.s32 $0xFFFFFF80  }
0x2b1: {  	_ =	swait.ge [sflag:s23], $0x80  }
0x2b2: {  	[sflag:s23] =	ssyncset.done $0x0  }
0x2b3: {  	[sflag:s23] =	ssyncadd.s32 $0xFFFFFF80  }
0x2b4: {  	_ =	swait.ge [sflag:s23], $0x80  }
0x2b5: {  	[sflag:s23] =	ssyncset.done $0x0  }
0x2b6: {  	[sflag:s23] =	ssyncadd.s32 $0xFFFFFF80  }
0x2b7: {  	_ =	swait.ge [sflag:s23], $0x80  }
0x2b8: {  	[sflag:s23] =	ssyncset.done $0x0  }
0x2b9: {  	s25 =	simm.s32 $0x0;
	[sflag:s23] =	ssyncadd.s32 $0xFFFFFF80  }
0x2ba: {  	s26 =	simm.s32 $0x40;
	v0 =	vld [tilespmem:s25+$0x800]  }
.LBB2_64:
0x2bb: {  	p0 =	sne.s32 s26, $0x7C0;
	v1 =	vld [tilespmem:s25+$0x0];
	_ =	sdelay $0x2  }
.Ltmp31:
0x2bc: {  	(pc) =	sbr.rel @p0 .LBB2_64-.Ltmp31, $4  }
0x2bd: {  	_ = 	snop  }
0x2be: {  	v1 =	vadd.f32 v0, v1  }
0x2bf: {  	s28 =	sshra.s32 s26, $0x2  }
0x2c0: {  	s26 =	sadd.s32 $0x40, s26;
	v0 =	vld [tilespmem:s28+$0x800];
	[tilespmem:s25+$0x0] =	vst v1;
	s25 =	smov.u32 s28  }
0x2c1: {  	v1 =	vld [tilespmem:s25+$0x0];
	_ =	sdelay $0x4  }
0x2c2: {  	v0 =	vadd.f32 v0, v1;
	_ =	sdelay $0x1  }
0x2c3: {  	s28 =	simm.s32 $0x0;
	s26 =	rddreg [dreg:$0x16];
	[tilespmem:s25+$0x0] =	vst v0  }
0x2c4: {  	[tilespmem:s14], [sflag:$0x3] =	stream.linear.gather [hbm4b:s26+s28], $0x200, $0x38;
	[tilespmem:$0xA00] =	vst v63  }
0x2c5: {  	_ =	swait.ge [sflag:s4], $0x200  }
0x2c6: {  	[sflag:s4] =	ssyncset.done $0x0  }
0x2c7: {  	s25 =	simm.s32 $0x0;
	s26 =	simm.s32 $0x40;
	[sflag:s4] =	ssyncadd.s32 $0xFFFFFE00  }
.LBB2_66:
0x2c8: {  	p0 =	sne.s32 s26, $0x7C0;
	v0 =	vld [tilespmem:s25+$0x400];
	_ =	sdelay $0x1  }
.Ltmp32:
0x2c9: {  	(pc) =	sbr.rel @p0 .LBB2_66-.Ltmp32, $3  }
0x2ca: {  	_ =	sdelay $0x1  }
0x2cb: {  	v0 =	vadd.s32 $0x1A0800, v0  }
0x2cc: {  	[tilespmem:s25+$0x400] =	vst v0;
	s25 =	sshra.s32 s26, $0x2;
	s26 =	sadd.s32 $0x40, s26  }
0x2cd: {  	v0 =	vld [tilespmem:s25+$0x400];
	_ =	sdelay $0x4  }
0x2ce: {  	v0 =	vadd.s32 $0x1A0800, v0  }
0x2cf: {  	[tilespmem:s25+$0x400] =	vst v0  }
0x2d0: {  	[tilespmem:s15], [sflag:$0x2] =	stream.indirect.gather [hbm4b:s3+s6], $0x1, s14, s6, $0xb8;
	[tilespmem:$0xA00] =	vst v63  }
0x2d1: {  	_ = 	snop  }
0x2d2: {  	[tilespmem:s17], [sflag:$0x2] =	stream.indirect.gather [hbm4b:s3+s6], $0x1, s16, s6, $0xb8;
	[tilespmem:$0xA00] =	vst v63  }
0x2d3: {  	_ = 	snop  }
0x2d4: {  	[tilespmem:s19], [sflag:$0x2] =	stream.indirect.gather [hbm4b:s3+s6], $0x1, s18, s6, $0xb8;
	[tilespmem:$0xA00] =	vst v63  }
0x2d5: {  	_ = 	snop  }
0x2d6: {  	[tilespmem:s21], [sflag:$0x2] =	stream.indirect.gather [hbm4b:s3+s6], $0x1, s20, s6, $0xb8;
	[tilespmem:$0xA00] =	vst v63  }
0x2d7: {  	_ =	swait.ge [sflag:s22], $0x80  }
0x2d8: {  	[sflag:s22] =	ssyncset.done $0x0  }
0x2d9: {  	[sflag:s22] =	ssyncadd.s32 $0xFFFFFF80  }
0x2da: {  	_ =	swait.ge [sflag:s22], $0x80  }
0x2db: {  	[sflag:s22] =	ssyncset.done $0x0  }
0x2dc: {  	[sflag:s22] =	ssyncadd.s32 $0xFFFFFF80  }
0x2dd: {  	_ =	swait.ge [sflag:s22], $0x80  }
0x2de: {  	[sflag:s22] =	ssyncset.done $0x0  }
0x2df: {  	[sflag:s22] =	ssyncadd.s32 $0xFFFFFF80  }
0x2e0: {  	_ =	swait.ge [sflag:s22], $0x80  }
0x2e1: {  	[sflag:s22] =	ssyncset.done $0x0  }
0x2e2: {  	s25 =	simm.s32 $0x0;
	[sflag:s22] =	ssyncadd.s32 $0xFFFFFF80  }
0x2e3: {  	s26 =	simm.s32 $0x40;
	v0 =	vld [tilespmem:s25+$0x600]  }
.LBB2_68:
0x2e4: {  	p0 =	sne.s32 s26, $0x7C0;
	v1 =	vld [tilespmem:s25+$0x0];
	_ =	sdelay $0x2  }
.Ltmp33:
0x2e5: {  	(pc) =	sbr.rel @p0 .LBB2_68-.Ltmp33, $4  }
0x2e6: {  	_ = 	snop  }
0x2e7: {  	v1 =	vadd.f32 v0, v1  }
0x2e8: {  	s28 =	sshra.s32 s26, $0x2  }
0x2e9: {  	s26 =	sadd.s32 $0x40, s26;
	v0 =	vld [tilespmem:s28+$0x600];
	[tilespmem:s25+$0x0] =	vst v1;
	s25 =	smov.u32 s28  }
0x2ea: {  	v1 =	vld [tilespmem:s25+$0x0];
	_ =	sdelay $0x4  }
0x2eb: {  	v0 =	vadd.f32 v0, v1;
	_ =	sdelay $0x1  }
0x2ec: {  	s28 =	simm.s32 $0x0;
	s26 =	rddreg [dreg:$0x17];
	[tilespmem:s25+$0x0] =	vst v0  }
0x2ed: {  	[tilespmem:s5], [sflag:$0x3] =	stream.linear.gather [hbm4b:s26+s28], $0x200, $0x38;
	[tilespmem:$0xA00] =	vst v63  }
0x2ee: {  	_ =	swait.ge [sflag:s4], $0x200  }
0x2ef: {  	[sflag:s4] =	ssyncset.done $0x0  }
0x2f0: {  	s25 =	simm.s32 $0x0;
	s26 =	simm.s32 $0x40;
	[sflag:s4] =	ssyncadd.s32 $0xFFFFFE00  }
.LBB2_70:
0x2f1: {  	p0 =	sne.s32 s26, $0x7C0;
	v0 =	vld [tilespmem:s25+$0x200];
	_ =	sdelay $0x1  }
.Ltmp34:
0x2f2: {  	(pc) =	sbr.rel @p0 .LBB2_70-.Ltmp34, $3  }
0x2f3: {  	_ =	sdelay $0x1  }
0x2f4: {  	v0 =	vadd.s32 $0x1B9000, v0  }
0x2f5: {  	[tilespmem:s25+$0x200] =	vst v0;
	s25 =	sshra.s32 s26, $0x2;
	s26 =	sadd.s32 $0x40, s26  }
0x2f6: {  	v0 =	vld [tilespmem:s25+$0x200];
	_ =	sdelay $0x4  }
0x2f7: {  	v0 =	vadd.s32 $0x1B9000, v0  }
0x2f8: {  	[tilespmem:s25+$0x200] =	vst v0  }
0x2f9: {  	[tilespmem:s7], [sflag:$0x1] =	stream.indirect.gather [hbm4b:s3+s6], $0x1, s5, s6, $0xb8;
	[tilespmem:$0xA00] =	vst v63  }
0x2fa: {  	_ = 	snop  }
0x2fb: {  	[tilespmem:s9], [sflag:$0x1] =	stream.indirect.gather [hbm4b:s3+s6], $0x1, s8, s6, $0xb8;
	[tilespmem:$0xA00] =	vst v63  }
0x2fc: {  	_ = 	snop  }
0x2fd: {  	[tilespmem:s11], [sflag:$0x1] =	stream.indirect.gather [hbm4b:s3+s6], $0x1, s10, s6, $0xb8;
	[tilespmem:$0xA00] =	vst v63  }
0x2fe: {  	_ = 	snop  }
0x2ff: {  	[tilespmem:s13], [sflag:$0x1] =	stream.indirect.gather [hbm4b:s3+s6], $0x1, s12, s6, $0xb8;
	[tilespmem:$0xA00] =	vst v63  }
0x300: {  	_ =	swait.ge [sflag:s23], $0x80  }
0x301: {  	[sflag:s23] =	ssyncset.done $0x0  }
0x302: {  	[sflag:s23] =	ssyncadd.s32 $0xFFFFFF80  }
0x303: {  	_ =	swait.ge [sflag:s23], $0x80  }
0x304: {  	[sflag:s23] =	ssyncset.done $0x0  }
0x305: {  	[sflag:s23] =	ssyncadd.s32 $0xFFFFFF80  }
0x306: {  	_ =	swait.ge [sflag:s23], $0x80  }
0x307: {  	[sflag:s23] =	ssyncset.done $0x0  }
0x308: {  	[sflag:s23] =	ssyncadd.s32 $0xFFFFFF80  }
0x309: {  	_ =	swait.ge [sflag:s23], $0x80  }
0x30a: {  	[sflag:s23] =	ssyncset.done $0x0  }
0x30b: {  	s25 =	simm.s32 $0x0;
	[sflag:s23] =	ssyncadd.s32 $0xFFFFFF80  }
0x30c: {  	s26 =	simm.s32 $0x40;
	v0 =	vld [tilespmem:s25+$0x800]  }
.LBB2_72:
0x30d: {  	p0 =	sne.s32 s26, $0x7C0;
	v1 =	vld [tilespmem:s25+$0x0];
	_ =	sdelay $0x2  }
.Ltmp35:
0x30e: {  	(pc) =	sbr.rel @p0 .LBB2_72-.Ltmp35, $4  }
0x30f: {  	_ = 	snop  }
0x310: {  	v1 =	vadd.f32 v0, v1  }
0x311: {  	s28 =	sshra.s32 s26, $0x2  }
0x312: {  	s26 =	sadd.s32 $0x40, s26;
	v0 =	vld [tilespmem:s28+$0x800];
	[tilespmem:s25+$0x0] =	vst v1;
	s25 =	smov.u32 s28  }
0x313: {  	v1 =	vld [tilespmem:s25+$0x0];
	_ =	sdelay $0x4  }
0x314: {  	v0 =	vadd.f32 v0, v1;
	_ =	sdelay $0x1  }
0x315: {  	s28 =	simm.s32 $0x0;
	s26 =	rddreg [dreg:$0x18];
	[tilespmem:s25+$0x0] =	vst v0  }
0x316: {  	[tilespmem:s14], [sflag:$0x3] =	stream.linear.gather [hbm4b:s26+s28], $0x200, $0x38;
	[tilespmem:$0xA00] =	vst v63  }
0x317: {  	_ =	swait.ge [sflag:s4], $0x200  }
0x318: {  	[sflag:s4] =	ssyncset.done $0x0  }
0x319: {  	s25 =	simm.s32 $0x0;
	s26 =	simm.s32 $0x40;
	[sflag:s4] =	ssyncadd.s32 $0xFFFFFE00  }
.LBB2_74:
0x31a: {  	p0 =	sne.s32 s26, $0x7C0;
	v0 =	vld [tilespmem:s25+$0x400];
	_ =	sdelay $0x1  }
.Ltmp36:
0x31b: {  	(pc) =	sbr.rel @p0 .LBB2_74-.Ltmp36, $3  }
0x31c: {  	_ =	sdelay $0x1  }
0x31d: {  	v0 =	vadd.s32 $0x1D1800, v0  }
0x31e: {  	[tilespmem:s25+$0x400] =	vst v0;
	s25 =	sshra.s32 s26, $0x2;
	s26 =	sadd.s32 $0x40, s26  }
0x31f: {  	v0 =	vld [tilespmem:s25+$0x400];
	_ =	sdelay $0x4  }
0x320: {  	v0 =	vadd.s32 $0x1D1800, v0  }
0x321: {  	[tilespmem:s25+$0x400] =	vst v0  }
0x322: {  	[tilespmem:s15], [sflag:$0x2] =	stream.indirect.gather [hbm4b:s3+s6], $0x1, s14, s6, $0xb8;
	[tilespmem:$0xA00] =	vst v63  }
0x323: {  	_ = 	snop  }
0x324: {  	[tilespmem:s17], [sflag:$0x2] =	stream.indirect.gather [hbm4b:s3+s6], $0x1, s16, s6, $0xb8;
	[tilespmem:$0xA00] =	vst v63  }
0x325: {  	_ = 	snop  }
0x326: {  	[tilespmem:s19], [sflag:$0x2] =	stream.indirect.gather [hbm4b:s3+s6], $0x1, s18, s6, $0xb8;
	[tilespmem:$0xA00] =	vst v63  }
0x327: {  	_ = 	snop  }
0x328: {  	[tilespmem:s21], [sflag:$0x2] =	stream.indirect.gather [hbm4b:s3+s6], $0x1, s20, s6, $0xb8;
	[tilespmem:$0xA00] =	vst v63  }
0x329: {  	_ =	swait.ge [sflag:s22], $0x80  }
0x32a: {  	[sflag:s22] =	ssyncset.done $0x0  }
0x32b: {  	[sflag:s22] =	ssyncadd.s32 $0xFFFFFF80  }
0x32c: {  	_ =	swait.ge [sflag:s22], $0x80  }
0x32d: {  	[sflag:s22] =	ssyncset.done $0x0  }
0x32e: {  	[sflag:s22] =	ssyncadd.s32 $0xFFFFFF80  }
0x32f: {  	_ =	swait.ge [sflag:s22], $0x80  }
0x330: {  	[sflag:s22] =	ssyncset.done $0x0  }
0x331: {  	[sflag:s22] =	ssyncadd.s32 $0xFFFFFF80  }
0x332: {  	_ =	swait.ge [sflag:s22], $0x80  }
0x333: {  	[sflag:s22] =	ssyncset.done $0x0  }
0x334: {  	s25 =	simm.s32 $0x0;
	[sflag:s22] =	ssyncadd.s32 $0xFFFFFF80  }
0x335: {  	s26 =	simm.s32 $0x40;
	v0 =	vld [tilespmem:s25+$0x600]  }
.LBB2_76:
0x336: {  	p0 =	sne.s32 s26, $0x7C0;
	v1 =	vld [tilespmem:s25+$0x0];
	_ =	sdelay $0x2  }
.Ltmp37:
0x337: {  	(pc) =	sbr.rel @p0 .LBB2_76-.Ltmp37, $4  }
0x338: {  	_ = 	snop  }
0x339: {  	v1 =	vadd.f32 v0, v1  }
0x33a: {  	s28 =	sshra.s32 s26, $0x2  }
0x33b: {  	s26 =	sadd.s32 $0x40, s26;
	v0 =	vld [tilespmem:s28+$0x600];
	[tilespmem:s25+$0x0] =	vst v1;
	s25 =	smov.u32 s28  }
0x33c: {  	v1 =	vld [tilespmem:s25+$0x0];
	_ =	sdelay $0x4  }
0x33d: {  	v0 =	vadd.f32 v0, v1;
	_ =	sdelay $0x1  }
0x33e: {  	s28 =	simm.s32 $0x0;
	s26 =	rddreg [dreg:$0x19];
	[tilespmem:s25+$0x0] =	vst v0  }
0x33f: {  	[tilespmem:s5], [sflag:$0x3] =	stream.linear.gather [hbm4b:s26+s28], $0x200, $0x38;
	[tilespmem:$0xA00] =	vst v63  }
0x340: {  	_ =	swait.ge [sflag:s4], $0x200  }
0x341: {  	[sflag:s4] =	ssyncset.done $0x0  }
0x342: {  	s25 =	simm.s32 $0x0;
	s26 =	simm.s32 $0x40;
	[sflag:s4] =	ssyncadd.s32 $0xFFFFFE00  }
.LBB2_78:
0x343: {  	p0 =	sne.s32 s26, $0x7C0;
	v0 =	vld [tilespmem:s25+$0x200];
	_ =	sdelay $0x1  }
.Ltmp38:
0x344: {  	(pc) =	sbr.rel @p0 .LBB2_78-.Ltmp38, $3  }
0x345: {  	_ =	sdelay $0x1  }
0x346: {  	v0 =	vadd.s32 $0x1EA000, v0  }
0x347: {  	[tilespmem:s25+$0x200] =	vst v0;
	s25 =	sshra.s32 s26, $0x2;
	s26 =	sadd.s32 $0x40, s26  }
0x348: {  	v0 =	vld [tilespmem:s25+$0x200];
	_ =	sdelay $0x4  }
0x349: {  	v0 =	vadd.s32 $0x1EA000, v0  }
0x34a: {  	[tilespmem:s25+$0x200] =	vst v0  }
0x34b: {  	[tilespmem:s7], [sflag:$0x1] =	stream.indirect.gather [hbm4b:s3+s6], $0x1, s5, s6, $0xb8;
	[tilespmem:$0xA00] =	vst v63  }
0x34c: {  	_ = 	snop  }
0x34d: {  	[tilespmem:s9], [sflag:$0x1] =	stream.indirect.gather [hbm4b:s3+s6], $0x1, s8, s6, $0xb8;
	[tilespmem:$0xA00] =	vst v63  }
0x34e: {  	_ = 	snop  }
0x34f: {  	[tilespmem:s11], [sflag:$0x1] =	stream.indirect.gather [hbm4b:s3+s6], $0x1, s10, s6, $0xb8;
	[tilespmem:$0xA00] =	vst v63  }
0x350: {  	_ = 	snop  }
0x351: {  	[tilespmem:s13], [sflag:$0x1] =	stream.indirect.gather [hbm4b:s3+s6], $0x1, s12, s6, $0xb8;
	[tilespmem:$0xA00] =	vst v63  }
0x352: {  	_ =	swait.ge [sflag:s23], $0x80  }
0x353: {  	[sflag:s23] =	ssyncset.done $0x0  }
0x354: {  	[sflag:s23] =	ssyncadd.s32 $0xFFFFFF80  }
0x355: {  	_ =	swait.ge [sflag:s23], $0x80  }
0x356: {  	[sflag:s23] =	ssyncset.done $0x0  }
0x357: {  	[sflag:s23] =	ssyncadd.s32 $0xFFFFFF80  }
0x358: {  	_ =	swait.ge [sflag:s23], $0x80  }
0x359: {  	[sflag:s23] =	ssyncset.done $0x0  }
0x35a: {  	[sflag:s23] =	ssyncadd.s32 $0xFFFFFF80  }
0x35b: {  	_ =	swait.ge [sflag:s23], $0x80  }
0x35c: {  	[sflag:s23] =	ssyncset.done $0x0  }
0x35d: {  	s25 =	simm.s32 $0x0;
	[sflag:s23] =	ssyncadd.s32 $0xFFFFFF80  }
0x35e: {  	s26 =	simm.s32 $0x40;
	v0 =	vld [tilespmem:s25+$0x800]  }
.LBB2_80:
0x35f: {  	p0 =	sne.s32 s26, $0x7C0;
	v1 =	vld [tilespmem:s25+$0x0];
	_ =	sdelay $0x2  }
.Ltmp39:
0x360: {  	(pc) =	sbr.rel @p0 .LBB2_80-.Ltmp39, $4  }
0x361: {  	_ = 	snop  }
0x362: {  	v1 =	vadd.f32 v0, v1  }
0x363: {  	s28 =	sshra.s32 s26, $0x2  }
0x364: {  	s26 =	sadd.s32 $0x40, s26;
	v0 =	vld [tilespmem:s28+$0x800];
	[tilespmem:s25+$0x0] =	vst v1;
	s25 =	smov.u32 s28  }
0x365: {  	v1 =	vld [tilespmem:s25+$0x0];
	_ =	sdelay $0x4  }
0x366: {  	v0 =	vadd.f32 v0, v1;
	_ =	sdelay $0x1  }
0x367: {  	s28 =	simm.s32 $0x0;
	s26 =	rddreg [dreg:$0x1a];
	[tilespmem:s25+$0x0] =	vst v0  }
0x368: {  	[tilespmem:s14], [sflag:$0x3] =	stream.linear.gather [hbm4b:s26+s28], $0x200, $0x38;
	[tilespmem:$0xA00] =	vst v63  }
0x369: {  	_ =	swait.ge [sflag:s4], $0x200  }
0x36a: {  	[sflag:s4] =	ssyncset.done $0x0  }
0x36b: {  	s25 =	simm.s32 $0x0;
	s26 =	simm.s32 $0x40;
	[sflag:s4] =	ssyncadd.s32 $0xFFFFFE00  }
.LBB2_82:
0x36c: {  	p0 =	sne.s32 s26, $0x7C0;
	v0 =	vld [tilespmem:s25+$0x400];
	_ =	sdelay $0x1  }
.Ltmp40:
0x36d: {  	(pc) =	sbr.rel @p0 .LBB2_82-.Ltmp40, $3  }
0x36e: {  	_ =	sdelay $0x1  }
0x36f: {  	v0 =	vadd.s32 $0x202800, v0  }
0x370: {  	[tilespmem:s25+$0x400] =	vst v0;
	s25 =	sshra.s32 s26, $0x2;
	s26 =	sadd.s32 $0x40, s26  }
0x371: {  	v0 =	vld [tilespmem:s25+$0x400];
	_ =	sdelay $0x4  }
0x372: {  	v0 =	vadd.s32 $0x202800, v0  }
0x373: {  	[tilespmem:s25+$0x400] =	vst v0  }
0x374: {  	[tilespmem:s15], [sflag:$0x2] =	stream.indirect.gather [hbm4b:s3+s6], $0x1, s14, s6, $0xb8;
	[tilespmem:$0xA00] =	vst v63  }
0x375: {  	_ = 	snop  }
0x376: {  	[tilespmem:s17], [sflag:$0x2] =	stream.indirect.gather [hbm4b:s3+s6], $0x1, s16, s6, $0xb8;
	[tilespmem:$0xA00] =	vst v63  }
0x377: {  	_ = 	snop  }
0x378: {  	[tilespmem:s19], [sflag:$0x2] =	stream.indirect.gather [hbm4b:s3+s6], $0x1, s18, s6, $0xb8;
	[tilespmem:$0xA00] =	vst v63  }
0x379: {  	_ = 	snop  }
0x37a: {  	[tilespmem:s21], [sflag:$0x2] =	stream.indirect.gather [hbm4b:s3+s6], $0x1, s20, s6, $0xb8;
	[tilespmem:$0xA00] =	vst v63  }
0x37b: {  	_ =	swait.ge [sflag:s22], $0x80  }
0x37c: {  	[sflag:s22] =	ssyncset.done $0x0  }
0x37d: {  	[sflag:s22] =	ssyncadd.s32 $0xFFFFFF80  }
0x37e: {  	_ =	swait.ge [sflag:s22], $0x80  }
0x37f: {  	[sflag:s22] =	ssyncset.done $0x0  }
0x380: {  	[sflag:s22] =	ssyncadd.s32 $0xFFFFFF80  }
0x381: {  	_ =	swait.ge [sflag:s22], $0x80  }
0x382: {  	[sflag:s22] =	ssyncset.done $0x0  }
0x383: {  	[sflag:s22] =	ssyncadd.s32 $0xFFFFFF80  }
0x384: {  	_ =	swait.ge [sflag:s22], $0x80  }
0x385: {  	[sflag:s22] =	ssyncset.done $0x0  }
0x386: {  	s25 =	simm.s32 $0x0;
	[sflag:s22] =	ssyncadd.s32 $0xFFFFFF80  }
0x387: {  	s26 =	simm.s32 $0x40;
	v0 =	vld [tilespmem:s25+$0x600]  }
.LBB2_84:
0x388: {  	p0 =	sne.s32 s26, $0x7C0;
	v1 =	vld [tilespmem:s25+$0x0];
	_ =	sdelay $0x2  }
.Ltmp41:
0x389: {  	(pc) =	sbr.rel @p0 .LBB2_84-.Ltmp41, $4  }
0x38a: {  	_ = 	snop  }
0x38b: {  	v1 =	vadd.f32 v0, v1  }
0x38c: {  	s28 =	sshra.s32 s26, $0x2  }
0x38d: {  	s26 =	sadd.s32 $0x40, s26;
	v0 =	vld [tilespmem:s28+$0x600];
	[tilespmem:s25+$0x0] =	vst v1;
	s25 =	smov.u32 s28  }
0x38e: {  	v1 =	vld [tilespmem:s25+$0x0];
	_ =	sdelay $0x4  }
0x38f: {  	v0 =	vadd.f32 v0, v1;
	_ =	sdelay $0x1  }
0x390: {  	s28 =	simm.s32 $0x0;
	[tilespmem:s25+$0x0] =	vst v0  }
0x391: {  	[tilespmem:s5], [sflag:$0x3] =	stream.linear.gather [hbm4b:s29+s28], $0x200, $0x38;
	[tilespmem:$0xA00] =	vst v63  }
0x392: {  	_ =	swait.ge [sflag:s4], $0x200  }
0x393: {  	[sflag:s4] =	ssyncset.done $0x0  }
0x394: {  	s26 =	simm.s32 $0x40;
	s25 =	simm.s32 $0x0;
	[sflag:s4] =	ssyncadd.s32 $0xFFFFFE00  }
.LBB2_86:
0x395: {  	p0 =	sne.s32 s26, $0x7C0;
	v0 =	vld [tilespmem:s25+$0x200];
	_ =	sdelay $0x1  }
.Ltmp42:
0x396: {  	(pc) =	sbr.rel @p0 .LBB2_86-.Ltmp42, $3  }
0x397: {  	_ =	sdelay $0x1  }
0x398: {  	v0 =	vadd.s32 $0x21B000, v0  }
0x399: {  	[tilespmem:s25+$0x200] =	vst v0;
	s25 =	sshra.s32 s26, $0x2;
	s26 =	sadd.s32 $0x40, s26  }
0x39a: {  	v0 =	vld [tilespmem:s25+$0x200];
	_ =	sdelay $0x4  }
0x39b: {  	v0 =	vadd.s32 $0x21B000, v0  }
0x39c: {  	[tilespmem:s25+$0x200] =	vst v0  }
0x39d: {  	[tilespmem:s7], [sflag:$0x1] =	stream.indirect.gather [hbm4b:s3+s6], $0x1, s5, s6, $0xb8;
	[tilespmem:$0xA00] =	vst v63  }
0x39e: {  	_ = 	snop  }
0x39f: {  	[tilespmem:s9], [sflag:$0x1] =	stream.indirect.gather [hbm4b:s3+s6], $0x1, s8, s6, $0xb8;
	[tilespmem:$0xA00] =	vst v63  }
0x3a0: {  	_ = 	snop  }
0x3a1: {  	[tilespmem:s11], [sflag:$0x1] =	stream.indirect.gather [hbm4b:s3+s6], $0x1, s10, s6, $0xb8;
	[tilespmem:$0xA00] =	vst v63  }
0x3a2: {  	_ = 	snop  }
0x3a3: {  	[tilespmem:s13], [sflag:$0x1] =	stream.indirect.gather [hbm4b:s3+s6], $0x1, s12, s6, $0xb8;
	[tilespmem:$0xA00] =	vst v63  }
0x3a4: {  	_ =	swait.ge [sflag:s23], $0x80  }
0x3a5: {  	[sflag:s23] =	ssyncset.done $0x0  }
0x3a6: {  	[sflag:s23] =	ssyncadd.s32 $0xFFFFFF80  }
0x3a7: {  	_ =	swait.ge [sflag:s23], $0x80  }
0x3a8: {  	[sflag:s23] =	ssyncset.done $0x0  }
0x3a9: {  	[sflag:s23] =	ssyncadd.s32 $0xFFFFFF80  }
0x3aa: {  	_ =	swait.ge [sflag:s23], $0x80  }
0x3ab: {  	[sflag:s23] =	ssyncset.done $0x0  }
0x3ac: {  	[sflag:s23] =	ssyncadd.s32 $0xFFFFFF80  }
0x3ad: {  	_ =	swait.ge [sflag:s23], $0x80  }
0x3ae: {  	[sflag:s23] =	ssyncset.done $0x0  }
0x3af: {  	s25 =	simm.s32 $0x0;
	[sflag:s23] =	ssyncadd.s32 $0xFFFFFF80  }
0x3b0: {  	s26 =	simm.s32 $0x40;
	v0 =	vld [tilespmem:s25+$0x800]  }
.LBB2_88:
0x3b1: {  	p0 =	sne.s32 s26, $0x7C0;
	v1 =	vld [tilespmem:s25+$0x0];
	_ =	sdelay $0x2  }
.Ltmp43:
0x3b2: {  	(pc) =	sbr.rel @p0 .LBB2_88-.Ltmp43, $4  }
0x3b3: {  	_ = 	snop  }
0x3b4: {  	v1 =	vadd.f32 v0, v1  }
0x3b5: {  	s28 =	sshra.s32 s26, $0x2  }
0x3b6: {  	s26 =	sadd.s32 $0x40, s26;
	v0 =	vld [tilespmem:s28+$0x800];
	[tilespmem:s25+$0x0] =	vst v1;
	s25 =	smov.u32 s28  }
0x3b7: {  	v1 =	vld [tilespmem:s25+$0x0];
	_ =	sdelay $0x4  }
0x3b8: {  	v0 =	vadd.f32 v0, v1;
	_ =	sdelay $0x1  }
0x3b9: {  	s28 =	simm.s32 $0x0;
	[tilespmem:s25+$0x0] =	vst v0  }
0x3ba: {  	[tilespmem:s14], [sflag:$0x3] =	stream.linear.gather [hbm4b:s30+s28], $0x200, $0x38;
	[tilespmem:$0xA00] =	vst v63  }
0x3bb: {  	_ =	swait.ge [sflag:s4], $0x200  }
0x3bc: {  	[sflag:s4] =	ssyncset.done $0x0  }
0x3bd: {  	s26 =	simm.s32 $0x40;
	s25 =	simm.s32 $0x0;
	[sflag:s4] =	ssyncadd.s32 $0xFFFFFE00  }
.LBB2_90:
0x3be: {  	p0 =	sne.s32 s26, $0x7C0;
	v0 =	vld [tilespmem:s25+$0x400];
	_ =	sdelay $0x1  }
.Ltmp44:
0x3bf: {  	(pc) =	sbr.rel @p0 .LBB2_90-.Ltmp44, $3  }
0x3c0: {  	_ =	sdelay $0x1  }
0x3c1: {  	v0 =	vadd.s32 $0x233800, v0  }
0x3c2: {  	[tilespmem:s25+$0x400] =	vst v0;
	s25 =	sshra.s32 s26, $0x2;
	s26 =	sadd.s32 $0x40, s26  }
0x3c3: {  	v0 =	vld [tilespmem:s25+$0x400];
	_ =	sdelay $0x4  }
0x3c4: {  	v0 =	vadd.s32 $0x233800, v0  }
0x3c5: {  	[tilespmem:s25+$0x400] =	vst v0  }
0x3c6: {  	[tilespmem:s15], [sflag:$0x2] =	stream.indirect.gather [hbm4b:s3+s6], $0x1, s14, s6, $0xb8;
	[tilespmem:$0xA00] =	vst v63  }
0x3c7: {  	_ = 	snop  }
0x3c8: {  	[tilespmem:s17], [sflag:$0x2] =	stream.indirect.gather [hbm4b:s3+s6], $0x1, s16, s6, $0xb8;
	[tilespmem:$0xA00] =	vst v63  }
0x3c9: {  	_ = 	snop  }
0x3ca: {  	[tilespmem:s19], [sflag:$0x2] =	stream.indirect.gather [hbm4b:s3+s6], $0x1, s18, s6, $0xb8;
	[tilespmem:$0xA00] =	vst v63  }
0x3cb: {  	_ = 	snop  }
0x3cc: {  	[tilespmem:s21], [sflag:$0x2] =	stream.indirect.gather [hbm4b:s3+s6], $0x1, s20, s6, $0xb8;
	[tilespmem:$0xA00] =	vst v63  }
0x3cd: {  	_ =	swait.ge [sflag:s22], $0x80  }
0x3ce: {  	[sflag:s22] =	ssyncset.done $0x0  }
0x3cf: {  	[sflag:s22] =	ssyncadd.s32 $0xFFFFFF80  }
0x3d0: {  	_ =	swait.ge [sflag:s22], $0x80  }
0x3d1: {  	[sflag:s22] =	ssyncset.done $0x0  }
0x3d2: {  	[sflag:s22] =	ssyncadd.s32 $0xFFFFFF80  }
0x3d3: {  	_ =	swait.ge [sflag:s22], $0x80  }
0x3d4: {  	[sflag:s22] =	ssyncset.done $0x0  }
0x3d5: {  	[sflag:s22] =	ssyncadd.s32 $0xFFFFFF80  }
0x3d6: {  	_ =	swait.ge [sflag:s22], $0x80  }
0x3d7: {  	[sflag:s22] =	ssyncset.done $0x0  }
0x3d8: {  	s25 =	simm.s32 $0x0;
	[sflag:s22] =	ssyncadd.s32 $0xFFFFFF80  }
0x3d9: {  	s26 =	simm.s32 $0x40;
	v0 =	vld [tilespmem:s25+$0x600]  }
.LBB2_92:
0x3da: {  	p0 =	sne.s32 s26, $0x7C0;
	v1 =	vld [tilespmem:s25+$0x0];
	_ =	sdelay $0x2  }
.Ltmp45:
0x3db: {  	(pc) =	sbr.rel @p0 .LBB2_92-.Ltmp45, $4  }
0x3dc: {  	_ = 	snop  }
0x3dd: {  	v1 =	vadd.f32 v0, v1  }
0x3de: {  	s28 =	sshra.s32 s26, $0x2  }
0x3df: {  	s26 =	sadd.s32 $0x40, s26;
	v0 =	vld [tilespmem:s28+$0x600];
	[tilespmem:s25+$0x0] =	vst v1;
	s25 =	smov.u32 s28  }
0x3e0: {  	v1 =	vld [tilespmem:s25+$0x0];
	_ =	sdelay $0x4  }
0x3e1: {  	v0 =	vadd.f32 v0, v1;
	_ =	sdelay $0x1  }
0x3e2: {  	s28 =	simm.s32 $0x0;
	[tilespmem:s25+$0x0] =	vst v0  }
0x3e3: {  	[tilespmem:s5], [sflag:$0x3] =	stream.linear.gather [hbm4b:s31+s28], $0x200, $0x38;
	[tilespmem:$0xA00] =	vst v63  }
0x3e4: {  	_ =	swait.ge [sflag:s4], $0x200  }
0x3e5: {  	[sflag:s4] =	ssyncset.done $0x0  }
0x3e6: {  	s26 =	simm.s32 $0x40;
	s25 =	simm.s32 $0x0;
	[sflag:s4] =	ssyncadd.s32 $0xFFFFFE00  }
.LBB2_94:
0x3e7: {  	p0 =	sne.s32 s26, $0x7C0;
	v0 =	vld [tilespmem:s25+$0x200];
	_ =	sdelay $0x1  }
.Ltmp46:
0x3e8: {  	(pc) =	sbr.rel @p0 .LBB2_94-.Ltmp46, $3  }
0x3e9: {  	_ =	sdelay $0x1  }
0x3ea: {  	v0 =	vadd.s32 $0x24C000, v0  }
0x3eb: {  	[tilespmem:s25+$0x200] =	vst v0;
	s25 =	sshra.s32 s26, $0x2;
	s26 =	sadd.s32 $0x40, s26  }
0x3ec: {  	v0 =	vld [tilespmem:s25+$0x200];
	_ =	sdelay $0x4  }
0x3ed: {  	v0 =	vadd.s32 $0x24C000, v0  }
0x3ee: {  	[tilespmem:s25+$0x200] =	vst v0  }
0x3ef: {  	[tilespmem:s7], [sflag:$0x1] =	stream.indirect.gather [hbm4b:s3+s6], $0x1, s5, s6, $0xb8;
	[tilespmem:$0xA00] =	vst v63  }
0x3f0: {  	_ = 	snop  }
0x3f1: {  	[tilespmem:s9], [sflag:$0x1] =	stream.indirect.gather [hbm4b:s3+s6], $0x1, s8, s6, $0xb8;
	[tilespmem:$0xA00] =	vst v63  }
0x3f2: {  	_ = 	snop  }
0x3f3: {  	[tilespmem:s11], [sflag:$0x1] =	stream.indirect.gather [hbm4b:s3+s6], $0x1, s10, s6, $0xb8;
	[tilespmem:$0xA00] =	vst v63  }
0x3f4: {  	_ = 	snop  }
0x3f5: {  	[tilespmem:s13], [sflag:$0x1] =	stream.indirect.gather [hbm4b:s3+s6], $0x1, s12, s6, $0xb8;
	[tilespmem:$0xA00] =	vst v63  }
0x3f6: {  	_ =	swait.ge [sflag:s23], $0x80  }
0x3f7: {  	[sflag:s23] =	ssyncset.done $0x0  }
0x3f8: {  	[sflag:s23] =	ssyncadd.s32 $0xFFFFFF80  }
0x3f9: {  	_ =	swait.ge [sflag:s23], $0x80  }
0x3fa: {  	[sflag:s23] =	ssyncset.done $0x0  }
0x3fb: {  	[sflag:s23] =	ssyncadd.s32 $0xFFFFFF80  }
0x3fc: {  	_ =	swait.ge [sflag:s23], $0x80  }
0x3fd: {  	[sflag:s23] =	ssyncset.done $0x0  }
0x3fe: {  	[sflag:s23] =	ssyncadd.s32 $0xFFFFFF80  }
0x3ff: {  	_ =	swait.ge [sflag:s23], $0x80  }
0x400: {  	[sflag:s23] =	ssyncset.done $0x0  }
0x401: {  	s25 =	simm.s32 $0x0;
	[sflag:s23] =	ssyncadd.s32 $0xFFFFFF80  }
0x402: {  	s26 =	simm.s32 $0x40;
	v0 =	vld [tilespmem:s25+$0x800]  }
.LBB2_96:
0x403: {  	p0 =	sne.s32 s26, $0x7C0;
	v1 =	vld [tilespmem:s25+$0x0];
	_ =	sdelay $0x2  }
.Ltmp47:
0x404: {  	(pc) =	sbr.rel @p0 .LBB2_96-.Ltmp47, $4  }
0x405: {  	_ = 	snop  }
0x406: {  	v1 =	vadd.f32 v0, v1  }
0x407: {  	s28 =	sshra.s32 s26, $0x2  }
0x408: {  	s26 =	sadd.s32 $0x40, s26;
	v0 =	vld [tilespmem:s28+$0x800];
	[tilespmem:s25+$0x0] =	vst v1;
	s25 =	smov.u32 s28  }
0x409: {  	v1 =	vld [tilespmem:s25+$0x0];
	_ =	sdelay $0x4  }
0x40a: {  	v0 =	vadd.f32 v0, v1;
	_ =	sdelay $0x1  }
0x40b: {  	s28 =	simm.s32 $0x0;
	[tilespmem:s25+$0x0] =	vst v0  }
0x40c: {  	[tilespmem:s14], [sflag:$0x3] =	stream.linear.gather [hbm4b:s0+s28], $0x200, $0x38;
	[tilespmem:$0xA00] =	vst v63  }
0x40d: {  	_ =	swait.ge [sflag:s4], $0x200  }
0x40e: {  	[sflag:s4] =	ssyncset.done $0x0  }
0x40f: {  	s26 =	simm.s32 $0x40;
	s25 =	simm.s32 $0x0;
	[sflag:s4] =	ssyncadd.s32 $0xFFFFFE00  }
.LBB2_98:
0x410: {  	p0 =	sne.s32 s26, $0x7C0;
	v0 =	vld [tilespmem:s25+$0x400];
	_ =	sdelay $0x1  }
.Ltmp48:
0x411: {  	(pc) =	sbr.rel @p0 .LBB2_98-.Ltmp48, $3  }
0x412: {  	_ =	sdelay $0x1  }
0x413: {  	v0 =	vadd.s32 $0x264800, v0  }
0x414: {  	[tilespmem:s25+$0x400] =	vst v0;
	s25 =	sshra.s32 s26, $0x2;
	s26 =	sadd.s32 $0x40, s26  }
0x415: {  	v0 =	vld [tilespmem:s25+$0x400];
	_ =	sdelay $0x4  }
0x416: {  	v0 =	vadd.s32 $0x264800, v0  }
0x417: {  	[tilespmem:s25+$0x400] =	vst v0  }
0x418: {  	[tilespmem:s15], [sflag:$0x2] =	stream.indirect.gather [hbm4b:s3+s6], $0x1, s14, s6, $0xb8;
	[tilespmem:$0xA00] =	vst v63  }
0x419: {  	_ = 	snop  }
0x41a: {  	[tilespmem:s17], [sflag:$0x2] =	stream.indirect.gather [hbm4b:s3+s6], $0x1, s16, s6, $0xb8;
	[tilespmem:$0xA00] =	vst v63  }
0x41b: {  	_ = 	snop  }
0x41c: {  	[tilespmem:s19], [sflag:$0x2] =	stream.indirect.gather [hbm4b:s3+s6], $0x1, s18, s6, $0xb8;
	[tilespmem:$0xA00] =	vst v63  }
0x41d: {  	_ = 	snop  }
0x41e: {  	[tilespmem:s21], [sflag:$0x2] =	stream.indirect.gather [hbm4b:s3+s6], $0x1, s20, s6, $0xb8;
	[tilespmem:$0xA00] =	vst v63  }
0x41f: {  	_ =	swait.ge [sflag:s22], $0x80  }
0x420: {  	[sflag:s22] =	ssyncset.done $0x0  }
0x421: {  	[sflag:s22] =	ssyncadd.s32 $0xFFFFFF80  }
0x422: {  	_ =	swait.ge [sflag:s22], $0x80  }
0x423: {  	[sflag:s22] =	ssyncset.done $0x0  }
0x424: {  	[sflag:s22] =	ssyncadd.s32 $0xFFFFFF80  }
0x425: {  	_ =	swait.ge [sflag:s22], $0x80  }
0x426: {  	[sflag:s22] =	ssyncset.done $0x0  }
0x427: {  	[sflag:s22] =	ssyncadd.s32 $0xFFFFFF80  }
0x428: {  	_ =	swait.ge [sflag:s22], $0x80  }
0x429: {  	[sflag:s22] =	ssyncset.done $0x0  }
0x42a: {  	s25 =	simm.s32 $0x0;
	[sflag:s22] =	ssyncadd.s32 $0xFFFFFF80  }
0x42b: {  	s26 =	simm.s32 $0x40;
	v0 =	vld [tilespmem:s25+$0x600]  }
.LBB2_100:
0x42c: {  	p0 =	sne.s32 s26, $0x7C0;
	v1 =	vld [tilespmem:s25+$0x0];
	_ =	sdelay $0x2  }
.Ltmp49:
0x42d: {  	(pc) =	sbr.rel @p0 .LBB2_100-.Ltmp49, $4  }
0x42e: {  	_ = 	snop  }
0x42f: {  	v1 =	vadd.f32 v0, v1  }
0x430: {  	s28 =	sshra.s32 s26, $0x2  }
0x431: {  	s26 =	sadd.s32 $0x40, s26;
	v0 =	vld [tilespmem:s28+$0x600];
	[tilespmem:s25+$0x0] =	vst v1;
	s25 =	smov.u32 s28  }
0x432: {  	v1 =	vld [tilespmem:s25+$0x0];
	_ =	sdelay $0x4  }
0x433: {  	v0 =	vadd.f32 v0, v1;
	_ =	sdelay $0x1  }
0x434: {  	[tilespmem:s25+$0x0] =	vst v0  }
0x435: {  	_ =	swait.ge [sflag:s23], $0x80  }
0x436: {  	[sflag:s23] =	ssyncset.done $0x0  }
0x437: {  	[sflag:s23] =	ssyncadd.s32 $0xFFFFFF80  }
0x438: {  	_ =	swait.ge [sflag:s23], $0x80  }
0x439: {  	[sflag:s23] =	ssyncset.done $0x0  }
0x43a: {  	[sflag:s23] =	ssyncadd.s32 $0xFFFFFF80  }
0x43b: {  	_ =	swait.ge [sflag:s23], $0x80  }
0x43c: {  	[sflag:s23] =	ssyncset.done $0x0  }
0x43d: {  	[sflag:s23] =	ssyncadd.s32 $0xFFFFFF80  }
0x43e: {  	_ =	swait.ge [sflag:s23], $0x80  }
0x43f: {  	[sflag:s23] =	ssyncset.done $0x0  }
0x440: {  	s25 =	simm.s32 $0x0;
	[sflag:s23] =	ssyncadd.s32 $0xFFFFFF80  }
0x441: {  	s26 =	simm.s32 $0x40;
	v0 =	vld [tilespmem:s25+$0x800]  }
.LBB2_102:
0x442: {  	p0 =	sne.s32 s26, $0x7C0;
	v1 =	vld [tilespmem:s25+$0x0];
	_ =	sdelay $0x2  }
.Ltmp50:
0x443: {  	(pc) =	sbr.rel @p0 .LBB2_102-.Ltmp50, $4  }
0x444: {  	_ = 	snop  }
0x445: {  	v1 =	vadd.f32 v0, v1  }
0x446: {  	s28 =	sshra.s32 s26, $0x2  }
0x447: {  	s26 =	sadd.s32 $0x40, s26;
	v0 =	vld [tilespmem:s28+$0x800];
	[tilespmem:s25+$0x0] =	vst v1;
	s25 =	smov.u32 s28  }
0x448: {  	v1 =	vld [tilespmem:s25+$0x0];
	_ =	sdelay $0x4  }
0x449: {  	s24 =	sadd.s32 $0x1, s24;
	v0 =	vadd.f32 v0, v1  }
0x44a: {  	p0 =	sne.s32 s24, s1  }
.Ltmp51:
0x44b: {  	s28 =	rddreg [dreg:$0x15];
	[tilespmem:s25+$0x0] =	vst v0;
	(pc) =	sbr.rel @p0 .LBB2_1-.Ltmp51, $4  }
0x44c: {  	[hbm4b:s28+s2] =	stream.linear.scatter [tilespmem:s2], [sflag:$0x3], $0x200, $0x38;
	[tilespmem:$0xA00] =	vst v63  }
0x44d: {  	_ =	swait.ge [sflag:s4], $0x200  }
0x44e: {  	[sflag:s4] =	ssyncset.done $0x0  }
0x44f: {  	[sflag:s4] =	ssyncadd.s32 $0xFFFFFE00  }
0x450: {  	_ =	sfence.sel $0x180000  }
0x451: {  	[bflag:$0x0] =	sbarrier.arrive $0xFFFF  }
0x452: {  	_ =	strace $0x90000047  }
0x453: {  	s0 =	stileid.u32;
	[bflag:$0x2] =	sbarrier.arrive $0xFFFF  }
0x454: {  	p0 =	sne.s32 s0, $0x0;
	s0 =	rddreg [dreg:$0x2]  }
0x455: {  	s0 =	sadd.s32 @!p0 $0x100000, s0  }
0x456: {  	[sflag:s0] =	ssyncadd.tile.s32 @!p0 $0x1;
	_ =	shalt  }
.Lfunc_end2:
_tile_overlayer_lowered:
.L_overlay_start_2:
0x457: {  	(tag) =	ssettag $0x2  }
0x458: {  	s0 =	rddreg [dreg:$0x0];
	s2 =	stileid.u32  }
0x459: {  	s1 =	rddreg [dreg:$0x1];
	p0 =	sne.s32 s2, $0x0  }
0x45a: {  	s3 =	rddreg [dreg:$0x2];
	[bflag:$0x3] =	sbarrier.arrive $0xFFFF;
	s2 =	simm.s32 @!p0 $0x1C03  }
0x45b: {  	[timem:s3], [sflag:s2] =	dma.local @!p0 [hbm:s0], s1  }
0x45c: {  	s0 =	simm.s32 @!p0 $0x3  }
0x45d: {  	_ =	swait.ge @!p0 [sflag:s0], s1  }
0x45e: {  	s1 =	ssub.s32 @!p0 $0x0, s1;
	[sflag:s0] =	ssyncset.done @!p0 $0x0  }
0x45f: {  	[sflag:s0] =	ssyncadd.s32 @!p0 s1  }
0x460: {  	[bflag:$0x3] =	sbarrier.arrive $0xFFFF  }
0x461: {  	_ =	shalt  }

</sc_bundles>
